<compile_context>
chip_gen: v7x
topology: tpu7x:2x2x1
jax: 0.10.2.dev20260603
libtpu: 0.0.44.dev20260713+nightly
codegen_flags: <defaults>
</compile_context>

<pallas_src>
import functools

import jax
import jax.numpy as jnp
from jax import lax
from jax.experimental import pallas as pl
from jax.experimental.pallas import tpu as pltpu
from jax.experimental.pallas import tpu_sc as plsc

N_OPS = 8
D_IN = 768
D_OP = 128
ENC = 256
OUT_W = ENC + N_OPS
PAD_W = 384

BLK1 = 512
BLK = 512
NC = 2
NS = 16
NW = NC * NS
NHALF = 2


def _stage1_all_experts(Bn, half):
    nbh = Bn // NHALF // BLK1
    off = half * nbh

    def body(ids_ref, x_ref, w_ref, b_ref, h_ref):
        xb = x_ref[...].astype(jnp.bfloat16)
        H = jnp.dot(xb, w_ref[...], preferred_element_type=jnp.float32)
        H = H + b_ref[...]
        ids = ids_ref[...]
        acc = jnp.zeros((BLK1, D_OP), jnp.float32)
        for k in range(N_OPS):
            acc = jnp.where(ids == k, H[:, k * D_OP:(k + 1) * D_OP], acc)
        h_ref[...] = acc

    return pl.pallas_call(
        body,
        grid=(nbh,),
        in_specs=[
            pl.BlockSpec((BLK1, 1), lambda i: (i + off, 0)),
            pl.BlockSpec((BLK1, D_IN), lambda i: (i + off, 0)),
            pl.BlockSpec(memory_space=pltpu.VMEM),
            pl.BlockSpec(memory_space=pltpu.VMEM),
        ],
        out_specs=pl.BlockSpec((BLK1, D_OP), lambda i: (i, 0)),
        out_shape=jax.ShapeDtypeStruct((Bn // NHALF, D_OP), jnp.float32),
    )


def _scatter_rows(n_src, n_dst, n_cols, chunk):
    per_w = n_src // NW
    n_chunks = per_w // chunk
    mesh = plsc.VectorSubcoreMesh(core_axis_name="c", subcore_axis_name="s",
                                  num_cores=NC, num_subcores=NS)

    @functools.partial(
        pl.kernel,
        out_type=jax.ShapeDtypeStruct((n_dst, n_cols), jnp.float32),
        mesh=mesh,
        scratch_types=[
            pltpu.VMEM((2, chunk), jnp.int32),
            pltpu.VMEM((2, chunk, n_cols), jnp.float32),
            pltpu.SemaphoreType.DMA((2,)),
            pltpu.SemaphoreType.DMA((2,)),
        ],
    )
    def scatter(idx_hbm, src_hbm, dst_hbm, idx_v, rows_v, rsem, wsem):
        wid = lax.axis_index("s") * NC + lax.axis_index("c")
        base = wid * per_w

        def start_read(c):
            b = c % 2
            pltpu.sync_copy(idx_hbm.at[pl.ds(base + c * chunk, chunk)],
                            idx_v.at[b])
            return pltpu.async_copy(
                src_hbm.at[pl.ds(base + c * chunk, chunk)],
                rows_v.at[b], rsem.at[b])

        r = start_read(0)
        pending_wr = [None, None]
        for c in range(n_chunks):
            b = c % 2
            r.wait()
            if c + 1 < n_chunks:
                b1 = (c + 1) % 2
                if pending_wr[b1] is not None:
                    pending_wr[b1].wait()
                    pending_wr[b1] = None
                r = start_read(c + 1)
            pending_wr[b] = pltpu.async_copy(
                rows_v.at[b], dst_hbm.at[idx_v.at[b]], wsem.at[b])
        for wr in pending_wr:
            if wr is not None:
                wr.wait()

    return scatter


def _gather2(n_rows, chunk):
    half = n_rows // NHALF
    per_w = half // NW
    n_chunks = per_w // chunk
    mesh = plsc.VectorSubcoreMesh(core_axis_name="c", subcore_axis_name="s",
                                  num_cores=NC, num_subcores=NS)

    @functools.partial(
        pl.kernel,
        out_type=jax.ShapeDtypeStruct((n_rows, PAD_W), jnp.float32),
        mesh=mesh,
        scratch_types=[
            pltpu.VMEM((per_w,), jnp.int32),
            pltpu.VMEM((2, chunk, PAD_W), jnp.float32),
            pltpu.SemaphoreType.DMA((2,)),
            pltpu.SemaphoreType.DMA((2,)),
        ],
    )
    def gather(idx_hbm, ya_hbm, yb_hbm, out_hbm, idx_v, rows_v, gsem, wsem):
        wid = lax.axis_index("s") * NC + lax.axis_index("c")

        for p, src_hbm in enumerate((ya_hbm, yb_hbm)):
            base = p * half + wid * per_w
            pltpu.sync_copy(idx_hbm.at[pl.ds(base, per_w)], idx_v)

            def start_gather(c):
                b = c % 2
                return pltpu.async_copy(
                    src_hbm.at[idx_v.at[pl.ds(c * chunk, chunk)]],
                    rows_v.at[b], gsem.at[b])

            g = start_gather(0)
            pending_wb = [None, None]
            for c in range(n_chunks):
                b = c % 2
                g.wait()
                if c + 1 < n_chunks:
                    b1 = (c + 1) % 2
                    if pending_wb[b1] is not None:
                        pending_wb[b1].wait()
                        pending_wb[b1] = None
                    g = start_gather(c + 1)
                pending_wb[b] = pltpu.async_copy(
                    rows_v.at[b], out_hbm.at[pl.ds(base + c * chunk, chunk)],
                    wsem.at[b])
            for wb in pending_wb:
                if wb is not None:
                    wb.wait()

    return gather


def _stage2_expert(n_rows):
    nb = n_rows // BLK

    def body(be_ref, h_ref, w2_ref, b2_ref, o_ref):
        k = be_ref[pl.program_id(0)]
        y = jnp.dot(h_ref[...], w2_ref[k], preferred_element_type=jnp.float32)
        y = y + b2_ref[k]
        ind = (lax.broadcasted_iota(jnp.int32, (BLK, PAD_W - ENC), 1) == k)
        o_ref[...] = jnp.concatenate([y, ind.astype(jnp.float32)], axis=1)

    return pl.pallas_call(
        body,
        grid=(nb,),
        in_specs=[
            pl.BlockSpec(memory_space=pltpu.SMEM),
            pl.BlockSpec((BLK, D_OP), lambda i: (i, 0)),
            pl.BlockSpec(memory_space=pltpu.VMEM),
            pl.BlockSpec(memory_space=pltpu.VMEM),
        ],
        out_specs=pl.BlockSpec((BLK, PAD_W), lambda i: (i, 0)),
        out_shape=jax.ShapeDtypeStruct((n_rows, PAD_W), jnp.float32),
    )


def kernel(x, op_ids, op_W, op_b, Ws_W, Ws_b):
    B = x.shape[0]
    B2 = B // NHALF
    Sh = B2 + N_OPS * BLK

    ids = op_ids.astype(jnp.int32)
    ids2 = ids.reshape(NHALF, B2)
    oh32 = (ids2[:, :, None] == jnp.arange(N_OPS, dtype=jnp.int32)[None, None, :]
            ).astype(jnp.int32)
    csum = jnp.cumsum(oh32, axis=1)
    rank = jnp.sum(csum * oh32, axis=2) - 1
    counts = csum[:, -1, :]
    padded = ((counts + BLK - 1) // BLK) * BLK
    starts = jnp.concatenate(
        [jnp.zeros((NHALF, 1), jnp.int32),
         jnp.cumsum(padded, axis=1)[:, :-1].astype(jnp.int32)], axis=1)
    slot = jnp.sum(starts[:, None, :] * oh32, axis=2) + rank
    nbh = Sh // BLK

    blk_pos = jnp.arange(nbh, dtype=jnp.int32)[:, None] * BLK
    bes = []
    for p in range(NHALF):
        bes.append(jnp.sum(
            (starts[p][None, :] <= blk_pos).astype(jnp.int32), axis=1) - 1)

    W_cat = jnp.transpose(op_W, (1, 0, 2)).reshape(D_IN, N_OPS * D_OP)
    W_cat = W_cat.astype(jnp.bfloat16)
    b_cat = op_b.reshape(1, N_OPS * D_OP)
    b2r = Ws_b.reshape(N_OPS, 1, ENC)
    ids_col = ids.reshape(B, 1)

    ys = []
    for p in range(NHALF):
        h_p = _stage1_all_experts(B, p)(ids_col, x, W_cat, b_cat)
        hs_p = _scatter_rows(B2, Sh, D_OP, 128)(slot[p], h_p)
        ys.append(_stage2_expert(Sh)(bes[p], hs_p, Ws_W, b2r))

    slot_flat = slot.reshape(B)
    out_full = _gather2(B, 128)(slot_flat, ys[0], ys[1])
    return out_full[:, :OUT_W]

# --- scband reference (transcript-rebuilt; emitter-appended) ---
"""Pipeline reference for scband-or-60696477827722 (READ-ONLY COPY).

The authoritative reference and input builder live on the scoring server;
editing this copy changes nothing except your own understanding.
"""

import jax, jax.numpy as jnp
import numpy as np

N_OPS = 8
D_IN = 768
D_OP = 128
ENC = 256
B = 32768


def setup_inputs(seed: int = 0) -> dict:
    key = jax.random.key(seed)
    ks = jax.random.split(key, 6)
    x = jax.random.normal(ks[0], (B, D_IN), dtype=jnp.float32)
    op_ids = jax.random.randint(ks[1], (B,), 0, N_OPS)
    # Leaf op parameters: each op is a Linear(D_IN -> D_OP) 'ControlOperator'
    op_W = jax.random.normal(ks[2], (N_OPS, D_IN, D_OP), dtype=jnp.float32) * (1.0 / np.sqrt(D_IN))
    op_b = jnp.zeros((N_OPS, D_OP), dtype=jnp.float32)
    # Ws[k]: Linear(op.output_size() -> encoding_size)
    Ws_W = jax.random.normal(ks[3], (N_OPS, D_OP, ENC), dtype=jnp.float32) * (1.0 / np.sqrt(D_OP))
    Ws_b = jnp.zeros((N_OPS, ENC), dtype=jnp.float32)
    return {"x": x, "op_ids": op_ids, "op_W": op_W, "op_b": op_b, "Ws_W": Ws_W, "Ws_b": Ws_b}


def reference(x, op_ids, op_W, op_b, Ws_W, Ws_b):
    # Faithful translation of Or.forward: each batch element is tagged with an op key;
    # for each op k, its subset of elements is run through op_k then Ws[k], the
    # encoding is scattered into out[:, :ENC], and a one-hot indicator is written
    # at out[:, ENC + k]. Rows keep their original positions (scatter by index).
    Bn = x.shape[0]
    out_enc = jnp.zeros((Bn, ENC), dtype=jnp.float32)
    out_ind = jnp.zeros((Bn, N_OPS), dtype=jnp.float32)
    for k in range(N_OPS):
        mask = (op_ids == k)
        h = x @ op_W[k] + op_b[k]      # leaf op forward (Linear leaf)
        y = h @ Ws_W[k] + Ws_b[k]      # Ws[k]
        out_enc = jnp.where(mask[:, None], y, out_enc)
        out_ind = out_ind.at[:, k].set(jnp.where(mask, 1.0, out_ind[:, k]))
    return jnp.concatenate([out_enc, out_ind], axis=1)

if __name__ == "__main__":
    import jax
    _d = setup_inputs()
    print(jax.jit(kernel)(*tuple(_d.values())))

</pallas_src>

<mosaic_0001>
#map = affine_map<(d0, d1) -> (0)>
#map1 = affine_map<(d0, d1) -> (0, 0)>
module attributes {stable_mosaic.version = 14 : i64} {
  func.func @scatter(%arg0: i32, %arg1: i32, %arg2: memref<16384xi32, #tpu.memory_space<hbm>>, %arg3: memref<16384x128xf32, #tpu.memory_space<hbm>>, %arg4: memref<20480x128xf32, #tpu.memory_space<hbm>>, %arg5: memref<2x128xi32, #tpu.memory_space<vmem>>, %arg6: memref<2x128x128xf32, #tpu.memory_space<vmem>>, %arg7: memref<2x!tpu.dma_semaphore, #tpu.memory_space<semaphore_mem>>, %arg8: memref<2x!tpu.dma_semaphore, #tpu.memory_space<semaphore_mem>>) attributes {dimension_semantics = [#tpu.dimension_semantics<core_parallel>, #tpu.dimension_semantics<subcore_parallel>], iteration_bounds = array<i64: 2, 16>, scalar_prefetch = 0 : i64, scratch_operands = 4 : i64, tpu.core_type = #tpu.core_type<sc_vector_subcore>, window_params = [{transform_indices = #map}, {transform_indices = #map1}, {transform_indices = #map1}]} {
    %mul3A = arith.constant 2 : i32
    %mul3A_0 = arith.muli %arg1, %mul3A : i32
    %add3A = arith.addi %mul3A_0, %arg0 : i32
    %mul3A_1 = arith.constant 512 : i32
    %mul3A_2 = arith.muli %add3A, %mul3A_1 : i32
    %add3A_3 = arith.constant 0 : i32
    %add3A_4 = arith.addi %mul3A_2, %add3A_3 : i32
    %run_scoped3A = arith.constant 0 : i32
    "tpu.region"() ({
      %run_scoped3A_268 = tpu.sem_alloc : memref<!tpu.dma_semaphore, #tpu.memory_space<semaphore_mem>>
      %dma_start3A_269 = arith.constant 0 : i32
      %dma_start3A_270 = tpu.memref_slice %arg5[%run_scoped3A, %dma_start3A_269] : memref<2x128xi32, #tpu.memory_space<vmem>> -> memref<1x128xi32, #tpu.memory_space<vmem>>
      %dma_start3A_271 = tpu.memref_squeeze %dma_start3A_270 : memref<1x128xi32, #tpu.memory_space<vmem>> -> memref<128xi32, #tpu.memory_space<vmem>>
      %dma_start3A_272 = tpu.memref_slice %arg2[%add3A_4] : memref<16384xi32, #tpu.memory_space<hbm>> -> memref<128xi32, #tpu.memory_space<hbm>>
      %dma_start3A_273 = arith.constant 0 : i32
      %dma_start3A_274 = tpu.memref_slice %arg5[%run_scoped3A, %dma_start3A_273] : memref<2x128xi32, #tpu.memory_space<vmem>> -> memref<1x128xi32, #tpu.memory_space<vmem>>
      %dma_start3A_275 = tpu.memref_squeeze %dma_start3A_274 : memref<1x128xi32, #tpu.memory_space<vmem>> -> memref<128xi32, #tpu.memory_space<vmem>>
      %dma_start3A_276 = tpu.memref_slice %arg2[%add3A_4] : memref<16384xi32, #tpu.memory_space<hbm>> -> memref<128xi32, #tpu.memory_space<hbm>>
      tpu.enqueue_dma source(%dma_start3A_276 : memref<128xi32, #tpu.memory_space<hbm>>) target(%dma_start3A_275 : memref<128xi32, #tpu.memory_space<vmem>>) target_semaphore(%run_scoped3A_268 : memref<!tpu.dma_semaphore, #tpu.memory_space<semaphore_mem>>)
      %dma_wait3A_277 = arith.constant 0 : i32
      %dma_wait3A_278 = tpu.memref_slice %arg5[%run_scoped3A, %dma_wait3A_277] : memref<2x128xi32, #tpu.memory_space<vmem>> -> memref<1x128xi32, #tpu.memory_space<vmem>>
      %dma_wait3A_279 = tpu.memref_squeeze %dma_wait3A_278 : memref<1x128xi32, #tpu.memory_space<vmem>> -> memref<128xi32, #tpu.memory_space<vmem>>
      %dma_wait3A_280 = tpu.memref_slice %arg2[%add3A_4] : memref<16384xi32, #tpu.memory_space<hbm>> -> memref<128xi32, #tpu.memory_space<hbm>>
      %dma_wait3A_281 = arith.constant 0 : i32
      %dma_wait3A_282 = tpu.memref_slice %arg5[%run_scoped3A, %dma_wait3A_281] : memref<2x128xi32, #tpu.memory_space<vmem>> -> memref<1x128xi32, #tpu.memory_space<vmem>>
      %dma_wait3A_283 = tpu.memref_squeeze %dma_wait3A_282 : memref<1x128xi32, #tpu.memory_space<vmem>> -> memref<128xi32, #tpu.memory_space<vmem>>
      %dma_wait3A_284 = tpu.memref_slice %arg2[%add3A_4] : memref<16384xi32, #tpu.memory_space<hbm>> -> memref<128xi32, #tpu.memory_space<hbm>>
      tpu.wait_dma2 semaphore(%run_scoped3A_268 : memref<!tpu.dma_semaphore, #tpu.memory_space<semaphore_mem>>) src(%dma_wait3A_284 : memref<128xi32, #tpu.memory_space<hbm>>) dst(%dma_wait3A_283 : memref<128xi32, #tpu.memory_space<vmem>>)
      tpu.yield
    }) : () -> ()
    %add3A_5 = arith.constant 0 : i32
    %add3A_6 = arith.addi %mul3A_2, %add3A_5 : i32
    %dma_start3A = arith.constant 0 : i32
    %dma_start3A_7 = arith.constant 0 : i32
    %dma_start3A_8 = arith.constant 0 : i32
    %dma_start3A_9 = arith.constant 0 : i32
    %dma_start3A_10 = tpu.memref_slice %arg6[%dma_start3A, %dma_start3A_8, %dma_start3A_9] : memref<2x128x128xf32, #tpu.memory_space<vmem>> -> memref<1x128x128xf32, #tpu.memory_space<vmem>>
    %dma_start3A_11 = tpu.memref_squeeze %dma_start3A_10 : memref<1x128x128xf32, #tpu.memory_space<vmem>> -> memref<128x128xf32, #tpu.memory_space<vmem>>
    %dma_start3A_12 = arith.constant 0 : i32
    %dma_start3A_13 = tpu.memref_slice %arg3[%add3A_6, %dma_start3A_12] : memref<16384x128xf32, #tpu.memory_space<hbm>> -> memref<128x128xf32, #tpu.memory_space<hbm>>
    %dma_start3A_14 = tpu.memref_slice %arg7[%dma_start3A_7] : memref<2x!tpu.dma_semaphore, #tpu.memory_space<semaphore_mem>> -> memref<1x!tpu.dma_semaphore, #tpu.memory_space<semaphore_mem>>
    %dma_start3A_15 = tpu.memref_squeeze %dma_start3A_14 : memref<1x!tpu.dma_semaphore, #tpu.memory_space<semaphore_mem>> -> memref<!tpu.dma_semaphore, #tpu.memory_space<semaphore_mem>>
    %dma_start3A_16 = arith.constant 0 : i32
    %dma_start3A_17 = arith.constant 0 : i32
    %dma_start3A_18 = tpu.memref_slice %arg6[%dma_start3A, %dma_start3A_16, %dma_start3A_17] : memref<2x128x128xf32, #tpu.memory_space<vmem>> -> memref<1x128x128xf32, #tpu.memory_space<vmem>>
    %dma_start3A_19 = tpu.memref_squeeze %dma_start3A_18 : memref<1x128x128xf32, #tpu.memory_space<vmem>> -> memref<128x128xf32, #tpu.memory_space<vmem>>
    %dma_start3A_20 = arith.constant 0 : i32
    %dma_start3A_21 = tpu.memref_slice %arg3[%add3A_6, %dma_start3A_20] : memref<16384x128xf32, #tpu.memory_space<hbm>> -> memref<128x128xf32, #tpu.memory_space<hbm>>
    tpu.enqueue_dma source(%dma_start3A_21 : memref<128x128xf32, #tpu.memory_space<hbm>>) target(%dma_start3A_19 : memref<128x128xf32, #tpu.memory_space<vmem>>) target_semaphore(%dma_start3A_15 : memref<!tpu.dma_semaphore, #tpu.memory_space<semaphore_mem>>)
    %dma_wait3A = arith.constant 0 : i32
    %dma_wait3A_22 = arith.constant 0 : i32
    %dma_wait3A_23 = arith.constant 0 : i32
    %dma_wait3A_24 = arith.constant 0 : i32
    %dma_wait3A_25 = tpu.memref_slice %arg6[%dma_wait3A, %dma_wait3A_23, %dma_wait3A_24] : memref<2x128x128xf32, #tpu.memory_space<vmem>> -> memref<1x128x128xf32, #tpu.memory_space<vmem>>
    %dma_wait3A_26 = tpu.memref_squeeze %dma_wait3A_25 : memref<1x128x128xf32, #tpu.memory_space<vmem>> -> memref<128x128xf32, #tpu.memory_space<vmem>>
    %dma_wait3A_27 = arith.constant 0 : i32
    %dma_wait3A_28 = tpu.memref_slice %arg3[%add3A_6, %dma_wait3A_27] : memref<16384x128xf32, #tpu.memory_space<hbm>> -> memref<128x128xf32, #tpu.memory_space<hbm>>
    %dma_wait3A_29 = tpu.memref_slice %arg7[%dma_wait3A_22] : memref<2x!tpu.dma_semaphore, #tpu.memory_space<semaphore_mem>> -> memref<1x!tpu.dma_semaphore, #tpu.memory_space<semaphore_mem>>
    %dma_wait3A_30 = tpu.memref_squeeze %dma_wait3A_29 : memref<1x!tpu.dma_semaphore, #tpu.memory_space<semaphore_mem>> -> memref<!tpu.dma_semaphore, #tpu.memory_space<semaphore_mem>>
    %dma_wait3A_31 = arith.constant 0 : i32
    %dma_wait3A_32 = arith.constant 0 : i32
    %dma_wait3A_33 = tpu.memref_slice %arg6[%dma_wait3A, %dma_wait3A_31, %dma_wait3A_32] : memref<2x128x128xf32, #tpu.memory_space<vmem>> -> memref<1x128x128xf32, #tpu.memory_space<vmem>>
    %dma_wait3A_34 = tpu.memref_squeeze %dma_wait3A_33 : memref<1x128x128xf32, #tpu.memory_space<vmem>> -> memref<128x128xf32, #tpu.memory_space<vmem>>
    %dma_wait3A_35 = arith.constant 0 : i32
    %dma_wait3A_36 = tpu.memref_slice %arg3[%add3A_6, %dma_wait3A_35] : memref<16384x128xf32, #tpu.memory_space<hbm>> -> memref<128x128xf32, #tpu.memory_space<hbm>>
    tpu.wait_dma2 semaphore(%dma_wait3A_30 : memref<!tpu.dma_semaphore, #tpu.memory_space<semaphore_mem>>) src(%dma_wait3A_36 : memref<128x128xf32, #tpu.memory_space<hbm>>) dst(%dma_wait3A_34 : memref<128x128xf32, #tpu.memory_space<vmem>>)
    %add3A_37 = arith.constant 128 : i32
    %add3A_38 = arith.addi %mul3A_2, %add3A_37 : i32
    %run_scoped3A_39 = arith.constant 1 : i32
    "tpu.region"() ({
      %run_scoped3A_268 = tpu.sem_alloc : memref<!tpu.dma_semaphore, #tpu.memory_space<semaphore_mem>>
      %dma_start3A_269 = arith.constant 0 : i32
      %dma_start3A_270 = tpu.memref_slice %arg5[%run_scoped3A_39, %dma_start3A_269] : memref<2x128xi32, #tpu.memory_space<vmem>> -> memref<1x128xi32, #tpu.memory_space<vmem>>
      %dma_start3A_271 = tpu.memref_squeeze %dma_start3A_270 : memref<1x128xi32, #tpu.memory_space<vmem>> -> memref<128xi32, #tpu.memory_space<vmem>>
      %dma_start3A_272 = tpu.memref_slice %arg2[%add3A_38] : memref<16384xi32, #tpu.memory_space<hbm>> -> memref<128xi32, #tpu.memory_space<hbm>>
      %dma_start3A_273 = arith.constant 0 : i32
      %dma_start3A_274 = tpu.memref_slice %arg5[%run_scoped3A_39, %dma_start3A_273] : memref<2x128xi32, #tpu.memory_space<vmem>> -> memref<1x128xi32, #tpu.memory_space<vmem>>
      %dma_start3A_275 = tpu.memref_squeeze %dma_start3A_274 : memref<1x128xi32, #tpu.memory_space<vmem>> -> memref<128xi32, #tpu.memory_space<vmem>>
      %dma_start3A_276 = tpu.memref_slice %arg2[%add3A_38] : memref<16384xi32, #tpu.memory_space<hbm>> -> memref<128xi32, #tpu.memory_space<hbm>>
      tpu.enqueue_dma source(%dma_start3A_276 : memref<128xi32, #tpu.memory_space<hbm>>) target(%dma_start3A_275 : memref<128xi32, #tpu.memory_space<vmem>>) target_semaphore(%run_scoped3A_268 : memref<!tpu.dma_semaphore, #tpu.memory_space<semaphore_mem>>)
      %dma_wait3A_277 = arith.constant 0 : i32
      %dma_wait3A_278 = tpu.memref_slice %arg5[%run_scoped3A_39, %dma_wait3A_277] : memref<2x128xi32, #tpu.memory_space<vmem>> -> memref<1x128xi32, #tpu.memory_space<vmem>>
      %dma_wait3A_279 = tpu.memref_squeeze %dma_wait3A_278 : memref<1x128xi32, #tpu.memory_space<vmem>> -> memref<128xi32, #tpu.memory_space<vmem>>
      %dma_wait3A_280 = tpu.memref_slice %arg2[%add3A_38] : memref<16384xi32, #tpu.memory_space<hbm>> -> memref<128xi32, #tpu.memory_space<hbm>>
      %dma_wait3A_281 = arith.constant 0 : i32
      %dma_wait3A_282 = tpu.memref_slice %arg5[%run_scoped3A_39, %dma_wait3A_281] : memref<2x128xi32, #tpu.memory_space<vmem>> -> memref<1x128xi32, #tpu.memory_space<vmem>>
      %dma_wait3A_283 = tpu.memref_squeeze %dma_wait3A_282 : memref<1x128xi32, #tpu.memory_space<vmem>> -> memref<128xi32, #tpu.memory_space<vmem>>
      %dma_wait3A_284 = tpu.memref_slice %arg2[%add3A_38] : memref<16384xi32, #tpu.memory_space<hbm>> -> memref<128xi32, #tpu.memory_space<hbm>>
      tpu.wait_dma2 semaphore(%run_scoped3A_268 : memref<!tpu.dma_semaphore, #tpu.memory_space<semaphore_mem>>) src(%dma_wait3A_284 : memref<128xi32, #tpu.memory_space<hbm>>) dst(%dma_wait3A_283 : memref<128xi32, #tpu.memory_space<vmem>>)
      tpu.yield
    }) : () -> ()
    %add3A_40 = arith.constant 128 : i32
    %add3A_41 = arith.addi %mul3A_2, %add3A_40 : i32
    %dma_start3A_42 = arith.constant 1 : i32
    %dma_start3A_43 = arith.constant 1 : i32
    %dma_start3A_44 = arith.constant 0 : i32
    %dma_start3A_45 = arith.constant 0 : i32
    %dma_start3A_46 = tpu.memref_slice %arg6[%dma_start3A_42, %dma_start3A_44, %dma_start3A_45] : memref<2x128x128xf32, #tpu.memory_space<vmem>> -> memref<1x128x128xf32, #tpu.memory_space<vmem>>
    %dma_start3A_47 = tpu.memref_squeeze %dma_start3A_46 : memref<1x128x128xf32, #tpu.memory_space<vmem>> -> memref<128x128xf32, #tpu.memory_space<vmem>>
    %dma_start3A_48 = arith.constant 0 : i32
    %dma_start3A_49 = tpu.memref_slice %arg3[%add3A_41, %dma_start3A_48] : memref<16384x128xf32, #tpu.memory_space<hbm>> -> memref<128x128xf32, #tpu.memory_space<hbm>>
    %dma_start3A_50 = tpu.memref_slice %arg7[%dma_start3A_43] : memref<2x!tpu.dma_semaphore, #tpu.memory_space<semaphore_mem>> -> memref<1x!tpu.dma_semaphore, #tpu.memory_space<semaphore_mem>>
    %dma_start3A_51 = tpu.memref_squeeze %dma_start3A_50 : memref<1x!tpu.dma_semaphore, #tpu.memory_space<semaphore_mem>> -> memref<!tpu.dma_semaphore, #tpu.memory_space<semaphore_mem>>
    %dma_start3A_52 = arith.constant 0 : i32
    %dma_start3A_53 = arith.constant 0 : i32
    %dma_start3A_54 = tpu.memref_slice %arg6[%dma_start3A_42, %dma_start3A_52, %dma_start3A_53] : memref<2x128x128xf32, #tpu.memory_space<vmem>> -> memref<1x128x128xf32, #tpu.memory_space<vmem>>
    %dma_start3A_55 = tpu.memref_squeeze %dma_start3A_54 : memref<1x128x128xf32, #tpu.memory_space<vmem>> -> memref<128x128xf32, #tpu.memory_space<vmem>>
    %dma_start3A_56 = arith.constant 0 : i32
    %dma_start3A_57 = tpu.memref_slice %arg3[%add3A_41, %dma_start3A_56] : memref<16384x128xf32, #tpu.memory_space<hbm>> -> memref<128x128xf32, #tpu.memory_space<hbm>>
    tpu.enqueue_dma source(%dma_start3A_57 : memref<128x128xf32, #tpu.memory_space<hbm>>) target(%dma_start3A_55 : memref<128x128xf32, #tpu.memory_space<vmem>>) target_semaphore(%dma_start3A_51 : memref<!tpu.dma_semaphore, #tpu.memory_space<semaphore_mem>>)
    %dma_start3A_58 = arith.constant 0 : i32
    %dma_start3A_59 = arith.constant 0 : i32
    %dma_start3A_60 = arith.constant 0 : i32
    %dma_start3A_61 = arith.constant 0 : i32
    %dma_start3A_62 = arith.constant 0 : i32
    %dma_start3A_63 = tpu.memref_slice %arg6[%dma_start3A_58, %dma_start3A_61, %dma_start3A_62] : memref<2x128x128xf32, #tpu.memory_space<vmem>> -> memref<1x128x128xf32, #tpu.memory_space<vmem>>
    %dma_start3A_64 = tpu.memref_squeeze %dma_start3A_63 : memref<1x128x128xf32, #tpu.memory_space<vmem>> -> memref<128x128xf32, #tpu.memory_space<vmem>>
    %dma_start3A_65 = arith.constant 0 : i32
    %dma_start3A_66 = tpu.memref_slice %arg5[%dma_start3A_59, %dma_start3A_65] : memref<2x128xi32, #tpu.memory_space<vmem>> -> memref<1x128xi32, #tpu.memory_space<vmem>>
    %dma_start3A_67 = tpu.memref_squeeze %dma_start3A_66 : memref<1x128xi32, #tpu.memory_space<vmem>> -> memref<128xi32, #tpu.memory_space<vmem>>
    %dma_start3A_68 = arith.constant 0 : i32
    %dma_start3A_69 = arith.constant 0 : i32
    %dma_start3A_70 = tpu.memref_slice %arg4[%dma_start3A_68, %dma_start3A_69] : memref<20480x128xf32, #tpu.memory_space<hbm>> -> memref<20480x128xf32, #tpu.memory_space<hbm>>
    %dma_start3A_71 = tpu.memref_slice %arg8[%dma_start3A_60] : memref<2x!tpu.dma_semaphore, #tpu.memory_space<semaphore_mem>> -> memref<1x!tpu.dma_semaphore, #tpu.memory_space<semaphore_mem>>
    %dma_start3A_72 = tpu.memref_squeeze %dma_start3A_71 : memref<1x!tpu.dma_semaphore, #tpu.memory_space<semaphore_mem>> -> memref<!tpu.dma_semaphore, #tpu.memory_space<semaphore_mem>>
    tpu.enqueue_indirect_dma source(%dma_start3A_64 : memref<128x128xf32, #tpu.memory_space<vmem>>) target(%dma_start3A_70 : memref<20480x128xf32, #tpu.memory_space<hbm>>) offsets(%dma_start3A_67 : memref<128xi32, #tpu.memory_space<vmem>>) semaphore(%dma_start3A_72 : memref<!tpu.dma_semaphore, #tpu.memory_space<semaphore_mem>>)
    %dma_wait3A_73 = arith.constant 1 : i32
    %dma_wait3A_74 = arith.constant 1 : i32
    %dma_wait3A_75 = arith.constant 0 : i32
    %dma_wait3A_76 = arith.constant 0 : i32
    %dma_wait3A_77 = tpu.memref_slice %arg6[%dma_wait3A_73, %dma_wait3A_75, %dma_wait3A_76] : memref<2x128x128xf32, #tpu.memory_space<vmem>> -> memref<1x128x128xf32, #tpu.memory_space<vmem>>
    %dma_wait3A_78 = tpu.memref_squeeze %dma_wait3A_77 : memref<1x128x128xf32, #tpu.memory_space<vmem>> -> memref<128x128xf32, #tpu.memory_space<vmem>>
    %dma_wait3A_79 = arith.constant 0 : i32
    %dma_wait3A_80 = tpu.memref_slice %arg3[%add3A_41, %dma_wait3A_79] : memref<16384x128xf32, #tpu.memory_space<hbm>> -> memref<128x128xf32, #tpu.memory_space<hbm>>
    %dma_wait3A_81 = tpu.memref_slice %arg7[%dma_wait3A_74] : memref<2x!tpu.dma_semaphore, #tpu.memory_space<semaphore_mem>> -> memref<1x!tpu.dma_semaphore, #tpu.memory_space<semaphore_mem>>
    %dma_wait3A_82 = tpu.memref_squeeze %dma_wait3A_81 : memref<1x!tpu.dma_semaphore, #tpu.memory_space<semaphore_mem>> -> memref<!tpu.dma_semaphore, #tpu.memory_space<semaphore_mem>>
    %dma_wait3A_83 = arith.constant 0 : i32
    %dma_wait3A_84 = arith.constant 0 : i32
    %dma_wait3A_85 = tpu.memref_slice %arg6[%dma_wait3A_73, %dma_wait3A_83, %dma_wait3A_84] : memref<2x128x128xf32, #tpu.memory_space<vmem>> -> memref<1x128x128xf32, #tpu.memory_space<vmem>>
    %dma_wait3A_86 = tpu.memref_squeeze %dma_wait3A_85 : memref<1x128x128xf32, #tpu.memory_space<vmem>> -> memref<128x128xf32, #tpu.memory_space<vmem>>
    %dma_wait3A_87 = arith.constant 0 : i32
    %dma_wait3A_88 = tpu.memref_slice %arg3[%add3A_41, %dma_wait3A_87] : memref<16384x128xf32, #tpu.memory_space<hbm>> -> memref<128x128xf32, #tpu.memory_space<hbm>>
    tpu.wait_dma2 semaphore(%dma_wait3A_82 : memref<!tpu.dma_semaphore, #tpu.memory_space<semaphore_mem>>) src(%dma_wait3A_88 : memref<128x128xf32, #tpu.memory_space<hbm>>) dst(%dma_wait3A_86 : memref<128x128xf32, #tpu.memory_space<vmem>>)
    %dma_wait3A_89 = arith.constant 0 : i32
    %dma_wait3A_90 = arith.constant 0 : i32
    %dma_wait3A_91 = arith.constant 0 : i32
    %dma_wait3A_92 = arith.constant 0 : i32
    %dma_wait3A_93 = arith.constant 0 : i32
    %dma_wait3A_94 = tpu.memref_slice %arg6[%dma_wait3A_89, %dma_wait3A_92, %dma_wait3A_93] : memref<2x128x128xf32, #tpu.memory_space<vmem>> -> memref<1x128x128xf32, #tpu.memory_space<vmem>>
    %dma_wait3A_95 = tpu.memref_squeeze %dma_wait3A_94 : memref<1x128x128xf32, #tpu.memory_space<vmem>> -> memref<128x128xf32, #tpu.memory_space<vmem>>
    %dma_wait3A_96 = arith.constant 0 : i32
    %dma_wait3A_97 = tpu.memref_slice %arg5[%dma_wait3A_90, %dma_wait3A_96] : memref<2x128xi32, #tpu.memory_space<vmem>> -> memref<1x128xi32, #tpu.memory_space<vmem>>
    %dma_wait3A_98 = tpu.memref_squeeze %dma_wait3A_97 : memref<1x128xi32, #tpu.memory_space<vmem>> -> memref<128xi32, #tpu.memory_space<vmem>>
    %dma_wait3A_99 = arith.constant 0 : i32
    %dma_wait3A_100 = arith.constant 0 : i32
    %dma_wait3A_101 = tpu.memref_slice %arg4[%dma_wait3A_99, %dma_wait3A_100] : memref<20480x128xf32, #tpu.memory_space<hbm>> -> memref<20480x128xf32, #tpu.memory_space<hbm>>
    %dma_wait3A_102 = tpu.memref_slice %arg8[%dma_wait3A_91] : memref<2x!tpu.dma_semaphore, #tpu.memory_space<semaphore_mem>> -> memref<1x!tpu.dma_semaphore, #tpu.memory_space<semaphore_mem>>
    %dma_wait3A_103 = tpu.memref_squeeze %dma_wait3A_102 : memref<1x!tpu.dma_semaphore, #tpu.memory_space<semaphore_mem>> -> memref<!tpu.dma_semaphore, #tpu.memory_space<semaphore_mem>>
    tpu.wait_indirect_dma semaphore(%dma_wait3A_103 : memref<!tpu.dma_semaphore, #tpu.memory_space<semaphore_mem>>) src(%dma_wait3A_95 : memref<128x128xf32, #tpu.memory_space<vmem>>) dst(%dma_wait3A_101 : memref<20480x128xf32, #tpu.memory_space<hbm>>)
    %add3A_104 = arith.constant 256 : i32
    %add3A_105 = arith.addi %mul3A_2, %add3A_104 : i32
    %run_scoped3A_106 = arith.constant 0 : i32
    "tpu.region"() ({
      %run_scoped3A_268 = tpu.sem_alloc : memref<!tpu.dma_semaphore, #tpu.memory_space<semaphore_mem>>
      %dma_start3A_269 = arith.constant 0 : i32
      %dma_start3A_270 = tpu.memref_slice %arg5[%run_scoped3A_106, %dma_start3A_269] : memref<2x128xi32, #tpu.memory_space<vmem>> -> memref<1x128xi32, #tpu.memory_space<vmem>>
      %dma_start3A_271 = tpu.memref_squeeze %dma_start3A_270 : memref<1x128xi32, #tpu.memory_space<vmem>> -> memref<128xi32, #tpu.memory_space<vmem>>
      %dma_start3A_272 = tpu.memref_slice %arg2[%add3A_105] : memref<16384xi32, #tpu.memory_space<hbm>> -> memref<128xi32, #tpu.memory_space<hbm>>
      %dma_start3A_273 = arith.constant 0 : i32
      %dma_start3A_274 = tpu.memref_slice %arg5[%run_scoped3A_106, %dma_start3A_273] : memref<2x128xi32, #tpu.memory_space<vmem>> -> memref<1x128xi32, #tpu.memory_space<vmem>>
      %dma_start3A_275 = tpu.memref_squeeze %dma_start3A_274 : memref<1x128xi32, #tpu.memory_space<vmem>> -> memref<128xi32, #tpu.memory_space<vmem>>
      %dma_start3A_276 = tpu.memref_slice %arg2[%add3A_105] : memref<16384xi32, #tpu.memory_space<hbm>> -> memref<128xi32, #tpu.memory_space<hbm>>
      tpu.enqueue_dma source(%dma_start3A_276 : memref<128xi32, #tpu.memory_space<hbm>>) target(%dma_start3A_275 : memref<128xi32, #tpu.memory_space<vmem>>) target_semaphore(%run_scoped3A_268 : memref<!tpu.dma_semaphore, #tpu.memory_space<semaphore_mem>>)
      %dma_wait3A_277 = arith.constant 0 : i32
      %dma_wait3A_278 = tpu.memref_slice %arg5[%run_scoped3A_106, %dma_wait3A_277] : memref<2x128xi32, #tpu.memory_space<vmem>> -> memref<1x128xi32, #tpu.memory_space<vmem>>
      %dma_wait3A_279 = tpu.memref_squeeze %dma_wait3A_278 : memref<1x128xi32, #tpu.memory_space<vmem>> -> memref<128xi32, #tpu.memory_space<vmem>>
      %dma_wait3A_280 = tpu.memref_slice %arg2[%add3A_105] : memref<16384xi32, #tpu.memory_space<hbm>> -> memref<128xi32, #tpu.memory_space<hbm>>
      %dma_wait3A_281 = arith.constant 0 : i32
      %dma_wait3A_282 = tpu.memref_slice %arg5[%run_scoped3A_106, %dma_wait3A_281] : memref<2x128xi32, #tpu.memory_space<vmem>> -> memref<1x128xi32, #tpu.memory_space<vmem>>
      %dma_wait3A_283 = tpu.memref_squeeze %dma_wait3A_282 : memref<1x128xi32, #tpu.memory_space<vmem>> -> memref<128xi32, #tpu.memory_space<vmem>>
      %dma_wait3A_284 = tpu.memref_slice %arg2[%add3A_105] : memref<16384xi32, #tpu.memory_space<hbm>> -> memref<128xi32, #tpu.memory_space<hbm>>
      tpu.wait_dma2 semaphore(%run_scoped3A_268 : memref<!tpu.dma_semaphore, #tpu.memory_space<semaphore_mem>>) src(%dma_wait3A_284 : memref<128xi32, #tpu.memory_space<hbm>>) dst(%dma_wait3A_283 : memref<128xi32, #tpu.memory_space<vmem>>)
      tpu.yield
    }) : () -> ()
    %add3A_107 = arith.constant 256 : i32
    %add3A_108 = arith.addi %mul3A_2, %add3A_107 : i32
    %dma_start3A_109 = arith.constant 0 : i32
    %dma_start3A_110 = arith.constant 0 : i32
    %dma_start3A_111 = arith.constant 0 : i32
    %dma_start3A_112 = arith.constant 0 : i32
    %dma_start3A_113 = tpu.memref_slice %arg6[%dma_start3A_109, %dma_start3A_111, %dma_start3A_112] : memref<2x128x128xf32, #tpu.memory_space<vmem>> -> memref<1x128x128xf32, #tpu.memory_space<vmem>>
    %dma_start3A_114 = tpu.memref_squeeze %dma_start3A_113 : memref<1x128x128xf32, #tpu.memory_space<vmem>> -> memref<128x128xf32, #tpu.memory_space<vmem>>
    %dma_start3A_115 = arith.constant 0 : i32
    %dma_start3A_116 = tpu.memref_slice %arg3[%add3A_108, %dma_start3A_115] : memref<16384x128xf32, #tpu.memory_space<hbm>> -> memref<128x128xf32, #tpu.memory_space<hbm>>
    %dma_start3A_117 = tpu.memref_slice %arg7[%dma_start3A_110] : memref<2x!tpu.dma_semaphore, #tpu.memory_space<semaphore_mem>> -> memref<1x!tpu.dma_semaphore, #tpu.memory_space<semaphore_mem>>
    %dma_start3A_118 = tpu.memref_squeeze %dma_start3A_117 : memref<1x!tpu.dma_semaphore, #tpu.memory_space<semaphore_mem>> -> memref<!tpu.dma_semaphore, #tpu.memory_space<semaphore_mem>>
    %dma_start3A_119 = arith.constant 0 : i32
    %dma_start3A_120 = arith.constant 0 : i32
    %dma_start3A_121 = tpu.memref_slice %arg6[%dma_start3A_109, %dma_start3A_119, %dma_start3A_120] : memref<2x128x128xf32, #tpu.memory_space<vmem>> -> memref<1x128x128xf32, #tpu.memory_space<vmem>>
    %dma_start3A_122 = tpu.memref_squeeze %dma_start3A_121 : memref<1x128x128xf32, #tpu.memory_space<vmem>> -> memref<128x128xf32, #tpu.memory_space<vmem>>
    %dma_start3A_123 = arith.constant 0 : i32
    %dma_start3A_124 = tpu.memref_slice %arg3[%add3A_108, %dma_start3A_123] : memref<16384x128xf32, #tpu.memory_space<hbm>> -> memref<128x128xf32, #tpu.memory_space<hbm>>
    tpu.enqueue_dma source(%dma_start3A_124 : memref<128x128xf32, #tpu.memory_space<hbm>>) target(%dma_start3A_122 : memref<128x128xf32, #tpu.memory_space<vmem>>) target_semaphore(%dma_start3A_118 : memref<!tpu.dma_semaphore, #tpu.memory_space<semaphore_mem>>)
    %dma_start3A_125 = arith.constant 1 : i32
    %dma_start3A_126 = arith.constant 1 : i32
    %dma_start3A_127 = arith.constant 1 : i32
    %dma_start3A_128 = arith.constant 0 : i32
    %dma_start3A_129 = arith.constant 0 : i32
    %dma_start3A_130 = tpu.memref_slice %arg6[%dma_start3A_125, %dma_start3A_128, %dma_start3A_129] : memref<2x128x128xf32, #tpu.memory_space<vmem>> -> memref<1x128x128xf32, #tpu.memory_space<vmem>>
    %dma_start3A_131 = tpu.memref_squeeze %dma_start3A_130 : memref<1x128x128xf32, #tpu.memory_space<vmem>> -> memref<128x128xf32, #tpu.memory_space<vmem>>
    %dma_start3A_132 = arith.constant 0 : i32
    %dma_start3A_133 = tpu.memref_slice %arg5[%dma_start3A_126, %dma_start3A_132] : memref<2x128xi32, #tpu.memory_space<vmem>> -> memref<1x128xi32, #tpu.memory_space<vmem>>
    %dma_start3A_134 = tpu.memref_squeeze %dma_start3A_133 : memref<1x128xi32, #tpu.memory_space<vmem>> -> memref<128xi32, #tpu.memory_space<vmem>>
    %dma_start3A_135 = arith.constant 0 : i32
    %dma_start3A_136 = arith.constant 0 : i32
    %dma_start3A_137 = tpu.memref_slice %arg4[%dma_start3A_135, %dma_start3A_136] : memref<20480x128xf32, #tpu.memory_space<hbm>> -> memref<20480x128xf32, #tpu.memory_space<hbm>>
    %dma_start3A_138 = tpu.memref_slice %arg8[%dma_start3A_127] : memref<2x!tpu.dma_semaphore, #tpu.memory_space<semaphore_mem>> -> memref<1x!tpu.dma_semaphore, #tpu.memory_space<semaphore_mem>>
    %dma_start3A_139 = tpu.memref_squeeze %dma_start3A_138 : memref<1x!tpu.dma_semaphore, #tpu.memory_space<semaphore_mem>> -> memref<!tpu.dma_semaphore, #tpu.memory_space<semaphore_mem>>
    tpu.enqueue_indirect_dma source(%dma_start3A_131 : memref<128x128xf32, #tpu.memory_space<vmem>>) target(%dma_start3A_137 : memref<20480x128xf32, #tpu.memory_space<hbm>>) offsets(%dma_start3A_134 : memref<128xi32, #tpu.memory_space<vmem>>) semaphore(%dma_start3A_139 : memref<!tpu.dma_semaphore, #tpu.memory_space<semaphore_mem>>)
    %dma_wait3A_140 = arith.constant 0 : i32
    %dma_wait3A_141 = arith.constant 0 : i32
    %dma_wait3A_142 = arith.constant 0 : i32
    %dma_wait3A_143 = arith.constant 0 : i32
    %dma_wait3A_144 = tpu.memref_slice %arg6[%dma_wait3A_140, %dma_wait3A_142, %dma_wait3A_143] : memref<2x128x128xf32, #tpu.memory_space<vmem>> -> memref<1x128x128xf32, #tpu.memory_space<vmem>>
    %dma_wait3A_145 = tpu.memref_squeeze %dma_wait3A_144 : memref<1x128x128xf32, #tpu.memory_space<vmem>> -> memref<128x128xf32, #tpu.memory_space<vmem>>
    %dma_wait3A_146 = arith.constant 0 : i32
    %dma_wait3A_147 = tpu.memref_slice %arg3[%add3A_108, %dma_wait3A_146] : memref<16384x128xf32, #tpu.memory_space<hbm>> -> memref<128x128xf32, #tpu.memory_space<hbm>>
    %dma_wait3A_148 = tpu.memref_slice %arg7[%dma_wait3A_141] : memref<2x!tpu.dma_semaphore, #tpu.memory_space<semaphore_mem>> -> memref<1x!tpu.dma_semaphore, #tpu.memory_space<semaphore_mem>>
    %dma_wait3A_149 = tpu.memref_squeeze %dma_wait3A_148 : memref<1x!tpu.dma_semaphore, #tpu.memory_space<semaphore_mem>> -> memref<!tpu.dma_semaphore, #tpu.memory_space<semaphore_mem>>
    %dma_wait3A_150 = arith.constant 0 : i32
    %dma_wait3A_151 = arith.constant 0 : i32
    %dma_wait3A_152 = tpu.memref_slice %arg6[%dma_wait3A_140, %dma_wait3A_150, %dma_wait3A_151] : memref<2x128x128xf32, #tpu.memory_space<vmem>> -> memref<1x128x128xf32, #tpu.memory_space<vmem>>
    %dma_wait3A_153 = tpu.memref_squeeze %dma_wait3A_152 : memref<1x128x128xf32, #tpu.memory_space<vmem>> -> memref<128x128xf32, #tpu.memory_space<vmem>>
    %dma_wait3A_154 = arith.constant 0 : i32
    %dma_wait3A_155 = tpu.memref_slice %arg3[%add3A_108, %dma_wait3A_154] : memref<16384x128xf32, #tpu.memory_space<hbm>> -> memref<128x128xf32, #tpu.memory_space<hbm>>
    tpu.wait_dma2 semaphore(%dma_wait3A_149 : memref<!tpu.dma_semaphore, #tpu.memory_space<semaphore_mem>>) src(%dma_wait3A_155 : memref<128x128xf32, #tpu.memory_space<hbm>>) dst(%dma_wait3A_153 : memref<128x128xf32, #tpu.memory_space<vmem>>)
    %dma_wait3A_156 = arith.constant 1 : i32
    %dma_wait3A_157 = arith.constant 1 : i32
    %dma_wait3A_158 = arith.constant 1 : i32
    %dma_wait3A_159 = arith.constant 0 : i32
    %dma_wait3A_160 = arith.constant 0 : i32
    %dma_wait3A_161 = tpu.memref_slice %arg6[%dma_wait3A_156, %dma_wait3A_159, %dma_wait3A_160] : memref<2x128x128xf32, #tpu.memory_space<vmem>> -> memref<1x128x128xf32, #tpu.memory_space<vmem>>
    %dma_wait3A_162 = tpu.memref_squeeze %dma_wait3A_161 : memref<1x128x128xf32, #tpu.memory_space<vmem>> -> memref<128x128xf32, #tpu.memory_space<vmem>>
    %dma_wait3A_163 = arith.constant 0 : i32
    %dma_wait3A_164 = tpu.memref_slice %arg5[%dma_wait3A_157, %dma_wait3A_163] : memref<2x128xi32, #tpu.memory_space<vmem>> -> memref<1x128xi32, #tpu.memory_space<vmem>>
    %dma_wait3A_165 = tpu.memref_squeeze %dma_wait3A_164 : memref<1x128xi32, #tpu.memory_space<vmem>> -> memref<128xi32, #tpu.memory_space<vmem>>
    %dma_wait3A_166 = arith.constant 0 : i32
    %dma_wait3A_167 = arith.constant 0 : i32
    %dma_wait3A_168 = tpu.memref_slice %arg4[%dma_wait3A_166, %dma_wait3A_167] : memref<20480x128xf32, #tpu.memory_space<hbm>> -> memref<20480x128xf32, #tpu.memory_space<hbm>>
    %dma_wait3A_169 = tpu.memref_slice %arg8[%dma_wait3A_158] : memref<2x!tpu.dma_semaphore, #tpu.memory_space<semaphore_mem>> -> memref<1x!tpu.dma_semaphore, #tpu.memory_space<semaphore_mem>>
    %dma_wait3A_170 = tpu.memref_squeeze %dma_wait3A_169 : memref<1x!tpu.dma_semaphore, #tpu.memory_space<semaphore_mem>> -> memref<!tpu.dma_semaphore, #tpu.memory_space<semaphore_mem>>
    tpu.wait_indirect_dma semaphore(%dma_wait3A_170 : memref<!tpu.dma_semaphore, #tpu.memory_space<semaphore_mem>>) src(%dma_wait3A_162 : memref<128x128xf32, #tpu.memory_space<vmem>>) dst(%dma_wait3A_168 : memref<20480x128xf32, #tpu.memory_space<hbm>>)
    %add3A_171 = arith.constant 384 : i32
    %add3A_172 = arith.addi %mul3A_2, %add3A_171 : i32
    %run_scoped3A_173 = arith.constant 1 : i32
    "tpu.region"() ({
      %run_scoped3A_268 = tpu.sem_alloc : memref<!tpu.dma_semaphore, #tpu.memory_space<semaphore_mem>>
      %dma_start3A_269 = arith.constant 0 : i32
      %dma_start3A_270 = tpu.memref_slice %arg5[%run_scoped3A_173, %dma_start3A_269] : memref<2x128xi32, #tpu.memory_space<vmem>> -> memref<1x128xi32, #tpu.memory_space<vmem>>
      %dma_start3A_271 = tpu.memref_squeeze %dma_start3A_270 : memref<1x128xi32, #tpu.memory_space<vmem>> -> memref<128xi32, #tpu.memory_space<vmem>>
      %dma_start3A_272 = tpu.memref_slice %arg2[%add3A_172] : memref<16384xi32, #tpu.memory_space<hbm>> -> memref<128xi32, #tpu.memory_space<hbm>>
      %dma_start3A_273 = arith.constant 0 : i32
      %dma_start3A_274 = tpu.memref_slice %arg5[%run_scoped3A_173, %dma_start3A_273] : memref<2x128xi32, #tpu.memory_space<vmem>> -> memref<1x128xi32, #tpu.memory_space<vmem>>
      %dma_start3A_275 = tpu.memref_squeeze %dma_start3A_274 : memref<1x128xi32, #tpu.memory_space<vmem>> -> memref<128xi32, #tpu.memory_space<vmem>>
      %dma_start3A_276 = tpu.memref_slice %arg2[%add3A_172] : memref<16384xi32, #tpu.memory_space<hbm>> -> memref<128xi32, #tpu.memory_space<hbm>>
      tpu.enqueue_dma source(%dma_start3A_276 : memref<128xi32, #tpu.memory_space<hbm>>) target(%dma_start3A_275 : memref<128xi32, #tpu.memory_space<vmem>>) target_semaphore(%run_scoped3A_268 : memref<!tpu.dma_semaphore, #tpu.memory_space<semaphore_mem>>)
      %dma_wait3A_277 = arith.constant 0 : i32
      %dma_wait3A_278 = tpu.memref_slice %arg5[%run_scoped3A_173, %dma_wait3A_277] : memref<2x128xi32, #tpu.memory_space<vmem>> -> memref<1x128xi32, #tpu.memory_space<vmem>>
      %dma_wait3A_279 = tpu.memref_squeeze %dma_wait3A_278 : memref<1x128xi32, #tpu.memory_space<vmem>> -> memref<128xi32, #tpu.memory_space<vmem>>
      %dma_wait3A_280 = tpu.memref_slice %arg2[%add3A_172] : memref<16384xi32, #tpu.memory_space<hbm>> -> memref<128xi32, #tpu.memory_space<hbm>>
      %dma_wait3A_281 = arith.constant 0 : i32
      %dma_wait3A_282 = tpu.memref_slice %arg5[%run_scoped3A_173, %dma_wait3A_281] : memref<2x128xi32, #tpu.memory_space<vmem>> -> memref<1x128xi32, #tpu.memory_space<vmem>>
      %dma_wait3A_283 = tpu.memref_squeeze %dma_wait3A_282 : memref<1x128xi32, #tpu.memory_space<vmem>> -> memref<128xi32, #tpu.memory_space<vmem>>
      %dma_wait3A_284 = tpu.memref_slice %arg2[%add3A_172] : memref<16384xi32, #tpu.memory_space<hbm>> -> memref<128xi32, #tpu.memory_space<hbm>>
      tpu.wait_dma2 semaphore(%run_scoped3A_268 : memref<!tpu.dma_semaphore, #tpu.memory_space<semaphore_mem>>) src(%dma_wait3A_284 : memref<128xi32, #tpu.memory_space<hbm>>) dst(%dma_wait3A_283 : memref<128xi32, #tpu.memory_space<vmem>>)
      tpu.yield
    }) : () -> ()
    %add3A_174 = arith.constant 384 : i32
    %add3A_175 = arith.addi %mul3A_2, %add3A_174 : i32
    %dma_start3A_176 = arith.constant 1 : i32
    %dma_start3A_177 = arith.constant 1 : i32
    %dma_start3A_178 = arith.constant 0 : i32
    %dma_start3A_179 = arith.constant 0 : i32
    %dma_start3A_180 = tpu.memref_slice %arg6[%dma_start3A_176, %dma_start3A_178, %dma_start3A_179] : memref<2x128x128xf32, #tpu.memory_space<vmem>> -> memref<1x128x128xf32, #tpu.memory_space<vmem>>
    %dma_start3A_181 = tpu.memref_squeeze %dma_start3A_180 : memref<1x128x128xf32, #tpu.memory_space<vmem>> -> memref<128x128xf32, #tpu.memory_space<vmem>>
    %dma_start3A_182 = arith.constant 0 : i32
    %dma_start3A_183 = tpu.memref_slice %arg3[%add3A_175, %dma_start3A_182] : memref<16384x128xf32, #tpu.memory_space<hbm>> -> memref<128x128xf32, #tpu.memory_space<hbm>>
    %dma_start3A_184 = tpu.memref_slice %arg7[%dma_start3A_177] : memref<2x!tpu.dma_semaphore, #tpu.memory_space<semaphore_mem>> -> memref<1x!tpu.dma_semaphore, #tpu.memory_space<semaphore_mem>>
    %dma_start3A_185 = tpu.memref_squeeze %dma_start3A_184 : memref<1x!tpu.dma_semaphore, #tpu.memory_space<semaphore_mem>> -> memref<!tpu.dma_semaphore, #tpu.memory_space<semaphore_mem>>
    %dma_start3A_186 = arith.constant 0 : i32
    %dma_start3A_187 = arith.constant 0 : i32
    %dma_start3A_188 = tpu.memref_slice %arg6[%dma_start3A_176, %dma_start3A_186, %dma_start3A_187] : memref<2x128x128xf32, #tpu.memory_space<vmem>> -> memref<1x128x128xf32, #tpu.memory_space<vmem>>
    %dma_start3A_189 = tpu.memref_squeeze %dma_start3A_188 : memref<1x128x128xf32, #tpu.memory_space<vmem>> -> memref<128x128xf32, #tpu.memory_space<vmem>>
    %dma_start3A_190 = arith.constant 0 : i32
    %dma_start3A_191 = tpu.memref_slice %arg3[%add3A_175, %dma_start3A_190] : memref<16384x128xf32, #tpu.memory_space<hbm>> -> memref<128x128xf32, #tpu.memory_space<hbm>>
    tpu.enqueue_dma source(%dma_start3A_191 : memref<128x128xf32, #tpu.memory_space<hbm>>) target(%dma_start3A_189 : memref<128x128xf32, #tpu.memory_space<vmem>>) target_semaphore(%dma_start3A_185 : memref<!tpu.dma_semaphore, #tpu.memory_space<semaphore_mem>>)
    %dma_start3A_192 = arith.constant 0 : i32
    %dma_start3A_193 = arith.constant 0 : i32
    %dma_start3A_194 = arith.constant 0 : i32
    %dma_start3A_195 = arith.constant 0 : i32
    %dma_start3A_196 = arith.constant 0 : i32
    %dma_start3A_197 = tpu.memref_slice %arg6[%dma_start3A_192, %dma_start3A_195, %dma_start3A_196] : memref<2x128x128xf32, #tpu.memory_space<vmem>> -> memref<1x128x128xf32, #tpu.memory_space<vmem>>
    %dma_start3A_198 = tpu.memref_squeeze %dma_start3A_197 : memref<1x128x128xf32, #tpu.memory_space<vmem>> -> memref<128x128xf32, #tpu.memory_space<vmem>>
    %dma_start3A_199 = arith.constant 0 : i32
    %dma_start3A_200 = tpu.memref_slice %arg5[%dma_start3A_193, %dma_start3A_199] : memref<2x128xi32, #tpu.memory_space<vmem>> -> memref<1x128xi32, #tpu.memory_space<vmem>>
    %dma_start3A_201 = tpu.memref_squeeze %dma_start3A_200 : memref<1x128xi32, #tpu.memory_space<vmem>> -> memref<128xi32, #tpu.memory_space<vmem>>
    %dma_start3A_202 = arith.constant 0 : i32
    %dma_start3A_203 = arith.constant 0 : i32
    %dma_start3A_204 = tpu.memref_slice %arg4[%dma_start3A_202, %dma_start3A_203] : memref<20480x128xf32, #tpu.memory_space<hbm>> -> memref<20480x128xf32, #tpu.memory_space<hbm>>
    %dma_start3A_205 = tpu.memref_slice %arg8[%dma_start3A_194] : memref<2x!tpu.dma_semaphore, #tpu.memory_space<semaphore_mem>> -> memref<1x!tpu.dma_semaphore, #tpu.memory_space<semaphore_mem>>
    %dma_start3A_206 = tpu.memref_squeeze %dma_start3A_205 : memref<1x!tpu.dma_semaphore, #tpu.memory_space<semaphore_mem>> -> memref<!tpu.dma_semaphore, #tpu.memory_space<semaphore_mem>>
    tpu.enqueue_indirect_dma source(%dma_start3A_198 : memref<128x128xf32, #tpu.memory_space<vmem>>) target(%dma_start3A_204 : memref<20480x128xf32, #tpu.memory_space<hbm>>) offsets(%dma_start3A_201 : memref<128xi32, #tpu.memory_space<vmem>>) semaphore(%dma_start3A_206 : memref<!tpu.dma_semaphore, #tpu.memory_space<semaphore_mem>>)
    %dma_wait3A_207 = arith.constant 1 : i32
    %dma_wait3A_208 = arith.constant 1 : i32
    %dma_wait3A_209 = arith.constant 0 : i32
    %dma_wait3A_210 = arith.constant 0 : i32
    %dma_wait3A_211 = tpu.memref_slice %arg6[%dma_wait3A_207, %dma_wait3A_209, %dma_wait3A_210] : memref<2x128x128xf32, #tpu.memory_space<vmem>> -> memref<1x128x128xf32, #tpu.memory_space<vmem>>
    %dma_wait3A_212 = tpu.memref_squeeze %dma_wait3A_211 : memref<1x128x128xf32, #tpu.memory_space<vmem>> -> memref<128x128xf32, #tpu.memory_space<vmem>>
    %dma_wait3A_213 = arith.constant 0 : i32
    %dma_wait3A_214 = tpu.memref_slice %arg3[%add3A_175, %dma_wait3A_213] : memref<16384x128xf32, #tpu.memory_space<hbm>> -> memref<128x128xf32, #tpu.memory_space<hbm>>
    %dma_wait3A_215 = tpu.memref_slice %arg7[%dma_wait3A_208] : memref<2x!tpu.dma_semaphore, #tpu.memory_space<semaphore_mem>> -> memref<1x!tpu.dma_semaphore, #tpu.memory_space<semaphore_mem>>
    %dma_wait3A_216 = tpu.memref_squeeze %dma_wait3A_215 : memref<1x!tpu.dma_semaphore, #tpu.memory_space<semaphore_mem>> -> memref<!tpu.dma_semaphore, #tpu.memory_space<semaphore_mem>>
    %dma_wait3A_217 = arith.constant 0 : i32
    %dma_wait3A_218 = arith.constant 0 : i32
    %dma_wait3A_219 = tpu.memref_slice %arg6[%dma_wait3A_207, %dma_wait3A_217, %dma_wait3A_218] : memref<2x128x128xf32, #tpu.memory_space<vmem>> -> memref<1x128x128xf32, #tpu.memory_space<vmem>>
    %dma_wait3A_220 = tpu.memref_squeeze %dma_wait3A_219 : memref<1x128x128xf32, #tpu.memory_space<vmem>> -> memref<128x128xf32, #tpu.memory_space<vmem>>
    %dma_wait3A_221 = arith.constant 0 : i32
    %dma_wait3A_222 = tpu.memref_slice %arg3[%add3A_175, %dma_wait3A_221] : memref<16384x128xf32, #tpu.memory_space<hbm>> -> memref<128x128xf32, #tpu.memory_space<hbm>>
    tpu.wait_dma2 semaphore(%dma_wait3A_216 : memref<!tpu.dma_semaphore, #tpu.memory_space<semaphore_mem>>) src(%dma_wait3A_222 : memref<128x128xf32, #tpu.memory_space<hbm>>) dst(%dma_wait3A_220 : memref<128x128xf32, #tpu.memory_space<vmem>>)
    %dma_start3A_223 = arith.constant 1 : i32
    %dma_start3A_224 = arith.constant 1 : i32
    %dma_start3A_225 = arith.constant 1 : i32
    %dma_start3A_226 = arith.constant 0 : i32
    %dma_start3A_227 = arith.constant 0 : i32
    %dma_start3A_228 = tpu.memref_slice %arg6[%dma_start3A_223, %dma_start3A_226, %dma_start3A_227] : memref<2x128x128xf32, #tpu.memory_space<vmem>> -> memref<1x128x128xf32, #tpu.memory_space<vmem>>
    %dma_start3A_229 = tpu.memref_squeeze %dma_start3A_228 : memref<1x128x128xf32, #tpu.memory_space<vmem>> -> memref<128x128xf32, #tpu.memory_space<vmem>>
    %dma_start3A_230 = arith.constant 0 : i32
    %dma_start3A_231 = tpu.memref_slice %arg5[%dma_start3A_224, %dma_start3A_230] : memref<2x128xi32, #tpu.memory_space<vmem>> -> memref<1x128xi32, #tpu.memory_space<vmem>>
    %dma_start3A_232 = tpu.memref_squeeze %dma_start3A_231 : memref<1x128xi32, #tpu.memory_space<vmem>> -> memref<128xi32, #tpu.memory_space<vmem>>
    %dma_start3A_233 = arith.constant 0 : i32
    %dma_start3A_234 = arith.constant 0 : i32
    %dma_start3A_235 = tpu.memref_slice %arg4[%dma_start3A_233, %dma_start3A_234] : memref<20480x128xf32, #tpu.memory_space<hbm>> -> memref<20480x128xf32, #tpu.memory_space<hbm>>
    %dma_start3A_236 = tpu.memref_slice %arg8[%dma_start3A_225] : memref<2x!tpu.dma_semaphore, #tpu.memory_space<semaphore_mem>> -> memref<1x!tpu.dma_semaphore, #tpu.memory_space<semaphore_mem>>
    %dma_start3A_237 = tpu.memref_squeeze %dma_start3A_236 : memref<1x!tpu.dma_semaphore, #tpu.memory_space<semaphore_mem>> -> memref<!tpu.dma_semaphore, #tpu.memory_space<semaphore_mem>>
    tpu.enqueue_indirect_dma source(%dma_start3A_229 : memref<128x128xf32, #tpu.memory_space<vmem>>) target(%dma_start3A_235 : memref<20480x128xf32, #tpu.memory_space<hbm>>) offsets(%dma_start3A_232 : memref<128xi32, #tpu.memory_space<vmem>>) semaphore(%dma_start3A_237 : memref<!tpu.dma_semaphore, #tpu.memory_space<semaphore_mem>>)
    %dma_wait3A_238 = arith.constant 0 : i32
    %dma_wait3A_239 = arith.constant 0 : i32
    %dma_wait3A_240 = arith.constant 0 : i32
    %dma_wait3A_241 = arith.constant 0 : i32
    %dma_wait3A_242 = arith.constant 0 : i32
    %dma_wait3A_243 = tpu.memref_slice %arg6[%dma_wait3A_238, %dma_wait3A_241, %dma_wait3A_242] : memref<2x128x128xf32, #tpu.memory_space<vmem>> -> memref<1x128x128xf32, #tpu.memory_space<vmem>>
    %dma_wait3A_244 = tpu.memref_squeeze %dma_wait3A_243 : memref<1x128x128xf32, #tpu.memory_space<vmem>> -> memref<128x128xf32, #tpu.memory_space<vmem>>
    %dma_wait3A_245 = arith.constant 0 : i32
    %dma_wait3A_246 = tpu.memref_slice %arg5[%dma_wait3A_239, %dma_wait3A_245] : memref<2x128xi32, #tpu.memory_space<vmem>> -> memref<1x128xi32, #tpu.memory_space<vmem>>
    %dma_wait3A_247 = tpu.memref_squeeze %dma_wait3A_246 : memref<1x128xi32, #tpu.memory_space<vmem>> -> memref<128xi32, #tpu.memory_space<vmem>>
    %dma_wait3A_248 = arith.constant 0 : i32
    %dma_wait3A_249 = arith.constant 0 : i32
    %dma_wait3A_250 = tpu.memref_slice %arg4[%dma_wait3A_248, %dma_wait3A_249] : memref<20480x128xf32, #tpu.memory_space<hbm>> -> memref<20480x128xf32, #tpu.memory_space<hbm>>
    %dma_wait3A_251 = tpu.memref_slice %arg8[%dma_wait3A_240] : memref<2x!tpu.dma_semaphore, #tpu.memory_space<semaphore_mem>> -> memref<1x!tpu.dma_semaphore, #tpu.memory_space<semaphore_mem>>
    %dma_wait3A_252 = tpu.memref_squeeze %dma_wait3A_251 : memref<1x!tpu.dma_semaphore, #tpu.memory_space<semaphore_mem>> -> memref<!tpu.dma_semaphore, #tpu.memory_space<semaphore_mem>>
    tpu.wait_indirect_dma semaphore(%dma_wait3A_252 : memref<!tpu.dma_semaphore, #tpu.memory_space<semaphore_mem>>) src(%dma_wait3A_244 : memref<128x128xf32, #tpu.memory_space<vmem>>) dst(%dma_wait3A_250 : memref<20480x128xf32, #tpu.memory_space<hbm>>)
    %dma_wait3A_253 = arith.constant 1 : i32
    %dma_wait3A_254 = arith.constant 1 : i32
    %dma_wait3A_255 = arith.constant 1 : i32
    %dma_wait3A_256 = arith.constant 0 : i32
    %dma_wait3A_257 = arith.constant 0 : i32
    %dma_wait3A_258 = tpu.memref_slice %arg6[%dma_wait3A_253, %dma_wait3A_256, %dma_wait3A_257] : memref<2x128x128xf32, #tpu.memory_space<vmem>> -> memref<1x128x128xf32, #tpu.memory_space<vmem>>
    %dma_wait3A_259 = tpu.memref_squeeze %dma_wait3A_258 : memref<1x128x128xf32, #tpu.memory_space<vmem>> -> memref<128x128xf32, #tpu.memory_space<vmem>>
    %dma_wait3A_260 = arith.constant 0 : i32
    %dma_wait3A_261 = tpu.memref_slice %arg5[%dma_wait3A_254, %dma_wait3A_260] : memref<2x128xi32, #tpu.memory_space<vmem>> -> memref<1x128xi32, #tpu.memory_space<vmem>>
    %dma_wait3A_262 = tpu.memref_squeeze %dma_wait3A_261 : memref<1x128xi32, #tpu.memory_space<vmem>> -> memref<128xi32, #tpu.memory_space<vmem>>
    %dma_wait3A_263 = arith.constant 0 : i32
    %dma_wait3A_264 = arith.constant 0 : i32
    %dma_wait3A_265 = tpu.memref_slice %arg4[%dma_wait3A_263, %dma_wait3A_264] : memref<20480x128xf32, #tpu.memory_space<hbm>> -> memref<20480x128xf32, #tpu.memory_space<hbm>>
    %dma_wait3A_266 = tpu.memref_slice %arg8[%dma_wait3A_255] : memref<2x!tpu.dma_semaphore, #tpu.memory_space<semaphore_mem>> -> memref<1x!tpu.dma_semaphore, #tpu.memory_space<semaphore_mem>>
    %dma_wait3A_267 = tpu.memref_squeeze %dma_wait3A_266 : memref<1x!tpu.dma_semaphore, #tpu.memory_space<semaphore_mem>> -> memref<!tpu.dma_semaphore, #tpu.memory_space<semaphore_mem>>
    tpu.wait_indirect_dma semaphore(%dma_wait3A_267 : memref<!tpu.dma_semaphore, #tpu.memory_space<semaphore_mem>>) src(%dma_wait3A_259 : memref<128x128xf32, #tpu.memory_space<vmem>>) dst(%dma_wait3A_265 : memref<20480x128xf32, #tpu.memory_space<hbm>>)
    return
  }
}

#map = affine_map<(d0, d1) -> (0)>
#map1 = affine_map<(d0, d1) -> (0, 0)>
module attributes {stable_mosaic.version = 14 : i64} {
  func.func @gather(%arg0: i32, %arg1: i32, %arg2: memref<32768xi32, #tpu.memory_space<hbm>>, %arg3: memref<20480x384xf32, #tpu.memory_space<hbm>>, %arg4: memref<20480x384xf32, #tpu.memory_space<hbm>>, %arg5: memref<32768x384xf32, #tpu.memory_space<hbm>>, %arg6: memref<512xi32, #tpu.memory_space<vmem>>, %arg7: memref<2x128x384xf32, #tpu.memory_space<vmem>>, %arg8: memref<2x!tpu.dma_semaphore, #tpu.memory_space<semaphore_mem>>, %arg9: memref<2x!tpu.dma_semaphore, #tpu.memory_space<semaphore_mem>>) attributes {dimension_semantics = [#tpu.dimension_semantics<core_parallel>, #tpu.dimension_semantics<subcore_parallel>], iteration_bounds = array<i64: 2, 16>, scalar_prefetch = 0 : i64, scratch_operands = 4 : i64, tpu.core_type = #tpu.core_type<sc_vector_subcore>, window_params = [{transform_indices = #map}, {transform_indices = #map1}, {transform_indices = #map1}, {transform_indices = #map1}]} {
    %mul3A = arith.constant 2 : i32
    %mul3A_0 = arith.muli %arg1, %mul3A : i32
    %add3A = arith.addi %mul3A_0, %arg0 : i32
    %mul3A_1 = arith.constant 512 : i32
    %mul3A_2 = arith.muli %add3A, %mul3A_1 : i32
    %add3A_3 = arith.constant 0 : i32
    %add3A_4 = arith.addi %add3A_3, %mul3A_2 : i32
    "tpu.region"() ({
      %run_scoped3A = tpu.sem_alloc : memref<!tpu.dma_semaphore, #tpu.memory_space<semaphore_mem>>
      %dma_start3A_487 = tpu.memref_slice %arg2[%add3A_4] : memref<32768xi32, #tpu.memory_space<hbm>> -> memref<512xi32, #tpu.memory_space<hbm>>
      %dma_start3A_488 = tpu.memref_slice %arg2[%add3A_4] : memref<32768xi32, #tpu.memory_space<hbm>> -> memref<512xi32, #tpu.memory_space<hbm>>
      tpu.enqueue_dma source(%dma_start3A_488 : memref<512xi32, #tpu.memory_space<hbm>>) target(%arg6 : memref<512xi32, #tpu.memory_space<vmem>>) target_semaphore(%run_scoped3A : memref<!tpu.dma_semaphore, #tpu.memory_space<semaphore_mem>>)
      %dma_wait3A_489 = tpu.memref_slice %arg2[%add3A_4] : memref<32768xi32, #tpu.memory_space<hbm>> -> memref<512xi32, #tpu.memory_space<hbm>>
      %dma_wait3A_490 = tpu.memref_slice %arg2[%add3A_4] : memref<32768xi32, #tpu.memory_space<hbm>> -> memref<512xi32, #tpu.memory_space<hbm>>
      tpu.wait_dma2 semaphore(%run_scoped3A : memref<!tpu.dma_semaphore, #tpu.memory_space<semaphore_mem>>) src(%dma_wait3A_490 : memref<512xi32, #tpu.memory_space<hbm>>) dst(%arg6 : memref<512xi32, #tpu.memory_space<vmem>>)
      tpu.yield
    }) : () -> ()
    %dma_start3A = arith.constant 0 : i32
    %dma_start3A_5 = arith.constant 0 : i32
    %dma_start3A_6 = arith.constant 0 : i32
    %dma_start3A_7 = arith.constant 0 : i32
    %dma_start3A_8 = tpu.memref_slice %arg7[%dma_start3A, %dma_start3A_6, %dma_start3A_7] : memref<2x128x384xf32, #tpu.memory_space<vmem>> -> memref<1x128x384xf32, #tpu.memory_space<vmem>>
    %dma_start3A_9 = tpu.memref_squeeze %dma_start3A_8 : memref<1x128x384xf32, #tpu.memory_space<vmem>> -> memref<128x384xf32, #tpu.memory_space<vmem>>
    %dma_start3A_10 = arith.constant 0 : i32
    %dma_start3A_11 = tpu.memref_slice %arg6[%dma_start3A_10] : memref<512xi32, #tpu.memory_space<vmem>> -> memref<128xi32, #tpu.memory_space<vmem>>
    %dma_start3A_12 = arith.constant 0 : i32
    %dma_start3A_13 = arith.constant 0 : i32
    %dma_start3A_14 = tpu.memref_slice %arg3[%dma_start3A_12, %dma_start3A_13] : memref<20480x384xf32, #tpu.memory_space<hbm>> -> memref<20480x384xf32, #tpu.memory_space<hbm>>
    %dma_start3A_15 = tpu.memref_slice %arg8[%dma_start3A_5] : memref<2x!tpu.dma_semaphore, #tpu.memory_space<semaphore_mem>> -> memref<1x!tpu.dma_semaphore, #tpu.memory_space<semaphore_mem>>
    %dma_start3A_16 = tpu.memref_squeeze %dma_start3A_15 : memref<1x!tpu.dma_semaphore, #tpu.memory_space<semaphore_mem>> -> memref<!tpu.dma_semaphore, #tpu.memory_space<semaphore_mem>>
    tpu.enqueue_indirect_dma source(%dma_start3A_14 : memref<20480x384xf32, #tpu.memory_space<hbm>>) target(%dma_start3A_9 : memref<128x384xf32, #tpu.memory_space<vmem>>) offsets(%dma_start3A_11 : memref<128xi32, #tpu.memory_space<vmem>>) semaphore(%dma_start3A_16 : memref<!tpu.dma_semaphore, #tpu.memory_space<semaphore_mem>>)
    %dma_wait3A = arith.constant 0 : i32
    %dma_wait3A_17 = arith.constant 0 : i32
    %dma_wait3A_18 = arith.constant 0 : i32
    %dma_wait3A_19 = arith.constant 0 : i32
    %dma_wait3A_20 = tpu.memref_slice %arg7[%dma_wait3A, %dma_wait3A_18, %dma_wait3A_19] : memref<2x128x384xf32, #tpu.memory_space<vmem>> -> memref<1x128x384xf32, #tpu.memory_space<vmem>>
    %dma_wait3A_21 = tpu.memref_squeeze %dma_wait3A_20 : memref<1x128x384xf32, #tpu.memory_space<vmem>> -> memref<128x384xf32, #tpu.memory_space<vmem>>
    %dma_wait3A_22 = arith.constant 0 : i32
    %dma_wait3A_23 = tpu.memref_slice %arg6[%dma_wait3A_22] : memref<512xi32, #tpu.memory_space<vmem>> -> memref<128xi32, #tpu.memory_space<vmem>>
    %dma_wait3A_24 = arith.constant 0 : i32
    %dma_wait3A_25 = arith.constant 0 : i32
    %dma_wait3A_26 = tpu.memref_slice %arg3[%dma_wait3A_24, %dma_wait3A_25] : memref<20480x384xf32, #tpu.memory_space<hbm>> -> memref<20480x384xf32, #tpu.memory_space<hbm>>
    %dma_wait3A_27 = tpu.memref_slice %arg8[%dma_wait3A_17] : memref<2x!tpu.dma_semaphore, #tpu.memory_space<semaphore_mem>> -> memref<1x!tpu.dma_semaphore, #tpu.memory_space<semaphore_mem>>
    %dma_wait3A_28 = tpu.memref_squeeze %dma_wait3A_27 : memref<1x!tpu.dma_semaphore, #tpu.memory_space<semaphore_mem>> -> memref<!tpu.dma_semaphore, #tpu.memory_space<semaphore_mem>>
    tpu.wait_indirect_dma semaphore(%dma_wait3A_28 : memref<!tpu.dma_semaphore, #tpu.memory_space<semaphore_mem>>) src(%dma_wait3A_26 : memref<20480x384xf32, #tpu.memory_space<hbm>>) dst(%dma_wait3A_21 : memref<128x384xf32, #tpu.memory_space<vmem>>)
    %dma_start3A_29 = arith.constant 1 : i32
    %dma_start3A_30 = arith.constant 1 : i32
    %dma_start3A_31 = arith.constant 0 : i32
    %dma_start3A_32 = arith.constant 0 : i32
    %dma_start3A_33 = tpu.memref_slice %arg7[%dma_start3A_29, %dma_start3A_31, %dma_start3A_32] : memref<2x128x384xf32, #tpu.memory_space<vmem>> -> memref<1x128x384xf32, #tpu.memory_space<vmem>>
    %dma_start3A_34 = tpu.memref_squeeze %dma_start3A_33 : memref<1x128x384xf32, #tpu.memory_space<vmem>> -> memref<128x384xf32, #tpu.memory_space<vmem>>
    %dma_start3A_35 = arith.constant 128 : i32
    %dma_start3A_36 = tpu.memref_slice %arg6[%dma_start3A_35] : memref<512xi32, #tpu.memory_space<vmem>> -> memref<128xi32, #tpu.memory_space<vmem>>
    %dma_start3A_37 = arith.constant 0 : i32
    %dma_start3A_38 = arith.constant 0 : i32
    %dma_start3A_39 = tpu.memref_slice %arg3[%dma_start3A_37, %dma_start3A_38] : memref<20480x384xf32, #tpu.memory_space<hbm>> -> memref<20480x384xf32, #tpu.memory_space<hbm>>
    %dma_start3A_40 = tpu.memref_slice %arg8[%dma_start3A_30] : memref<2x!tpu.dma_semaphore, #tpu.memory_space<semaphore_mem>> -> memref<1x!tpu.dma_semaphore, #tpu.memory_space<semaphore_mem>>
    %dma_start3A_41 = tpu.memref_squeeze %dma_start3A_40 : memref<1x!tpu.dma_semaphore, #tpu.memory_space<semaphore_mem>> -> memref<!tpu.dma_semaphore, #tpu.memory_space<semaphore_mem>>
    tpu.enqueue_indirect_dma source(%dma_start3A_39 : memref<20480x384xf32, #tpu.memory_space<hbm>>) target(%dma_start3A_34 : memref<128x384xf32, #tpu.memory_space<vmem>>) offsets(%dma_start3A_36 : memref<128xi32, #tpu.memory_space<vmem>>) semaphore(%dma_start3A_41 : memref<!tpu.dma_semaphore, #tpu.memory_space<semaphore_mem>>)
    %add3A_42 = arith.constant 0 : i32
    %add3A_43 = arith.addi %add3A_4, %add3A_42 : i32
    %dma_start3A_44 = arith.constant 0 : i32
    %dma_start3A_45 = arith.constant 0 : i32
    %dma_start3A_46 = arith.constant 0 : i32
    %dma_start3A_47 = arith.constant 0 : i32
    %dma_start3A_48 = tpu.memref_slice %arg7[%dma_start3A_44, %dma_start3A_46, %dma_start3A_47] : memref<2x128x384xf32, #tpu.memory_space<vmem>> -> memref<1x128x384xf32, #tpu.memory_space<vmem>>
    %dma_start3A_49 = tpu.memref_squeeze %dma_start3A_48 : memref<1x128x384xf32, #tpu.memory_space<vmem>> -> memref<128x384xf32, #tpu.memory_space<vmem>>
    %dma_start3A_50 = arith.constant 0 : i32
    %dma_start3A_51 = tpu.memref_slice %arg5[%add3A_43, %dma_start3A_50] : memref<32768x384xf32, #tpu.memory_space<hbm>> -> memref<128x384xf32, #tpu.memory_space<hbm>>
    %dma_start3A_52 = tpu.memref_slice %arg9[%dma_start3A_45] : memref<2x!tpu.dma_semaphore, #tpu.memory_space<semaphore_mem>> -> memref<1x!tpu.dma_semaphore, #tpu.memory_space<semaphore_mem>>
    %dma_start3A_53 = tpu.memref_squeeze %dma_start3A_52 : memref<1x!tpu.dma_semaphore, #tpu.memory_space<semaphore_mem>> -> memref<!tpu.dma_semaphore, #tpu.memory_space<semaphore_mem>>
    %dma_start3A_54 = arith.constant 0 : i32
    %dma_start3A_55 = tpu.memref_slice %arg5[%add3A_43, %dma_start3A_54] : memref<32768x384xf32, #tpu.memory_space<hbm>> -> memref<128x384xf32, #tpu.memory_space<hbm>>
    %dma_start3A_56 = arith.constant 0 : i32
    %dma_start3A_57 = arith.constant 0 : i32
    %dma_start3A_58 = tpu.memref_slice %arg7[%dma_start3A_44, %dma_start3A_56, %dma_start3A_57] : memref<2x128x384xf32, #tpu.memory_space<vmem>> -> memref<1x128x384xf32, #tpu.memory_space<vmem>>
    %dma_start3A_59 = tpu.memref_squeeze %dma_start3A_58 : memref<1x128x384xf32, #tpu.memory_space<vmem>> -> memref<128x384xf32, #tpu.memory_space<vmem>>
    tpu.enqueue_dma source(%dma_start3A_59 : memref<128x384xf32, #tpu.memory_space<vmem>>) target(%dma_start3A_55 : memref<128x384xf32, #tpu.memory_space<hbm>>) target_semaphore(%dma_start3A_53 : memref<!tpu.dma_semaphore, #tpu.memory_space<semaphore_mem>>)
    %dma_wait3A_60 = arith.constant 1 : i32
    %dma_wait3A_61 = arith.constant 1 : i32
    %dma_wait3A_62 = arith.constant 0 : i32
    %dma_wait3A_63 = arith.constant 0 : i32
    %dma_wait3A_64 = tpu.memref_slice %arg7[%dma_wait3A_60, %dma_wait3A_62, %dma_wait3A_63] : memref<2x128x384xf32, #tpu.memory_space<vmem>> -> memref<1x128x384xf32, #tpu.memory_space<vmem>>
    %dma_wait3A_65 = tpu.memref_squeeze %dma_wait3A_64 : memref<1x128x384xf32, #tpu.memory_space<vmem>> -> memref<128x384xf32, #tpu.memory_space<vmem>>
    %dma_wait3A_66 = arith.constant 128 : i32
    %dma_wait3A_67 = tpu.memref_slice %arg6[%dma_wait3A_66] : memref<512xi32, #tpu.memory_space<vmem>> -> memref<128xi32, #tpu.memory_space<vmem>>
    %dma_wait3A_68 = arith.constant 0 : i32
    %dma_wait3A_69 = arith.constant 0 : i32
    %dma_wait3A_70 = tpu.memref_slice %arg3[%dma_wait3A_68, %dma_wait3A_69] : memref<20480x384xf32, #tpu.memory_space<hbm>> -> memref<20480x384xf32, #tpu.memory_space<hbm>>
    %dma_wait3A_71 = tpu.memref_slice %arg8[%dma_wait3A_61] : memref<2x!tpu.dma_semaphore, #tpu.memory_space<semaphore_mem>> -> memref<1x!tpu.dma_semaphore, #tpu.memory_space<semaphore_mem>>
    %dma_wait3A_72 = tpu.memref_squeeze %dma_wait3A_71 : memref<1x!tpu.dma_semaphore, #tpu.memory_space<semaphore_mem>> -> memref<!tpu.dma_semaphore, #tpu.memory_space<semaphore_mem>>
    tpu.wait_indirect_dma semaphore(%dma_wait3A_72 : memref<!tpu.dma_semaphore, #tpu.memory_space<semaphore_mem>>) src(%dma_wait3A_70 : memref<20480x384xf32, #tpu.memory_space<hbm>>) dst(%dma_wait3A_65 : memref<128x384xf32, #tpu.memory_space<vmem>>)
    %dma_wait3A_73 = arith.constant 0 : i32
    %dma_wait3A_74 = arith.constant 0 : i32
    %dma_wait3A_75 = arith.constant 0 : i32
    %dma_wait3A_76 = arith.constant 0 : i32
    %dma_wait3A_77 = tpu.memref_slice %arg7[%dma_wait3A_73, %dma_wait3A_75, %dma_wait3A_76] : memref<2x128x384xf32, #tpu.memory_space<vmem>> -> memref<1x128x384xf32, #tpu.memory_space<vmem>>
    %dma_wait3A_78 = tpu.memref_squeeze %dma_wait3A_77 : memref<1x128x384xf32, #tpu.memory_space<vmem>> -> memref<128x384xf32, #tpu.memory_space<vmem>>
    %dma_wait3A_79 = arith.constant 0 : i32
    %dma_wait3A_80 = tpu.memref_slice %arg5[%add3A_43, %dma_wait3A_79] : memref<32768x384xf32, #tpu.memory_space<hbm>> -> memref<128x384xf32, #tpu.memory_space<hbm>>
    %dma_wait3A_81 = tpu.memref_slice %arg9[%dma_wait3A_74] : memref<2x!tpu.dma_semaphore, #tpu.memory_space<semaphore_mem>> -> memref<1x!tpu.dma_semaphore, #tpu.memory_space<semaphore_mem>>
    %dma_wait3A_82 = tpu.memref_squeeze %dma_wait3A_81 : memref<1x!tpu.dma_semaphore, #tpu.memory_space<semaphore_mem>> -> memref<!tpu.dma_semaphore, #tpu.memory_space<semaphore_mem>>
    %dma_wait3A_83 = arith.constant 0 : i32
    %dma_wait3A_84 = tpu.memref_slice %arg5[%add3A_43, %dma_wait3A_83] : memref<32768x384xf32, #tpu.memory_space<hbm>> -> memref<128x384xf32, #tpu.memory_space<hbm>>
    %dma_wait3A_85 = arith.constant 0 : i32
    %dma_wait3A_86 = arith.constant 0 : i32
    %dma_wait3A_87 = tpu.memref_slice %arg7[%dma_wait3A_73, %dma_wait3A_85, %dma_wait3A_86] : memref<2x128x384xf32, #tpu.memory_space<vmem>> -> memref<1x128x384xf32, #tpu.memory_space<vmem>>
    %dma_wait3A_88 = tpu.memref_squeeze %dma_wait3A_87 : memref<1x128x384xf32, #tpu.memory_space<vmem>> -> memref<128x384xf32, #tpu.memory_space<vmem>>
    tpu.wait_dma2 semaphore(%dma_wait3A_82 : memref<!tpu.dma_semaphore, #tpu.memory_space<semaphore_mem>>) src(%dma_wait3A_88 : memref<128x384xf32, #tpu.memory_space<vmem>>) dst(%dma_wait3A_84 : memref<128x384xf32, #tpu.memory_space<hbm>>)
    %dma_start3A_89 = arith.constant 0 : i32
    %dma_start3A_90 = arith.constant 0 : i32
    %dma_start3A_91 = arith.constant 0 : i32
    %dma_start3A_92 = arith.constant 0 : i32
    %dma_start3A_93 = tpu.memref_slice %arg7[%dma_start3A_89, %dma_start3A_91, %dma_start3A_92] : memref<2x128x384xf32, #tpu.memory_space<vmem>> -> memref<1x128x384xf32, #tpu.memory_space<vmem>>
    %dma_start3A_94 = tpu.memref_squeeze %dma_start3A_93 : memref<1x128x384xf32, #tpu.memory_space<vmem>> -> memref<128x384xf32, #tpu.memory_space<vmem>>
    %dma_start3A_95 = arith.constant 256 : i32
    %dma_start3A_96 = tpu.memref_slice %arg6[%dma_start3A_95] : memref<512xi32, #tpu.memory_space<vmem>> -> memref<128xi32, #tpu.memory_space<vmem>>
    %dma_start3A_97 = arith.constant 0 : i32
    %dma_start3A_98 = arith.constant 0 : i32
    %dma_start3A_99 = tpu.memref_slice %arg3[%dma_start3A_97, %dma_start3A_98] : memref<20480x384xf32, #tpu.memory_space<hbm>> -> memref<20480x384xf32, #tpu.memory_space<hbm>>
    %dma_start3A_100 = tpu.memref_slice %arg8[%dma_start3A_90] : memref<2x!tpu.dma_semaphore, #tpu.memory_space<semaphore_mem>> -> memref<1x!tpu.dma_semaphore, #tpu.memory_space<semaphore_mem>>
    %dma_start3A_101 = tpu.memref_squeeze %dma_start3A_100 : memref<1x!tpu.dma_semaphore, #tpu.memory_space<semaphore_mem>> -> memref<!tpu.dma_semaphore, #tpu.memory_space<semaphore_mem>>
    tpu.enqueue_indirect_dma source(%dma_start3A_99 : memref<20480x384xf32, #tpu.memory_space<hbm>>) target(%dma_start3A_94 : memref<128x384xf32, #tpu.memory_space<vmem>>) offsets(%dma_start3A_96 : memref<128xi32, #tpu.memory_space<vmem>>) semaphore(%dma_start3A_101 : memref<!tpu.dma_semaphore, #tpu.memory_space<semaphore_mem>>)
    %add3A_102 = arith.constant 128 : i32
    %add3A_103 = arith.addi %add3A_4, %add3A_102 : i32
    %dma_start3A_104 = arith.constant 1 : i32
    %dma_start3A_105 = arith.constant 1 : i32
    %dma_start3A_106 = arith.constant 0 : i32
    %dma_start3A_107 = arith.constant 0 : i32
    %dma_start3A_108 = tpu.memref_slice %arg7[%dma_start3A_104, %dma_start3A_106, %dma_start3A_107] : memref<2x128x384xf32, #tpu.memory_space<vmem>> -> memref<1x128x384xf32, #tpu.memory_space<vmem>>
    %dma_start3A_109 = tpu.memref_squeeze %dma_start3A_108 : memref<1x128x384xf32, #tpu.memory_space<vmem>> -> memref<128x384xf32, #tpu.memory_space<vmem>>
    %dma_start3A_110 = arith.constant 0 : i32
    %dma_start3A_111 = tpu.memref_slice %arg5[%add3A_103, %dma_start3A_110] : memref<32768x384xf32, #tpu.memory_space<hbm>> -> memref<128x384xf32, #tpu.memory_space<hbm>>
    %dma_start3A_112 = tpu.memref_slice %arg9[%dma_start3A_105] : memref<2x!tpu.dma_semaphore, #tpu.memory_space<semaphore_mem>> -> memref<1x!tpu.dma_semaphore, #tpu.memory_space<semaphore_mem>>
    %dma_start3A_113 = tpu.memref_squeeze %dma_start3A_112 : memref<1x!tpu.dma_semaphore, #tpu.memory_space<semaphore_mem>> -> memref<!tpu.dma_semaphore, #tpu.memory_space<semaphore_mem>>
    %dma_start3A_114 = arith.constant 0 : i32
    %dma_start3A_115 = tpu.memref_slice %arg5[%add3A_103, %dma_start3A_114] : memref<32768x384xf32, #tpu.memory_space<hbm>> -> memref<128x384xf32, #tpu.memory_space<hbm>>
    %dma_start3A_116 = arith.constant 0 : i32
    %dma_start3A_117 = arith.constant 0 : i32
    %dma_start3A_118 = tpu.memref_slice %arg7[%dma_start3A_104, %dma_start3A_116, %dma_start3A_117] : memref<2x128x384xf32, #tpu.memory_space<vmem>> -> memref<1x128x384xf32, #tpu.memory_space<vmem>>
    %dma_start3A_119 = tpu.memref_squeeze %dma_start3A_118 : memref<1x128x384xf32, #tpu.memory_space<vmem>> -> memref<128x384xf32, #tpu.memory_space<vmem>>
    tpu.enqueue_dma source(%dma_start3A_119 : memref<128x384xf32, #tpu.memory_space<vmem>>) target(%dma_start3A_115 : memref<128x384xf32, #tpu.memory_space<hbm>>) target_semaphore(%dma_start3A_113 : memref<!tpu.dma_semaphore, #tpu.memory_space<semaphore_mem>>)
    %dma_wait3A_120 = arith.constant 0 : i32
    %dma_wait3A_121 = arith.constant 0 : i32
    %dma_wait3A_122 = arith.constant 0 : i32
    %dma_wait3A_123 = arith.constant 0 : i32
    %dma_wait3A_124 = tpu.memref_slice %arg7[%dma_wait3A_120, %dma_wait3A_122, %dma_wait3A_123] : memref<2x128x384xf32, #tpu.memory_space<vmem>> -> memref<1x128x384xf32, #tpu.memory_space<vmem>>
    %dma_wait3A_125 = tpu.memref_squeeze %dma_wait3A_124 : memref<1x128x384xf32, #tpu.memory_space<vmem>> -> memref<128x384xf32, #tpu.memory_space<vmem>>
    %dma_wait3A_126 = arith.constant 256 : i32
    %dma_wait3A_127 = tpu.memref_slice %arg6[%dma_wait3A_126] : memref<512xi32, #tpu.memory_space<vmem>> -> memref<128xi32, #tpu.memory_space<vmem>>
    %dma_wait3A_128 = arith.constant 0 : i32
    %dma_wait3A_129 = arith.constant 0 : i32
    %dma_wait3A_130 = tpu.memref_slice %arg3[%dma_wait3A_128, %dma_wait3A_129] : memref<20480x384xf32, #tpu.memory_space<hbm>> -> memref<20480x384xf32, #tpu.memory_space<hbm>>
    %dma_wait3A_131 = tpu.memref_slice %arg8[%dma_wait3A_121] : memref<2x!tpu.dma_semaphore, #tpu.memory_space<semaphore_mem>> -> memref<1x!tpu.dma_semaphore, #tpu.memory_space<semaphore_mem>>
    %dma_wait3A_132 = tpu.memref_squeeze %dma_wait3A_131 : memref<1x!tpu.dma_semaphore, #tpu.memory_space<semaphore_mem>> -> memref<!tpu.dma_semaphore, #tpu.memory_space<semaphore_mem>>
    tpu.wait_indirect_dma semaphore(%dma_wait3A_132 : memref<!tpu.dma_semaphore, #tpu.memory_space<semaphore_mem>>) src(%dma_wait3A_130 : memref<20480x384xf32, #tpu.memory_space<hbm>>) dst(%dma_wait3A_125 : memref<128x384xf32, #tpu.memory_space<vmem>>)
    %dma_wait3A_133 = arith.constant 1 : i32
    %dma_wait3A_134 = arith.constant 1 : i32
    %dma_wait3A_135 = arith.constant 0 : i32
    %dma_wait3A_136 = arith.constant 0 : i32
    %dma_wait3A_137 = tpu.memref_slice %arg7[%dma_wait3A_133, %dma_wait3A_135, %dma_wait3A_136] : memref<2x128x384xf32, #tpu.memory_space<vmem>> -> memref<1x128x384xf32, #tpu.memory_space<vmem>>
    %dma_wait3A_138 = tpu.memref_squeeze %dma_wait3A_137 : memref<1x128x384xf32, #tpu.memory_space<vmem>> -> memref<128x384xf32, #tpu.memory_space<vmem>>
    %dma_wait3A_139 = arith.constant 0 : i32
    %dma_wait3A_140 = tpu.memref_slice %arg5[%add3A_103, %dma_wait3A_139] : memref<32768x384xf32, #tpu.memory_space<hbm>> -> memref<128x384xf32, #tpu.memory_space<hbm>>
    %dma_wait3A_141 = tpu.memref_slice %arg9[%dma_wait3A_134] : memref<2x!tpu.dma_semaphore, #tpu.memory_space<semaphore_mem>> -> memref<1x!tpu.dma_semaphore, #tpu.memory_space<semaphore_mem>>
    %dma_wait3A_142 = tpu.memref_squeeze %dma_wait3A_141 : memref<1x!tpu.dma_semaphore, #tpu.memory_space<semaphore_mem>> -> memref<!tpu.dma_semaphore, #tpu.memory_space<semaphore_mem>>
    %dma_wait3A_143 = arith.constant 0 : i32
    %dma_wait3A_144 = tpu.memref_slice %arg5[%add3A_103, %dma_wait3A_143] : memref<32768x384xf32, #tpu.memory_space<hbm>> -> memref<128x384xf32, #tpu.memory_space<hbm>>
    %dma_wait3A_145 = arith.constant 0 : i32
    %dma_wait3A_146 = arith.constant 0 : i32
    %dma_wait3A_147 = tpu.memref_slice %arg7[%dma_wait3A_133, %dma_wait3A_145, %dma_wait3A_146] : memref<2x128x384xf32, #tpu.memory_space<vmem>> -> memref<1x128x384xf32, #tpu.memory_space<vmem>>
    %dma_wait3A_148 = tpu.memref_squeeze %dma_wait3A_147 : memref<1x128x384xf32, #tpu.memory_space<vmem>> -> memref<128x384xf32, #tpu.memory_space<vmem>>
    tpu.wait_dma2 semaphore(%dma_wait3A_142 : memref<!tpu.dma_semaphore, #tpu.memory_space<semaphore_mem>>) src(%dma_wait3A_148 : memref<128x384xf32, #tpu.memory_space<vmem>>) dst(%dma_wait3A_144 : memref<128x384xf32, #tpu.memory_space<hbm>>)
    %dma_start3A_149 = arith.constant 1 : i32
    %dma_start3A_150 = arith.constant 1 : i32
    %dma_start3A_151 = arith.constant 0 : i32
    %dma_start3A_152 = arith.constant 0 : i32
    %dma_start3A_153 = tpu.memref_slice %arg7[%dma_start3A_149, %dma_start3A_151, %dma_start3A_152] : memref<2x128x384xf32, #tpu.memory_space<vmem>> -> memref<1x128x384xf32, #tpu.memory_space<vmem>>
    %dma_start3A_154 = tpu.memref_squeeze %dma_start3A_153 : memref<1x128x384xf32, #tpu.memory_space<vmem>> -> memref<128x384xf32, #tpu.memory_space<vmem>>
    %dma_start3A_155 = arith.constant 384 : i32
    %dma_start3A_156 = tpu.memref_slice %arg6[%dma_start3A_155] : memref<512xi32, #tpu.memory_space<vmem>> -> memref<128xi32, #tpu.memory_space<vmem>>
    %dma_start3A_157 = arith.constant 0 : i32
    %dma_start3A_158 = arith.constant 0 : i32
    %dma_start3A_159 = tpu.memref_slice %arg3[%dma_start3A_157, %dma_start3A_158] : memref<20480x384xf32, #tpu.memory_space<hbm>> -> memref<20480x384xf32, #tpu.memory_space<hbm>>
    %dma_start3A_160 = tpu.memref_slice %arg8[%dma_start3A_150] : memref<2x!tpu.dma_semaphore, #tpu.memory_space<semaphore_mem>> -> memref<1x!tpu.dma_semaphore, #tpu.memory_space<semaphore_mem>>
    %dma_start3A_161 = tpu.memref_squeeze %dma_start3A_160 : memref<1x!tpu.dma_semaphore, #tpu.memory_space<semaphore_mem>> -> memref<!tpu.dma_semaphore, #tpu.memory_space<semaphore_mem>>
    tpu.enqueue_indirect_dma source(%dma_start3A_159 : memref<20480x384xf32, #tpu.memory_space<hbm>>) target(%dma_start3A_154 : memref<128x384xf32, #tpu.memory_space<vmem>>) offsets(%dma_start3A_156 : memref<128xi32, #tpu.memory_space<vmem>>) semaphore(%dma_start3A_161 : memref<!tpu.dma_semaphore, #tpu.memory_space<semaphore_mem>>)
    %add3A_162 = arith.constant 256 : i32
    %add3A_163 = arith.addi %add3A_4, %add3A_162 : i32
    %dma_start3A_164 = arith.constant 0 : i32
    %dma_start3A_165 = arith.constant 0 : i32
    %dma_start3A_166 = arith.constant 0 : i32
    %dma_start3A_167 = arith.constant 0 : i32
    %dma_start3A_168 = tpu.memref_slice %arg7[%dma_start3A_164, %dma_start3A_166, %dma_start3A_167] : memref<2x128x384xf32, #tpu.memory_space<vmem>> -> memref<1x128x384xf32, #tpu.memory_space<vmem>>
    %dma_start3A_169 = tpu.memref_squeeze %dma_start3A_168 : memref<1x128x384xf32, #tpu.memory_space<vmem>> -> memref<128x384xf32, #tpu.memory_space<vmem>>
    %dma_start3A_170 = arith.constant 0 : i32
    %dma_start3A_171 = tpu.memref_slice %arg5[%add3A_163, %dma_start3A_170] : memref<32768x384xf32, #tpu.memory_space<hbm>> -> memref<128x384xf32, #tpu.memory_space<hbm>>
    %dma_start3A_172 = tpu.memref_slice %arg9[%dma_start3A_165] : memref<2x!tpu.dma_semaphore, #tpu.memory_space<semaphore_mem>> -> memref<1x!tpu.dma_semaphore, #tpu.memory_space<semaphore_mem>>
    %dma_start3A_173 = tpu.memref_squeeze %dma_start3A_172 : memref<1x!tpu.dma_semaphore, #tpu.memory_space<semaphore_mem>> -> memref<!tpu.dma_semaphore, #tpu.memory_space<semaphore_mem>>
    %dma_start3A_174 = arith.constant 0 : i32
    %dma_start3A_175 = tpu.memref_slice %arg5[%add3A_163, %dma_start3A_174] : memref<32768x384xf32, #tpu.memory_space<hbm>> -> memref<128x384xf32, #tpu.memory_space<hbm>>
    %dma_start3A_176 = arith.constant 0 : i32
    %dma_start3A_177 = arith.constant 0 : i32
    %dma_start3A_178 = tpu.memref_slice %arg7[%dma_start3A_164, %dma_start3A_176, %dma_start3A_177] : memref<2x128x384xf32, #tpu.memory_space<vmem>> -> memref<1x128x384xf32, #tpu.memory_space<vmem>>
    %dma_start3A_179 = tpu.memref_squeeze %dma_start3A_178 : memref<1x128x384xf32, #tpu.memory_space<vmem>> -> memref<128x384xf32, #tpu.memory_space<vmem>>
    tpu.enqueue_dma source(%dma_start3A_179 : memref<128x384xf32, #tpu.memory_space<vmem>>) target(%dma_start3A_175 : memref<128x384xf32, #tpu.memory_space<hbm>>) target_semaphore(%dma_start3A_173 : memref<!tpu.dma_semaphore, #tpu.memory_space<semaphore_mem>>)
    %dma_wait3A_180 = arith.constant 1 : i32
    %dma_wait3A_181 = arith.constant 1 : i32
    %dma_wait3A_182 = arith.constant 0 : i32
    %dma_wait3A_183 = arith.constant 0 : i32
    %dma_wait3A_184 = tpu.memref_slice %arg7[%dma_wait3A_180, %dma_wait3A_182, %dma_wait3A_183] : memref<2x128x384xf32, #tpu.memory_space<vmem>> -> memref<1x128x384xf32, #tpu.memory_space<vmem>>
    %dma_wait3A_185 = tpu.memref_squeeze %dma_wait3A_184 : memref<1x128x384xf32, #tpu.memory_space<vmem>> -> memref<128x384xf32, #tpu.memory_space<vmem>>
    %dma_wait3A_186 = arith.constant 384 : i32
    %dma_wait3A_187 = tpu.memref_slice %arg6[%dma_wait3A_186] : memref<512xi32, #tpu.memory_space<vmem>> -> memref<128xi32, #tpu.memory_space<vmem>>
    %dma_wait3A_188 = arith.constant 0 : i32
    %dma_wait3A_189 = arith.constant 0 : i32
    %dma_wait3A_190 = tpu.memref_slice %arg3[%dma_wait3A_188, %dma_wait3A_189] : memref<20480x384xf32, #tpu.memory_space<hbm>> -> memref<20480x384xf32, #tpu.memory_space<hbm>>
    %dma_wait3A_191 = tpu.memref_slice %arg8[%dma_wait3A_181] : memref<2x!tpu.dma_semaphore, #tpu.memory_space<semaphore_mem>> -> memref<1x!tpu.dma_semaphore, #tpu.memory_space<semaphore_mem>>
    %dma_wait3A_192 = tpu.memref_squeeze %dma_wait3A_191 : memref<1x!tpu.dma_semaphore, #tpu.memory_space<semaphore_mem>> -> memref<!tpu.dma_semaphore, #tpu.memory_space<semaphore_mem>>
    tpu.wait_indirect_dma semaphore(%dma_wait3A_192 : memref<!tpu.dma_semaphore, #tpu.memory_space<semaphore_mem>>) src(%dma_wait3A_190 : memref<20480x384xf32, #tpu.memory_space<hbm>>) dst(%dma_wait3A_185 : memref<128x384xf32, #tpu.memory_space<vmem>>)
    %add3A_193 = arith.constant 384 : i32
    %add3A_194 = arith.addi %add3A_4, %add3A_193 : i32
    %dma_start3A_195 = arith.constant 1 : i32
    %dma_start3A_196 = arith.constant 1 : i32
    %dma_start3A_197 = arith.constant 0 : i32
    %dma_start3A_198 = arith.constant 0 : i32
    %dma_start3A_199 = tpu.memref_slice %arg7[%dma_start3A_195, %dma_start3A_197, %dma_start3A_198] : memref<2x128x384xf32, #tpu.memory_space<vmem>> -> memref<1x128x384xf32, #tpu.memory_space<vmem>>
    %dma_start3A_200 = tpu.memref_squeeze %dma_start3A_199 : memref<1x128x384xf32, #tpu.memory_space<vmem>> -> memref<128x384xf32, #tpu.memory_space<vmem>>
    %dma_start3A_201 = arith.constant 0 : i32
    %dma_start3A_202 = tpu.memref_slice %arg5[%add3A_194, %dma_start3A_201] : memref<32768x384xf32, #tpu.memory_space<hbm>> -> memref<128x384xf32, #tpu.memory_space<hbm>>
    %dma_start3A_203 = tpu.memref_slice %arg9[%dma_start3A_196] : memref<2x!tpu.dma_semaphore, #tpu.memory_space<semaphore_mem>> -> memref<1x!tpu.dma_semaphore, #tpu.memory_space<semaphore_mem>>
    %dma_start3A_204 = tpu.memref_squeeze %dma_start3A_203 : memref<1x!tpu.dma_semaphore, #tpu.memory_space<semaphore_mem>> -> memref<!tpu.dma_semaphore, #tpu.memory_space<semaphore_mem>>
    %dma_start3A_205 = arith.constant 0 : i32
    %dma_start3A_206 = tpu.memref_slice %arg5[%add3A_194, %dma_start3A_205] : memref<32768x384xf32, #tpu.memory_space<hbm>> -> memref<128x384xf32, #tpu.memory_space<hbm>>
    %dma_start3A_207 = arith.constant 0 : i32
    %dma_start3A_208 = arith.constant 0 : i32
    %dma_start3A_209 = tpu.memref_slice %arg7[%dma_start3A_195, %dma_start3A_207, %dma_start3A_208] : memref<2x128x384xf32, #tpu.memory_space<vmem>> -> memref<1x128x384xf32, #tpu.memory_space<vmem>>
    %dma_start3A_210 = tpu.memref_squeeze %dma_start3A_209 : memref<1x128x384xf32, #tpu.memory_space<vmem>> -> memref<128x384xf32, #tpu.memory_space<vmem>>
    tpu.enqueue_dma source(%dma_start3A_210 : memref<128x384xf32, #tpu.memory_space<vmem>>) target(%dma_start3A_206 : memref<128x384xf32, #tpu.memory_space<hbm>>) target_semaphore(%dma_start3A_204 : memref<!tpu.dma_semaphore, #tpu.memory_space<semaphore_mem>>)
    %dma_wait3A_211 = arith.constant 0 : i32
    %dma_wait3A_212 = arith.constant 0 : i32
    %dma_wait3A_213 = arith.constant 0 : i32
    %dma_wait3A_214 = arith.constant 0 : i32
    %dma_wait3A_215 = tpu.memref_slice %arg7[%dma_wait3A_211, %dma_wait3A_213, %dma_wait3A_214] : memref<2x128x384xf32, #tpu.memory_space<vmem>> -> memref<1x128x384xf32, #tpu.memory_space<vmem>>
    %dma_wait3A_216 = tpu.memref_squeeze %dma_wait3A_215 : memref<1x128x384xf32, #tpu.memory_space<vmem>> -> memref<128x384xf32, #tpu.memory_space<vmem>>
    %dma_wait3A_217 = arith.constant 0 : i32
    %dma_wait3A_218 = tpu.memref_slice %arg5[%add3A_163, %dma_wait3A_217] : memref<32768x384xf32, #tpu.memory_space<hbm>> -> memref<128x384xf32, #tpu.memory_space<hbm>>
    %dma_wait3A_219 = tpu.memref_slice %arg9[%dma_wait3A_212] : memref<2x!tpu.dma_semaphore, #tpu.memory_space<semaphore_mem>> -> memref<1x!tpu.dma_semaphore, #tpu.memory_space<semaphore_mem>>
    %dma_wait3A_220 = tpu.memref_squeeze %dma_wait3A_219 : memref<1x!tpu.dma_semaphore, #tpu.memory_space<semaphore_mem>> -> memref<!tpu.dma_semaphore, #tpu.memory_space<semaphore_mem>>
    %dma_wait3A_221 = arith.constant 0 : i32
    %dma_wait3A_222 = tpu.memref_slice %arg5[%add3A_163, %dma_wait3A_221] : memref<32768x384xf32, #tpu.memory_space<hbm>> -> memref<128x384xf32, #tpu.memory_space<hbm>>
    %dma_wait3A_223 = arith.constant 0 : i32
    %dma_wait3A_224 = arith.constant 0 : i32
    %dma_wait3A_225 = tpu.memref_slice %arg7[%dma_wait3A_211, %dma_wait3A_223, %dma_wait3A_224] : memref<2x128x384xf32, #tpu.memory_space<vmem>> -> memref<1x128x384xf32, #tpu.memory_space<vmem>>
    %dma_wait3A_226 = tpu.memref_squeeze %dma_wait3A_225 : memref<1x128x384xf32, #tpu.memory_space<vmem>> -> memref<128x384xf32, #tpu.memory_space<vmem>>
    tpu.wait_dma2 semaphore(%dma_wait3A_220 : memref<!tpu.dma_semaphore, #tpu.memory_space<semaphore_mem>>) src(%dma_wait3A_226 : memref<128x384xf32, #tpu.memory_space<vmem>>) dst(%dma_wait3A_222 : memref<128x384xf32, #tpu.memory_space<hbm>>)
    %dma_wait3A_227 = arith.constant 1 : i32
    %dma_wait3A_228 = arith.constant 1 : i32
    %dma_wait3A_229 = arith.constant 0 : i32
    %dma_wait3A_230 = arith.constant 0 : i32
    %dma_wait3A_231 = tpu.memref_slice %arg7[%dma_wait3A_227, %dma_wait3A_229, %dma_wait3A_230] : memref<2x128x384xf32, #tpu.memory_space<vmem>> -> memref<1x128x384xf32, #tpu.memory_space<vmem>>
    %dma_wait3A_232 = tpu.memref_squeeze %dma_wait3A_231 : memref<1x128x384xf32, #tpu.memory_space<vmem>> -> memref<128x384xf32, #tpu.memory_space<vmem>>
    %dma_wait3A_233 = arith.constant 0 : i32
    %dma_wait3A_234 = tpu.memref_slice %arg5[%add3A_194, %dma_wait3A_233] : memref<32768x384xf32, #tpu.memory_space<hbm>> -> memref<128x384xf32, #tpu.memory_space<hbm>>
    %dma_wait3A_235 = tpu.memref_slice %arg9[%dma_wait3A_228] : memref<2x!tpu.dma_semaphore, #tpu.memory_space<semaphore_mem>> -> memref<1x!tpu.dma_semaphore, #tpu.memory_space<semaphore_mem>>
    %dma_wait3A_236 = tpu.memref_squeeze %dma_wait3A_235 : memref<1x!tpu.dma_semaphore, #tpu.memory_space<semaphore_mem>> -> memref<!tpu.dma_semaphore, #tpu.memory_space<semaphore_mem>>
    %dma_wait3A_237 = arith.constant 0 : i32
    %dma_wait3A_238 = tpu.memref_slice %arg5[%add3A_194, %dma_wait3A_237] : memref<32768x384xf32, #tpu.memory_space<hbm>> -> memref<128x384xf32, #tpu.memory_space<hbm>>
    %dma_wait3A_239 = arith.constant 0 : i32
    %dma_wait3A_240 = arith.constant 0 : i32
    %dma_wait3A_241 = tpu.memref_slice %arg7[%dma_wait3A_227, %dma_wait3A_239, %dma_wait3A_240] : memref<2x128x384xf32, #tpu.memory_space<vmem>> -> memref<1x128x384xf32, #tpu.memory_space<vmem>>
    %dma_wait3A_242 = tpu.memref_squeeze %dma_wait3A_241 : memref<1x128x384xf32, #tpu.memory_space<vmem>> -> memref<128x384xf32, #tpu.memory_space<vmem>>
    tpu.wait_dma2 semaphore(%dma_wait3A_236 : memref<!tpu.dma_semaphore, #tpu.memory_space<semaphore_mem>>) src(%dma_wait3A_242 : memref<128x384xf32, #tpu.memory_space<vmem>>) dst(%dma_wait3A_238 : memref<128x384xf32, #tpu.memory_space<hbm>>)
    %mul3A_243 = arith.constant 512 : i32
    %mul3A_244 = arith.muli %add3A, %mul3A_243 : i32
    %add3A_245 = arith.constant 16384 : i32
    %add3A_246 = arith.addi %add3A_245, %mul3A_244 : i32
    "tpu.region"() ({
      %run_scoped3A = tpu.sem_alloc : memref<!tpu.dma_semaphore, #tpu.memory_space<semaphore_mem>>
      %dma_start3A_487 = tpu.memref_slice %arg2[%add3A_246] : memref<32768xi32, #tpu.memory_space<hbm>> -> memref<512xi32, #tpu.memory_space<hbm>>
      %dma_start3A_488 = tpu.memref_slice %arg2[%add3A_246] : memref<32768xi32, #tpu.memory_space<hbm>> -> memref<512xi32, #tpu.memory_space<hbm>>
      tpu.enqueue_dma source(%dma_start3A_488 : memref<512xi32, #tpu.memory_space<hbm>>) target(%arg6 : memref<512xi32, #tpu.memory_space<vmem>>) target_semaphore(%run_scoped3A : memref<!tpu.dma_semaphore, #tpu.memory_space<semaphore_mem>>)
      %dma_wait3A_489 = tpu.memref_slice %arg2[%add3A_246] : memref<32768xi32, #tpu.memory_space<hbm>> -> memref<512xi32, #tpu.memory_space<hbm>>
      %dma_wait3A_490 = tpu.memref_slice %arg2[%add3A_246] : memref<32768xi32, #tpu.memory_space<hbm>> -> memref<512xi32, #tpu.memory_space<hbm>>
      tpu.wait_dma2 semaphore(%run_scoped3A : memref<!tpu.dma_semaphore, #tpu.memory_space<semaphore_mem>>) src(%dma_wait3A_490 : memref<512xi32, #tpu.memory_space<hbm>>) dst(%arg6 : memref<512xi32, #tpu.memory_space<vmem>>)
      tpu.yield
    }) : () -> ()
    %dma_start3A_247 = arith.constant 0 : i32
    %dma_start3A_248 = arith.constant 0 : i32
    %dma_start3A_249 = arith.constant 0 : i32
    %dma_start3A_250 = arith.constant 0 : i32
    %dma_start3A_251 = tpu.memref_slice %arg7[%dma_start3A_247, %dma_start3A_249, %dma_start3A_250] : memref<2x128x384xf32, #tpu.memory_space<vmem>> -> memref<1x128x384xf32, #tpu.memory_space<vmem>>
    %dma_start3A_252 = tpu.memref_squeeze %dma_start3A_251 : memref<1x128x384xf32, #tpu.memory_space<vmem>> -> memref<128x384xf32, #tpu.memory_space<vmem>>
    %dma_start3A_253 = arith.constant 0 : i32
    %dma_start3A_254 = tpu.memref_slice %arg6[%dma_start3A_253] : memref<512xi32, #tpu.memory_space<vmem>> -> memref<128xi32, #tpu.memory_space<vmem>>
    %dma_start3A_255 = arith.constant 0 : i32
    %dma_start3A_256 = arith.constant 0 : i32
    %dma_start3A_257 = tpu.memref_slice %arg4[%dma_start3A_255, %dma_start3A_256] : memref<20480x384xf32, #tpu.memory_space<hbm>> -> memref<20480x384xf32, #tpu.memory_space<hbm>>
    %dma_start3A_258 = tpu.memref_slice %arg8[%dma_start3A_248] : memref<2x!tpu.dma_semaphore, #tpu.memory_space<semaphore_mem>> -> memref<1x!tpu.dma_semaphore, #tpu.memory_space<semaphore_mem>>
    %dma_start3A_259 = tpu.memref_squeeze %dma_start3A_258 : memref<1x!tpu.dma_semaphore, #tpu.memory_space<semaphore_mem>> -> memref<!tpu.dma_semaphore, #tpu.memory_space<semaphore_mem>>
    tpu.enqueue_indirect_dma source(%dma_start3A_257 : memref<20480x384xf32, #tpu.memory_space<hbm>>) target(%dma_start3A_252 : memref<128x384xf32, #tpu.memory_space<vmem>>) offsets(%dma_start3A_254 : memref<128xi32, #tpu.memory_space<vmem>>) semaphore(%dma_start3A_259 : memref<!tpu.dma_semaphore, #tpu.memory_space<semaphore_mem>>)
    %dma_wait3A_260 = arith.constant 0 : i32
    %dma_wait3A_261 = arith.constant 0 : i32
    %dma_wait3A_262 = arith.constant 0 : i32
    %dma_wait3A_263 = arith.constant 0 : i32
    %dma_wait3A_264 = tpu.memref_slice %arg7[%dma_wait3A_260, %dma_wait3A_262, %dma_wait3A_263] : memref<2x128x384xf32, #tpu.memory_space<vmem>> -> memref<1x128x384xf32, #tpu.memory_space<vmem>>
    %dma_wait3A_265 = tpu.memref_squeeze %dma_wait3A_264 : memref<1x128x384xf32, #tpu.memory_space<vmem>> -> memref<128x384xf32, #tpu.memory_space<vmem>>
    %dma_wait3A_266 = arith.constant 0 : i32
    %dma_wait3A_267 = tpu.memref_slice %arg6[%dma_wait3A_266] : memref<512xi32, #tpu.memory_space<vmem>> -> memref<128xi32, #tpu.memory_space<vmem>>
    %dma_wait3A_268 = arith.constant 0 : i32
    %dma_wait3A_269 = arith.constant 0 : i32
    %dma_wait3A_270 = tpu.memref_slice %arg4[%dma_wait3A_268, %dma_wait3A_269] : memref<20480x384xf32, #tpu.memory_space<hbm>> -> memref<20480x384xf32, #tpu.memory_space<hbm>>
    %dma_wait3A_271 = tpu.memref_slice %arg8[%dma_wait3A_261] : memref<2x!tpu.dma_semaphore, #tpu.memory_space<semaphore_mem>> -> memref<1x!tpu.dma_semaphore, #tpu.memory_space<semaphore_mem>>
    %dma_wait3A_272 = tpu.memref_squeeze %dma_wait3A_271 : memref<1x!tpu.dma_semaphore, #tpu.memory_space<semaphore_mem>> -> memref<!tpu.dma_semaphore, #tpu.memory_space<semaphore_mem>>
    tpu.wait_indirect_dma semaphore(%dma_wait3A_272 : memref<!tpu.dma_semaphore, #tpu.memory_space<semaphore_mem>>) src(%dma_wait3A_270 : memref<20480x384xf32, #tpu.memory_space<hbm>>) dst(%dma_wait3A_265 : memref<128x384xf32, #tpu.memory_space<vmem>>)
    %dma_start3A_273 = arith.constant 1 : i32
    %dma_start3A_274 = arith.constant 1 : i32
    %dma_start3A_275 = arith.constant 0 : i32
    %dma_start3A_276 = arith.constant 0 : i32
    %dma_start3A_277 = tpu.memref_slice %arg7[%dma_start3A_273, %dma_start3A_275, %dma_start3A_276] : memref<2x128x384xf32, #tpu.memory_space<vmem>> -> memref<1x128x384xf32, #tpu.memory_space<vmem>>
    %dma_start3A_278 = tpu.memref_squeeze %dma_start3A_277 : memref<1x128x384xf32, #tpu.memory_space<vmem>> -> memref<128x384xf32, #tpu.memory_space<vmem>>
    %dma_start3A_279 = arith.constant 128 : i32
    %dma_start3A_280 = tpu.memref_slice %arg6[%dma_start3A_279] : memref<512xi32, #tpu.memory_space<vmem>> -> memref<128xi32, #tpu.memory_space<vmem>>
    %dma_start3A_281 = arith.constant 0 : i32
    %dma_start3A_282 = arith.constant 0 : i32
    %dma_start3A_283 = tpu.memref_slice %arg4[%dma_start3A_281, %dma_start3A_282] : memref<20480x384xf32, #tpu.memory_space<hbm>> -> memref<20480x384xf32, #tpu.memory_space<hbm>>
    %dma_start3A_284 = tpu.memref_slice %arg8[%dma_start3A_274] : memref<2x!tpu.dma_semaphore, #tpu.memory_space<semaphore_mem>> -> memref<1x!tpu.dma_semaphore, #tpu.memory_space<semaphore_mem>>
    %dma_start3A_285 = tpu.memref_squeeze %dma_start3A_284 : memref<1x!tpu.dma_semaphore, #tpu.memory_space<semaphore_mem>> -> memref<!tpu.dma_semaphore, #tpu.memory_space<semaphore_mem>>
    tpu.enqueue_indirect_dma source(%dma_start3A_283 : memref<20480x384xf32, #tpu.memory_space<hbm>>) target(%dma_start3A_278 : memref<128x384xf32, #tpu.memory_space<vmem>>) offsets(%dma_start3A_280 : memref<128xi32, #tpu.memory_space<vmem>>) semaphore(%dma_start3A_285 : memref<!tpu.dma_semaphore, #tpu.memory_space<semaphore_mem>>)
    %add3A_286 = arith.constant 0 : i32
    %add3A_287 = arith.addi %add3A_246, %add3A_286 : i32
    %dma_start3A_288 = arith.constant 0 : i32
    %dma_start3A_289 = arith.constant 0 : i32
    %dma_start3A_290 = arith.constant 0 : i32
    %dma_start3A_291 = arith.constant 0 : i32
    %dma_start3A_292 = tpu.memref_slice %arg7[%dma_start3A_288, %dma_start3A_290, %dma_start3A_291] : memref<2x128x384xf32, #tpu.memory_space<vmem>> -> memref<1x128x384xf32, #tpu.memory_space<vmem>>
    %dma_start3A_293 = tpu.memref_squeeze %dma_start3A_292 : memref<1x128x384xf32, #tpu.memory_space<vmem>> -> memref<128x384xf32, #tpu.memory_space<vmem>>
    %dma_start3A_294 = arith.constant 0 : i32
    %dma_start3A_295 = tpu.memref_slice %arg5[%add3A_287, %dma_start3A_294] : memref<32768x384xf32, #tpu.memory_space<hbm>> -> memref<128x384xf32, #tpu.memory_space<hbm>>
    %dma_start3A_296 = tpu.memref_slice %arg9[%dma_start3A_289] : memref<2x!tpu.dma_semaphore, #tpu.memory_space<semaphore_mem>> -> memref<1x!tpu.dma_semaphore, #tpu.memory_space<semaphore_mem>>
    %dma_start3A_297 = tpu.memref_squeeze %dma_start3A_296 : memref<1x!tpu.dma_semaphore, #tpu.memory_space<semaphore_mem>> -> memref<!tpu.dma_semaphore, #tpu.memory_space<semaphore_mem>>
    %dma_start3A_298 = arith.constant 0 : i32
    %dma_start3A_299 = tpu.memref_slice %arg5[%add3A_287, %dma_start3A_298] : memref<32768x384xf32, #tpu.memory_space<hbm>> -> memref<128x384xf32, #tpu.memory_space<hbm>>
    %dma_start3A_300 = arith.constant 0 : i32
    %dma_start3A_301 = arith.constant 0 : i32
    %dma_start3A_302 = tpu.memref_slice %arg7[%dma_start3A_288, %dma_start3A_300, %dma_start3A_301] : memref<2x128x384xf32, #tpu.memory_space<vmem>> -> memref<1x128x384xf32, #tpu.memory_space<vmem>>
    %dma_start3A_303 = tpu.memref_squeeze %dma_start3A_302 : memref<1x128x384xf32, #tpu.memory_space<vmem>> -> memref<128x384xf32, #tpu.memory_space<vmem>>
    tpu.enqueue_dma source(%dma_start3A_303 : memref<128x384xf32, #tpu.memory_space<vmem>>) target(%dma_start3A_299 : memref<128x384xf32, #tpu.memory_space<hbm>>) target_semaphore(%dma_start3A_297 : memref<!tpu.dma_semaphore, #tpu.memory_space<semaphore_mem>>)
    %dma_wait3A_304 = arith.constant 1 : i32
    %dma_wait3A_305 = arith.constant 1 : i32
    %dma_wait3A_306 = arith.constant 0 : i32
    %dma_wait3A_307 = arith.constant 0 : i32
    %dma_wait3A_308 = tpu.memref_slice %arg7[%dma_wait3A_304, %dma_wait3A_306, %dma_wait3A_307] : memref<2x128x384xf32, #tpu.memory_space<vmem>> -> memref<1x128x384xf32, #tpu.memory_space<vmem>>
    %dma_wait3A_309 = tpu.memref_squeeze %dma_wait3A_308 : memref<1x128x384xf32, #tpu.memory_space<vmem>> -> memref<128x384xf32, #tpu.memory_space<vmem>>
    %dma_wait3A_310 = arith.constant 128 : i32
    %dma_wait3A_311 = tpu.memref_slice %arg6[%dma_wait3A_310] : memref<512xi32, #tpu.memory_space<vmem>> -> memref<128xi32, #tpu.memory_space<vmem>>
    %dma_wait3A_312 = arith.constant 0 : i32
    %dma_wait3A_313 = arith.constant 0 : i32
    %dma_wait3A_314 = tpu.memref_slice %arg4[%dma_wait3A_312, %dma_wait3A_313] : memref<20480x384xf32, #tpu.memory_space<hbm>> -> memref<20480x384xf32, #tpu.memory_space<hbm>>
    %dma_wait3A_315 = tpu.memref_slice %arg8[%dma_wait3A_305] : memref<2x!tpu.dma_semaphore, #tpu.memory_space<semaphore_mem>> -> memref<1x!tpu.dma_semaphore, #tpu.memory_space<semaphore_mem>>
    %dma_wait3A_316 = tpu.memref_squeeze %dma_wait3A_315 : memref<1x!tpu.dma_semaphore, #tpu.memory_space<semaphore_mem>> -> memref<!tpu.dma_semaphore, #tpu.memory_space<semaphore_mem>>
    tpu.wait_indirect_dma semaphore(%dma_wait3A_316 : memref<!tpu.dma_semaphore, #tpu.memory_space<semaphore_mem>>) src(%dma_wait3A_314 : memref<20480x384xf32, #tpu.memory_space<hbm>>) dst(%dma_wait3A_309 : memref<128x384xf32, #tpu.memory_space<vmem>>)
    %dma_wait3A_317 = arith.constant 0 : i32
    %dma_wait3A_318 = arith.constant 0 : i32
    %dma_wait3A_319 = arith.constant 0 : i32
    %dma_wait3A_320 = arith.constant 0 : i32
    %dma_wait3A_321 = tpu.memref_slice %arg7[%dma_wait3A_317, %dma_wait3A_319, %dma_wait3A_320] : memref<2x128x384xf32, #tpu.memory_space<vmem>> -> memref<1x128x384xf32, #tpu.memory_space<vmem>>
    %dma_wait3A_322 = tpu.memref_squeeze %dma_wait3A_321 : memref<1x128x384xf32, #tpu.memory_space<vmem>> -> memref<128x384xf32, #tpu.memory_space<vmem>>
    %dma_wait3A_323 = arith.constant 0 : i32
    %dma_wait3A_324 = tpu.memref_slice %arg5[%add3A_287, %dma_wait3A_323] : memref<32768x384xf32, #tpu.memory_space<hbm>> -> memref<128x384xf32, #tpu.memory_space<hbm>>
    %dma_wait3A_325 = tpu.memref_slice %arg9[%dma_wait3A_318] : memref<2x!tpu.dma_semaphore, #tpu.memory_space<semaphore_mem>> -> memref<1x!tpu.dma_semaphore, #tpu.memory_space<semaphore_mem>>
    %dma_wait3A_326 = tpu.memref_squeeze %dma_wait3A_325 : memref<1x!tpu.dma_semaphore, #tpu.memory_space<semaphore_mem>> -> memref<!tpu.dma_semaphore, #tpu.memory_space<semaphore_mem>>
    %dma_wait3A_327 = arith.constant 0 : i32
    %dma_wait3A_328 = tpu.memref_slice %arg5[%add3A_287, %dma_wait3A_327] : memref<32768x384xf32, #tpu.memory_space<hbm>> -> memref<128x384xf32, #tpu.memory_space<hbm>>
    %dma_wait3A_329 = arith.constant 0 : i32
    %dma_wait3A_330 = arith.constant 0 : i32
    %dma_wait3A_331 = tpu.memref_slice %arg7[%dma_wait3A_317, %dma_wait3A_329, %dma_wait3A_330] : memref<2x128x384xf32, #tpu.memory_space<vmem>> -> memref<1x128x384xf32, #tpu.memory_space<vmem>>
    %dma_wait3A_332 = tpu.memref_squeeze %dma_wait3A_331 : memref<1x128x384xf32, #tpu.memory_space<vmem>> -> memref<128x384xf32, #tpu.memory_space<vmem>>
    tpu.wait_dma2 semaphore(%dma_wait3A_326 : memref<!tpu.dma_semaphore, #tpu.memory_space<semaphore_mem>>) src(%dma_wait3A_332 : memref<128x384xf32, #tpu.memory_space<vmem>>) dst(%dma_wait3A_328 : memref<128x384xf32, #tpu.memory_space<hbm>>)
    %dma_start3A_333 = arith.constant 0 : i32
    %dma_start3A_334 = arith.constant 0 : i32
    %dma_start3A_335 = arith.constant 0 : i32
    %dma_start3A_336 = arith.constant 0 : i32
    %dma_start3A_337 = tpu.memref_slice %arg7[%dma_start3A_333, %dma_start3A_335, %dma_start3A_336] : memref<2x128x384xf32, #tpu.memory_space<vmem>> -> memref<1x128x384xf32, #tpu.memory_space<vmem>>
    %dma_start3A_338 = tpu.memref_squeeze %dma_start3A_337 : memref<1x128x384xf32, #tpu.memory_space<vmem>> -> memref<128x384xf32, #tpu.memory_space<vmem>>
    %dma_start3A_339 = arith.constant 256 : i32
    %dma_start3A_340 = tpu.memref_slice %arg6[%dma_start3A_339] : memref<512xi32, #tpu.memory_space<vmem>> -> memref<128xi32, #tpu.memory_space<vmem>>
    %dma_start3A_341 = arith.constant 0 : i32
    %dma_start3A_342 = arith.constant 0 : i32
    %dma_start3A_343 = tpu.memref_slice %arg4[%dma_start3A_341, %dma_start3A_342] : memref<20480x384xf32, #tpu.memory_space<hbm>> -> memref<20480x384xf32, #tpu.memory_space<hbm>>
    %dma_start3A_344 = tpu.memref_slice %arg8[%dma_start3A_334] : memref<2x!tpu.dma_semaphore, #tpu.memory_space<semaphore_mem>> -> memref<1x!tpu.dma_semaphore, #tpu.memory_space<semaphore_mem>>
    %dma_start3A_345 = tpu.memref_squeeze %dma_start3A_344 : memref<1x!tpu.dma_semaphore, #tpu.memory_space<semaphore_mem>> -> memref<!tpu.dma_semaphore, #tpu.memory_space<semaphore_mem>>
    tpu.enqueue_indirect_dma source(%dma_start3A_343 : memref<20480x384xf32, #tpu.memory_space<hbm>>) target(%dma_start3A_338 : memref<128x384xf32, #tpu.memory_space<vmem>>) offsets(%dma_start3A_340 : memref<128xi32, #tpu.memory_space<vmem>>) semaphore(%dma_start3A_345 : memref<!tpu.dma_semaphore, #tpu.memory_space<semaphore_mem>>)
    %add3A_346 = arith.constant 128 : i32
    %add3A_347 = arith.addi %add3A_246, %add3A_346 : i32
    %dma_start3A_348 = arith.constant 1 : i32
    %dma_start3A_349 = arith.constant 1 : i32
    %dma_start3A_350 = arith.constant 0 : i32
    %dma_start3A_351 = arith.constant 0 : i32
    %dma_start3A_352 = tpu.memref_slice %arg7[%dma_start3A_348, %dma_start3A_350, %dma_start3A_351] : memref<2x128x384xf32, #tpu.memory_space<vmem>> -> memref<1x128x384xf32, #tpu.memory_space<vmem>>
    %dma_start3A_353 = tpu.memref_squeeze %dma_start3A_352 : memref<1x128x384xf32, #tpu.memory_space<vmem>> -> memref<128x384xf32, #tpu.memory_space<vmem>>
    %dma_start3A_354 = arith.constant 0 : i32
    %dma_start3A_355 = tpu.memref_slice %arg5[%add3A_347, %dma_start3A_354] : memref<32768x384xf32, #tpu.memory_space<hbm>> -> memref<128x384xf32, #tpu.memory_space<hbm>>
    %dma_start3A_356 = tpu.memref_slice %arg9[%dma_start3A_349] : memref<2x!tpu.dma_semaphore, #tpu.memory_space<semaphore_mem>> -> memref<1x!tpu.dma_semaphore, #tpu.memory_space<semaphore_mem>>
    %dma_start3A_357 = tpu.memref_squeeze %dma_start3A_356 : memref<1x!tpu.dma_semaphore, #tpu.memory_space<semaphore_mem>> -> memref<!tpu.dma_semaphore, #tpu.memory_space<semaphore_mem>>
    %dma_start3A_358 = arith.constant 0 : i32
    %dma_start3A_359 = tpu.memref_slice %arg5[%add3A_347, %dma_start3A_358] : memref<32768x384xf32, #tpu.memory_space<hbm>> -> memref<128x384xf32, #tpu.memory_space<hbm>>
    %dma_start3A_360 = arith.constant 0 : i32
    %dma_start3A_361 = arith.constant 0 : i32
    %dma_start3A_362 = tpu.memref_slice %arg7[%dma_start3A_348, %dma_start3A_360, %dma_start3A_361] : memref<2x128x384xf32, #tpu.memory_space<vmem>> -> memref<1x128x384xf32, #tpu.memory_space<vmem>>
    %dma_start3A_363 = tpu.memref_squeeze %dma_start3A_362 : memref<1x128x384xf32, #tpu.memory_space<vmem>> -> memref<128x384xf32, #tpu.memory_space<vmem>>
    tpu.enqueue_dma source(%dma_start3A_363 : memref<128x384xf32, #tpu.memory_space<vmem>>) target(%dma_start3A_359 : memref<128x384xf32, #tpu.memory_space<hbm>>) target_semaphore(%dma_start3A_357 : memref<!tpu.dma_semaphore, #tpu.memory_space<semaphore_mem>>)
    %dma_wait3A_364 = arith.constant 0 : i32
    %dma_wait3A_365 = arith.constant 0 : i32
    %dma_wait3A_366 = arith.constant 0 : i32
    %dma_wait3A_367 = arith.constant 0 : i32
    %dma_wait3A_368 = tpu.memref_slice %arg7[%dma_wait3A_364, %dma_wait3A_366, %dma_wait3A_367] : memref<2x128x384xf32, #tpu.memory_space<vmem>> -> memref<1x128x384xf32, #tpu.memory_space<vmem>>
    %dma_wait3A_369 = tpu.memref_squeeze %dma_wait3A_368 : memref<1x128x384xf32, #tpu.memory_space<vmem>> -> memref<128x384xf32, #tpu.memory_space<vmem>>
    %dma_wait3A_370 = arith.constant 256 : i32
    %dma_wait3A_371 = tpu.memref_slice %arg6[%dma_wait3A_370] : memref<512xi32, #tpu.memory_space<vmem>> -> memref<128xi32, #tpu.memory_space<vmem>>
    %dma_wait3A_372 = arith.constant 0 : i32
    %dma_wait3A_373 = arith.constant 0 : i32
    %dma_wait3A_374 = tpu.memref_slice %arg4[%dma_wait3A_372, %dma_wait3A_373] : memref<20480x384xf32, #tpu.memory_space<hbm>> -> memref<20480x384xf32, #tpu.memory_space<hbm>>
    %dma_wait3A_375 = tpu.memref_slice %arg8[%dma_wait3A_365] : memref<2x!tpu.dma_semaphore, #tpu.memory_space<semaphore_mem>> -> memref<1x!tpu.dma_semaphore, #tpu.memory_space<semaphore_mem>>
    %dma_wait3A_376 = tpu.memref_squeeze %dma_wait3A_375 : memref<1x!tpu.dma_semaphore, #tpu.memory_space<semaphore_mem>> -> memref<!tpu.dma_semaphore, #tpu.memory_space<semaphore_mem>>
    tpu.wait_indirect_dma semaphore(%dma_wait3A_376 : memref<!tpu.dma_semaphore, #tpu.memory_space<semaphore_mem>>) src(%dma_wait3A_374 : memref<20480x384xf32, #tpu.memory_space<hbm>>) dst(%dma_wait3A_369 : memref<128x384xf32, #tpu.memory_space<vmem>>)
    %dma_wait3A_377 = arith.constant 1 : i32
    %dma_wait3A_378 = arith.constant 1 : i32
    %dma_wait3A_379 = arith.constant 0 : i32
    %dma_wait3A_380 = arith.constant 0 : i32
    %dma_wait3A_381 = tpu.memref_slice %arg7[%dma_wait3A_377, %dma_wait3A_379, %dma_wait3A_380] : memref<2x128x384xf32, #tpu.memory_space<vmem>> -> memref<1x128x384xf32, #tpu.memory_space<vmem>>
    %dma_wait3A_382 = tpu.memref_squeeze %dma_wait3A_381 : memref<1x128x384xf32, #tpu.memory_space<vmem>> -> memref<128x384xf32, #tpu.memory_space<vmem>>
    %dma_wait3A_383 = arith.constant 0 : i32
    %dma_wait3A_384 = tpu.memref_slice %arg5[%add3A_347, %dma_wait3A_383] : memref<32768x384xf32, #tpu.memory_space<hbm>> -> memref<128x384xf32, #tpu.memory_space<hbm>>
    %dma_wait3A_385 = tpu.memref_slice %arg9[%dma_wait3A_378] : memref<2x!tpu.dma_semaphore, #tpu.memory_space<semaphore_mem>> -> memref<1x!tpu.dma_semaphore, #tpu.memory_space<semaphore_mem>>
    %dma_wait3A_386 = tpu.memref_squeeze %dma_wait3A_385 : memref<1x!tpu.dma_semaphore, #tpu.memory_space<semaphore_mem>> -> memref<!tpu.dma_semaphore, #tpu.memory_space<semaphore_mem>>
    %dma_wait3A_387 = arith.constant 0 : i32
    %dma_wait3A_388 = tpu.memref_slice %arg5[%add3A_347, %dma_wait3A_387] : memref<32768x384xf32, #tpu.memory_space<hbm>> -> memref<128x384xf32, #tpu.memory_space<hbm>>
    %dma_wait3A_389 = arith.constant 0 : i32
    %dma_wait3A_390 = arith.constant 0 : i32
    %dma_wait3A_391 = tpu.memref_slice %arg7[%dma_wait3A_377, %dma_wait3A_389, %dma_wait3A_390] : memref<2x128x384xf32, #tpu.memory_space<vmem>> -> memref<1x128x384xf32, #tpu.memory_space<vmem>>
    %dma_wait3A_392 = tpu.memref_squeeze %dma_wait3A_391 : memref<1x128x384xf32, #tpu.memory_space<vmem>> -> memref<128x384xf32, #tpu.memory_space<vmem>>
    tpu.wait_dma2 semaphore(%dma_wait3A_386 : memref<!tpu.dma_semaphore, #tpu.memory_space<semaphore_mem>>) src(%dma_wait3A_392 : memref<128x384xf32, #tpu.memory_space<vmem>>) dst(%dma_wait3A_388 : memref<128x384xf32, #tpu.memory_space<hbm>>)
    %dma_start3A_393 = arith.constant 1 : i32
    %dma_start3A_394 = arith.constant 1 : i32
    %dma_start3A_395 = arith.constant 0 : i32
    %dma_start3A_396 = arith.constant 0 : i32
    %dma_start3A_397 = tpu.memref_slice %arg7[%dma_start3A_393, %dma_start3A_395, %dma_start3A_396] : memref<2x128x384xf32, #tpu.memory_space<vmem>> -> memref<1x128x384xf32, #tpu.memory_space<vmem>>
    %dma_start3A_398 = tpu.memref_squeeze %dma_start3A_397 : memref<1x128x384xf32, #tpu.memory_space<vmem>> -> memref<128x384xf32, #tpu.memory_space<vmem>>
    %dma_start3A_399 = arith.constant 384 : i32
    %dma_start3A_400 = tpu.memref_slice %arg6[%dma_start3A_399] : memref<512xi32, #tpu.memory_space<vmem>> -> memref<128xi32, #tpu.memory_space<vmem>>
    %dma_start3A_401 = arith.constant 0 : i32
    %dma_start3A_402 = arith.constant 0 : i32
    %dma_start3A_403 = tpu.memref_slice %arg4[%dma_start3A_401, %dma_start3A_402] : memref<20480x384xf32, #tpu.memory_space<hbm>> -> memref<20480x384xf32, #tpu.memory_space<hbm>>
    %dma_start3A_404 = tpu.memref_slice %arg8[%dma_start3A_394] : memref<2x!tpu.dma_semaphore, #tpu.memory_space<semaphore_mem>> -> memref<1x!tpu.dma_semaphore, #tpu.memory_space<semaphore_mem>>
    %dma_start3A_405 = tpu.memref_squeeze %dma_start3A_404 : memref<1x!tpu.dma_semaphore, #tpu.memory_space<semaphore_mem>> -> memref<!tpu.dma_semaphore, #tpu.memory_space<semaphore_mem>>
    tpu.enqueue_indirect_dma source(%dma_start3A_403 : memref<20480x384xf32, #tpu.memory_space<hbm>>) target(%dma_start3A_398 : memref<128x384xf32, #tpu.memory_space<vmem>>) offsets(%dma_start3A_400 : memref<128xi32, #tpu.memory_space<vmem>>) semaphore(%dma_start3A_405 : memref<!tpu.dma_semaphore, #tpu.memory_space<semaphore_mem>>)
    %add3A_406 = arith.constant 256 : i32
    %add3A_407 = arith.addi %add3A_246, %add3A_406 : i32
    %dma_start3A_408 = arith.constant 0 : i32
    %dma_start3A_409 = arith.constant 0 : i32
    %dma_start3A_410 = arith.constant 0 : i32
    %dma_start3A_411 = arith.constant 0 : i32
    %dma_start3A_412 = tpu.memref_slice %arg7[%dma_start3A_408, %dma_start3A_410, %dma_start3A_411] : memref<2x128x384xf32, #tpu.memory_space<vmem>> -> memref<1x128x384xf32, #tpu.memory_space<vmem>>
    %dma_start3A_413 = tpu.memref_squeeze %dma_start3A_412 : memref<1x128x384xf32, #tpu.memory_space<vmem>> -> memref<128x384xf32, #tpu.memory_space<vmem>>
    %dma_start3A_414 = arith.constant 0 : i32
    %dma_start3A_415 = tpu.memref_slice %arg5[%add3A_407, %dma_start3A_414] : memref<32768x384xf32, #tpu.memory_space<hbm>> -> memref<128x384xf32, #tpu.memory_space<hbm>>
    %dma_start3A_416 = tpu.memref_slice %arg9[%dma_start3A_409] : memref<2x!tpu.dma_semaphore, #tpu.memory_space<semaphore_mem>> -> memref<1x!tpu.dma_semaphore, #tpu.memory_space<semaphore_mem>>
    %dma_start3A_417 = tpu.memref_squeeze %dma_start3A_416 : memref<1x!tpu.dma_semaphore, #tpu.memory_space<semaphore_mem>> -> memref<!tpu.dma_semaphore, #tpu.memory_space<semaphore_mem>>
    %dma_start3A_418 = arith.constant 0 : i32
    %dma_start3A_419 = tpu.memref_slice %arg5[%add3A_407, %dma_start3A_418] : memref<32768x384xf32, #tpu.memory_space<hbm>> -> memref<128x384xf32, #tpu.memory_space<hbm>>
    %dma_start3A_420 = arith.constant 0 : i32
    %dma_start3A_421 = arith.constant 0 : i32
    %dma_start3A_422 = tpu.memref_slice %arg7[%dma_start3A_408, %dma_start3A_420, %dma_start3A_421] : memref<2x128x384xf32, #tpu.memory_space<vmem>> -> memref<1x128x384xf32, #tpu.memory_space<vmem>>
    %dma_start3A_423 = tpu.memref_squeeze %dma_start3A_422 : memref<1x128x384xf32, #tpu.memory_space<vmem>> -> memref<128x384xf32, #tpu.memory_space<vmem>>
    tpu.enqueue_dma source(%dma_start3A_423 : memref<128x384xf32, #tpu.memory_space<vmem>>) target(%dma_start3A_419 : memref<128x384xf32, #tpu.memory_space<hbm>>) target_semaphore(%dma_start3A_417 : memref<!tpu.dma_semaphore, #tpu.memory_space<semaphore_mem>>)
    %dma_wait3A_424 = arith.constant 1 : i32
    %dma_wait3A_425 = arith.constant 1 : i32
    %dma_wait3A_426 = arith.constant 0 : i32
    %dma_wait3A_427 = arith.constant 0 : i32
    %dma_wait3A_428 = tpu.memref_slice %arg7[%dma_wait3A_424, %dma_wait3A_426, %dma_wait3A_427] : memref<2x128x384xf32, #tpu.memory_space<vmem>> -> memref<1x128x384xf32, #tpu.memory_space<vmem>>
    %dma_wait3A_429 = tpu.memref_squeeze %dma_wait3A_428 : memref<1x128x384xf32, #tpu.memory_space<vmem>> -> memref<128x384xf32, #tpu.memory_space<vmem>>
    %dma_wait3A_430 = arith.constant 384 : i32
    %dma_wait3A_431 = tpu.memref_slice %arg6[%dma_wait3A_430] : memref<512xi32, #tpu.memory_space<vmem>> -> memref<128xi32, #tpu.memory_space<vmem>>
    %dma_wait3A_432 = arith.constant 0 : i32
    %dma_wait3A_433 = arith.constant 0 : i32
    %dma_wait3A_434 = tpu.memref_slice %arg4[%dma_wait3A_432, %dma_wait3A_433] : memref<20480x384xf32, #tpu.memory_space<hbm>> -> memref<20480x384xf32, #tpu.memory_space<hbm>>
    %dma_wait3A_435 = tpu.memref_slice %arg8[%dma_wait3A_425] : memref<2x!tpu.dma_semaphore, #tpu.memory_space<semaphore_mem>> -> memref<1x!tpu.dma_semaphore, #tpu.memory_space<semaphore_mem>>
    %dma_wait3A_436 = tpu.memref_squeeze %dma_wait3A_435 : memref<1x!tpu.dma_semaphore, #tpu.memory_space<semaphore_mem>> -> memref<!tpu.dma_semaphore, #tpu.memory_space<semaphore_mem>>
    tpu.wait_indirect_dma semaphore(%dma_wait3A_436 : memref<!tpu.dma_semaphore, #tpu.memory_space<semaphore_mem>>) src(%dma_wait3A_434 : memref<20480x384xf32, #tpu.memory_space<hbm>>) dst(%dma_wait3A_429 : memref<128x384xf32, #tpu.memory_space<vmem>>)
    %add3A_437 = arith.constant 384 : i32
    %add3A_438 = arith.addi %add3A_246, %add3A_437 : i32
    %dma_start3A_439 = arith.constant 1 : i32
    %dma_start3A_440 = arith.constant 1 : i32
    %dma_start3A_441 = arith.constant 0 : i32
    %dma_start3A_442 = arith.constant 0 : i32
    %dma_start3A_443 = tpu.memref_slice %arg7[%dma_start3A_439, %dma_start3A_441, %dma_start3A_442] : memref<2x128x384xf32, #tpu.memory_space<vmem>> -> memref<1x128x384xf32, #tpu.memory_space<vmem>>
    %dma_start3A_444 = tpu.memref_squeeze %dma_start3A_443 : memref<1x128x384xf32, #tpu.memory_space<vmem>> -> memref<128x384xf32, #tpu.memory_space<vmem>>
    %dma_start3A_445 = arith.constant 0 : i32
    %dma_start3A_446 = tpu.memref_slice %arg5[%add3A_438, %dma_start3A_445] : memref<32768x384xf32, #tpu.memory_space<hbm>> -> memref<128x384xf32, #tpu.memory_space<hbm>>
    %dma_start3A_447 = tpu.memref_slice %arg9[%dma_start3A_440] : memref<2x!tpu.dma_semaphore, #tpu.memory_space<semaphore_mem>> -> memref<1x!tpu.dma_semaphore, #tpu.memory_space<semaphore_mem>>
    %dma_start3A_448 = tpu.memref_squeeze %dma_start3A_447 : memref<1x!tpu.dma_semaphore, #tpu.memory_space<semaphore_mem>> -> memref<!tpu.dma_semaphore, #tpu.memory_space<semaphore_mem>>
    %dma_start3A_449 = arith.constant 0 : i32
    %dma_start3A_450 = tpu.memref_slice %arg5[%add3A_438, %dma_start3A_449] : memref<32768x384xf32, #tpu.memory_space<hbm>> -> memref<128x384xf32, #tpu.memory_space<hbm>>
    %dma_start3A_451 = arith.constant 0 : i32
    %dma_start3A_452 = arith.constant 0 : i32
    %dma_start3A_453 = tpu.memref_slice %arg7[%dma_start3A_439, %dma_start3A_451, %dma_start3A_452] : memref<2x128x384xf32, #tpu.memory_space<vmem>> -> memref<1x128x384xf32, #tpu.memory_space<vmem>>
    %dma_start3A_454 = tpu.memref_squeeze %dma_start3A_453 : memref<1x128x384xf32, #tpu.memory_space<vmem>> -> memref<128x384xf32, #tpu.memory_space<vmem>>
    tpu.enqueue_dma source(%dma_start3A_454 : memref<128x384xf32, #tpu.memory_space<vmem>>) target(%dma_start3A_450 : memref<128x384xf32, #tpu.memory_space<hbm>>) target_semaphore(%dma_start3A_448 : memref<!tpu.dma_semaphore, #tpu.memory_space<semaphore_mem>>)
    %dma_wait3A_455 = arith.constant 0 : i32
    %dma_wait3A_456 = arith.constant 0 : i32
    %dma_wait3A_457 = arith.constant 0 : i32
    %dma_wait3A_458 = arith.constant 0 : i32
    %dma_wait3A_459 = tpu.memref_slice %arg7[%dma_wait3A_455, %dma_wait3A_457, %dma_wait3A_458] : memref<2x128x384xf32, #tpu.memory_space<vmem>> -> memref<1x128x384xf32, #tpu.memory_space<vmem>>
    %dma_wait3A_460 = tpu.memref_squeeze %dma_wait3A_459 : memref<1x128x384xf32, #tpu.memory_space<vmem>> -> memref<128x384xf32, #tpu.memory_space<vmem>>
    %dma_wait3A_461 = arith.constant 0 : i32
    %dma_wait3A_462 = tpu.memref_slice %arg5[%add3A_407, %dma_wait3A_461] : memref<32768x384xf32, #tpu.memory_space<hbm>> -> memref<128x384xf32, #tpu.memory_space<hbm>>
    %dma_wait3A_463 = tpu.memref_slice %arg9[%dma_wait3A_456] : memref<2x!tpu.dma_semaphore, #tpu.memory_space<semaphore_mem>> -> memref<1x!tpu.dma_semaphore, #tpu.memory_space<semaphore_mem>>
    %dma_wait3A_464 = tpu.memref_squeeze %dma_wait3A_463 : memref<1x!tpu.dma_semaphore, #tpu.memory_space<semaphore_mem>> -> memref<!tpu.dma_semaphore, #tpu.memory_space<semaphore_mem>>
    %dma_wait3A_465 = arith.constant 0 : i32
    %dma_wait3A_466 = tpu.memref_slice %arg5[%add3A_407, %dma_wait3A_465] : memref<32768x384xf32, #tpu.memory_space<hbm>> -> memref<128x384xf32, #tpu.memory_space<hbm>>
    %dma_wait3A_467 = arith.constant 0 : i32
    %dma_wait3A_468 = arith.constant 0 : i32
    %dma_wait3A_469 = tpu.memref_slice %arg7[%dma_wait3A_455, %dma_wait3A_467, %dma_wait3A_468] : memref<2x128x384xf32, #tpu.memory_space<vmem>> -> memref<1x128x384xf32, #tpu.memory_space<vmem>>
    %dma_wait3A_470 = tpu.memref_squeeze %dma_wait3A_469 : memref<1x128x384xf32, #tpu.memory_space<vmem>> -> memref<128x384xf32, #tpu.memory_space<vmem>>
    tpu.wait_dma2 semaphore(%dma_wait3A_464 : memref<!tpu.dma_semaphore, #tpu.memory_space<semaphore_mem>>) src(%dma_wait3A_470 : memref<128x384xf32, #tpu.memory_space<vmem>>) dst(%dma_wait3A_466 : memref<128x384xf32, #tpu.memory_space<hbm>>)
    %dma_wait3A_471 = arith.constant 1 : i32
    %dma_wait3A_472 = arith.constant 1 : i32
    %dma_wait3A_473 = arith.constant 0 : i32
    %dma_wait3A_474 = arith.constant 0 : i32
    %dma_wait3A_475 = tpu.memref_slice %arg7[%dma_wait3A_471, %dma_wait3A_473, %dma_wait3A_474] : memref<2x128x384xf32, #tpu.memory_space<vmem>> -> memref<1x128x384xf32, #tpu.memory_space<vmem>>
    %dma_wait3A_476 = tpu.memref_squeeze %dma_wait3A_475 : memref<1x128x384xf32, #tpu.memory_space<vmem>> -> memref<128x384xf32, #tpu.memory_space<vmem>>
    %dma_wait3A_477 = arith.constant 0 : i32
    %dma_wait3A_478 = tpu.memref_slice %arg5[%add3A_438, %dma_wait3A_477] : memref<32768x384xf32, #tpu.memory_space<hbm>> -> memref<128x384xf32, #tpu.memory_space<hbm>>
    %dma_wait3A_479 = tpu.memref_slice %arg9[%dma_wait3A_472] : memref<2x!tpu.dma_semaphore, #tpu.memory_space<semaphore_mem>> -> memref<1x!tpu.dma_semaphore, #tpu.memory_space<semaphore_mem>>
    %dma_wait3A_480 = tpu.memref_squeeze %dma_wait3A_479 : memref<1x!tpu.dma_semaphore, #tpu.memory_space<semaphore_mem>> -> memref<!tpu.dma_semaphore, #tpu.memory_space<semaphore_mem>>
    %dma_wait3A_481 = arith.constant 0 : i32
    %dma_wait3A_482 = tpu.memref_slice %arg5[%add3A_438, %dma_wait3A_481] : memref<32768x384xf32, #tpu.memory_space<hbm>> -> memref<128x384xf32, #tpu.memory_space<hbm>>
    %dma_wait3A_483 = arith.constant 0 : i32
    %dma_wait3A_484 = arith.constant 0 : i32
    %dma_wait3A_485 = tpu.memref_slice %arg7[%dma_wait3A_471, %dma_wait3A_483, %dma_wait3A_484] : memref<2x128x384xf32, #tpu.memory_space<vmem>> -> memref<1x128x384xf32, #tpu.memory_space<vmem>>
    %dma_wait3A_486 = tpu.memref_squeeze %dma_wait3A_485 : memref<1x128x384xf32, #tpu.memory_space<vmem>> -> memref<128x384xf32, #tpu.memory_space<vmem>>
    tpu.wait_dma2 semaphore(%dma_wait3A_480 : memref<!tpu.dma_semaphore, #tpu.memory_space<semaphore_mem>>) src(%dma_wait3A_486 : memref<128x384xf32, #tpu.memory_space<vmem>>) dst(%dma_wait3A_482 : memref<128x384xf32, #tpu.memory_space<hbm>>)
    return
  }
}

#map = affine_map<(d0, d1) -> (0)>
#map1 = affine_map<(d0, d1) -> (0, 0)>
module attributes {stable_mosaic.version = 14 : i64} {
  func.func @scatter(%arg0: i32, %arg1: i32, %arg2: memref<16384xi32, #tpu.memory_space<hbm>>, %arg3: memref<16384x128xf32, #tpu.memory_space<hbm>>, %arg4: memref<20480x128xf32, #tpu.memory_space<hbm>>, %arg5: memref<2x128xi32, #tpu.memory_space<vmem>>, %arg6: memref<2x128x128xf32, #tpu.memory_space<vmem>>, %arg7: memref<2x!tpu.dma_semaphore, #tpu.memory_space<semaphore_mem>>, %arg8: memref<2x!tpu.dma_semaphore, #tpu.memory_space<semaphore_mem>>) attributes {dimension_semantics = [#tpu.dimension_semantics<core_parallel>, #tpu.dimension_semantics<subcore_parallel>], iteration_bounds = array<i64: 2, 16>, scalar_prefetch = 0 : i64, scratch_operands = 4 : i64, tpu.core_type = #tpu.core_type<sc_vector_subcore>, window_params = [{transform_indices = #map}, {transform_indices = #map1}, {transform_indices = #map1}]} {
    %mul3A = arith.constant 2 : i32
    %mul3A_0 = arith.muli %arg1, %mul3A : i32
    %add3A = arith.addi %mul3A_0, %arg0 : i32
    %mul3A_1 = arith.constant 512 : i32
    %mul3A_2 = arith.muli %add3A, %mul3A_1 : i32
    %add3A_3 = arith.constant 0 : i32
    %add3A_4 = arith.addi %mul3A_2, %add3A_3 : i32
    %run_scoped3A = arith.constant 0 : i32
    "tpu.region"() ({
      %run_scoped3A_268 = tpu.sem_alloc : memref<!tpu.dma_semaphore, #tpu.memory_space<semaphore_mem>>
      %dma_start3A_269 = arith.constant 0 : i32
      %dma_start3A_270 = tpu.memref_slice %arg5[%run_scoped3A, %dma_start3A_269] : memref<2x128xi32, #tpu.memory_space<vmem>> -> memref<1x128xi32, #tpu.memory_space<vmem>>
      %dma_start3A_271 = tpu.memref_squeeze %dma_start3A_270 : memref<1x128xi32, #tpu.memory_space<vmem>> -> memref<128xi32, #tpu.memory_space<vmem>>
      %dma_start3A_272 = tpu.memref_slice %arg2[%add3A_4] : memref<16384xi32, #tpu.memory_space<hbm>> -> memref<128xi32, #tpu.memory_space<hbm>>
      %dma_start3A_273 = arith.constant 0 : i32
      %dma_start3A_274 = tpu.memref_slice %arg5[%run_scoped3A, %dma_start3A_273] : memref<2x128xi32, #tpu.memory_space<vmem>> -> memref<1x128xi32, #tpu.memory_space<vmem>>
      %dma_start3A_275 = tpu.memref_squeeze %dma_start3A_274 : memref<1x128xi32, #tpu.memory_space<vmem>> -> memref<128xi32, #tpu.memory_space<vmem>>
      %dma_start3A_276 = tpu.memref_slice %arg2[%add3A_4] : memref<16384xi32, #tpu.memory_space<hbm>> -> memref<128xi32, #tpu.memory_space<hbm>>
      tpu.enqueue_dma source(%dma_start3A_276 : memref<128xi32, #tpu.memory_space<hbm>>) target(%dma_start3A_275 : memref<128xi32, #tpu.memory_space<vmem>>) target_semaphore(%run_scoped3A_268 : memref<!tpu.dma_semaphore, #tpu.memory_space<semaphore_mem>>)
      %dma_wait3A_277 = arith.constant 0 : i32
      %dma_wait3A_278 = tpu.memref_slice %arg5[%run_scoped3A, %dma_wait3A_277] : memref<2x128xi32, #tpu.memory_space<vmem>> -> memref<1x128xi32, #tpu.memory_space<vmem>>
      %dma_wait3A_279 = tpu.memref_squeeze %dma_wait3A_278 : memref<1x128xi32, #tpu.memory_space<vmem>> -> memref<128xi32, #tpu.memory_space<vmem>>
      %dma_wait3A_280 = tpu.memref_slice %arg2[%add3A_4] : memref<16384xi32, #tpu.memory_space<hbm>> -> memref<128xi32, #tpu.memory_space<hbm>>
      %dma_wait3A_281 = arith.constant 0 : i32
      %dma_wait3A_282 = tpu.memref_slice %arg5[%run_scoped3A, %dma_wait3A_281] : memref<2x128xi32, #tpu.memory_space<vmem>> -> memref<1x128xi32, #tpu.memory_space<vmem>>
      %dma_wait3A_283 = tpu.memref_squeeze %dma_wait3A_282 : memref<1x128xi32, #tpu.memory_space<vmem>> -> memref<128xi32, #tpu.memory_space<vmem>>
      %dma_wait3A_284 = tpu.memref_slice %arg2[%add3A_4] : memref<16384xi32, #tpu.memory_space<hbm>> -> memref<128xi32, #tpu.memory_space<hbm>>
      tpu.wait_dma2 semaphore(%run_scoped3A_268 : memref<!tpu.dma_semaphore, #tpu.memory_space<semaphore_mem>>) src(%dma_wait3A_284 : memref<128xi32, #tpu.memory_space<hbm>>) dst(%dma_wait3A_283 : memref<128xi32, #tpu.memory_space<vmem>>)
      tpu.yield
    }) : () -> ()
    %add3A_5 = arith.constant 0 : i32
    %add3A_6 = arith.addi %mul3A_2, %add3A_5 : i32
    %dma_start3A = arith.constant 0 : i32
    %dma_start3A_7 = arith.constant 0 : i32
    %dma_start3A_8 = arith.constant 0 : i32
    %dma_start3A_9 = arith.constant 0 : i32
    %dma_start3A_10 = tpu.memref_slice %arg6[%dma_start3A, %dma_start3A_8, %dma_start3A_9] : memref<2x128x128xf32, #tpu.memory_space<vmem>> -> memref<1x128x128xf32, #tpu.memory_space<vmem>>
    %dma_start3A_11 = tpu.memref_squeeze %dma_start3A_10 : memref<1x128x128xf32, #tpu.memory_space<vmem>> -> memref<128x128xf32, #tpu.memory_space<vmem>>
    %dma_start3A_12 = arith.constant 0 : i32
    %dma_start3A_13 = tpu.memref_slice %arg3[%add3A_6, %dma_start3A_12] : memref<16384x128xf32, #tpu.memory_space<hbm>> -> memref<128x128xf32, #tpu.memory_space<hbm>>
    %dma_start3A_14 = tpu.memref_slice %arg7[%dma_start3A_7] : memref<2x!tpu.dma_semaphore, #tpu.memory_space<semaphore_mem>> -> memref<1x!tpu.dma_semaphore, #tpu.memory_space<semaphore_mem>>
    %dma_start3A_15 = tpu.memref_squeeze %dma_start3A_14 : memref<1x!tpu.dma_semaphore, #tpu.memory_space<semaphore_mem>> -> memref<!tpu.dma_semaphore, #tpu.memory_space<semaphore_mem>>
    %dma_start3A_16 = arith.constant 0 : i32
    %dma_start3A_17 = arith.constant 0 : i32
    %dma_start3A_18 = tpu.memref_slice %arg6[%dma_start3A, %dma_start3A_16, %dma_start3A_17] : memref<2x128x128xf32, #tpu.memory_space<vmem>> -> memref<1x128x128xf32, #tpu.memory_space<vmem>>
    %dma_start3A_19 = tpu.memref_squeeze %dma_start3A_18 : memref<1x128x128xf32, #tpu.memory_space<vmem>> -> memref<128x128xf32, #tpu.memory_space<vmem>>
    %dma_start3A_20 = arith.constant 0 : i32
    %dma_start3A_21 = tpu.memref_slice %arg3[%add3A_6, %dma_start3A_20] : memref<16384x128xf32, #tpu.memory_space<hbm>> -> memref<128x128xf32, #tpu.memory_space<hbm>>
    tpu.enqueue_dma source(%dma_start3A_21 : memref<128x128xf32, #tpu.memory_space<hbm>>) target(%dma_start3A_19 : memref<128x128xf32, #tpu.memory_space<vmem>>) target_semaphore(%dma_start3A_15 : memref<!tpu.dma_semaphore, #tpu.memory_space<semaphore_mem>>)
    %dma_wait3A = arith.constant 0 : i32
    %dma_wait3A_22 = arith.constant 0 : i32
    %dma_wait3A_23 = arith.constant 0 : i32
    %dma_wait3A_24 = arith.constant 0 : i32
    %dma_wait3A_25 = tpu.memref_slice %arg6[%dma_wait3A, %dma_wait3A_23, %dma_wait3A_24] : memref<2x128x128xf32, #tpu.memory_space<vmem>> -> memref<1x128x128xf32, #tpu.memory_space<vmem>>
    %dma_wait3A_26 = tpu.memref_squeeze %dma_wait3A_25 : memref<1x128x128xf32, #tpu.memory_space<vmem>> -> memref<128x128xf32, #tpu.memory_space<vmem>>
    %dma_wait3A_27 = arith.constant 0 : i32
    %dma_wait3A_28 = tpu.memref_slice %arg3[%add3A_6, %dma_wait3A_27] : memref<16384x128xf32, #tpu.memory_space<hbm>> -> memref<128x128xf32, #tpu.memory_space<hbm>>
    %dma_wait3A_29 = tpu.memref_slice %arg7[%dma_wait3A_22] : memref<2x!tpu.dma_semaphore, #tpu.memory_space<semaphore_mem>> -> memref<1x!tpu.dma_semaphore, #tpu.memory_space<semaphore_mem>>
    %dma_wait3A_30 = tpu.memref_squeeze %dma_wait3A_29 : memref<1x!tpu.dma_semaphore, #tpu.memory_space<semaphore_mem>> -> memref<!tpu.dma_semaphore, #tpu.memory_space<semaphore_mem>>
    %dma_wait3A_31 = arith.constant 0 : i32
    %dma_wait3A_32 = arith.constant 0 : i32
    %dma_wait3A_33 = tpu.memref_slice %arg6[%dma_wait3A, %dma_wait3A_31, %dma_wait3A_32] : memref<2x128x128xf32, #tpu.memory_space<vmem>> -> memref<1x128x128xf32, #tpu.memory_space<vmem>>
    %dma_wait3A_34 = tpu.memref_squeeze %dma_wait3A_33 : memref<1x128x128xf32, #tpu.memory_space<vmem>> -> memref<128x128xf32, #tpu.memory_space<vmem>>
    %dma_wait3A_35 = arith.constant 0 : i32
    %dma_wait3A_36 = tpu.memref_slice %arg3[%add3A_6, %dma_wait3A_35] : memref<16384x128xf32, #tpu.memory_space<hbm>> -> memref<128x128xf32, #tpu.memory_space<hbm>>
    tpu.wait_dma2 semaphore(%dma_wait3A_30 : memref<!tpu.dma_semaphore, #tpu.memory_space<semaphore_mem>>) src(%dma_wait3A_36 : memref<128x128xf32, #tpu.memory_space<hbm>>) dst(%dma_wait3A_34 : memref<128x128xf32, #tpu.memory_space<vmem>>)
    %add3A_37 = arith.constant 128 : i32
    %add3A_38 = arith.addi %mul3A_2, %add3A_37 : i32
    %run_scoped3A_39 = arith.constant 1 : i32
    "tpu.region"() ({
      %run_scoped3A_268 = tpu.sem_alloc : memref<!tpu.dma_semaphore, #tpu.memory_space<semaphore_mem>>
      %dma_start3A_269 = arith.constant 0 : i32
      %dma_start3A_270 = tpu.memref_slice %arg5[%run_scoped3A_39, %dma_start3A_269] : memref<2x128xi32, #tpu.memory_space<vmem>> -> memref<1x128xi32, #tpu.memory_space<vmem>>
      %dma_start3A_271 = tpu.memref_squeeze %dma_start3A_270 : memref<1x128xi32, #tpu.memory_space<vmem>> -> memref<128xi32, #tpu.memory_space<vmem>>
      %dma_start3A_272 = tpu.memref_slice %arg2[%add3A_38] : memref<16384xi32, #tpu.memory_space<hbm>> -> memref<128xi32, #tpu.memory_space<hbm>>
      %dma_start3A_273 = arith.constant 0 : i32
      %dma_start3A_274 = tpu.memref_slice %arg5[%run_scoped3A_39, %dma_start3A_273] : memref<2x128xi32, #tpu.memory_space<vmem>> -> memref<1x128xi32, #tpu.memory_space<vmem>>
      %dma_start3A_275 = tpu.memref_squeeze %dma_start3A_274 : memref<1x128xi32, #tpu.memory_space<vmem>> -> memref<128xi32, #tpu.memory_space<vmem>>
      %dma_start3A_276 = tpu.memref_slice %arg2[%add3A_38] : memref<16384xi32, #tpu.memory_space<hbm>> -> memref<128xi32, #tpu.memory_space<hbm>>
      tpu.enqueue_dma source(%dma_start3A_276 : memref<128xi32, #tpu.memory_space<hbm>>) target(%dma_start3A_275 : memref<128xi32, #tpu.memory_space<vmem>>) target_semaphore(%run_scoped3A_268 : memref<!tpu.dma_semaphore, #tpu.memory_space<semaphore_mem>>)
      %dma_wait3A_277 = arith.constant 0 : i32
      %dma_wait3A_278 = tpu.memref_slice %arg5[%run_scoped3A_39, %dma_wait3A_277] : memref<2x128xi32, #tpu.memory_space<vmem>> -> memref<1x128xi32, #tpu.memory_space<vmem>>
      %dma_wait3A_279 = tpu.memref_squeeze %dma_wait3A_278 : memref<1x128xi32, #tpu.memory_space<vmem>> -> memref<128xi32, #tpu.memory_space<vmem>>
      %dma_wait3A_280 = tpu.memref_slice %arg2[%add3A_38] : memref<16384xi32, #tpu.memory_space<hbm>> -> memref<128xi32, #tpu.memory_space<hbm>>
      %dma_wait3A_281 = arith.constant 0 : i32
      %dma_wait3A_282 = tpu.memref_slice %arg5[%run_scoped3A_39, %dma_wait3A_281] : memref<2x128xi32, #tpu.memory_space<vmem>> -> memref<1x128xi32, #tpu.memory_space<vmem>>
      %dma_wait3A_283 = tpu.memref_squeeze %dma_wait3A_282 : memref<1x128xi32, #tpu.memory_space<vmem>> -> memref<128xi32, #tpu.memory_space<vmem>>
      %dma_wait3A_284 = tpu.memref_slice %arg2[%add3A_38] : memref<16384xi32, #tpu.memory_space<hbm>> -> memref<128xi32, #tpu.memory_space<hbm>>
      tpu.wait_dma2 semaphore(%run_scoped3A_268 : memref<!tpu.dma_semaphore, #tpu.memory_space<semaphore_mem>>) src(%dma_wait3A_284 : memref<128xi32, #tpu.memory_space<hbm>>) dst(%dma_wait3A_283 : memref<128xi32, #tpu.memory_space<vmem>>)
      tpu.yield
    }) : () -> ()
    %add3A_40 = arith.constant 128 : i32
    %add3A_41 = arith.addi %mul3A_2, %add3A_40 : i32
    %dma_start3A_42 = arith.constant 1 : i32
    %dma_start3A_43 = arith.constant 1 : i32
    %dma_start3A_44 = arith.constant 0 : i32
    %dma_start3A_45 = arith.constant 0 : i32
    %dma_start3A_46 = tpu.memref_slice %arg6[%dma_start3A_42, %dma_start3A_44, %dma_start3A_45] : memref<2x128x128xf32, #tpu.memory_space<vmem>> -> memref<1x128x128xf32, #tpu.memory_space<vmem>>
    %dma_start3A_47 = tpu.memref_squeeze %dma_start3A_46 : memref<1x128x128xf32, #tpu.memory_space<vmem>> -> memref<128x128xf32, #tpu.memory_space<vmem>>
    %dma_start3A_48 = arith.constant 0 : i32
    %dma_start3A_49 = tpu.memref_slice %arg3[%add3A_41, %dma_start3A_48] : memref<16384x128xf32, #tpu.memory_space<hbm>> -> memref<128x128xf32, #tpu.memory_space<hbm>>
    %dma_start3A_50 = tpu.memref_slice %arg7[%dma_start3A_43] : memref<2x!tpu.dma_semaphore, #tpu.memory_space<semaphore_mem>> -> memref<1x!tpu.dma_semaphore, #tpu.memory_space<semaphore_mem>>
    %dma_start3A_51 = tpu.memref_squeeze %dma_start3A_50 : memref<1x!tpu.dma_semaphore, #tpu.memory_space<semaphore_mem>> -> memref<!tpu.dma_semaphore, #tpu.memory_space<semaphore_mem>>
    %dma_start3A_52 = arith.constant 0 : i32
    %dma_start3A_53 = arith.constant 0 : i32
    %dma_start3A_54 = tpu.memref_slice %arg6[%dma_start3A_42, %dma_start3A_52, %dma_start3A_53] : memref<2x128x128xf32, #tpu.memory_space<vmem>> -> memref<1x128x128xf32, #tpu.memory_space<vmem>>
    %dma_start3A_55 = tpu.memref_squeeze %dma_start3A_54 : memref<1x128x128xf32, #tpu.memory_space<vmem>> -> memref<128x128xf32, #tpu.memory_space<vmem>>
    %dma_start3A_56 = arith.constant 0 : i32
    %dma_start3A_57 = tpu.memref_slice %arg3[%add3A_41, %dma_start3A_56] : memref<16384x128xf32, #tpu.memory_space<hbm>> -> memref<128x128xf32, #tpu.memory_space<hbm>>
    tpu.enqueue_dma source(%dma_start3A_57 : memref<128x128xf32, #tpu.memory_space<hbm>>) target(%dma_start3A_55 : memref<128x128xf32, #tpu.memory_space<vmem>>) target_semaphore(%dma_start3A_51 : memref<!tpu.dma_semaphore, #tpu.memory_space<semaphore_mem>>)
    %dma_start3A_58 = arith.constant 0 : i32
    %dma_start3A_59 = arith.constant 0 : i32
    %dma_start3A_60 = arith.constant 0 : i32
    %dma_start3A_61 = arith.constant 0 : i32
    %dma_start3A_62 = arith.constant 0 : i32
    %dma_start3A_63 = tpu.memref_slice %arg6[%dma_start3A_58, %dma_start3A_61, %dma_start3A_62] : memref<2x128x128xf32, #tpu.memory_space<vmem>> -> memref<1x128x128xf32, #tpu.memory_space<vmem>>
    %dma_start3A_64 = tpu.memref_squeeze %dma_start3A_63 : memref<1x128x128xf32, #tpu.memory_space<vmem>> -> memref<128x128xf32, #tpu.memory_space<vmem>>
    %dma_start3A_65 = arith.constant 0 : i32
    %dma_start3A_66 = tpu.memref_slice %arg5[%dma_start3A_59, %dma_start3A_65] : memref<2x128xi32, #tpu.memory_space<vmem>> -> memref<1x128xi32, #tpu.memory_space<vmem>>
    %dma_start3A_67 = tpu.memref_squeeze %dma_start3A_66 : memref<1x128xi32, #tpu.memory_space<vmem>> -> memref<128xi32, #tpu.memory_space<vmem>>
    %dma_start3A_68 = arith.constant 0 : i32
    %dma_start3A_69 = arith.constant 0 : i32
    %dma_start3A_70 = tpu.memref_slice %arg4[%dma_start3A_68, %dma_start3A_69] : memref<20480x128xf32, #tpu.memory_space<hbm>> -> memref<20480x128xf32, #tpu.memory_space<hbm>>
    %dma_start3A_71 = tpu.memref_slice %arg8[%dma_start3A_60] : memref<2x!tpu.dma_semaphore, #tpu.memory_space<semaphore_mem>> -> memref<1x!tpu.dma_semaphore, #tpu.memory_space<semaphore_mem>>
    %dma_start3A_72 = tpu.memref_squeeze %dma_start3A_71 : memref<1x!tpu.dma_semaphore, #tpu.memory_space<semaphore_mem>> -> memref<!tpu.dma_semaphore, #tpu.memory_space<semaphore_mem>>
    tpu.enqueue_indirect_dma source(%dma_start3A_64 : memref<128x128xf32, #tpu.memory_space<vmem>>) target(%dma_start3A_70 : memref<20480x128xf32, #tpu.memory_space<hbm>>) offsets(%dma_start3A_67 : memref<128xi32, #tpu.memory_space<vmem>>) semaphore(%dma_start3A_72 : memref<!tpu.dma_semaphore, #tpu.memory_space<semaphore_mem>>)
    %dma_wait3A_73 = arith.constant 1 : i32
    %dma_wait3A_74 = arith.constant 1 : i32
    %dma_wait3A_75 = arith.constant 0 : i32
    %dma_wait3A_76 = arith.constant 0 : i32
    %dma_wait3A_77 = tpu.memref_slice %arg6[%dma_wait3A_73, %dma_wait3A_75, %dma_wait3A_76] : memref<2x128x128xf32, #tpu.memory_space<vmem>> -> memref<1x128x128xf32, #tpu.memory_space<vmem>>
    %dma_wait3A_78 = tpu.memref_squeeze %dma_wait3A_77 : memref<1x128x128xf32, #tpu.memory_space<vmem>> -> memref<128x128xf32, #tpu.memory_space<vmem>>
    %dma_wait3A_79 = arith.constant 0 : i32
    %dma_wait3A_80 = tpu.memref_slice %arg3[%add3A_41, %dma_wait3A_79] : memref<16384x128xf32, #tpu.memory_space<hbm>> -> memref<128x128xf32, #tpu.memory_space<hbm>>
    %dma_wait3A_81 = tpu.memref_slice %arg7[%dma_wait3A_74] : memref<2x!tpu.dma_semaphore, #tpu.memory_space<semaphore_mem>> -> memref<1x!tpu.dma_semaphore, #tpu.memory_space<semaphore_mem>>
    %dma_wait3A_82 = tpu.memref_squeeze %dma_wait3A_81 : memref<1x!tpu.dma_semaphore, #tpu.memory_space<semaphore_mem>> -> memref<!tpu.dma_semaphore, #tpu.memory_space<semaphore_mem>>
    %dma_wait3A_83 = arith.constant 0 : i32
    %dma_wait3A_84 = arith.constant 0 : i32
    %dma_wait3A_85 = tpu.memref_slice %arg6[%dma_wait3A_73, %dma_wait3A_83, %dma_wait3A_84] : memref<2x128x128xf32, #tpu.memory_space<vmem>> -> memref<1x128x128xf32, #tpu.memory_space<vmem>>
    %dma_wait3A_86 = tpu.memref_squeeze %dma_wait3A_85 : memref<1x128x128xf32, #tpu.memory_space<vmem>> -> memref<128x128xf32, #tpu.memory_space<vmem>>
    %dma_wait3A_87 = arith.constant 0 : i32
    %dma_wait3A_88 = tpu.memref_slice %arg3[%add3A_41, %dma_wait3A_87] : memref<16384x128xf32, #tpu.memory_space<hbm>> -> memref<128x128xf32, #tpu.memory_space<hbm>>
    tpu.wait_dma2 semaphore(%dma_wait3A_82 : memref<!tpu.dma_semaphore, #tpu.memory_space<semaphore_mem>>) src(%dma_wait3A_88 : memref<128x128xf32, #tpu.memory_space<hbm>>) dst(%dma_wait3A_86 : memref<128x128xf32, #tpu.memory_space<vmem>>)
    %dma_wait3A_89 = arith.constant 0 : i32
    %dma_wait3A_90 = arith.constant 0 : i32
    %dma_wait3A_91 = arith.constant 0 : i32
    %dma_wait3A_92 = arith.constant 0 : i32
    %dma_wait3A_93 = arith.constant 0 : i32
    %dma_wait3A_94 = tpu.memref_slice %arg6[%dma_wait3A_89, %dma_wait3A_92, %dma_wait3A_93] : memref<2x128x128xf32, #tpu.memory_space<vmem>> -> memref<1x128x128xf32, #tpu.memory_space<vmem>>
    %dma_wait3A_95 = tpu.memref_squeeze %dma_wait3A_94 : memref<1x128x128xf32, #tpu.memory_space<vmem>> -> memref<128x128xf32, #tpu.memory_space<vmem>>
    %dma_wait3A_96 = arith.constant 0 : i32
    %dma_wait3A_97 = tpu.memref_slice %arg5[%dma_wait3A_90, %dma_wait3A_96] : memref<2x128xi32, #tpu.memory_space<vmem>> -> memref<1x128xi32, #tpu.memory_space<vmem>>
    %dma_wait3A_98 = tpu.memref_squeeze %dma_wait3A_97 : memref<1x128xi32, #tpu.memory_space<vmem>> -> memref<128xi32, #tpu.memory_space<vmem>>
    %dma_wait3A_99 = arith.constant 0 : i32
    %dma_wait3A_100 = arith.constant 0 : i32
    %dma_wait3A_101 = tpu.memref_slice %arg4[%dma_wait3A_99, %dma_wait3A_100] : memref<20480x128xf32, #tpu.memory_space<hbm>> -> memref<20480x128xf32, #tpu.memory_space<hbm>>
    %dma_wait3A_102 = tpu.memref_slice %arg8[%dma_wait3A_91] : memref<2x!tpu.dma_semaphore, #tpu.memory_space<semaphore_mem>> -> memref<1x!tpu.dma_semaphore, #tpu.memory_space<semaphore_mem>>
    %dma_wait3A_103 = tpu.memref_squeeze %dma_wait3A_102 : memref<1x!tpu.dma_semaphore, #tpu.memory_space<semaphore_mem>> -> memref<!tpu.dma_semaphore, #tpu.memory_space<semaphore_mem>>
    tpu.wait_indirect_dma semaphore(%dma_wait3A_103 : memref<!tpu.dma_semaphore, #tpu.memory_space<semaphore_mem>>) src(%dma_wait3A_95 : memref<128x128xf32, #tpu.memory_space<vmem>>) dst(%dma_wait3A_101 : memref<20480x128xf32, #tpu.memory_space<hbm>>)
    %add3A_104 = arith.constant 256 : i32
    %add3A_105 = arith.addi %mul3A_2, %add3A_104 : i32
    %run_scoped3A_106 = arith.constant 0 : i32
    "tpu.region"() ({
      %run_scoped3A_268 = tpu.sem_alloc : memref<!tpu.dma_semaphore, #tpu.memory_space<semaphore_mem>>
      %dma_start3A_269 = arith.constant 0 : i32
      %dma_start3A_270 = tpu.memref_slice %arg5[%run_scoped3A_106, %dma_start3A_269] : memref<2x128xi32, #tpu.memory_space<vmem>> -> memref<1x128xi32, #tpu.memory_space<vmem>>
      %dma_start3A_271 = tpu.memref_squeeze %dma_start3A_270 : memref<1x128xi32, #tpu.memory_space<vmem>> -> memref<128xi32, #tpu.memory_space<vmem>>
      %dma_start3A_272 = tpu.memref_slice %arg2[%add3A_105] : memref<16384xi32, #tpu.memory_space<hbm>> -> memref<128xi32, #tpu.memory_space<hbm>>
      %dma_start3A_273 = arith.constant 0 : i32
      %dma_start3A_274 = tpu.memref_slice %arg5[%run_scoped3A_106, %dma_start3A_273] : memref<2x128xi32, #tpu.memory_space<vmem>> -> memref<1x128xi32, #tpu.memory_space<vmem>>
      %dma_start3A_275 = tpu.memref_squeeze %dma_start3A_274 : memref<1x128xi32, #tpu.memory_space<vmem>> -> memref<128xi32, #tpu.memory_space<vmem>>
      %dma_start3A_276 = tpu.memref_slice %arg2[%add3A_105] : memref<16384xi32, #tpu.memory_space<hbm>> -> memref<128xi32, #tpu.memory_space<hbm>>
      tpu.enqueue_dma source(%dma_start3A_276 : memref<128xi32, #tpu.memory_space<hbm>>) target(%dma_start3A_275 : memref<128xi32, #tpu.memory_space<vmem>>) target_semaphore(%run_scoped3A_268 : memref<!tpu.dma_semaphore, #tpu.memory_space<semaphore_mem>>)
      %dma_wait3A_277 = arith.constant 0 : i32
      %dma_wait3A_278 = tpu.memref_slice %arg5[%run_scoped3A_106, %dma_wait3A_277] : memref<2x128xi32, #tpu.memory_space<vmem>> -> memref<1x128xi32, #tpu.memory_space<vmem>>
      %dma_wait3A_279 = tpu.memref_squeeze %dma_wait3A_278 : memref<1x128xi32, #tpu.memory_space<vmem>> -> memref<128xi32, #tpu.memory_space<vmem>>
      %dma_wait3A_280 = tpu.memref_slice %arg2[%add3A_105] : memref<16384xi32, #tpu.memory_space<hbm>> -> memref<128xi32, #tpu.memory_space<hbm>>
      %dma_wait3A_281 = arith.constant 0 : i32
      %dma_wait3A_282 = tpu.memref_slice %arg5[%run_scoped3A_106, %dma_wait3A_281] : memref<2x128xi32, #tpu.memory_space<vmem>> -> memref<1x128xi32, #tpu.memory_space<vmem>>
      %dma_wait3A_283 = tpu.memref_squeeze %dma_wait3A_282 : memref<1x128xi32, #tpu.memory_space<vmem>> -> memref<128xi32, #tpu.memory_space<vmem>>
      %dma_wait3A_284 = tpu.memref_slice %arg2[%add3A_105] : memref<16384xi32, #tpu.memory_space<hbm>> -> memref<128xi32, #tpu.memory_space<hbm>>
      tpu.wait_dma2 semaphore(%run_scoped3A_268 : memref<!tpu.dma_semaphore, #tpu.memory_space<semaphore_mem>>) src(%dma_wait3A_284 : memref<128xi32, #tpu.memory_space<hbm>>) dst(%dma_wait3A_283 : memref<128xi32, #tpu.memory_space<vmem>>)
      tpu.yield
    }) : () -> ()
    %add3A_107 = arith.constant 256 : i32
    %add3A_108 = arith.addi %mul3A_2, %add3A_107 : i32
    %dma_start3A_109 = arith.constant 0 : i32
    %dma_start3A_110 = arith.constant 0 : i32
    %dma_start3A_111 = arith.constant 0 : i32
    %dma_start3A_112 = arith.constant 0 : i32
    %dma_start3A_113 = tpu.memref_slice %arg6[%dma_start3A_109, %dma_start3A_111, %dma_start3A_112] : memref<2x128x128xf32, #tpu.memory_space<vmem>> -> memref<1x128x128xf32, #tpu.memory_space<vmem>>
    %dma_start3A_114 = tpu.memref_squeeze %dma_start3A_113 : memref<1x128x128xf32, #tpu.memory_space<vmem>> -> memref<128x128xf32, #tpu.memory_space<vmem>>
    %dma_start3A_115 = arith.constant 0 : i32
    %dma_start3A_116 = tpu.memref_slice %arg3[%add3A_108, %dma_start3A_115] : memref<16384x128xf32, #tpu.memory_space<hbm>> -> memref<128x128xf32, #tpu.memory_space<hbm>>
    %dma_start3A_117 = tpu.memref_slice %arg7[%dma_start3A_110] : memref<2x!tpu.dma_semaphore, #tpu.memory_space<semaphore_mem>> -> memref<1x!tpu.dma_semaphore, #tpu.memory_space<semaphore_mem>>
    %dma_start3A_118 = tpu.memref_squeeze %dma_start3A_117 : memref<1x!tpu.dma_semaphore, #tpu.memory_space<semaphore_mem>> -> memref<!tpu.dma_semaphore, #tpu.memory_space<semaphore_mem>>
    %dma_start3A_119 = arith.constant 0 : i32
    %dma_start3A_120 = arith.constant 0 : i32
    %dma_start3A_121 = tpu.memref_slice %arg6[%dma_start3A_109, %dma_start3A_119, %dma_start3A_120] : memref<2x128x128xf32, #tpu.memory_space<vmem>> -> memref<1x128x128xf32, #tpu.memory_space<vmem>>
    %dma_start3A_122 = tpu.memref_squeeze %dma_start3A_121 : memref<1x128x128xf32, #tpu.memory_space<vmem>> -> memref<128x128xf32, #tpu.memory_space<vmem>>
    %dma_start3A_123 = arith.constant 0 : i32
    %dma_start3A_124 = tpu.memref_slice %arg3[%add3A_108, %dma_start3A_123] : memref<16384x128xf32, #tpu.memory_space<hbm>> -> memref<128x128xf32, #tpu.memory_space<hbm>>
    tpu.enqueue_dma source(%dma_start3A_124 : memref<128x128xf32, #tpu.memory_space<hbm>>) target(%dma_start3A_122 : memref<128x128xf32, #tpu.memory_space<vmem>>) target_semaphore(%dma_start3A_118 : memref<!tpu.dma_semaphore, #tpu.memory_space<semaphore_mem>>)
    %dma_start3A_125 = arith.constant 1 : i32
    %dma_start3A_126 = arith.constant 1 : i32
    %dma_start3A_127 = arith.constant 1 : i32
    %dma_start3A_128 = arith.constant 0 : i32
    %dma_start3A_129 = arith.constant 0 : i32
    %dma_start3A_130 = tpu.memref_slice %arg6[%dma_start3A_125, %dma_start3A_128, %dma_start3A_129] : memref<2x128x128xf32, #tpu.memory_space<vmem>> -> memref<1x128x128xf32, #tpu.memory_space<vmem>>
    %dma_start3A_131 = tpu.memref_squeeze %dma_start3A_130 : memref<1x128x128xf32, #tpu.memory_space<vmem>> -> memref<128x128xf32, #tpu.memory_space<vmem>>
    %dma_start3A_132 = arith.constant 0 : i32
    %dma_start3A_133 = tpu.memref_slice %arg5[%dma_start3A_126, %dma_start3A_132] : memref<2x128xi32, #tpu.memory_space<vmem>> -> memref<1x128xi32, #tpu.memory_space<vmem>>
    %dma_start3A_134 = tpu.memref_squeeze %dma_start3A_133 : memref<1x128xi32, #tpu.memory_space<vmem>> -> memref<128xi32, #tpu.memory_space<vmem>>
    %dma_start3A_135 = arith.constant 0 : i32
    %dma_start3A_136 = arith.constant 0 : i32
    %dma_start3A_137 = tpu.memref_slice %arg4[%dma_start3A_135, %dma_start3A_136] : memref<20480x128xf32, #tpu.memory_space<hbm>> -> memref<20480x128xf32, #tpu.memory_space<hbm>>
    %dma_start3A_138 = tpu.memref_slice %arg8[%dma_start3A_127] : memref<2x!tpu.dma_semaphore, #tpu.memory_space<semaphore_mem>> -> memref<1x!tpu.dma_semaphore, #tpu.memory_space<semaphore_mem>>
    %dma_start3A_139 = tpu.memref_squeeze %dma_start3A_138 : memref<1x!tpu.dma_semaphore, #tpu.memory_space<semaphore_mem>> -> memref<!tpu.dma_semaphore, #tpu.memory_space<semaphore_mem>>
    tpu.enqueue_indirect_dma source(%dma_start3A_131 : memref<128x128xf32, #tpu.memory_space<vmem>>) target(%dma_start3A_137 : memref<20480x128xf32, #tpu.memory_space<hbm>>) offsets(%dma_start3A_134 : memref<128xi32, #tpu.memory_space<vmem>>) semaphore(%dma_start3A_139 : memref<!tpu.dma_semaphore, #tpu.memory_space<semaphore_mem>>)
    %dma_wait3A_140 = arith.constant 0 : i32
    %dma_wait3A_141 = arith.constant 0 : i32
    %dma_wait3A_142 = arith.constant 0 : i32
    %dma_wait3A_143 = arith.constant 0 : i32
    %dma_wait3A_144 = tpu.memref_slice %arg6[%dma_wait3A_140, %dma_wait3A_142, %dma_wait3A_143] : memref<2x128x128xf32, #tpu.memory_space<vmem>> -> memref<1x128x128xf32, #tpu.memory_space<vmem>>
    %dma_wait3A_145 = tpu.memref_squeeze %dma_wait3A_144 : memref<1x128x128xf32, #tpu.memory_space<vmem>> -> memref<128x128xf32, #tpu.memory_space<vmem>>
    %dma_wait3A_146 = arith.constant 0 : i32
    %dma_wait3A_147 = tpu.memref_slice %arg3[%add3A_108, %dma_wait3A_146] : memref<16384x128xf32, #tpu.memory_space<hbm>> -> memref<128x128xf32, #tpu.memory_space<hbm>>
    %dma_wait3A_148 = tpu.memref_slice %arg7[%dma_wait3A_141] : memref<2x!tpu.dma_semaphore, #tpu.memory_space<semaphore_mem>> -> memref<1x!tpu.dma_semaphore, #tpu.memory_space<semaphore_mem>>
    %dma_wait3A_149 = tpu.memref_squeeze %dma_wait3A_148 : memref<1x!tpu.dma_semaphore, #tpu.memory_space<semaphore_mem>> -> memref<!tpu.dma_semaphore, #tpu.memory_space<semaphore_mem>>
    %dma_wait3A_150 = arith.constant 0 : i32
    %dma_wait3A_151 = arith.constant 0 : i32
    %dma_wait3A_152 = tpu.memref_slice %arg6[%dma_wait3A_140, %dma_wait3A_150, %dma_wait3A_151] : memref<2x128x128xf32, #tpu.memory_space<vmem>> -> memref<1x128x128xf32, #tpu.memory_space<vmem>>
    %dma_wait3A_153 = tpu.memref_squeeze %dma_wait3A_152 : memref<1x128x128xf32, #tpu.memory_space<vmem>> -> memref<128x128xf32, #tpu.memory_space<vmem>>
    %dma_wait3A_154 = arith.constant 0 : i32
    %dma_wait3A_155 = tpu.memref_slice %arg3[%add3A_108, %dma_wait3A_154] : memref<16384x128xf32, #tpu.memory_space<hbm>> -> memref<128x128xf32, #tpu.memory_space<hbm>>
    tpu.wait_dma2 semaphore(%dma_wait3A_149 : memref<!tpu.dma_semaphore, #tpu.memory_space<semaphore_mem>>) src(%dma_wait3A_155 : memref<128x128xf32, #tpu.memory_space<hbm>>) dst(%dma_wait3A_153 : memref<128x128xf32, #tpu.memory_space<vmem>>)
    %dma_wait3A_156 = arith.constant 1 : i32
    %dma_wait3A_157 = arith.constant 1 : i32
    %dma_wait3A_158 = arith.constant 1 : i32
    %dma_wait3A_159 = arith.constant 0 : i32
    %dma_wait3A_160 = arith.constant 0 : i32
    %dma_wait3A_161 = tpu.memref_slice %arg6[%dma_wait3A_156, %dma_wait3A_159, %dma_wait3A_160] : memref<2x128x128xf32, #tpu.memory_space<vmem>> -> memref<1x128x128xf32, #tpu.memory_space<vmem>>
    %dma_wait3A_162 = tpu.memref_squeeze %dma_wait3A_161 : memref<1x128x128xf32, #tpu.memory_space<vmem>> -> memref<128x128xf32, #tpu.memory_space<vmem>>
    %dma_wait3A_163 = arith.constant 0 : i32
    %dma_wait3A_164 = tpu.memref_slice %arg5[%dma_wait3A_157, %dma_wait3A_163] : memref<2x128xi32, #tpu.memory_space<vmem>> -> memref<1x128xi32, #tpu.memory_space<vmem>>
    %dma_wait3A_165 = tpu.memref_squeeze %dma_wait3A_164 : memref<1x128xi32, #tpu.memory_space<vmem>> -> memref<128xi32, #tpu.memory_space<vmem>>
    %dma_wait3A_166 = arith.constant 0 : i32
    %dma_wait3A_167 = arith.constant 0 : i32
    %dma_wait3A_168 = tpu.memref_slice %arg4[%dma_wait3A_166, %dma_wait3A_167] : memref<20480x128xf32, #tpu.memory_space<hbm>> -> memref<20480x128xf32, #tpu.memory_space<hbm>>
    %dma_wait3A_169 = tpu.memref_slice %arg8[%dma_wait3A_158] : memref<2x!tpu.dma_semaphore, #tpu.memory_space<semaphore_mem>> -> memref<1x!tpu.dma_semaphore, #tpu.memory_space<semaphore_mem>>
    %dma_wait3A_170 = tpu.memref_squeeze %dma_wait3A_169 : memref<1x!tpu.dma_semaphore, #tpu.memory_space<semaphore_mem>> -> memref<!tpu.dma_semaphore, #tpu.memory_space<semaphore_mem>>
    tpu.wait_indirect_dma semaphore(%dma_wait3A_170 : memref<!tpu.dma_semaphore, #tpu.memory_space<semaphore_mem>>) src(%dma_wait3A_162 : memref<128x128xf32, #tpu.memory_space<vmem>>) dst(%dma_wait3A_168 : memref<20480x128xf32, #tpu.memory_space<hbm>>)
    %add3A_171 = arith.constant 384 : i32
    %add3A_172 = arith.addi %mul3A_2, %add3A_171 : i32
    %run_scoped3A_173 = arith.constant 1 : i32
    "tpu.region"() ({
      %run_scoped3A_268 = tpu.sem_alloc : memref<!tpu.dma_semaphore, #tpu.memory_space<semaphore_mem>>
      %dma_start3A_269 = arith.constant 0 : i32
      %dma_start3A_270 = tpu.memref_slice %arg5[%run_scoped3A_173, %dma_start3A_269] : memref<2x128xi32, #tpu.memory_space<vmem>> -> memref<1x128xi32, #tpu.memory_space<vmem>>
      %dma_start3A_271 = tpu.memref_squeeze %dma_start3A_270 : memref<1x128xi32, #tpu.memory_space<vmem>> -> memref<128xi32, #tpu.memory_space<vmem>>
      %dma_start3A_272 = tpu.memref_slice %arg2[%add3A_172] : memref<16384xi32, #tpu.memory_space<hbm>> -> memref<128xi32, #tpu.memory_space<hbm>>
      %dma_start3A_273 = arith.constant 0 : i32
      %dma_start3A_274 = tpu.memref_slice %arg5[%run_scoped3A_173, %dma_start3A_273] : memref<2x128xi32, #tpu.memory_space<vmem>> -> memref<1x128xi32, #tpu.memory_space<vmem>>
      %dma_start3A_275 = tpu.memref_squeeze %dma_start3A_274 : memref<1x128xi32, #tpu.memory_space<vmem>> -> memref<128xi32, #tpu.memory_space<vmem>>
      %dma_start3A_276 = tpu.memref_slice %arg2[%add3A_172] : memref<16384xi32, #tpu.memory_space<hbm>> -> memref<128xi32, #tpu.memory_space<hbm>>
      tpu.enqueue_dma source(%dma_start3A_276 : memref<128xi32, #tpu.memory_space<hbm>>) target(%dma_start3A_275 : memref<128xi32, #tpu.memory_space<vmem>>) target_semaphore(%run_scoped3A_268 : memref<!tpu.dma_semaphore, #tpu.memory_space<semaphore_mem>>)
      %dma_wait3A_277 = arith.constant 0 : i32
      %dma_wait3A_278 = tpu.memref_slice %arg5[%run_scoped3A_173, %dma_wait3A_277] : memref<2x128xi32, #tpu.memory_space<vmem>> -> memref<1x128xi32, #tpu.memory_space<vmem>>
      %dma_wait3A_279 = tpu.memref_squeeze %dma_wait3A_278 : memref<1x128xi32, #tpu.memory_space<vmem>> -> memref<128xi32, #tpu.memory_space<vmem>>
      %dma_wait3A_280 = tpu.memref_slice %arg2[%add3A_172] : memref<16384xi32, #tpu.memory_space<hbm>> -> memref<128xi32, #tpu.memory_space<hbm>>
      %dma_wait3A_281 = arith.constant 0 : i32
      %dma_wait3A_282 = tpu.memref_slice %arg5[%run_scoped3A_173, %dma_wait3A_281] : memref<2x128xi32, #tpu.memory_space<vmem>> -> memref<1x128xi32, #tpu.memory_space<vmem>>
      %dma_wait3A_283 = tpu.memref_squeeze %dma_wait3A_282 : memref<1x128xi32, #tpu.memory_space<vmem>> -> memref<128xi32, #tpu.memory_space<vmem>>
      %dma_wait3A_284 = tpu.memref_slice %arg2[%add3A_172] : memref<16384xi32, #tpu.memory_space<hbm>> -> memref<128xi32, #tpu.memory_space<hbm>>
      tpu.wait_dma2 semaphore(%run_scoped3A_268 : memref<!tpu.dma_semaphore, #tpu.memory_space<semaphore_mem>>) src(%dma_wait3A_284 : memref<128xi32, #tpu.memory_space<hbm>>) dst(%dma_wait3A_283 : memref<128xi32, #tpu.memory_space<vmem>>)
      tpu.yield
    }) : () -> ()
    %add3A_174 = arith.constant 384 : i32
    %add3A_175 = arith.addi %mul3A_2, %add3A_174 : i32
    %dma_start3A_176 = arith.constant 1 : i32
    %dma_start3A_177 = arith.constant 1 : i32
    %dma_start3A_178 = arith.constant 0 : i32
    %dma_start3A_179 = arith.constant 0 : i32
    %dma_start3A_180 = tpu.memref_slice %arg6[%dma_start3A_176, %dma_start3A_178, %dma_start3A_179] : memref<2x128x128xf32, #tpu.memory_space<vmem>> -> memref<1x128x128xf32, #tpu.memory_space<vmem>>
    %dma_start3A_181 = tpu.memref_squeeze %dma_start3A_180 : memref<1x128x128xf32, #tpu.memory_space<vmem>> -> memref<128x128xf32, #tpu.memory_space<vmem>>
    %dma_start3A_182 = arith.constant 0 : i32
    %dma_start3A_183 = tpu.memref_slice %arg3[%add3A_175, %dma_start3A_182] : memref<16384x128xf32, #tpu.memory_space<hbm>> -> memref<128x128xf32, #tpu.memory_space<hbm>>
    %dma_start3A_184 = tpu.memref_slice %arg7[%dma_start3A_177] : memref<2x!tpu.dma_semaphore, #tpu.memory_space<semaphore_mem>> -> memref<1x!tpu.dma_semaphore, #tpu.memory_space<semaphore_mem>>
    %dma_start3A_185 = tpu.memref_squeeze %dma_start3A_184 : memref<1x!tpu.dma_semaphore, #tpu.memory_space<semaphore_mem>> -> memref<!tpu.dma_semaphore, #tpu.memory_space<semaphore_mem>>
    %dma_start3A_186 = arith.constant 0 : i32
    %dma_start3A_187 = arith.constant 0 : i32
    %dma_start3A_188 = tpu.memref_slice %arg6[%dma_start3A_176, %dma_start3A_186, %dma_start3A_187] : memref<2x128x128xf32, #tpu.memory_space<vmem>> -> memref<1x128x128xf32, #tpu.memory_space<vmem>>
    %dma_start3A_189 = tpu.memref_squeeze %dma_start3A_188 : memref<1x128x128xf32, #tpu.memory_space<vmem>> -> memref<128x128xf32, #tpu.memory_space<vmem>>
    %dma_start3A_190 = arith.constant 0 : i32
    %dma_start3A_191 = tpu.memref_slice %arg3[%add3A_175, %dma_start3A_190] : memref<16384x128xf32, #tpu.memory_space<hbm>> -> memref<128x128xf32, #tpu.memory_space<hbm>>
    tpu.enqueue_dma source(%dma_start3A_191 : memref<128x128xf32, #tpu.memory_space<hbm>>) target(%dma_start3A_189 : memref<128x128xf32, #tpu.memory_space<vmem>>) target_semaphore(%dma_start3A_185 : memref<!tpu.dma_semaphore, #tpu.memory_space<semaphore_mem>>)
    %dma_start3A_192 = arith.constant 0 : i32
    %dma_start3A_193 = arith.constant 0 : i32
    %dma_start3A_194 = arith.constant 0 : i32
    %dma_start3A_195 = arith.constant 0 : i32
    %dma_start3A_196 = arith.constant 0 : i32
    %dma_start3A_197 = tpu.memref_slice %arg6[%dma_start3A_192, %dma_start3A_195, %dma_start3A_196] : memref<2x128x128xf32, #tpu.memory_space<vmem>> -> memref<1x128x128xf32, #tpu.memory_space<vmem>>
    %dma_start3A_198 = tpu.memref_squeeze %dma_start3A_197 : memref<1x128x128xf32, #tpu.memory_space<vmem>> -> memref<128x128xf32, #tpu.memory_space<vmem>>
    %dma_start3A_199 = arith.constant 0 : i32
    %dma_start3A_200 = tpu.memref_slice %arg5[%dma_start3A_193, %dma_start3A_199] : memref<2x128xi32, #tpu.memory_space<vmem>> -> memref<1x128xi32, #tpu.memory_space<vmem>>
    %dma_start3A_201 = tpu.memref_squeeze %dma_start3A_200 : memref<1x128xi32, #tpu.memory_space<vmem>> -> memref<128xi32, #tpu.memory_space<vmem>>
    %dma_start3A_202 = arith.constant 0 : i32
    %dma_start3A_203 = arith.constant 0 : i32
    %dma_start3A_204 = tpu.memref_slice %arg4[%dma_start3A_202, %dma_start3A_203] : memref<20480x128xf32, #tpu.memory_space<hbm>> -> memref<20480x128xf32, #tpu.memory_space<hbm>>
    %dma_start3A_205 = tpu.memref_slice %arg8[%dma_start3A_194] : memref<2x!tpu.dma_semaphore, #tpu.memory_space<semaphore_mem>> -> memref<1x!tpu.dma_semaphore, #tpu.memory_space<semaphore_mem>>
    %dma_start3A_206 = tpu.memref_squeeze %dma_start3A_205 : memref<1x!tpu.dma_semaphore, #tpu.memory_space<semaphore_mem>> -> memref<!tpu.dma_semaphore, #tpu.memory_space<semaphore_mem>>
    tpu.enqueue_indirect_dma source(%dma_start3A_198 : memref<128x128xf32, #tpu.memory_space<vmem>>) target(%dma_start3A_204 : memref<20480x128xf32, #tpu.memory_space<hbm>>) offsets(%dma_start3A_201 : memref<128xi32, #tpu.memory_space<vmem>>) semaphore(%dma_start3A_206 : memref<!tpu.dma_semaphore, #tpu.memory_space<semaphore_mem>>)
    %dma_wait3A_207 = arith.constant 1 : i32
    %dma_wait3A_208 = arith.constant 1 : i32
    %dma_wait3A_209 = arith.constant 0 : i32
    %dma_wait3A_210 = arith.constant 0 : i32
    %dma_wait3A_211 = tpu.memref_slice %arg6[%dma_wait3A_207, %dma_wait3A_209, %dma_wait3A_210] : memref<2x128x128xf32, #tpu.memory_space<vmem>> -> memref<1x128x128xf32, #tpu.memory_space<vmem>>
    %dma_wait3A_212 = tpu.memref_squeeze %dma_wait3A_211 : memref<1x128x128xf32, #tpu.memory_space<vmem>> -> memref<128x128xf32, #tpu.memory_space<vmem>>
    %dma_wait3A_213 = arith.constant 0 : i32
    %dma_wait3A_214 = tpu.memref_slice %arg3[%add3A_175, %dma_wait3A_213] : memref<16384x128xf32, #tpu.memory_space<hbm>> -> memref<128x128xf32, #tpu.memory_space<hbm>>
    %dma_wait3A_215 = tpu.memref_slice %arg7[%dma_wait3A_208] : memref<2x!tpu.dma_semaphore, #tpu.memory_space<semaphore_mem>> -> memref<1x!tpu.dma_semaphore, #tpu.memory_space<semaphore_mem>>
    %dma_wait3A_216 = tpu.memref_squeeze %dma_wait3A_215 : memref<1x!tpu.dma_semaphore, #tpu.memory_space<semaphore_mem>> -> memref<!tpu.dma_semaphore, #tpu.memory_space<semaphore_mem>>
    %dma_wait3A_217 = arith.constant 0 : i32
    %dma_wait3A_218 = arith.constant 0 : i32
    %dma_wait3A_219 = tpu.memref_slice %arg6[%dma_wait3A_207, %dma_wait3A_217, %dma_wait3A_218] : memref<2x128x128xf32, #tpu.memory_space<vmem>> -> memref<1x128x128xf32, #tpu.memory_space<vmem>>
    %dma_wait3A_220 = tpu.memref_squeeze %dma_wait3A_219 : memref<1x128x128xf32, #tpu.memory_space<vmem>> -> memref<128x128xf32, #tpu.memory_space<vmem>>
    %dma_wait3A_221 = arith.constant 0 : i32
    %dma_wait3A_222 = tpu.memref_slice %arg3[%add3A_175, %dma_wait3A_221] : memref<16384x128xf32, #tpu.memory_space<hbm>> -> memref<128x128xf32, #tpu.memory_space<hbm>>
    tpu.wait_dma2 semaphore(%dma_wait3A_216 : memref<!tpu.dma_semaphore, #tpu.memory_space<semaphore_mem>>) src(%dma_wait3A_222 : memref<128x128xf32, #tpu.memory_space<hbm>>) dst(%dma_wait3A_220 : memref<128x128xf32, #tpu.memory_space<vmem>>)
    %dma_start3A_223 = arith.constant 1 : i32
    %dma_start3A_224 = arith.constant 1 : i32
    %dma_start3A_225 = arith.constant 1 : i32
    %dma_start3A_226 = arith.constant 0 : i32
    %dma_start3A_227 = arith.constant 0 : i32
    %dma_start3A_228 = tpu.memref_slice %arg6[%dma_start3A_223, %dma_start3A_226, %dma_start3A_227] : memref<2x128x128xf32, #tpu.memory_space<vmem>> -> memref<1x128x128xf32, #tpu.memory_space<vmem>>
    %dma_start3A_229 = tpu.memref_squeeze %dma_start3A_228 : memref<1x128x128xf32, #tpu.memory_space<vmem>> -> memref<128x128xf32, #tpu.memory_space<vmem>>
    %dma_start3A_230 = arith.constant 0 : i32
    %dma_start3A_231 = tpu.memref_slice %arg5[%dma_start3A_224, %dma_start3A_230] : memref<2x128xi32, #tpu.memory_space<vmem>> -> memref<1x128xi32, #tpu.memory_space<vmem>>
    %dma_start3A_232 = tpu.memref_squeeze %dma_start3A_231 : memref<1x128xi32, #tpu.memory_space<vmem>> -> memref<128xi32, #tpu.memory_space<vmem>>
    %dma_start3A_233 = arith.constant 0 : i32
    %dma_start3A_234 = arith.constant 0 : i32
    %dma_start3A_235 = tpu.memref_slice %arg4[%dma_start3A_233, %dma_start3A_234] : memref<20480x128xf32, #tpu.memory_space<hbm>> -> memref<20480x128xf32, #tpu.memory_space<hbm>>
    %dma_start3A_236 = tpu.memref_slice %arg8[%dma_start3A_225] : memref<2x!tpu.dma_semaphore, #tpu.memory_space<semaphore_mem>> -> memref<1x!tpu.dma_semaphore, #tpu.memory_space<semaphore_mem>>
    %dma_start3A_237 = tpu.memref_squeeze %dma_start3A_236 : memref<1x!tpu.dma_semaphore, #tpu.memory_space<semaphore_mem>> -> memref<!tpu.dma_semaphore, #tpu.memory_space<semaphore_mem>>
    tpu.enqueue_indirect_dma source(%dma_start3A_229 : memref<128x128xf32, #tpu.memory_space<vmem>>) target(%dma_start3A_235 : memref<20480x128xf32, #tpu.memory_space<hbm>>) offsets(%dma_start3A_232 : memref<128xi32, #tpu.memory_space<vmem>>) semaphore(%dma_start3A_237 : memref<!tpu.dma_semaphore, #tpu.memory_space<semaphore_mem>>)
    %dma_wait3A_238 = arith.constant 0 : i32
    %dma_wait3A_239 = arith.constant 0 : i32
    %dma_wait3A_240 = arith.constant 0 : i32
    %dma_wait3A_241 = arith.constant 0 : i32
    %dma_wait3A_242 = arith.constant 0 : i32
    %dma_wait3A_243 = tpu.memref_slice %arg6[%dma_wait3A_238, %dma_wait3A_241, %dma_wait3A_242] : memref<2x128x128xf32, #tpu.memory_space<vmem>> -> memref<1x128x128xf32, #tpu.memory_space<vmem>>
    %dma_wait3A_244 = tpu.memref_squeeze %dma_wait3A_243 : memref<1x128x128xf32, #tpu.memory_space<vmem>> -> memref<128x128xf32, #tpu.memory_space<vmem>>
    %dma_wait3A_245 = arith.constant 0 : i32
    %dma_wait3A_246 = tpu.memref_slice %arg5[%dma_wait3A_239, %dma_wait3A_245] : memref<2x128xi32, #tpu.memory_space<vmem>> -> memref<1x128xi32, #tpu.memory_space<vmem>>
    %dma_wait3A_247 = tpu.memref_squeeze %dma_wait3A_246 : memref<1x128xi32, #tpu.memory_space<vmem>> -> memref<128xi32, #tpu.memory_space<vmem>>
    %dma_wait3A_248 = arith.constant 0 : i32
    %dma_wait3A_249 = arith.constant 0 : i32
    %dma_wait3A_250 = tpu.memref_slice %arg4[%dma_wait3A_248, %dma_wait3A_249] : memref<20480x128xf32, #tpu.memory_space<hbm>> -> memref<20480x128xf32, #tpu.memory_space<hbm>>
    %dma_wait3A_251 = tpu.memref_slice %arg8[%dma_wait3A_240] : memref<2x!tpu.dma_semaphore, #tpu.memory_space<semaphore_mem>> -> memref<1x!tpu.dma_semaphore, #tpu.memory_space<semaphore_mem>>
    %dma_wait3A_252 = tpu.memref_squeeze %dma_wait3A_251 : memref<1x!tpu.dma_semaphore, #tpu.memory_space<semaphore_mem>> -> memref<!tpu.dma_semaphore, #tpu.memory_space<semaphore_mem>>
    tpu.wait_indirect_dma semaphore(%dma_wait3A_252 : memref<!tpu.dma_semaphore, #tpu.memory_space<semaphore_mem>>) src(%dma_wait3A_244 : memref<128x128xf32, #tpu.memory_space<vmem>>) dst(%dma_wait3A_250 : memref<20480x128xf32, #tpu.memory_space<hbm>>)
    %dma_wait3A_253 = arith.constant 1 : i32
    %dma_wait3A_254 = arith.constant 1 : i32
    %dma_wait3A_255 = arith.constant 1 : i32
    %dma_wait3A_256 = arith.constant 0 : i32
    %dma_wait3A_257 = arith.constant 0 : i32
    %dma_wait3A_258 = tpu.memref_slice %arg6[%dma_wait3A_253, %dma_wait3A_256, %dma_wait3A_257] : memref<2x128x128xf32, #tpu.memory_space<vmem>> -> memref<1x128x128xf32, #tpu.memory_space<vmem>>
    %dma_wait3A_259 = tpu.memref_squeeze %dma_wait3A_258 : memref<1x128x128xf32, #tpu.memory_space<vmem>> -> memref<128x128xf32, #tpu.memory_space<vmem>>
    %dma_wait3A_260 = arith.constant 0 : i32
    %dma_wait3A_261 = tpu.memref_slice %arg5[%dma_wait3A_254, %dma_wait3A_260] : memref<2x128xi32, #tpu.memory_space<vmem>> -> memref<1x128xi32, #tpu.memory_space<vmem>>
    %dma_wait3A_262 = tpu.memref_squeeze %dma_wait3A_261 : memref<1x128xi32, #tpu.memory_space<vmem>> -> memref<128xi32, #tpu.memory_space<vmem>>
    %dma_wait3A_263 = arith.constant 0 : i32
    %dma_wait3A_264 = arith.constant 0 : i32
    %dma_wait3A_265 = tpu.memref_slice %arg4[%dma_wait3A_263, %dma_wait3A_264] : memref<20480x128xf32, #tpu.memory_space<hbm>> -> memref<20480x128xf32, #tpu.memory_space<hbm>>
    %dma_wait3A_266 = tpu.memref_slice %arg8[%dma_wait3A_255] : memref<2x!tpu.dma_semaphore, #tpu.memory_space<semaphore_mem>> -> memref<1x!tpu.dma_semaphore, #tpu.memory_space<semaphore_mem>>
    %dma_wait3A_267 = tpu.memref_squeeze %dma_wait3A_266 : memref<1x!tpu.dma_semaphore, #tpu.memory_space<semaphore_mem>> -> memref<!tpu.dma_semaphore, #tpu.memory_space<semaphore_mem>>
    tpu.wait_indirect_dma semaphore(%dma_wait3A_267 : memref<!tpu.dma_semaphore, #tpu.memory_space<semaphore_mem>>) src(%dma_wait3A_259 : memref<128x128xf32, #tpu.memory_space<vmem>>) dst(%dma_wait3A_265 : memref<20480x128xf32, #tpu.memory_space<hbm>>)
    return
  }
}

module attributes {stable_mosaic.version = 14 : i64} {
  func.func @body(%arg0: i32, %arg1: memref<512x1xi32, #tpu.memory_space<vmem>>, %arg2: memref<512x768xf32, #tpu.memory_space<vmem>>, %arg3: memref<768x1024xbf16, #tpu.memory_space<vmem>>, %arg4: memref<1x1024xf32, #tpu.memory_space<vmem>>, %arg5: memref<512x128xf32, #tpu.memory_space<vmem>>) attributes {dimension_semantics = [#tpu.dimension_semantics<arbitrary>], iteration_bounds = array<i64: 32>, scalar_prefetch = 0 : i64, scratch_operands = 0 : i64, tpu.core_type = #tpu.core_type<tc>, window_params = [{transform_indices = @transform_0, window_bounds = array<i64: 512, 1>}, {transform_indices = @transform_1, window_bounds = array<i64: 512, 768>}, {pipeline_mode = #tpu.pipeline_mode<synchronous>, transform_indices = @transform_2, window_bounds = array<i64: 768, 1024>}, {pipeline_mode = #tpu.pipeline_mode<synchronous>, transform_indices = @transform_3, window_bounds = array<i64: 1, 1024>}, {transform_indices = @transform_4, window_bounds = array<i64: 512, 128>}]} {
    %get3A = arith.constant 0 : index
    %get3A_0 = arith.constant 0 : index
    %get3A_1 = vector.load %arg2[%get3A, %get3A_0] : memref<512x768xf32, #tpu.memory_space<vmem>>, vector<512x768xf32>
    %convert_element_type3A = arith.truncf %get3A_1 : vector<512x768xf32> to vector<512x768xbf16>
    %get3A_2 = arith.constant 0 : index
    %get3A_3 = arith.constant 0 : index
    %get3A_4 = vector.load %arg3[%get3A_2, %get3A_3] : memref<768x1024xbf16, #tpu.memory_space<vmem>>, vector<768x1024xbf16>
    %dot_general3A = arith.constant dense<0.000000e+00> : vector<512x1024xf32>
    %dot_general3A_5 = tpu.matmul %convert_element_type3A, %get3A_4, %dot_general3A {dimension_numbers = #tpu.dot_dimension_numbers<[1], [0], [0], [1], [0, 0, 1, 1], [], []>, transpose_lhs_hint = false} : vector<512x768xbf16>, vector<768x1024xbf16>, vector<512x1024xf32> -> vector<512x1024xf32>
    %get3A_6 = arith.constant 0 : index
    %get3A_7 = arith.constant 0 : index
    %get3A_8 = vector.load %arg4[%get3A_6, %get3A_7] : memref<1x1024xf32, #tpu.memory_space<vmem>>, vector<1x1024xf32>
    %add3A = vector.broadcast %get3A_8 : vector<1x1024xf32> to vector<512x1024xf32>
    %add3A_9 = arith.addf %dot_general3A_5, %add3A : vector<512x1024xf32>
    %get3A_10 = arith.constant 0 : index
    %get3A_11 = arith.constant 0 : index
    %get3A_12 = vector.load %arg1[%get3A_10, %get3A_11] : memref<512x1xi32, #tpu.memory_space<vmem>>, vector<512x1xi32>
    %broadcast_in_dim3A = arith.constant 0.000000e+00 : f32
    %broadcast_in_dim3A_13 = vector.broadcast %broadcast_in_dim3A : f32 to vector<512x128xf32>
    %eq3A = arith.constant 0 : i32
    %eq3A_14 = vector.broadcast %eq3A : i32 to vector<512x1xi32>
    %eq3A_15 = arith.cmpi eq, %get3A_12, %eq3A_14 : vector<512x1xi32>
    %slice3A = vector.extract_strided_slice %add3A_9 {offsets = [0, 0], sizes = [512, 128], strides = [1, 1]} : vector<512x1024xf32> to vector<512x128xf32>
    %broadcast_in_dim3A_16 = vector.shape_cast %eq3A_15 : vector<512x1xi1> to vector<512x1xi1>
    %broadcast_in_dim3A_17 = vector.broadcast %broadcast_in_dim3A_16 : vector<512x1xi1> to vector<512x128xi1>
    %select_n3A = arith.select %broadcast_in_dim3A_17, %slice3A, %broadcast_in_dim3A_13 : vector<512x128xi1>, vector<512x128xf32>
    %eq3A_18 = arith.constant 1 : i32
    %eq3A_19 = vector.broadcast %eq3A_18 : i32 to vector<512x1xi32>
    %eq3A_20 = arith.cmpi eq, %get3A_12, %eq3A_19 : vector<512x1xi32>
    %slice3A_21 = vector.extract_strided_slice %add3A_9 {offsets = [0, 128], sizes = [512, 128], strides = [1, 1]} : vector<512x1024xf32> to vector<512x128xf32>
    %broadcast_in_dim3A_22 = vector.shape_cast %eq3A_20 : vector<512x1xi1> to vector<512x1xi1>
    %broadcast_in_dim3A_23 = vector.broadcast %broadcast_in_dim3A_22 : vector<512x1xi1> to vector<512x128xi1>
    %select_n3A_24 = arith.select %broadcast_in_dim3A_23, %slice3A_21, %select_n3A : vector<512x128xi1>, vector<512x128xf32>
    %eq3A_25 = arith.constant 2 : i32
    %eq3A_26 = vector.broadcast %eq3A_25 : i32 to vector<512x1xi32>
    %eq3A_27 = arith.cmpi eq, %get3A_12, %eq3A_26 : vector<512x1xi32>
    %slice3A_28 = vector.extract_strided_slice %add3A_9 {offsets = [0, 256], sizes = [512, 128], strides = [1, 1]} : vector<512x1024xf32> to vector<512x128xf32>
    %broadcast_in_dim3A_29 = vector.shape_cast %eq3A_27 : vector<512x1xi1> to vector<512x1xi1>
    %broadcast_in_dim3A_30 = vector.broadcast %broadcast_in_dim3A_29 : vector<512x1xi1> to vector<512x128xi1>
    %select_n3A_31 = arith.select %broadcast_in_dim3A_30, %slice3A_28, %select_n3A_24 : vector<512x128xi1>, vector<512x128xf32>
    %eq3A_32 = arith.constant 3 : i32
    %eq3A_33 = vector.broadcast %eq3A_32 : i32 to vector<512x1xi32>
    %eq3A_34 = arith.cmpi eq, %get3A_12, %eq3A_33 : vector<512x1xi32>
    %slice3A_35 = vector.extract_strided_slice %add3A_9 {offsets = [0, 384], sizes = [512, 128], strides = [1, 1]} : vector<512x1024xf32> to vector<512x128xf32>
    %broadcast_in_dim3A_36 = vector.shape_cast %eq3A_34 : vector<512x1xi1> to vector<512x1xi1>
    %broadcast_in_dim3A_37 = vector.broadcast %broadcast_in_dim3A_36 : vector<512x1xi1> to vector<512x128xi1>
    %select_n3A_38 = arith.select %broadcast_in_dim3A_37, %slice3A_35, %select_n3A_31 : vector<512x128xi1>, vector<512x128xf32>
    %eq3A_39 = arith.constant 4 : i32
    %eq3A_40 = vector.broadcast %eq3A_39 : i32 to vector<512x1xi32>
    %eq3A_41 = arith.cmpi eq, %get3A_12, %eq3A_40 : vector<512x1xi32>
    %slice3A_42 = vector.extract_strided_slice %add3A_9 {offsets = [0, 512], sizes = [512, 128], strides = [1, 1]} : vector<512x1024xf32> to vector<512x128xf32>
    %broadcast_in_dim3A_43 = vector.shape_cast %eq3A_41 : vector<512x1xi1> to vector<512x1xi1>
    %broadcast_in_dim3A_44 = vector.broadcast %broadcast_in_dim3A_43 : vector<512x1xi1> to vector<512x128xi1>
    %select_n3A_45 = arith.select %broadcast_in_dim3A_44, %slice3A_42, %select_n3A_38 : vector<512x128xi1>, vector<512x128xf32>
    %eq3A_46 = arith.constant 5 : i32
    %eq3A_47 = vector.broadcast %eq3A_46 : i32 to vector<512x1xi32>
    %eq3A_48 = arith.cmpi eq, %get3A_12, %eq3A_47 : vector<512x1xi32>
    %slice3A_49 = vector.extract_strided_slice %add3A_9 {offsets = [0, 640], sizes = [512, 128], strides = [1, 1]} : vector<512x1024xf32> to vector<512x128xf32>
    %broadcast_in_dim3A_50 = vector.shape_cast %eq3A_48 : vector<512x1xi1> to vector<512x1xi1>
    %broadcast_in_dim3A_51 = vector.broadcast %broadcast_in_dim3A_50 : vector<512x1xi1> to vector<512x128xi1>
    %select_n3A_52 = arith.select %broadcast_in_dim3A_51, %slice3A_49, %select_n3A_45 : vector<512x128xi1>, vector<512x128xf32>
    %eq3A_53 = arith.constant 6 : i32
    %eq3A_54 = vector.broadcast %eq3A_53 : i32 to vector<512x1xi32>
    %eq3A_55 = arith.cmpi eq, %get3A_12, %eq3A_54 : vector<512x1xi32>
    %slice3A_56 = vector.extract_strided_slice %add3A_9 {offsets = [0, 768], sizes = [512, 128], strides = [1, 1]} : vector<512x1024xf32> to vector<512x128xf32>
    %broadcast_in_dim3A_57 = vector.shape_cast %eq3A_55 : vector<512x1xi1> to vector<512x1xi1>
    %broadcast_in_dim3A_58 = vector.broadcast %broadcast_in_dim3A_57 : vector<512x1xi1> to vector<512x128xi1>
    %select_n3A_59 = arith.select %broadcast_in_dim3A_58, %slice3A_56, %select_n3A_52 : vector<512x128xi1>, vector<512x128xf32>
    %eq3A_60 = arith.constant 7 : i32
    %eq3A_61 = vector.broadcast %eq3A_60 : i32 to vector<512x1xi32>
    %eq3A_62 = arith.cmpi eq, %get3A_12, %eq3A_61 : vector<512x1xi32>
    %slice3A_63 = vector.extract_strided_slice %add3A_9 {offsets = [0, 896], sizes = [512, 128], strides = [1, 1]} : vector<512x1024xf32> to vector<512x128xf32>
    %broadcast_in_dim3A_64 = vector.shape_cast %eq3A_62 : vector<512x1xi1> to vector<512x1xi1>
    %broadcast_in_dim3A_65 = vector.broadcast %broadcast_in_dim3A_64 : vector<512x1xi1> to vector<512x128xi1>
    %select_n3A_66 = arith.select %broadcast_in_dim3A_65, %slice3A_63, %select_n3A_59 : vector<512x128xi1>, vector<512x128xf32>
    %swap3A = arith.constant 0 : index
    %swap3A_67 = arith.constant 0 : index
    %swap3A_68 = vector.load %arg5[%swap3A, %swap3A_67] : memref<512x128xf32, #tpu.memory_space<vmem>>, vector<512x128xf32>
    tpu.vector_store %arg5[%swap3A, %swap3A_67], %select_n3A_66 {strides = array<i32>} : memref<512x128xf32, #tpu.memory_space<vmem>>, vector<512x128xf32>,
    return
  }
  func.func @transform_0(%arg0: i32) -> (i32, i32) {
    %add3A = arith.constant 32 : i32
    %add3A_0 = arith.addi %arg0, %add3A : i32
    %c0_i32 = arith.constant 0 : i32
    %c0_i32_1 = arith.constant 0 : i32
    return %add3A_0, %c0_i32 : i32, i32
  }
  func.func @transform_1(%arg0: i32) -> (i32, i32) {
    %add3A = arith.constant 32 : i32
    %add3A_0 = arith.addi %arg0, %add3A : i32
    %c0_i32 = arith.constant 0 : i32
    %c0_i32_1 = arith.constant 0 : i32
    return %add3A_0, %c0_i32 : i32, i32
  }
  func.func @transform_2(%arg0: i32) -> (i32, i32) {
    %c0_i32 = arith.constant 0 : i32
    %c0_i32_0 = arith.constant 0 : i32
    %c0_i32_1 = arith.constant 0 : i32
    return %c0_i32, %c0_i32_0 : i32, i32
  }
  func.func @transform_3(%arg0: i32) -> (i32, i32) {
    %c0_i32 = arith.constant 0 : i32
    %c0_i32_0 = arith.constant 0 : i32
    %c0_i32_1 = arith.constant 0 : i32
    return %c0_i32, %c0_i32_0 : i32, i32
  }
  func.func @transform_4(%arg0: i32) -> (i32, i32) {
    %c0_i32 = arith.constant 0 : i32
    %c0_i32_0 = arith.constant 0 : i32
    return %arg0, %c0_i32 : i32, i32
  }
}

module attributes {stable_mosaic.version = 14 : i64} {
  func.func @body(%arg0: i32, %arg1: memref<512x1xi32, #tpu.memory_space<vmem>>, %arg2: memref<512x768xf32, #tpu.memory_space<vmem>>, %arg3: memref<768x1024xbf16, #tpu.memory_space<vmem>>, %arg4: memref<1x1024xf32, #tpu.memory_space<vmem>>, %arg5: memref<512x128xf32, #tpu.memory_space<vmem>>) attributes {dimension_semantics = [#tpu.dimension_semantics<arbitrary>], iteration_bounds = array<i64: 32>, scalar_prefetch = 0 : i64, scratch_operands = 0 : i64, tpu.core_type = #tpu.core_type<tc>, window_params = [{transform_indices = @transform_0, window_bounds = array<i64: 512, 1>}, {transform_indices = @transform_1, window_bounds = array<i64: 512, 768>}, {pipeline_mode = #tpu.pipeline_mode<synchronous>, transform_indices = @transform_2, window_bounds = array<i64: 768, 1024>}, {pipeline_mode = #tpu.pipeline_mode<synchronous>, transform_indices = @transform_3, window_bounds = array<i64: 1, 1024>}, {transform_indices = @transform_4, window_bounds = array<i64: 512, 128>}]} {
    %get3A = arith.constant 0 : index
    %get3A_0 = arith.constant 0 : index
    %get3A_1 = vector.load %arg2[%get3A, %get3A_0] : memref<512x768xf32, #tpu.memory_space<vmem>>, vector<512x768xf32>
    %convert_element_type3A = arith.truncf %get3A_1 : vector<512x768xf32> to vector<512x768xbf16>
    %get3A_2 = arith.constant 0 : index
    %get3A_3 = arith.constant 0 : index
    %get3A_4 = vector.load %arg3[%get3A_2, %get3A_3] : memref<768x1024xbf16, #tpu.memory_space<vmem>>, vector<768x1024xbf16>
    %dot_general3A = arith.constant dense<0.000000e+00> : vector<512x1024xf32>
    %dot_general3A_5 = tpu.matmul %convert_element_type3A, %get3A_4, %dot_general3A {dimension_numbers = #tpu.dot_dimension_numbers<[1], [0], [0], [1], [0, 0, 1, 1], [], []>, transpose_lhs_hint = false} : vector<512x768xbf16>, vector<768x1024xbf16>, vector<512x1024xf32> -> vector<512x1024xf32>
    %get3A_6 = arith.constant 0 : index
    %get3A_7 = arith.constant 0 : index
    %get3A_8 = vector.load %arg4[%get3A_6, %get3A_7] : memref<1x1024xf32, #tpu.memory_space<vmem>>, vector<1x1024xf32>
    %add3A = vector.broadcast %get3A_8 : vector<1x1024xf32> to vector<512x1024xf32>
    %add3A_9 = arith.addf %dot_general3A_5, %add3A : vector<512x1024xf32>
    %get3A_10 = arith.constant 0 : index
    %get3A_11 = arith.constant 0 : index
    %get3A_12 = vector.load %arg1[%get3A_10, %get3A_11] : memref<512x1xi32, #tpu.memory_space<vmem>>, vector<512x1xi32>
    %broadcast_in_dim3A = arith.constant 0.000000e+00 : f32
    %broadcast_in_dim3A_13 = vector.broadcast %broadcast_in_dim3A : f32 to vector<512x128xf32>
    %eq3A = arith.constant 0 : i32
    %eq3A_14 = vector.broadcast %eq3A : i32 to vector<512x1xi32>
    %eq3A_15 = arith.cmpi eq, %get3A_12, %eq3A_14 : vector<512x1xi32>
    %slice3A = vector.extract_strided_slice %add3A_9 {offsets = [0, 0], sizes = [512, 128], strides = [1, 1]} : vector<512x1024xf32> to vector<512x128xf32>
    %broadcast_in_dim3A_16 = vector.shape_cast %eq3A_15 : vector<512x1xi1> to vector<512x1xi1>
    %broadcast_in_dim3A_17 = vector.broadcast %broadcast_in_dim3A_16 : vector<512x1xi1> to vector<512x128xi1>
    %select_n3A = arith.select %broadcast_in_dim3A_17, %slice3A, %broadcast_in_dim3A_13 : vector<512x128xi1>, vector<512x128xf32>
    %eq3A_18 = arith.constant 1 : i32
    %eq3A_19 = vector.broadcast %eq3A_18 : i32 to vector<512x1xi32>
    %eq3A_20 = arith.cmpi eq, %get3A_12, %eq3A_19 : vector<512x1xi32>
    %slice3A_21 = vector.extract_strided_slice %add3A_9 {offsets = [0, 128], sizes = [512, 128], strides = [1, 1]} : vector<512x1024xf32> to vector<512x128xf32>
    %broadcast_in_dim3A_22 = vector.shape_cast %eq3A_20 : vector<512x1xi1> to vector<512x1xi1>
    %broadcast_in_dim3A_23 = vector.broadcast %broadcast_in_dim3A_22 : vector<512x1xi1> to vector<512x128xi1>
    %select_n3A_24 = arith.select %broadcast_in_dim3A_23, %slice3A_21, %select_n3A : vector<512x128xi1>, vector<512x128xf32>
    %eq3A_25 = arith.constant 2 : i32
    %eq3A_26 = vector.broadcast %eq3A_25 : i32 to vector<512x1xi32>
    %eq3A_27 = arith.cmpi eq, %get3A_12, %eq3A_26 : vector<512x1xi32>
    %slice3A_28 = vector.extract_strided_slice %add3A_9 {offsets = [0, 256], sizes = [512, 128], strides = [1, 1]} : vector<512x1024xf32> to vector<512x128xf32>
    %broadcast_in_dim3A_29 = vector.shape_cast %eq3A_27 : vector<512x1xi1> to vector<512x1xi1>
    %broadcast_in_dim3A_30 = vector.broadcast %broadcast_in_dim3A_29 : vector<512x1xi1> to vector<512x128xi1>
    %select_n3A_31 = arith.select %broadcast_in_dim3A_30, %slice3A_28, %select_n3A_24 : vector<512x128xi1>, vector<512x128xf32>
    %eq3A_32 = arith.constant 3 : i32
    %eq3A_33 = vector.broadcast %eq3A_32 : i32 to vector<512x1xi32>
    %eq3A_34 = arith.cmpi eq, %get3A_12, %eq3A_33 : vector<512x1xi32>
    %slice3A_35 = vector.extract_strided_slice %add3A_9 {offsets = [0, 384], sizes = [512, 128], strides = [1, 1]} : vector<512x1024xf32> to vector<512x128xf32>
    %broadcast_in_dim3A_36 = vector.shape_cast %eq3A_34 : vector<512x1xi1> to vector<512x1xi1>
    %broadcast_in_dim3A_37 = vector.broadcast %broadcast_in_dim3A_36 : vector<512x1xi1> to vector<512x128xi1>
    %select_n3A_38 = arith.select %broadcast_in_dim3A_37, %slice3A_35, %select_n3A_31 : vector<512x128xi1>, vector<512x128xf32>
    %eq3A_39 = arith.constant 4 : i32
    %eq3A_40 = vector.broadcast %eq3A_39 : i32 to vector<512x1xi32>
    %eq3A_41 = arith.cmpi eq, %get3A_12, %eq3A_40 : vector<512x1xi32>
    %slice3A_42 = vector.extract_strided_slice %add3A_9 {offsets = [0, 512], sizes = [512, 128], strides = [1, 1]} : vector<512x1024xf32> to vector<512x128xf32>
    %broadcast_in_dim3A_43 = vector.shape_cast %eq3A_41 : vector<512x1xi1> to vector<512x1xi1>
    %broadcast_in_dim3A_44 = vector.broadcast %broadcast_in_dim3A_43 : vector<512x1xi1> to vector<512x128xi1>
    %select_n3A_45 = arith.select %broadcast_in_dim3A_44, %slice3A_42, %select_n3A_38 : vector<512x128xi1>, vector<512x128xf32>
    %eq3A_46 = arith.constant 5 : i32
    %eq3A_47 = vector.broadcast %eq3A_46 : i32 to vector<512x1xi32>
    %eq3A_48 = arith.cmpi eq, %get3A_12, %eq3A_47 : vector<512x1xi32>
    %slice3A_49 = vector.extract_strided_slice %add3A_9 {offsets = [0, 640], sizes = [512, 128], strides = [1, 1]} : vector<512x1024xf32> to vector<512x128xf32>
    %broadcast_in_dim3A_50 = vector.shape_cast %eq3A_48 : vector<512x1xi1> to vector<512x1xi1>
    %broadcast_in_dim3A_51 = vector.broadcast %broadcast_in_dim3A_50 : vector<512x1xi1> to vector<512x128xi1>
    %select_n3A_52 = arith.select %broadcast_in_dim3A_51, %slice3A_49, %select_n3A_45 : vector<512x128xi1>, vector<512x128xf32>
    %eq3A_53 = arith.constant 6 : i32
    %eq3A_54 = vector.broadcast %eq3A_53 : i32 to vector<512x1xi32>
    %eq3A_55 = arith.cmpi eq, %get3A_12, %eq3A_54 : vector<512x1xi32>
    %slice3A_56 = vector.extract_strided_slice %add3A_9 {offsets = [0, 768], sizes = [512, 128], strides = [1, 1]} : vector<512x1024xf32> to vector<512x128xf32>
    %broadcast_in_dim3A_57 = vector.shape_cast %eq3A_55 : vector<512x1xi1> to vector<512x1xi1>
    %broadcast_in_dim3A_58 = vector.broadcast %broadcast_in_dim3A_57 : vector<512x1xi1> to vector<512x128xi1>
    %select_n3A_59 = arith.select %broadcast_in_dim3A_58, %slice3A_56, %select_n3A_52 : vector<512x128xi1>, vector<512x128xf32>
    %eq3A_60 = arith.constant 7 : i32
    %eq3A_61 = vector.broadcast %eq3A_60 : i32 to vector<512x1xi32>
    %eq3A_62 = arith.cmpi eq, %get3A_12, %eq3A_61 : vector<512x1xi32>
    %slice3A_63 = vector.extract_strided_slice %add3A_9 {offsets = [0, 896], sizes = [512, 128], strides = [1, 1]} : vector<512x1024xf32> to vector<512x128xf32>
    %broadcast_in_dim3A_64 = vector.shape_cast %eq3A_62 : vector<512x1xi1> to vector<512x1xi1>
    %broadcast_in_dim3A_65 = vector.broadcast %broadcast_in_dim3A_64 : vector<512x1xi1> to vector<512x128xi1>
    %select_n3A_66 = arith.select %broadcast_in_dim3A_65, %slice3A_63, %select_n3A_59 : vector<512x128xi1>, vector<512x128xf32>
    %swap3A = arith.constant 0 : index
    %swap3A_67 = arith.constant 0 : index
    %swap3A_68 = vector.load %arg5[%swap3A, %swap3A_67] : memref<512x128xf32, #tpu.memory_space<vmem>>, vector<512x128xf32>
    tpu.vector_store %arg5[%swap3A, %swap3A_67], %select_n3A_66 {strides = array<i32>} : memref<512x128xf32, #tpu.memory_space<vmem>>, vector<512x128xf32>,
    return
  }
  func.func @transform_0(%arg0: i32) -> (i32, i32) {
    %add3A = arith.constant 0 : i32
    %add3A_0 = arith.addi %arg0, %add3A : i32
    %c0_i32 = arith.constant 0 : i32
    %c0_i32_1 = arith.constant 0 : i32
    return %add3A_0, %c0_i32 : i32, i32
  }
  func.func @transform_1(%arg0: i32) -> (i32, i32) {
    %add3A = arith.constant 0 : i32
    %add3A_0 = arith.addi %arg0, %add3A : i32
    %c0_i32 = arith.constant 0 : i32
    %c0_i32_1 = arith.constant 0 : i32
    return %add3A_0, %c0_i32 : i32, i32
  }
  func.func @transform_2(%arg0: i32) -> (i32, i32) {
    %c0_i32 = arith.constant 0 : i32
    %c0_i32_0 = arith.constant 0 : i32
    %c0_i32_1 = arith.constant 0 : i32
    return %c0_i32, %c0_i32_0 : i32, i32
  }
  func.func @transform_3(%arg0: i32) -> (i32, i32) {
    %c0_i32 = arith.constant 0 : i32
    %c0_i32_0 = arith.constant 0 : i32
    %c0_i32_1 = arith.constant 0 : i32
    return %c0_i32, %c0_i32_0 : i32, i32
  }
  func.func @transform_4(%arg0: i32) -> (i32, i32) {
    %c0_i32 = arith.constant 0 : i32
    %c0_i32_0 = arith.constant 0 : i32
    return %arg0, %c0_i32 : i32, i32
  }
}

module attributes {stable_mosaic.version = 14 : i64} {
  func.func @body(%arg0: i32, %arg1: memref<40xi32, #tpu.memory_space<smem>>, %arg2: memref<512x128xf32, #tpu.memory_space<vmem>>, %arg3: memref<8x128x256xf32, #tpu.memory_space<vmem>>, %arg4: memref<8x1x256xf32, #tpu.memory_space<vmem>>, %arg5: memref<512x384xf32, #tpu.memory_space<vmem>>) attributes {dimension_semantics = [#tpu.dimension_semantics<arbitrary>], iteration_bounds = array<i64: 40>, scalar_prefetch = 0 : i64, scratch_operands = 0 : i64, tpu.core_type = #tpu.core_type<tc>, window_params = [{transform_indices = @transform_0, window_bounds = array<i64: 40>}, {transform_indices = @transform_1, window_bounds = array<i64: 512, 128>}, {pipeline_mode = #tpu.pipeline_mode<synchronous>, transform_indices = @transform_2, window_bounds = array<i64: 8, 128, 256>}, {pipeline_mode = #tpu.pipeline_mode<synchronous>, transform_indices = @transform_3, window_bounds = array<i64: 8, 1, 256>}, {transform_indices = @transform_4, window_bounds = array<i64: 512, 384>}]} {
    %get3A = arith.index_cast %arg0 : i32 to index
    %get3A_0 = memref.load %arg1[%get3A] : memref<40xi32, #tpu.memory_space<smem>>
    %get3A_1 = arith.constant 0 : index
    %get3A_2 = arith.constant 0 : index
    %get3A_3 = vector.load %arg2[%get3A_1, %get3A_2] : memref<512x128xf32, #tpu.memory_space<vmem>>, vector<512x128xf32>
    %get3A_4 = arith.index_cast %get3A_0 : i32 to index
    %get3A_5 = arith.constant 0 : index
    %get3A_6 = arith.constant 0 : index
    %get3A_7 = vector.load %arg3[%get3A_4, %get3A_5, %get3A_6] : memref<8x128x256xf32, #tpu.memory_space<vmem>>, vector<1x128x256xf32>
    %get3A_8 = vector.shape_cast %get3A_7 : vector<1x128x256xf32> to vector<128x256xf32>
    %dot_general3A = arith.constant dense<0.000000e+00> : vector<512x256xf32>
    %dot_general3A_9 = tpu.matmul %get3A_3, %get3A_8, %dot_general3A {dimension_numbers = #tpu.dot_dimension_numbers<[1], [0], [0], [1], [0, 0, 1, 1], [], []>, transpose_lhs_hint = false} : vector<512x128xf32>, vector<128x256xf32>, vector<512x256xf32> -> vector<512x256xf32>
    %get3A_10 = arith.index_cast %get3A_0 : i32 to index
    %get3A_11 = arith.constant 0 : index
    %get3A_12 = arith.constant 0 : index
    %get3A_13 = vector.load %arg4[%get3A_10, %get3A_11, %get3A_12] : memref<8x1x256xf32, #tpu.memory_space<vmem>>, vector<1x1x256xf32>
    %get3A_14 = vector.shape_cast %get3A_13 : vector<1x1x256xf32> to vector<1x256xf32>
    %add3A = vector.broadcast %get3A_14 : vector<1x256xf32> to vector<512x256xf32>
    %add3A_15 = arith.addf %dot_general3A_9, %add3A : vector<512x256xf32>
    %iota3A = tpu.iota {dimensions = array<i32: 1>} : vector<512x128xi32>
    %eq3A = vector.broadcast %get3A_0 : i32 to vector<512x128xi32>
    %eq3A_16 = arith.cmpi eq, %iota3A, %eq3A : vector<512x128xi32>
    %convert_element_type3A = arith.extui %eq3A_16 : vector<512x128xi1> to vector<512x128xi32>
    %convert_element_type3A_17 = arith.sitofp %convert_element_type3A : vector<512x128xi32> to vector<512x128xf32>
    %concatenate3A = tpu.concatenate %add3A_15, %convert_element_type3A_17 in 1 : vector<512x256xf32>, vector<512x128xf32> -> vector<512x384xf32>
    %swap3A = arith.constant 0 : index
    %swap3A_18 = arith.constant 0 : index
    %swap3A_19 = vector.load %arg5[%swap3A, %swap3A_18] : memref<512x384xf32, #tpu.memory_space<vmem>>, vector<512x384xf32>
    tpu.vector_store %arg5[%swap3A, %swap3A_18], %concatenate3A {strides = array<i32>} : memref<512x384xf32, #tpu.memory_space<vmem>>, vector<512x384xf32>,
    return
  }
  func.func @transform_0(%arg0: i32) -> i32 {
    %c0_i32 = arith.constant 0 : i32
    %c0_i32_0 = arith.constant 0 : i32
    return %c0_i32 : i32
  }
  func.func @transform_1(%arg0: i32) -> (i32, i32) {
    %c0_i32 = arith.constant 0 : i32
    %c0_i32_0 = arith.constant 0 : i32
    return %arg0, %c0_i32 : i32, i32
  }
  func.func @transform_2(%arg0: i32) -> (i32, i32, i32) {
    %c0_i32 = arith.constant 0 : i32
    %c0_i32_0 = arith.constant 0 : i32
    %c0_i32_1 = arith.constant 0 : i32
    %c0_i32_2 = arith.constant 0 : i32
    return %c0_i32, %c0_i32_0, %c0_i32_1 : i32, i32, i32
  }
  func.func @transform_3(%arg0: i32) -> (i32, i32, i32) {
    %c0_i32 = arith.constant 0 : i32
    %c0_i32_0 = arith.constant 0 : i32
    %c0_i32_1 = arith.constant 0 : i32
    %c0_i32_2 = arith.constant 0 : i32
    return %c0_i32, %c0_i32_0, %c0_i32_1 : i32, i32, i32
  }
  func.func @transform_4(%arg0: i32) -> (i32, i32) {
    %c0_i32 = arith.constant 0 : i32
    %c0_i32_0 = arith.constant 0 : i32
    return %arg0, %c0_i32 : i32, i32
  }
}

</mosaic_0001>

<sc_bundles>
// kernel: kernel.12.cloned.1.call-start
scs
__scs_entry_jumppad:
0x0: {  	(pc) =	sbr.rel $0x88, $3  }
0x1: {  	(tag) =	ssettag $0x0;
	lr =	simm.s32 $0x1  }
0x2: {  	[smem:$0x3F9B] =	sst lr;
	_ =	strace $0xD0000000  }
0x3: {  	_ = 	snop  }
0x4: {  	_ = 	snop  }
0x5: {  	_ = 	snop  }
0x6: {  	_ = 	snop  }
0x7: {  	_ = 	snop  }
__scs_overlays_trampoline_lowered:
0x8: {  	[smem:$0x3FAA] =	sst s0  }
0x9: {  	[smem:$0x3FAB] =	sst s1  }
0xa: {  	[smem:$0x3FAC] =	sst s2  }
0xb: {  	[smem:$0x3FAD] =	sst s3  }
0xc: {  	[smem:$0x3FAE] =	sst s4  }
0xd: {  	[smem:$0x3FAF] =	sst s5  }
0xe: {  	[smem:$0x3FB0] =	sst s6  }
0xf: {  	[smem:$0x3FB1] =	sst s7  }
0x10: {  	[smem:$0x3FB2] =	sst s8  }
0x11: {  	[smem:$0x3FB3] =	sst s9;
	s0 =	simm.s32 @!p0 $0x0  }
0x12: {  	s1 =	sld [smem:$0x3F99];
	s0 =	simm.s32 @p0 $0x1  }
0x13: {  	[smem:$0x3FB4] =	sst s0;
	s0 =	simm.s32 @!p1 $0x0  }
0x14: {  	s2 =	sld [smem:$0x3F98];
	s0 =	simm.s32 @p1 $0x1  }
0x15: {  	[smem:$0x3FB5] =	sst s0;
	s0 =	simm.s32 @!p2 $0x0  }
0x16: {  	s3 =	sld [smem:$0x3FDB];
	s0 =	simm.s32 @p2 $0x1  }
0x17: {  	s4 =	simm.s32 $0x1BF5;
	[smem:$0x3FB7] =	sst s0  }
0x18: {  	s0 =	sld [smem:$0x3F9A];
	_ =	swait.ge [sflag:s4], $0x0  }
0x19: {  	s7 =	sld [smem:$0x3F9B]  }
0x1a: {  	s8 =	sadd.s32 $0xFFFFE003, lr  }
0x1b: {  	s9 =	sadd.s32 $0xFFFFFEF7, lr;
	s5 =	simm.s32 $0xFFFFFFFF;
	p2 =	slt.u32 s8, $0xFFFFF086  }
0x1c: {  	p1 =	slt.u32 s9, $0xF7A;
	s5 =	simm.s32 @!p2 $0x0  }
0x1d: {  	s5 =	simm.s32 @p1 $0x1;
	p0 =	seq.s32 s7, s2  }
0x1e: {  	s7 =	smul.u32 @!p0 $0xF7A, s2;
	p2 =	seq.s32 @!p0 s5, $0x0  }
0x1f: {  	s9 =	smul.u32 $0xF7A, s1;
	s8 =	simm.s32 @!p0 $0x1BF5;
	p2 =	por !p2, p0  }
0x20: {  	[sflag:s8] =	ssyncset.s32 @!p0 $0xFFFFF086;
	s6 =	sadd.s32 @!p0 s3, s7;
	s7 =	simm.s32 @!p0 $0x108  }
0x21: {  	s3 =	sadd.s32 s3, s9;
	s6 =	sadd.s32 @!p0 $0x88, s6;
	s7 =	simm.s32 @p2 $0x1082  }
0x22: {  	[simem:s7], [sflag:s8] =	dma.local @!p0 [hbm:s6], $0xF7A  }
0x23: {  	s9 =	sor.u32 $0xD0000000, s2;
	s6 =	simm.s32 $0x108;
	_ =	swait.ge @!p0 [sflag:s8], $0x0  }
0x24: {  	s3 =	sadd.s32 $0x88, s3;
	s6 =	simm.s32 @!p1 $0x1082;
	[sflag:s4] =	ssyncset.s32 $0xFFFFF086  }
0x25: {  	[simem:s6], [sflag:s4] =	dma.local [hbm:s3], $0xF7A  }
0x26: {  	[smem:$0x3F9B] =	sst s1;
	(tag) =	ssettag s2;
	_ =	strace s9  }
0x27: {  	s1 =	sld [smem:$0x3FAB]  }
0x28: {  	s2 =	sld [smem:$0x3FAC]  }
0x29: {  	s4 =	sld [smem:$0x3FAE]  }
0x2a: {  	p0 =	seq.s32 s5, $0x0;
	s5 =	sld [smem:$0x3FAF]  }
0x2b: {  	s6 =	sld [smem:$0x3FB0]  }
0x2c: {  	s7 =	sld [smem:$0x3FB1]  }
0x2d: {  	s3 =	simm.s32 $0x108;
	s8 =	sld [smem:$0x3FB2]  }
0x2e: {  	s3 =	simm.s32 @!p0 $0x1082;
	s9 =	sld [smem:$0x3FB3]  }
0x2f: {  	lr =	sadd.s32 s0, s3;
	s0 =	sld [smem:$0x3FAA]  }
0x30: {  	s3 =	sld [smem:$0x3FAD]  }
0x31: {  	[smem:$0x3FB6] =	sst s10  }
0x32: {  	s10 =	sld [smem:$0x3FB4];
	_ =	sdelay $0x3  }
0x33: {  	p0 =	seq.s32 s10, $0x1;
	s10 =	sld [smem:$0x3FB6];
	_ =	sdelay $0x3  }
0x34: {  	[smem:$0x3FB6] =	sst s10  }
0x35: {  	s10 =	sld [smem:$0x3FB5];
	_ =	sdelay $0x3  }
0x36: {  	p1 =	seq.s32 s10, $0x1;
	s10 =	sld [smem:$0x3FB6];
	_ =	sdelay $0x3  }
0x37: {  	[smem:$0x3FB6] =	sst s10  }
0x38: {  	s10 =	sld [smem:$0x3FB7]  }
0x39: {  	_ = 	snop;
	(pc) =	sbr.ind lr, $3  }
0x3a: {  	_ = 	snop  }
0x3b: {  	_ = 	snop  }
0x3c: {  	p2 =	seq.s32 s10, $0x1;
	s10 =	sld [smem:$0x3FB6]  }
0x3d: {  	_ =	shalt  }
0x3e: {  	_ =	shalt  }
0x3f: {  	_ =	shalt  }
0x40: {  	_ =	shalt  }
0x41: {  	_ =	shalt  }
0x42: {  	_ =	shalt  }
0x43: {  	_ =	shalt  }
0x44: {  	_ =	shalt  }
0x45: {  	_ =	shalt  }
0x46: {  	_ =	shalt  }
0x47: {  	_ =	shalt  }
0x48: {  	_ =	shalt  }
0x49: {  	_ =	shalt  }
0x4a: {  	_ =	shalt  }
0x4b: {  	_ =	shalt  }
0x4c: {  	_ =	shalt  }
0x4d: {  	_ =	shalt  }
0x4e: {  	_ =	shalt  }
0x4f: {  	_ =	shalt  }
0x50: {  	_ =	shalt  }
0x51: {  	_ =	shalt  }
0x52: {  	_ =	shalt  }
0x53: {  	_ =	shalt  }
0x54: {  	_ =	shalt  }
0x55: {  	_ =	shalt  }
0x56: {  	_ =	shalt  }
0x57: {  	_ =	shalt  }
0x58: {  	_ =	shalt  }
0x59: {  	_ =	shalt  }
0x5a: {  	_ =	shalt  }
0x5b: {  	_ =	shalt  }
0x5c: {  	_ =	shalt  }
0x5d: {  	_ =	shalt  }
0x5e: {  	_ =	shalt  }
0x5f: {  	_ =	shalt  }
0x60: {  	_ =	shalt  }
0x61: {  	_ =	shalt  }
0x62: {  	_ =	shalt  }
0x63: {  	_ =	shalt  }
0x64: {  	_ =	shalt  }
0x65: {  	_ =	shalt  }
0x66: {  	_ =	shalt  }
0x67: {  	_ =	shalt  }
0x68: {  	_ =	shalt  }
0x69: {  	_ =	shalt  }
0x6a: {  	_ =	shalt  }
0x6b: {  	_ =	shalt  }
0x6c: {  	_ =	shalt  }
0x6d: {  	_ =	shalt  }
0x6e: {  	_ =	shalt  }
0x6f: {  	_ =	shalt  }
0x70: {  	_ =	shalt  }
0x71: {  	_ =	shalt  }
0x72: {  	_ =	shalt  }
0x73: {  	_ =	shalt  }
0x74: {  	_ =	shalt  }
0x75: {  	_ =	shalt  }
0x76: {  	_ =	shalt  }
0x77: {  	_ =	shalt  }
0x78: {  	_ =	shalt  }
0x79: {  	_ =	shalt  }
0x7a: {  	_ =	shalt  }
0x7b: {  	_ =	shalt  }
0x7c: {  	_ =	shalt  }
0x7d: {  	_ =	shalt  }
0x7e: {  	_ =	shalt  }
0x7f: {  	_ =	shalt  }
0x80: {  	_ =	shalt  }
0x81: {  	_ =	shalt  }
0x82: {  	_ =	shalt  }
0x83: {  	_ =	shalt  }
0x84: {  	_ =	shalt  }
0x85: {  	_ =	shalt  }
0x86: {  	_ =	shalt  }
0x87: {  	_ =	shalt  }
.Lfunc_end0:
.L_simem_size_0:
called_computation.2_lowered:
.L_overlay_start_0:
0x88: {  	s2 =	sld [smem:$0x3FD9]  }
0x89: {  	s3 =	sld [smem:$0x3FFE];
	_ =	sdelay $0x1  }
0x8a: {  	s1 =	srdreg.scid  }
0x8b: {  	s0 =	sand.u32 $0x1, s1  }
0x8c: {  	s16 =	sshll.u32 s0, $0xA;
	s2 =	sadd.s32 s3, s2  }
0x8d: {  	s2 =	sadd.s32 s2, s16  }
0x8e: {  	[smem:$0x3FC2] =	sst s2  }
0x8f: {  	_ = 	snop  }
0x90: {  	(tm) =	ssettm $0x1  }
0x91: {  	s17 =	sld [smem:$0x3FFB];
	_ =	sdelay $0x3  }
0x92: {  	_ =	strace s17  }
0x93: {  	s2 =	sld [smem:$0x3FFC];
	_ =	sdelay $0x3  }
0x94: {  	_ =	strace s2  }
0x95: {  	s2 =	sld [smem:$0x3FFD];
	_ =	sdelay $0x3  }
0x96: {  	_ =	strace s2  }
0x97: {  	_ =	strace $0x8FFFFFFF  }
0x98: {  	s18 =	sld [smem:$0x3FDB];
	_ =	sdelay $0x1  }
0x99: {  	s19 =	simm.s32 $_scs_section_size  }
0x9a: {  	s4 =	simm.s32 $_size__tile_overlayer_lowered;
	s5 =	simm.s32 $_tile_overlayer_lowered  }
0x9b: {  	s22 =	simm.s32 $0x1BFF;
	s21 =	sshll.u32 s5, $0x1;
	s2 =	sadd.s32 s19, s18  }
0x9c: {  	s6 =	simm.s32 $0x0;
	s20 =	sshll.u32 s4, $0x1;
	s4 =	sadd.s32 s21, s2  }
0x9d: {  	[timem:s6], [sflag:s22] =	dma.local [hbm:s4], s20  }
0x9e: {  	_ =	swait.ge [sflag:s22], s20  }
0x9f: {  	s3 =	ssub.s32 $0x0, s20;
	[sflag:s22] =	ssyncset.done $0x0  }
0xa0: {  	[sflag:s22] =	ssyncadd.s32 s3;
	_ =	sdelay $0x1  }
0xa1: {  	s23 =	simm.s32 $0x1B8B  }
0xa2: {  	_ =	swait.ge [sflag:s23], $0x1  }
0xa3: {  	[sflag:s23] =	ssyncset.done $0x0  }
0xa4: {  	s25 =	simm.s32 $0x1B8E;
	s24 =	sld [smem:$0x3FFE];
	[sflag:s23] =	ssyncadd.s32 $0xFFFFFFFF  }
0xa5: {  	s26 =	simm.s32 $execute0_lowered;
	[smem:$0x3FD2] =	sst s25  }
0xa6: {  	s4 =	sshll.u32 s26, $0x1;
	_ =	strace $0x80000046;
	[dreg:$0x1] =	wrdreg $0xFFFFFFFF  }
0xa7: {  	s28 =	simm.s32 $_size_execute0_lowered;
	s2 =	sadd.s32 s2, s4;
	[dreg:$0x0] =	wrdreg $0x0  }
0xa8: {  	s4 =	sshll.u32 s28, $0x1;
	[dreg:$0x2] =	wrdreg s2  }
0xa9: {  	[dreg:$0x3] =	wrdreg s4  }
0xaa: {  	[dreg:$0x4] =	wrdreg $0xC0  }
0xab: {  	_ =	task [dreg:s6], $0x5FFFF  }
0xac: {  	[dreg:$0x1] =	wrdreg $0xFFFFFFFF  }
0xad: {  	[dreg:$0x0] =	wrdreg $0x60  }
0xae: {  	[dreg:$0x2] =	wrdreg s24  }
0xaf: {  	[dreg:$0x3] =	wrdreg $0xA  }
0xb0: {  	_ =	task.clear_ibuf [dreg:s6], $0x4FFFF;
	_ =	strace $0x90000046  }
0xb1: {  	s29 =	simm.s32 $0xA;
	_ =	strace $0x80000048  }
0xb2: {  	_ =	swait.ge [sflag:s29], $0x1  }
0xb3: {  	[sflag:s29] =	ssyncadd.s32 $0xFFFFFFFF  }
0xb4: {  	_ =	strace $0x90000048  }
0xb5: {  	_ =	sfence  }
0xb6: {  	s30 =	sld [smem:$0x0];
	_ =	sdelay $0x2  }
0xb7: {  	s31 =	sshll.u32 s1, $0xD;
	s1 =	sshrl.u32 s1, $0x2  }
0xb8: {  	s3 =	sand.u32 $0x4000, s31;
	s1 =	sadd.s32 s1, s30  }
0xb9: {  	s0 =	sor.u32 s3, s0;
	s1 =	sshll.u32 s1, $0x11  }
0xba: {  	s0 =	sor.u32 s1, s0  }
0xbb: {  	s0 =	sadd.s32 $0x8F2B, s0  }
0xbc: {  	[sflag:s0] =	ssyncadd.remote.s32 $0x1  }
0xbd: {  	_ =	sfence.sel $0xFFFF  }
0xbe: {  	[dreg:$0x0] =	wrdreg $0xFFFFFFFF;
	(pc) =	sbr.abs _section_cstart, $3  }
0xbf: {  	[dreg:$0x1] =	wrdreg $0xFFFFFFFF  }
0xc0: {  	_ =	task.clear_ibuf [dreg:s6], $0x2FFFF;
	_ =	strace $0x9FFFFFFF  }
0xc1: {  	(tm) =	ssettm $0x7FFFFFFF  }
tec
execute0_lowered:
.L_overlay_start_1:
0x0: {  	(tag) =	ssettag $0x1  }
0x1: {  	s1 =	srdreg.scid  }
0x2: {  	s0 =	stileid.u32;
	s20 =	sand.u32 $0x1, s1  }
0x3: {  	s18 =	rddreg [dreg:$0x0];
	s3 =	sshll.u32 s0, $0xA;
	s4 =	sshll.u32 s20, $0x9  }
0x4: {  	s2 =	simm.s32 $0x0;
	s1 =	rddreg [dreg:$0x1];
	s19 =	sor.u32 s4, s3  }
0x5: {  	[smem:$0x7FF] =	sst s2;
	s3 =	sshrl.u32 s19, $0x3  }
0x6: {  	_ =	strace $0x80000047;
	s4 =	simm.s32 $0x5;
	s3 =	sadd.s32 s18, s3  }
0x7: {  	[tilespmem:s2], [sflag:$0x5] =	stream.linear.gather [hbm4b:s3+s2], $0x80, $0x38;
	[tilespmem:$0x8100] =	vst v63  }
0x8: {  	s6 =	simm.s32 $0x100;
	_ =	swait.ge [sflag:s4], $0x80  }
0x9: {  	s21 =	sadd.s32 $0x1000, s18;
	s5 =	sshll.u32 s19, $0x4;
	[sflag:s4] =	ssyncset.done $0x0  }
0xa: {  	s7 =	simm.s32 $0x1;
	s5 =	sadd.s32 s21, s5;
	[sflag:s4] =	ssyncadd.s32 $0xFFFFFF80  }
0xb: {  	[tilespmem:s6], [sflag:$0x1] =	stream.linear.gather [hbm4b:s5+s2], $0x4000, $0x38;
	[tilespmem:$0x8100] =	vst v63  }
0xc: {  	s10 =	sor.u32 $0x80, s19;
	_ =	swait.ge [sflag:s7], $0x4000  }
0xd: {  	s8 =	sshrl.u32 s10, $0x3;
	[sflag:s7] =	ssyncset.done $0x0  }
0xe: {  	s9 =	simm.s32 $0x80;
	s8 =	sadd.s32 s18, s8;
	[sflag:s7] =	ssyncadd.s32 $0xFFFFC000  }
0xf: {  	[tilespmem:s9], [sflag:$0x5] =	stream.linear.gather [hbm4b:s8+s2], $0x80, $0x38;
	[tilespmem:$0x8100] =	vst v63  }
0x10: {  	_ =	swait.ge [sflag:s4], $0x80  }
0x11: {  	s10 =	sshll.u32 s10, $0x4;
	[sflag:s4] =	ssyncset.done $0x0  }
0x12: {  	s11 =	simm.s32 $0x4100;
	s10 =	sadd.s32 s21, s10;
	[sflag:s4] =	ssyncadd.s32 $0xFFFFFF80  }
0x13: {  	[tilespmem:s11], [sflag:$0x2] =	stream.linear.gather [hbm4b:s10+s2], $0x4000, $0x38;
	[tilespmem:$0x8100] =	vst v63  }
0x14: {  	s13 =	simm.s32 $0x2;
	s12 =	sadd.s32 $0x41000, s18  }
0x15: {  	[hbm4b:s12+s9] =	stream.indirect.scatter [tilespmem:s6], [sflag:$0x3], $0x80, s2, s9, $0xb8;
	[tilespmem:$0x8100] =	vst v63  }
0x16: {  	_ =	swait.ge [sflag:s13], $0x4000  }
0x17: {  	[sflag:s13] =	ssyncset.done $0x0  }
0x18: {  	s14 =	simm.s32 $0x3;
	[sflag:s13] =	ssyncadd.s32 $0xFFFFC000  }
0x19: {  	s16 =	sor.u32 $0x100, s19;
	_ =	swait.ge [sflag:s14], $0x4000  }
0x1a: {  	s15 =	sshrl.u32 s16, $0x3;
	[sflag:s14] =	ssyncset.done $0x0  }
0x1b: {  	s15 =	sadd.s32 s18, s15;
	[sflag:s14] =	ssyncadd.s32 $0xFFFFC000  }
0x1c: {  	[tilespmem:s2], [sflag:$0x5] =	stream.linear.gather [hbm4b:s15+s2], $0x80, $0x38;
	[tilespmem:$0x8100] =	vst v63  }
0x1d: {  	_ =	swait.ge [sflag:s4], $0x80  }
0x1e: {  	s16 =	sshll.u32 s16, $0x4;
	[sflag:s4] =	ssyncset.done $0x0  }
0x1f: {  	s16 =	sadd.s32 s21, s16;
	[sflag:s4] =	ssyncadd.s32 $0xFFFFFF80  }
0x20: {  	[tilespmem:s6], [sflag:$0x1] =	stream.linear.gather [hbm4b:s16+s2], $0x4000, $0x38;
	[tilespmem:$0x8100] =	vst v63  }
0x21: {  	_ = 	snop  }
0x22: {  	[hbm4b:s12+s9] =	stream.indirect.scatter [tilespmem:s11], [sflag:$0x4], $0x80, s9, s9, $0xb8;
	[tilespmem:$0x8100] =	vst v63  }
0x23: {  	_ =	swait.ge [sflag:s7], $0x4000  }
0x24: {  	[sflag:s7] =	ssyncset.done $0x0  }
0x25: {  	s17 =	simm.s32 $0x4;
	[sflag:s7] =	ssyncadd.s32 $0xFFFFC000  }
0x26: {  	s19 =	sor.u32 $0x180, s19;
	_ =	swait.ge [sflag:s17], $0x4000  }
0x27: {  	s22 =	sshrl.u32 s19, $0x3;
	[sflag:s17] =	ssyncset.done $0x0  }
0x28: {  	s18 =	sadd.s32 s18, s22;
	[sflag:s17] =	ssyncadd.s32 $0xFFFFC000  }
0x29: {  	[tilespmem:s9], [sflag:$0x5] =	stream.linear.gather [hbm4b:s18+s2], $0x80, $0x38;
	[tilespmem:$0x8100] =	vst v63  }
0x2a: {  	_ =	swait.ge [sflag:s4], $0x80  }
0x2b: {  	s19 =	sshll.u32 s19, $0x4;
	[sflag:s4] =	ssyncset.done $0x0  }
0x2c: {  	s20 =	ssub.s32 $0x2, s20;
	s19 =	sadd.s32 s21, s19;
	[sflag:s4] =	ssyncadd.s32 $0xFFFFFF80  }
0x2d: {  	[tilespmem:s11], [sflag:$0x2] =	stream.linear.gather [hbm4b:s19+s2], $0x4000, $0x38;
	[tilespmem:$0x8100] =	vst v63  }
0x2e: {  	s31 =	sshrl.u32 s20, $0x1  }
0x2f: {  	[hbm4b:s12+s9] =	stream.indirect.scatter [tilespmem:s6], [sflag:$0x3], $0x80, s2, s9, $0xb8;
	[tilespmem:$0x8100] =	vst v63  }
0x30: {  	s20 =	ssub.s32 s20, s31;
	_ =	swait.ge [sflag:s13], $0x4000  }
0x31: {  	s20 =	smax.u32 s20, $0x1;
	[sflag:s13] =	ssyncset.done $0x0  }
0x32: {  	p0 =	sne.s32 s20, $0x1;
	[sflag:s13] =	ssyncadd.s32 $0xFFFFC000  }
0x33: {  	[hbm4b:s12+s9] =	stream.indirect.scatter [tilespmem:s11], [sflag:$0x4], $0x80, s9, s9, $0xb8;
	[tilespmem:$0x8100] =	vst v63  }
.Ltmp0:
0x34: {  	_ =	swait.ge [sflag:s14], $0x4000;
	(pc) =	sbr.rel @!p0 .LBB2_2-.Ltmp0, $4  }
0x35: {  	[sflag:s14] =	ssyncset.done $0x0  }
0x36: {  	[sflag:s14] =	ssyncadd.s32 $0xFFFFC000  }
0x37: {  	_ =	swait.ge [sflag:s17], $0x4000  }
0x38: {  	s20 =	sadd.s32 $0xFFFFFFFF, s20;
	[sflag:s17] =	ssyncset.done $0x0  }
.LBB2_1:
0x39: {  	p0 =	sne.s32 s20, $0x1;
	s20 =	sadd.s32 $0xFFFFFFFF, s20;
	[sflag:s17] =	ssyncadd.s32 $0xFFFFC000  }
0x3a: {  	[tilespmem:s2], [sflag:$0x5] =	stream.linear.gather [hbm4b:s3+s2], $0x80, $0x38;
	[tilespmem:$0x8100] =	vst v63  }
0x3b: {  	_ =	swait.ge [sflag:s4], $0x80  }
0x3c: {  	[sflag:s4] =	ssyncset.done $0x0  }
0x3d: {  	[sflag:s4] =	ssyncadd.s32 $0xFFFFFF80  }
0x3e: {  	[tilespmem:s6], [sflag:$0x1] =	stream.linear.gather [hbm4b:s5+s2], $0x4000, $0x38;
	[tilespmem:$0x8100] =	vst v63  }
0x3f: {  	_ =	swait.ge [sflag:s7], $0x4000  }
0x40: {  	[sflag:s7] =	ssyncset.done $0x0  }
0x41: {  	[sflag:s7] =	ssyncadd.s32 $0xFFFFC000  }
0x42: {  	[tilespmem:s9], [sflag:$0x5] =	stream.linear.gather [hbm4b:s8+s2], $0x80, $0x38;
	[tilespmem:$0x8100] =	vst v63  }
0x43: {  	_ =	swait.ge [sflag:s4], $0x80  }
0x44: {  	[sflag:s4] =	ssyncset.done $0x0  }
0x45: {  	[sflag:s4] =	ssyncadd.s32 $0xFFFFFF80  }
0x46: {  	[tilespmem:s11], [sflag:$0x2] =	stream.linear.gather [hbm4b:s10+s2], $0x4000, $0x38;
	[tilespmem:$0x8100] =	vst v63  }
0x47: {  	_ = 	snop  }
0x48: {  	[hbm4b:s12+s9] =	stream.indirect.scatter [tilespmem:s6], [sflag:$0x3], $0x80, s2, s9, $0xb8;
	[tilespmem:$0x8100] =	vst v63  }
0x49: {  	_ =	swait.ge [sflag:s13], $0x4000  }
0x4a: {  	[sflag:s13] =	ssyncset.done $0x0  }
0x4b: {  	[sflag:s13] =	ssyncadd.s32 $0xFFFFC000  }
0x4c: {  	_ =	swait.ge [sflag:s14], $0x4000  }
0x4d: {  	[sflag:s14] =	ssyncset.done $0x0  }
0x4e: {  	[sflag:s14] =	ssyncadd.s32 $0xFFFFC000  }
0x4f: {  	[tilespmem:s2], [sflag:$0x5] =	stream.linear.gather [hbm4b:s15+s2], $0x80, $0x38;
	[tilespmem:$0x8100] =	vst v63  }
0x50: {  	_ =	swait.ge [sflag:s4], $0x80  }
0x51: {  	[sflag:s4] =	ssyncset.done $0x0  }
0x52: {  	[sflag:s4] =	ssyncadd.s32 $0xFFFFFF80  }
0x53: {  	[tilespmem:s6], [sflag:$0x1] =	stream.linear.gather [hbm4b:s16+s2], $0x4000, $0x38;
	[tilespmem:$0x8100] =	vst v63  }
0x54: {  	_ = 	snop  }
0x55: {  	[hbm4b:s12+s9] =	stream.indirect.scatter [tilespmem:s11], [sflag:$0x4], $0x80, s9, s9, $0xb8;
	[tilespmem:$0x8100] =	vst v63  }
0x56: {  	_ =	swait.ge [sflag:s7], $0x4000  }
0x57: {  	[sflag:s7] =	ssyncset.done $0x0  }
0x58: {  	[sflag:s7] =	ssyncadd.s32 $0xFFFFC000  }
0x59: {  	_ =	swait.ge [sflag:s17], $0x4000  }
0x5a: {  	[sflag:s17] =	ssyncset.done $0x0  }
0x5b: {  	[sflag:s17] =	ssyncadd.s32 $0xFFFFC000  }
0x5c: {  	[tilespmem:s9], [sflag:$0x5] =	stream.linear.gather [hbm4b:s18+s2], $0x80, $0x38;
	[tilespmem:$0x8100] =	vst v63  }
0x5d: {  	_ =	swait.ge [sflag:s4], $0x80  }
0x5e: {  	[sflag:s4] =	ssyncset.done $0x0  }
0x5f: {  	[sflag:s4] =	ssyncadd.s32 $0xFFFFFF80  }
0x60: {  	[tilespmem:s11], [sflag:$0x2] =	stream.linear.gather [hbm4b:s19+s2], $0x4000, $0x38;
	[tilespmem:$0x8100] =	vst v63  }
0x61: {  	_ = 	snop  }
0x62: {  	[hbm4b:s12+s9] =	stream.indirect.scatter [tilespmem:s6], [sflag:$0x3], $0x80, s2, s9, $0xb8;
	[tilespmem:$0x8100] =	vst v63  }
0x63: {  	_ =	swait.ge [sflag:s13], $0x4000  }
0x64: {  	[sflag:s13] =	ssyncset.done $0x0  }
0x65: {  	[sflag:s13] =	ssyncadd.s32 $0xFFFFC000  }
0x66: {  	[hbm4b:s12+s9] =	stream.indirect.scatter [tilespmem:s11], [sflag:$0x4], $0x80, s9, s9, $0xb8;
	[tilespmem:$0x8100] =	vst v63  }
.Ltmp1:
0x67: {  	_ =	swait.ge [sflag:s14], $0x4000;
	(pc) =	sbr.rel @p0 .LBB2_1-.Ltmp1, $4  }
0x68: {  	[sflag:s14] =	ssyncset.done $0x0  }
0x69: {  	[sflag:s14] =	ssyncadd.s32 $0xFFFFC000  }
0x6a: {  	_ =	swait.ge [sflag:s17], $0x4000  }
0x6b: {  	[sflag:s17] =	ssyncset.done $0x0  }
.LBB2_2:
0x6c: {  	[sflag:s17] =	ssyncadd.s32 $0xFFFFC000  }
0x6d: {  	_ =	sfence.sel $0x180000  }
0x6e: {  	[bflag:$0x0] =	sbarrier.arrive $0xFFFF  }
0x6f: {  	p0 =	sne.s32 s0, $0x0;
	_ =	strace $0x90000047  }
0x70: {  	s0 =	sadd.s32 @!p0 $0x100000, s1;
	[bflag:$0x2] =	sbarrier.arrive $0xFFFF  }
0x71: {  	[sflag:s0] =	ssyncadd.tile.s32 @!p0 $0x1;
	_ =	shalt  }
.Lfunc_end2:
_tile_overlayer_lowered:
.L_overlay_start_2:
0x72: {  	(tag) =	ssettag $0x2  }
0x73: {  	s0 =	rddreg [dreg:$0x0];
	s2 =	stileid.u32  }
0x74: {  	s1 =	rddreg [dreg:$0x1];
	p0 =	sne.s32 s2, $0x0  }
0x75: {  	s3 =	rddreg [dreg:$0x2];
	[bflag:$0x3] =	sbarrier.arrive $0xFFFF;
	s2 =	simm.s32 @!p0 $0x1C05  }
0x76: {  	[timem:s3], [sflag:s2] =	dma.local @!p0 [hbm:s0], s1  }
0x77: {  	s0 =	simm.s32 @!p0 $0x5  }
0x78: {  	_ =	swait.ge @!p0 [sflag:s0], s1  }
0x79: {  	s1 =	ssub.s32 @!p0 $0x0, s1;
	[sflag:s0] =	ssyncset.done @!p0 $0x0  }
0x7a: {  	[sflag:s0] =	ssyncadd.s32 @!p0 s1  }
0x7b: {  	[bflag:$0x3] =	sbarrier.arrive $0xFFFF  }
0x7c: {  	_ =	shalt  }

// kernel: kernel.15.cloned.1.call-start
scs
__scs_entry_jumppad:
0x0: {  	(pc) =	sbr.rel $0x88, $3  }
0x1: {  	(tag) =	ssettag $0x0;
	lr =	simm.s32 $0x1  }
0x2: {  	[smem:$0x3F9B] =	sst lr;
	_ =	strace $0xD0000000  }
0x3: {  	_ = 	snop  }
0x4: {  	_ = 	snop  }
0x5: {  	_ = 	snop  }
0x6: {  	_ = 	snop  }
0x7: {  	_ = 	snop  }
__scs_overlays_trampoline_lowered:
0x8: {  	[smem:$0x3FAA] =	sst s0  }
0x9: {  	[smem:$0x3FAB] =	sst s1  }
0xa: {  	[smem:$0x3FAC] =	sst s2  }
0xb: {  	[smem:$0x3FAD] =	sst s3  }
0xc: {  	[smem:$0x3FAE] =	sst s4  }
0xd: {  	[smem:$0x3FAF] =	sst s5  }
0xe: {  	[smem:$0x3FB0] =	sst s6  }
0xf: {  	[smem:$0x3FB1] =	sst s7  }
0x10: {  	[smem:$0x3FB2] =	sst s8  }
0x11: {  	[smem:$0x3FB3] =	sst s9;
	s0 =	simm.s32 @!p0 $0x0  }
0x12: {  	s1 =	sld [smem:$0x3F99];
	s0 =	simm.s32 @p0 $0x1  }
0x13: {  	[smem:$0x3FB4] =	sst s0;
	s0 =	simm.s32 @!p1 $0x0  }
0x14: {  	s2 =	sld [smem:$0x3F98];
	s0 =	simm.s32 @p1 $0x1  }
0x15: {  	[smem:$0x3FB5] =	sst s0;
	s0 =	simm.s32 @!p2 $0x0  }
0x16: {  	s3 =	sld [smem:$0x3FDB];
	s0 =	simm.s32 @p2 $0x1  }
0x17: {  	s4 =	simm.s32 $0x1BF5;
	[smem:$0x3FB7] =	sst s0  }
0x18: {  	s0 =	sld [smem:$0x3F9A];
	_ =	swait.ge [sflag:s4], $0x0  }
0x19: {  	s7 =	sld [smem:$0x3F9B]  }
0x1a: {  	s8 =	sadd.s32 $0xFFFFE003, lr  }
0x1b: {  	s9 =	sadd.s32 $0xFFFFFEF7, lr;
	s5 =	simm.s32 $0xFFFFFFFF;
	p2 =	slt.u32 s8, $0xFFFFF086  }
0x1c: {  	p1 =	slt.u32 s9, $0xF7A;
	s5 =	simm.s32 @!p2 $0x0  }
0x1d: {  	s5 =	simm.s32 @p1 $0x1;
	p0 =	seq.s32 s7, s2  }
0x1e: {  	s7 =	smul.u32 @!p0 $0xF7A, s2;
	p2 =	seq.s32 @!p0 s5, $0x0  }
0x1f: {  	s9 =	smul.u32 $0xF7A, s1;
	s8 =	simm.s32 @!p0 $0x1BF5;
	p2 =	por !p2, p0  }
0x20: {  	[sflag:s8] =	ssyncset.s32 @!p0 $0xFFFFF086;
	s6 =	sadd.s32 @!p0 s3, s7;
	s7 =	simm.s32 @!p0 $0x108  }
0x21: {  	s3 =	sadd.s32 s3, s9;
	s6 =	sadd.s32 @!p0 $0x88, s6;
	s7 =	simm.s32 @p2 $0x1082  }
0x22: {  	[simem:s7], [sflag:s8] =	dma.local @!p0 [hbm:s6], $0xF7A  }
0x23: {  	s9 =	sor.u32 $0xD0000000, s2;
	s6 =	simm.s32 $0x108;
	_ =	swait.ge @!p0 [sflag:s8], $0x0  }
0x24: {  	s3 =	sadd.s32 $0x88, s3;
	s6 =	simm.s32 @!p1 $0x1082;
	[sflag:s4] =	ssyncset.s32 $0xFFFFF086  }
0x25: {  	[simem:s6], [sflag:s4] =	dma.local [hbm:s3], $0xF7A  }
0x26: {  	[smem:$0x3F9B] =	sst s1;
	(tag) =	ssettag s2;
	_ =	strace s9  }
0x27: {  	s1 =	sld [smem:$0x3FAB]  }
0x28: {  	s2 =	sld [smem:$0x3FAC]  }
0x29: {  	s4 =	sld [smem:$0x3FAE]  }
0x2a: {  	p0 =	seq.s32 s5, $0x0;
	s5 =	sld [smem:$0x3FAF]  }
0x2b: {  	s6 =	sld [smem:$0x3FB0]  }
0x2c: {  	s7 =	sld [smem:$0x3FB1]  }
0x2d: {  	s3 =	simm.s32 $0x108;
	s8 =	sld [smem:$0x3FB2]  }
0x2e: {  	s3 =	simm.s32 @!p0 $0x1082;
	s9 =	sld [smem:$0x3FB3]  }
0x2f: {  	lr =	sadd.s32 s0, s3;
	s0 =	sld [smem:$0x3FAA]  }
0x30: {  	s3 =	sld [smem:$0x3FAD]  }
0x31: {  	[smem:$0x3FB6] =	sst s10  }
0x32: {  	s10 =	sld [smem:$0x3FB4];
	_ =	sdelay $0x3  }
0x33: {  	p0 =	seq.s32 s10, $0x1;
	s10 =	sld [smem:$0x3FB6];
	_ =	sdelay $0x3  }
0x34: {  	[smem:$0x3FB6] =	sst s10  }
0x35: {  	s10 =	sld [smem:$0x3FB5];
	_ =	sdelay $0x3  }
0x36: {  	p1 =	seq.s32 s10, $0x1;
	s10 =	sld [smem:$0x3FB6];
	_ =	sdelay $0x3  }
0x37: {  	[smem:$0x3FB6] =	sst s10  }
0x38: {  	s10 =	sld [smem:$0x3FB7]  }
0x39: {  	_ = 	snop;
	(pc) =	sbr.ind lr, $3  }
0x3a: {  	_ = 	snop  }
0x3b: {  	_ = 	snop  }
0x3c: {  	p2 =	seq.s32 s10, $0x1;
	s10 =	sld [smem:$0x3FB6]  }
0x3d: {  	_ =	shalt  }
0x3e: {  	_ =	shalt  }
0x3f: {  	_ =	shalt  }
0x40: {  	_ =	shalt  }
0x41: {  	_ =	shalt  }
0x42: {  	_ =	shalt  }
0x43: {  	_ =	shalt  }
0x44: {  	_ =	shalt  }
0x45: {  	_ =	shalt  }
0x46: {  	_ =	shalt  }
0x47: {  	_ =	shalt  }
0x48: {  	_ =	shalt  }
0x49: {  	_ =	shalt  }
0x4a: {  	_ =	shalt  }
0x4b: {  	_ =	shalt  }
0x4c: {  	_ =	shalt  }
0x4d: {  	_ =	shalt  }
0x4e: {  	_ =	shalt  }
0x4f: {  	_ =	shalt  }
0x50: {  	_ =	shalt  }
0x51: {  	_ =	shalt  }
0x52: {  	_ =	shalt  }
0x53: {  	_ =	shalt  }
0x54: {  	_ =	shalt  }
0x55: {  	_ =	shalt  }
0x56: {  	_ =	shalt  }
0x57: {  	_ =	shalt  }
0x58: {  	_ =	shalt  }
0x59: {  	_ =	shalt  }
0x5a: {  	_ =	shalt  }
0x5b: {  	_ =	shalt  }
0x5c: {  	_ =	shalt  }
0x5d: {  	_ =	shalt  }
0x5e: {  	_ =	shalt  }
0x5f: {  	_ =	shalt  }
0x60: {  	_ =	shalt  }
0x61: {  	_ =	shalt  }
0x62: {  	_ =	shalt  }
0x63: {  	_ =	shalt  }
0x64: {  	_ =	shalt  }
0x65: {  	_ =	shalt  }
0x66: {  	_ =	shalt  }
0x67: {  	_ =	shalt  }
0x68: {  	_ =	shalt  }
0x69: {  	_ =	shalt  }
0x6a: {  	_ =	shalt  }
0x6b: {  	_ =	shalt  }
0x6c: {  	_ =	shalt  }
0x6d: {  	_ =	shalt  }
0x6e: {  	_ =	shalt  }
0x6f: {  	_ =	shalt  }
0x70: {  	_ =	shalt  }
0x71: {  	_ =	shalt  }
0x72: {  	_ =	shalt  }
0x73: {  	_ =	shalt  }
0x74: {  	_ =	shalt  }
0x75: {  	_ =	shalt  }
0x76: {  	_ =	shalt  }
0x77: {  	_ =	shalt  }
0x78: {  	_ =	shalt  }
0x79: {  	_ =	shalt  }
0x7a: {  	_ =	shalt  }
0x7b: {  	_ =	shalt  }
0x7c: {  	_ =	shalt  }
0x7d: {  	_ =	shalt  }
0x7e: {  	_ =	shalt  }
0x7f: {  	_ =	shalt  }
0x80: {  	_ =	shalt  }
0x81: {  	_ =	shalt  }
0x82: {  	_ =	shalt  }
0x83: {  	_ =	shalt  }
0x84: {  	_ =	shalt  }
0x85: {  	_ =	shalt  }
0x86: {  	_ =	shalt  }
0x87: {  	_ =	shalt  }
.Lfunc_end0:
.L_simem_size_0:
called_computation.3_lowered:
.L_overlay_start_0:
0x88: {  	s2 =	sld [smem:$0x3FD9]  }
0x89: {  	s3 =	sld [smem:$0x3FFE];
	_ =	sdelay $0x1  }
0x8a: {  	s1 =	srdreg.scid  }
0x8b: {  	s0 =	sand.u32 $0x1, s1  }
0x8c: {  	s17 =	sshll.u32 s0, $0xA;
	s2 =	sadd.s32 s3, s2  }
0x8d: {  	s2 =	sadd.s32 s2, s17  }
0x8e: {  	[smem:$0x3FC2] =	sst s2  }
0x8f: {  	_ = 	snop  }
0x90: {  	s2 =	sld [smem:$0x3FD0];
	(tm) =	ssettm $0x1  }
0x91: {  	s18 =	sld [smem:$0x3FFB];
	_ =	sdelay $0x3  }
0x92: {  	_ =	strace s18  }
0x93: {  	s3 =	sld [smem:$0x3FFC];
	_ =	sdelay $0x3  }
0x94: {  	_ =	strace s3  }
0x95: {  	s3 =	sld [smem:$0x3FFD];
	_ =	sdelay $0x3  }
0x96: {  	_ =	strace s3  }
0x97: {  	_ =	strace $0x8FFFFFFF  }
0x98: {  	s19 =	sld [smem:$0x3FDB];
	_ =	sdelay $0x1  }
0x99: {  	s4 =	simm.s32 $_scs_section_size  }
0x9a: {  	s5 =	simm.s32 $_size__tile_overlayer_lowered;
	s6 =	simm.s32 $_tile_overlayer_lowered  }
0x9b: {  	s22 =	simm.s32 $0x1BFF;
	s21 =	sshll.u32 s6, $0x1;
	s3 =	sadd.s32 s4, s19  }
0x9c: {  	s7 =	simm.s32 $0x0;
	s20 =	sshll.u32 s5, $0x1;
	s5 =	sadd.s32 s21, s3  }
0x9d: {  	[timem:s7], [sflag:s22] =	dma.local [hbm:s5], s20  }
0x9e: {  	_ =	swait.ge [sflag:s22], s20  }
0x9f: {  	s4 =	ssub.s32 $0x0, s20;
	[sflag:s22] =	ssyncset.done $0x0  }
0xa0: {  	[sflag:s22] =	ssyncadd.s32 s4;
	_ =	sdelay $0x1  }
0xa1: {  	s23 =	simm.s32 $0x1B8B  }
0xa2: {  	_ =	swait.ge [sflag:s23], $0x1  }
0xa3: {  	[sflag:s23] =	ssyncset.done $0x0  }
0xa4: {  	s25 =	simm.s32 $0x1B8E;
	s24 =	sld [smem:$0x3FFE];
	[sflag:s23] =	ssyncadd.s32 $0xFFFFFFFF  }
0xa5: {  	s26 =	simm.s32 $execute0_lowered;
	[smem:$0x3FD2] =	sst s25  }
0xa6: {  	s5 =	sshll.u32 s26, $0x1;
	_ =	strace $0x8000004C;
	[dreg:$0x1] =	wrdreg $0xFFFFFFFF  }
0xa7: {  	s28 =	simm.s32 $_size_execute0_lowered;
	s3 =	sadd.s32 s3, s5;
	[dreg:$0x0] =	wrdreg $0x0  }
0xa8: {  	s5 =	sshll.u32 s28, $0x1;
	[dreg:$0x2] =	wrdreg s3  }
0xa9: {  	[dreg:$0x3] =	wrdreg s5  }
0xaa: {  	[dreg:$0x4] =	wrdreg $0xC0  }
0xab: {  	_ =	task [dreg:s7], $0x5FFFF  }
0xac: {  	[dreg:$0x1] =	wrdreg $0xFFFFFFFF  }
0xad: {  	[dreg:$0x0] =	wrdreg $0x60  }
0xae: {  	[dreg:$0x2] =	wrdreg s24  }
0xaf: {  	[dreg:$0x3] =	wrdreg s2  }
0xb0: {  	[dreg:$0x4] =	wrdreg $0x9  }
0xb1: {  	_ =	task.clear_ibuf [dreg:s7], $0x5FFFF;
	_ =	strace $0x9000004C  }
0xb2: {  	s29 =	simm.s32 $0x9;
	_ =	strace $0x8000004E  }
0xb3: {  	_ =	swait.ge [sflag:s29], $0x1  }
0xb4: {  	[sflag:s29] =	ssyncadd.s32 $0xFFFFFFFF  }
0xb5: {  	_ =	strace $0x9000004E  }
0xb6: {  	_ =	sfence  }
0xb7: {  	s30 =	sld [smem:$0x0];
	_ =	sdelay $0x2  }
0xb8: {  	s31 =	sshll.u32 s1, $0xD;
	s1 =	sshrl.u32 s1, $0x2  }
0xb9: {  	s3 =	sand.u32 $0x4000, s31;
	s1 =	sadd.s32 s1, s30  }
0xba: {  	s0 =	sor.u32 s3, s0;
	s1 =	sshll.u32 s1, $0x11  }
0xbb: {  	s0 =	sor.u32 s1, s0  }
0xbc: {  	s0 =	sadd.s32 $0x8F2B, s0  }
0xbd: {  	[sflag:s0] =	ssyncadd.remote.s32 $0x1  }
0xbe: {  	_ =	sfence.sel $0xFFFF  }
0xbf: {  	[dreg:$0x0] =	wrdreg $0xFFFFFFFF;
	(pc) =	sbr.abs _section_cstart, $3  }
0xc0: {  	[dreg:$0x1] =	wrdreg $0xFFFFFFFF  }
0xc1: {  	_ =	task.clear_ibuf [dreg:s7], $0x2FFFF;
	_ =	strace $0x9FFFFFFF  }
0xc2: {  	(tm) =	ssettm $0x7FFFFFFF  }
0xc3: {  	_ =	shalt  }
tec
execute0_lowered:
.L_overlay_start_1:
0x0: {  	(tag) =	ssettag $0x1  }
0x1: {  	s0 =	srdreg.scid;
	s2 =	stileid.u32  }
0x2: {  	s1 =	rddreg [dreg:$0x0];
	s14 =	simm.s32 $0x1;
	s0 =	sand.u32 $0x1, s0  }
0x3: {  	s3 =	sshll.u32 s2, $0x7;
	s2 =	rddreg [dreg:$0x1];
	s4 =	sshll.u32 s0, $0x6  }
0x4: {  	s7 =	sadd.s32 $0xD1000, s1;
	s8 =	sadd.s32 $0x1C2000, s1;
	s4 =	sor.u32 s4, s3  }
0x5: {  	s0 =	ssub.s32 $0x2, s0;
	s3 =	simm.s32 $0x0;
	s5 =	smul.u32 $0x180, s4  }
0x6: {  	s28 =	sshrl.u32 s0, $0x1;
	[smem:$0x7FF] =	sst s3;
	s6 =	smul.u32 $0xC00, s4  }
0x7: {  	s9 =	sadd.s32 s7, s4;
	s4 =	sor.u32 $0x800, s4;
	_ =	strace $0x8000004D  }
0x8: {  	[dreg:$0x3] =	wrdreg s9;
	s25 =	smul.u32 $0x180, s4;
	s4 =	sadd.s32 s7, s4  }
0x9: {  	s0 =	ssub.s32 s0, s28;
	s10 =	sadd.s32 s8, s5;
	[dreg:$0x7] =	wrdreg s4  }
0xa: {  	s7 =	sadd.s32 $0xD2100, s1;
	s22 =	sadd.s32 $0x1800, s10;
	[dreg:$0xc] =	wrdreg s10  }
0xb: {  	s21 =	sshrl.u32 s6, $0x3;
	s26 =	sadd.s32 s8, s25;
	[dreg:$0x4] =	wrdreg s22  }
0xc: {  	s6 =	sadd.s32 $0x100, s2;
	s29 =	sadd.s32 $0xC1800, s10;
	[dreg:$0x8] =	wrdreg s26  }
0xd: {  	s4 =	simm.s32 $0x4;
	s30 =	sadd.s32 $0xC3000, s10;
	[dreg:$0x9] =	wrdreg s29  }
0xe: {  	s5 =	sadd.s32 s8, s21;
	s31 =	sadd.s32 $0xC4800, s10;
	[dreg:$0xa] =	wrdreg s30  }
0xf: {  	v2 =	vlaneseq.u32;
	s8 =	smax.u32 s0, $0x1;
	s23 =	sadd.s32 $0x3000, s5;
	[dreg:$0xb] =	wrdreg s31  }
0x10: {  	vm0 =	vmmov $0xffff;
	vm1 =	vmmov $0xff;
	v1 =	vshrl.u32 v2, $0x3;
	s0 =	simm.s32 $0x3;
	s24 =	sadd.s32 $0x4800, s5;
	[dreg:$0x5] =	wrdreg s23  }
0x11: {  	v0 =	vand.u32 $0x7, v2;
	v2 =	vor.u32 $0x8, v2;
	v1 =	vmul.u32 $0x8, v1;
	s5 =	sadd.s32 $0xD2000, s1;
	s1 =	simm.s32 $0x2;
	[dreg:$0x6] =	wrdreg s24  }
.LBB2_1:
0x12: {  	s11 =	rddreg [dreg:$0x3];
	s10 =	simm.s32 $0x5  }
0x13: {  	[tilespmem:s3], [sflag:$0x5] =	stream.linear.gather [hbm4b:s11+s3], $0x200, $0x38;
	[tilespmem:$0x18200] =	vst v63  }
0x14: {  	_ =	swait.ge [sflag:s10], $0x200  }
0x15: {  	[sflag:s10] =	ssyncset.done $0x0  }
0x16: {  	[sflag:s10] =	ssyncadd.s32 $0xFFFFFE00  }
0x17: {  	v3 =	vld [tilespmem:$0x0];
	_ =	sdelay $0x4  }
0x18: {  	v4 =	vshrl.u32 v3, $0x3  }
0x19: {  	v4 =	vmul.u32 $0x18, v4  }
0x1a: {  	v3 =	vand.u32 $0x7, v3  }
0x1b: {  	v3 =	vor.u32 v3, v4  }
0x1c: {  	v4 =	vperm.xlane v3, v0;
	_ =	sdelay $0x1  }
0x1d: {  	v4 =	vadd.s32 v1, v4;
	_ =	sdelay $0x1  }
0x1e: {  	v3 =	vperm.xlane v3, v2;
	_ =	sdelay $0x1  }
0x1f: {  	s9 =	simm.s32 $0x200;
	v3 =	vadd.s32 v1, v3  }
0x20: {  	[tilespmem:s9], [sflag:$0x1] =	stream.indirect_vreg.gather [hbm4b:s2+s3], $0x80, v4, vm0, $0xb8;
	[tilespmem:$0x18200] =	vst v63  }
0x21: {  	s25 =	simm.s32 $0xA00  }
0x22: {  	[tilespmem:s25], [sflag:$0x1] =	stream.indirect_vreg.gather [hbm4b:s6+s3], $0x80, v4, vm1, $0xb8;
	[tilespmem:$0x18200] =	vst v63  }
0x23: {  	s26 =	simm.s32 $0xE00  }
0x24: {  	[tilespmem:s26], [sflag:$0x1] =	stream.indirect_vreg.gather [hbm4b:s2+s3], $0x80, v3, vm0, $0xb8;
	[tilespmem:$0x18200] =	vst v63  }
0x25: {  	s28 =	simm.s32 $0x1600  }
0x26: {  	[tilespmem:s28], [sflag:$0x1] =	stream.indirect_vreg.gather [hbm4b:s6+s3], $0x80, v3, vm1, $0xb8;
	[tilespmem:$0x18200] =	vst v63  }
0x27: {  	v3 =	vld [tilespmem:$0x10];
	_ =	sdelay $0x4  }
0x28: {  	v57 =	vshrl.u32 v3, $0x3  }
0x29: {  	v4 =	vmul.u32 $0x18, v57  }
0x2a: {  	v3 =	vand.u32 $0x7, v3  }
0x2b: {  	v3 =	vor.u32 v3, v4  }
0x2c: {  	v4 =	vperm.xlane v3, v0;
	_ =	sdelay $0x1  }
0x2d: {  	v4 =	vadd.s32 v1, v4;
	_ =	sdelay $0x1  }
0x2e: {  	v3 =	vperm.xlane v3, v2;
	_ =	sdelay $0x1  }
0x2f: {  	s29 =	simm.s32 $0x1A00;
	v3 =	vadd.s32 v1, v3  }
0x30: {  	[tilespmem:s29], [sflag:$0x1] =	stream.indirect_vreg.gather [hbm4b:s2+s3], $0x80, v4, vm0, $0xb8;
	[tilespmem:$0x18200] =	vst v63  }
0x31: {  	s30 =	simm.s32 $0x2200  }
0x32: {  	[tilespmem:s30], [sflag:$0x1] =	stream.indirect_vreg.gather [hbm4b:s6+s3], $0x80, v4, vm1, $0xb8;
	[tilespmem:$0x18200] =	vst v63  }
0x33: {  	s31 =	simm.s32 $0x2600  }
0x34: {  	[tilespmem:s31], [sflag:$0x1] =	stream.indirect_vreg.gather [hbm4b:s2+s3], $0x80, v3, vm0, $0xb8;
	[tilespmem:$0x18200] =	vst v63  }
0x35: {  	s11 =	simm.s32 $0x2E00  }
0x36: {  	[tilespmem:s11], [sflag:$0x1] =	stream.indirect_vreg.gather [hbm4b:s6+s3], $0x80, v3, vm1, $0xb8;
	[tilespmem:$0x18200] =	vst v63  }
0x37: {  	v3 =	vld [tilespmem:$0x20];
	_ =	sdelay $0x4  }
0x38: {  	v58 =	vshrl.u32 v3, $0x3  }
0x39: {  	v4 =	vmul.u32 $0x18, v58  }
0x3a: {  	v3 =	vand.u32 $0x7, v3  }
0x3b: {  	v3 =	vor.u32 v3, v4  }
0x3c: {  	v4 =	vperm.xlane v3, v0;
	_ =	sdelay $0x1  }
0x3d: {  	v4 =	vadd.s32 v1, v4;
	_ =	sdelay $0x1  }
0x3e: {  	v3 =	vperm.xlane v3, v2;
	_ =	sdelay $0x1  }
0x3f: {  	s12 =	simm.s32 $0x3200;
	v3 =	vadd.s32 v1, v3  }
0x40: {  	[tilespmem:s12], [sflag:$0x1] =	stream.indirect_vreg.gather [hbm4b:s2+s3], $0x80, v4, vm0, $0xb8;
	[tilespmem:$0x18200] =	vst v63  }
0x41: {  	s15 =	simm.s32 $0x3A00  }
0x42: {  	[tilespmem:s15], [sflag:$0x1] =	stream.indirect_vreg.gather [hbm4b:s6+s3], $0x80, v4, vm1, $0xb8;
	[tilespmem:$0x18200] =	vst v63  }
0x43: {  	s16 =	simm.s32 $0x3E00  }
0x44: {  	[tilespmem:s16], [sflag:$0x1] =	stream.indirect_vreg.gather [hbm4b:s2+s3], $0x80, v3, vm0, $0xb8;
	[tilespmem:$0x18200] =	vst v63  }
0x45: {  	s17 =	simm.s32 $0x4600  }
0x46: {  	[tilespmem:s17], [sflag:$0x1] =	stream.indirect_vreg.gather [hbm4b:s6+s3], $0x80, v3, vm1, $0xb8;
	[tilespmem:$0x18200] =	vst v63  }
0x47: {  	v3 =	vld [tilespmem:$0x30];
	_ =	sdelay $0x4  }
0x48: {  	v59 =	vshrl.u32 v3, $0x3  }
0x49: {  	v4 =	vmul.u32 $0x18, v59  }
0x4a: {  	v3 =	vand.u32 $0x7, v3  }
0x4b: {  	v3 =	vor.u32 v3, v4  }
0x4c: {  	v4 =	vperm.xlane v3, v0;
	_ =	sdelay $0x1  }
0x4d: {  	v4 =	vadd.s32 v1, v4;
	_ =	sdelay $0x1  }
0x4e: {  	v3 =	vperm.xlane v3, v2;
	_ =	sdelay $0x1  }
0x4f: {  	s18 =	simm.s32 $0x4A00;
	v3 =	vadd.s32 v1, v3  }
0x50: {  	[tilespmem:s18], [sflag:$0x1] =	stream.indirect_vreg.gather [hbm4b:s2+s3], $0x80, v4, vm0, $0xb8;
	[tilespmem:$0x18200] =	vst v63  }
0x51: {  	s20 =	simm.s32 $0x5200  }
0x52: {  	[tilespmem:s20], [sflag:$0x1] =	stream.indirect_vreg.gather [hbm4b:s6+s3], $0x80, v4, vm1, $0xb8;
	[tilespmem:$0x18200] =	vst v63  }
0x53: {  	s25 =	simm.s32 $0x5600  }
0x54: {  	[tilespmem:s25], [sflag:$0x1] =	stream.indirect_vreg.gather [hbm4b:s2+s3], $0x80, v3, vm0, $0xb8;
	[tilespmem:$0x18200] =	vst v63  }
0x55: {  	s29 =	simm.s32 $0x5E00  }
0x56: {  	[tilespmem:s29], [sflag:$0x1] =	stream.indirect_vreg.gather [hbm4b:s6+s3], $0x80, v3, vm1, $0xb8;
	[tilespmem:$0x18200] =	vst v63  }
0x57: {  	v3 =	vld [tilespmem:$0x40];
	_ =	sdelay $0x4  }
0x58: {  	v60 =	vshrl.u32 v3, $0x3  }
0x59: {  	v4 =	vmul.u32 $0x18, v60  }
0x5a: {  	v3 =	vand.u32 $0x7, v3  }
0x5b: {  	v3 =	vor.u32 v3, v4  }
0x5c: {  	v4 =	vperm.xlane v3, v0;
	_ =	sdelay $0x1  }
0x5d: {  	v4 =	vadd.s32 v1, v4;
	_ =	sdelay $0x1  }
0x5e: {  	v3 =	vperm.xlane v3, v2;
	_ =	sdelay $0x1  }
0x5f: {  	s31 =	simm.s32 $0x6200;
	v3 =	vadd.s32 v1, v3  }
0x60: {  	[tilespmem:s31], [sflag:$0x1] =	stream.indirect_vreg.gather [hbm4b:s2+s3], $0x80, v4, vm0, $0xb8;
	[tilespmem:$0x18200] =	vst v63  }
0x61: {  	s11 =	simm.s32 $0x6A00  }
0x62: {  	[tilespmem:s11], [sflag:$0x1] =	stream.indirect_vreg.gather [hbm4b:s6+s3], $0x80, v4, vm1, $0xb8;
	[tilespmem:$0x18200] =	vst v63  }
0x63: {  	s16 =	simm.s32 $0x6E00  }
0x64: {  	[tilespmem:s16], [sflag:$0x1] =	stream.indirect_vreg.gather [hbm4b:s2+s3], $0x80, v3, vm0, $0xb8;
	[tilespmem:$0x18200] =	vst v63  }
0x65: {  	s17 =	simm.s32 $0x7600  }
0x66: {  	[tilespmem:s17], [sflag:$0x1] =	stream.indirect_vreg.gather [hbm4b:s6+s3], $0x80, v3, vm1, $0xb8;
	[tilespmem:$0x18200] =	vst v63  }
0x67: {  	v3 =	vld [tilespmem:$0x50];
	_ =	sdelay $0x4  }
0x68: {  	v61 =	vshrl.u32 v3, $0x3  }
0x69: {  	v4 =	vmul.u32 $0x18, v61  }
0x6a: {  	v3 =	vand.u32 $0x7, v3  }
0x6b: {  	v3 =	vor.u32 v3, v4  }
0x6c: {  	v4 =	vperm.xlane v3, v0;
	_ =	sdelay $0x1  }
0x6d: {  	v4 =	vadd.s32 v1, v4;
	_ =	sdelay $0x1  }
0x6e: {  	v3 =	vperm.xlane v3, v2;
	_ =	sdelay $0x1  }
0x6f: {  	s18 =	simm.s32 $0x7A00;
	v3 =	vadd.s32 v1, v3  }
0x70: {  	[tilespmem:s18], [sflag:$0x1] =	stream.indirect_vreg.gather [hbm4b:s2+s3], $0x80, v4, vm0, $0xb8;
	[tilespmem:$0x18200] =	vst v63  }
0x71: {  	s20 =	simm.s32 $0x8200  }
0x72: {  	[tilespmem:s20], [sflag:$0x1] =	stream.indirect_vreg.gather [hbm4b:s6+s3], $0x80, v4, vm1, $0xb8;
	[tilespmem:$0x18200] =	vst v63  }
0x73: {  	s25 =	simm.s32 $0x8600  }
0x74: {  	[tilespmem:s25], [sflag:$0x1] =	stream.indirect_vreg.gather [hbm4b:s2+s3], $0x80, v3, vm0, $0xb8;
	[tilespmem:$0x18200] =	vst v63  }
0x75: {  	s29 =	simm.s32 $0x8E00  }
0x76: {  	[tilespmem:s29], [sflag:$0x1] =	stream.indirect_vreg.gather [hbm4b:s6+s3], $0x80, v3, vm1, $0xb8;
	[tilespmem:$0x18200] =	vst v63  }
0x77: {  	v3 =	vld [tilespmem:$0x60];
	_ =	sdelay $0x4  }
0x78: {  	v62 =	vshrl.u32 v3, $0x3  }
0x79: {  	v4 =	vmul.u32 $0x18, v62  }
0x7a: {  	v3 =	vand.u32 $0x7, v3  }
0x7b: {  	v3 =	vor.u32 v3, v4  }
0x7c: {  	v4 =	vperm.xlane v3, v0;
	_ =	sdelay $0x1  }
0x7d: {  	v4 =	vadd.s32 v1, v4;
	_ =	sdelay $0x1  }
0x7e: {  	v3 =	vperm.xlane v3, v2;
	_ =	sdelay $0x1  }
0x7f: {  	s11 =	simm.s32 $0x9200;
	v3 =	vadd.s32 v1, v3  }
0x80: {  	[tilespmem:s11], [sflag:$0x1] =	stream.indirect_vreg.gather [hbm4b:s2+s3], $0x80, v4, vm0, $0xb8;
	[tilespmem:$0x18200] =	vst v63  }
0x81: {  	s18 =	simm.s32 $0x9A00  }
0x82: {  	[tilespmem:s18], [sflag:$0x1] =	stream.indirect_vreg.gather [hbm4b:s6+s3], $0x80, v4, vm1, $0xb8;
	[tilespmem:$0x18200] =	vst v63  }
0x83: {  	s11 =	simm.s32 $0x9E00  }
0x84: {  	[tilespmem:s11], [sflag:$0x1] =	stream.indirect_vreg.gather [hbm4b:s2+s3], $0x80, v3, vm0, $0xb8;
	[tilespmem:$0x18200] =	vst v63  }
0x85: {  	s18 =	simm.s32 $0xA600  }
0x86: {  	[tilespmem:s18], [sflag:$0x1] =	stream.indirect_vreg.gather [hbm4b:s6+s3], $0x80, v3, vm1, $0xb8;
	[tilespmem:$0x18200] =	vst v63  }
0x87: {  	v3 =	vld [tilespmem:$0x70];
	_ =	sdelay $0x4  }
0x88: {  	v63 =	vshrl.u32 v3, $0x3  }
0x89: {  	v4 =	vmul.u32 $0x18, v63  }
0x8a: {  	v3 =	vand.u32 $0x7, v3  }
0x8b: {  	v3 =	vor.u32 v3, v4  }
0x8c: {  	v4 =	vperm.xlane v3, v0;
	_ =	sdelay $0x1  }
0x8d: {  	v4 =	vadd.s32 v1, v4;
	_ =	sdelay $0x1  }
0x8e: {  	v3 =	vperm.xlane v3, v2;
	_ =	sdelay $0x1  }
0x8f: {  	s11 =	simm.s32 $0xAA00;
	v3 =	vadd.s32 v1, v3  }
0x90: {  	[tilespmem:s11], [sflag:$0x1] =	stream.indirect_vreg.gather [hbm4b:s2+s3], $0x80, v4, vm0, $0xb8;
	[tilespmem:$0x18200] =	vst v63  }
0x91: {  	s11 =	simm.s32 $0xB200  }
0x92: {  	[tilespmem:s11], [sflag:$0x1] =	stream.indirect_vreg.gather [hbm4b:s6+s3], $0x80, v4, vm1, $0xb8;
	[tilespmem:$0x18200] =	vst v63  }
0x93: {  	s11 =	simm.s32 $0xB600  }
0x94: {  	[tilespmem:s11], [sflag:$0x1] =	stream.indirect_vreg.gather [hbm4b:s2+s3], $0x80, v3, vm0, $0xb8;
	[tilespmem:$0x18200] =	vst v63  }
0x95: {  	s11 =	simm.s32 $0xBE00  }
0x96: {  	[tilespmem:s11], [sflag:$0x1] =	stream.indirect_vreg.gather [hbm4b:s6+s3], $0x80, v3, vm1, $0xb8;
	[tilespmem:$0x18200] =	vst v63  }
0x97: {  	_ =	swait.ge [sflag:s14], $0xC000  }
0x98: {  	[sflag:s14] =	ssyncset.done $0x0  }
0x99: {  	[sflag:s14] =	ssyncadd.s32 $0xFFFF4000  }
0x9a: {  	v3 =	vld [tilespmem:$0x80];
	_ =	sdelay $0x4  }
0x9b: {  	v8 =	vshrl.u32 v3, $0x3  }
0x9c: {  	v4 =	vmul.u32 $0x18, v8  }
0x9d: {  	v3 =	vand.u32 $0x7, v3  }
0x9e: {  	v3 =	vor.u32 v3, v4  }
0x9f: {  	v4 =	vperm.xlane v3, v0;
	_ =	sdelay $0x1  }
0xa0: {  	v4 =	vadd.s32 v1, v4;
	_ =	sdelay $0x1  }
0xa1: {  	v3 =	vperm.xlane v3, v2;
	_ =	sdelay $0x1  }
0xa2: {  	s11 =	simm.s32 $0xC200;
	v3 =	vadd.s32 v1, v3  }
0xa3: {  	[tilespmem:s11], [sflag:$0x2] =	stream.indirect_vreg.gather [hbm4b:s2+s3], $0x80, v4, vm0, $0xb8;
	[tilespmem:$0x18200] =	vst v63  }
0xa4: {  	s11 =	simm.s32 $0xCA00  }
0xa5: {  	[tilespmem:s11], [sflag:$0x2] =	stream.indirect_vreg.gather [hbm4b:s6+s3], $0x80, v4, vm1, $0xb8;
	[tilespmem:$0x18200] =	vst v63  }
0xa6: {  	s11 =	simm.s32 $0xCE00  }
0xa7: {  	[tilespmem:s11], [sflag:$0x2] =	stream.indirect_vreg.gather [hbm4b:s2+s3], $0x80, v3, vm0, $0xb8;
	[tilespmem:$0x18200] =	vst v63  }
0xa8: {  	s11 =	simm.s32 $0xD600  }
0xa9: {  	[tilespmem:s11], [sflag:$0x2] =	stream.indirect_vreg.gather [hbm4b:s6+s3], $0x80, v3, vm1, $0xb8;
	[tilespmem:$0x18200] =	vst v63  }
0xaa: {  	v3 =	vld [tilespmem:$0x90];
	_ =	sdelay $0x4  }
0xab: {  	v9 =	vshrl.u32 v3, $0x3  }
0xac: {  	v4 =	vmul.u32 $0x18, v9  }
0xad: {  	v3 =	vand.u32 $0x7, v3  }
0xae: {  	v3 =	vor.u32 v3, v4  }
0xaf: {  	v4 =	vperm.xlane v3, v0;
	_ =	sdelay $0x1  }
0xb0: {  	v4 =	vadd.s32 v1, v4;
	_ =	sdelay $0x1  }
0xb1: {  	v3 =	vperm.xlane v3, v2;
	_ =	sdelay $0x1  }
0xb2: {  	s11 =	simm.s32 $0xDA00;
	v3 =	vadd.s32 v1, v3  }
0xb3: {  	[tilespmem:s11], [sflag:$0x2] =	stream.indirect_vreg.gather [hbm4b:s2+s3], $0x80, v4, vm0, $0xb8;
	[tilespmem:$0x18200] =	vst v63  }
0xb4: {  	s11 =	simm.s32 $0xE200  }
0xb5: {  	[tilespmem:s11], [sflag:$0x2] =	stream.indirect_vreg.gather [hbm4b:s6+s3], $0x80, v4, vm1, $0xb8;
	[tilespmem:$0x18200] =	vst v63  }
0xb6: {  	s11 =	simm.s32 $0xE600  }
0xb7: {  	[tilespmem:s11], [sflag:$0x2] =	stream.indirect_vreg.gather [hbm4b:s2+s3], $0x80, v3, vm0, $0xb8;
	[tilespmem:$0x18200] =	vst v63  }
0xb8: {  	s11 =	simm.s32 $0xEE00  }
0xb9: {  	[tilespmem:s11], [sflag:$0x2] =	stream.indirect_vreg.gather [hbm4b:s6+s3], $0x80, v3, vm1, $0xb8;
	[tilespmem:$0x18200] =	vst v63  }
0xba: {  	v3 =	vld [tilespmem:$0xA0];
	_ =	sdelay $0x4  }
0xbb: {  	v10 =	vshrl.u32 v3, $0x3  }
0xbc: {  	v4 =	vmul.u32 $0x18, v10  }
0xbd: {  	v3 =	vand.u32 $0x7, v3  }
0xbe: {  	v3 =	vor.u32 v3, v4  }
0xbf: {  	v4 =	vperm.xlane v3, v0;
	_ =	sdelay $0x1  }
0xc0: {  	v4 =	vadd.s32 v1, v4;
	_ =	sdelay $0x1  }
0xc1: {  	v3 =	vperm.xlane v3, v2;
	_ =	sdelay $0x1  }
0xc2: {  	s11 =	simm.s32 $0xF200;
	v3 =	vadd.s32 v1, v3  }
0xc3: {  	[tilespmem:s11], [sflag:$0x2] =	stream.indirect_vreg.gather [hbm4b:s2+s3], $0x80, v4, vm0, $0xb8;
	[tilespmem:$0x18200] =	vst v63  }
0xc4: {  	s11 =	simm.s32 $0xFA00  }
0xc5: {  	[tilespmem:s11], [sflag:$0x2] =	stream.indirect_vreg.gather [hbm4b:s6+s3], $0x80, v4, vm1, $0xb8;
	[tilespmem:$0x18200] =	vst v63  }
0xc6: {  	s11 =	simm.s32 $0xFE00  }
0xc7: {  	[tilespmem:s11], [sflag:$0x2] =	stream.indirect_vreg.gather [hbm4b:s2+s3], $0x80, v3, vm0, $0xb8;
	[tilespmem:$0x18200] =	vst v63  }
0xc8: {  	s11 =	simm.s32 $0x10600  }
0xc9: {  	[tilespmem:s11], [sflag:$0x2] =	stream.indirect_vreg.gather [hbm4b:s6+s3], $0x80, v3, vm1, $0xb8;
	[tilespmem:$0x18200] =	vst v63  }
0xca: {  	v3 =	vld [tilespmem:$0xB0];
	_ =	sdelay $0x4  }
0xcb: {  	v11 =	vshrl.u32 v3, $0x3  }
0xcc: {  	v4 =	vmul.u32 $0x18, v11  }
0xcd: {  	v3 =	vand.u32 $0x7, v3  }
0xce: {  	v3 =	vor.u32 v3, v4  }
0xcf: {  	v4 =	vperm.xlane v3, v0;
	_ =	sdelay $0x1  }
0xd0: {  	v4 =	vadd.s32 v1, v4;
	_ =	sdelay $0x1  }
0xd1: {  	v3 =	vperm.xlane v3, v2;
	_ =	sdelay $0x1  }
0xd2: {  	s11 =	simm.s32 $0x10A00;
	v3 =	vadd.s32 v1, v3  }
0xd3: {  	[tilespmem:s11], [sflag:$0x2] =	stream.indirect_vreg.gather [hbm4b:s2+s3], $0x80, v4, vm0, $0xb8;
	[tilespmem:$0x18200] =	vst v63  }
0xd4: {  	s11 =	simm.s32 $0x11200  }
0xd5: {  	[tilespmem:s11], [sflag:$0x2] =	stream.indirect_vreg.gather [hbm4b:s6+s3], $0x80, v4, vm1, $0xb8;
	[tilespmem:$0x18200] =	vst v63  }
0xd6: {  	s11 =	simm.s32 $0x11600  }
0xd7: {  	[tilespmem:s11], [sflag:$0x2] =	stream.indirect_vreg.gather [hbm4b:s2+s3], $0x80, v3, vm0, $0xb8;
	[tilespmem:$0x18200] =	vst v63  }
0xd8: {  	s11 =	simm.s32 $0x11E00  }
0xd9: {  	[tilespmem:s11], [sflag:$0x2] =	stream.indirect_vreg.gather [hbm4b:s6+s3], $0x80, v3, vm1, $0xb8;
	[tilespmem:$0x18200] =	vst v63  }
0xda: {  	v3 =	vld [tilespmem:$0xC0];
	_ =	sdelay $0x4  }
0xdb: {  	v12 =	vshrl.u32 v3, $0x3  }
0xdc: {  	v4 =	vmul.u32 $0x18, v12  }
0xdd: {  	v3 =	vand.u32 $0x7, v3  }
0xde: {  	v3 =	vor.u32 v3, v4  }
0xdf: {  	v4 =	vperm.xlane v3, v0;
	_ =	sdelay $0x1  }
0xe0: {  	v4 =	vadd.s32 v1, v4;
	_ =	sdelay $0x1  }
0xe1: {  	v3 =	vperm.xlane v3, v2;
	_ =	sdelay $0x1  }
0xe2: {  	s11 =	simm.s32 $0x12200;
	v3 =	vadd.s32 v1, v3  }
0xe3: {  	[tilespmem:s11], [sflag:$0x2] =	stream.indirect_vreg.gather [hbm4b:s2+s3], $0x80, v4, vm0, $0xb8;
	[tilespmem:$0x18200] =	vst v63  }
0xe4: {  	s11 =	simm.s32 $0x12A00  }
0xe5: {  	[tilespmem:s11], [sflag:$0x2] =	stream.indirect_vreg.gather [hbm4b:s6+s3], $0x80, v4, vm1, $0xb8;
	[tilespmem:$0x18200] =	vst v63  }
0xe6: {  	s11 =	simm.s32 $0x12E00  }
0xe7: {  	[tilespmem:s11], [sflag:$0x2] =	stream.indirect_vreg.gather [hbm4b:s2+s3], $0x80, v3, vm0, $0xb8;
	[tilespmem:$0x18200] =	vst v63  }
0xe8: {  	s11 =	simm.s32 $0x13600  }
0xe9: {  	[tilespmem:s11], [sflag:$0x2] =	stream.indirect_vreg.gather [hbm4b:s6+s3], $0x80, v3, vm1, $0xb8;
	[tilespmem:$0x18200] =	vst v63  }
0xea: {  	v3 =	vld [tilespmem:$0xD0];
	_ =	sdelay $0x4  }
0xeb: {  	v13 =	vshrl.u32 v3, $0x3  }
0xec: {  	v4 =	vmul.u32 $0x18, v13  }
0xed: {  	v3 =	vand.u32 $0x7, v3  }
0xee: {  	v3 =	vor.u32 v3, v4  }
0xef: {  	v4 =	vperm.xlane v3, v0;
	_ =	sdelay $0x1  }
0xf0: {  	v4 =	vadd.s32 v1, v4;
	_ =	sdelay $0x1  }
0xf1: {  	v3 =	vperm.xlane v3, v2;
	_ =	sdelay $0x1  }
0xf2: {  	s11 =	simm.s32 $0x13A00;
	v3 =	vadd.s32 v1, v3  }
0xf3: {  	[tilespmem:s11], [sflag:$0x2] =	stream.indirect_vreg.gather [hbm4b:s2+s3], $0x80, v4, vm0, $0xb8;
	[tilespmem:$0x18200] =	vst v63  }
0xf4: {  	s11 =	simm.s32 $0x14200  }
0xf5: {  	[tilespmem:s11], [sflag:$0x2] =	stream.indirect_vreg.gather [hbm4b:s6+s3], $0x80, v4, vm1, $0xb8;
	[tilespmem:$0x18200] =	vst v63  }
0xf6: {  	s11 =	simm.s32 $0x14600  }
0xf7: {  	[tilespmem:s11], [sflag:$0x2] =	stream.indirect_vreg.gather [hbm4b:s2+s3], $0x80, v3, vm0, $0xb8;
	[tilespmem:$0x18200] =	vst v63  }
0xf8: {  	s11 =	simm.s32 $0x14E00  }
0xf9: {  	[tilespmem:s11], [sflag:$0x2] =	stream.indirect_vreg.gather [hbm4b:s6+s3], $0x80, v3, vm1, $0xb8;
	[tilespmem:$0x18200] =	vst v63  }
0xfa: {  	v3 =	vld [tilespmem:$0xE0];
	_ =	sdelay $0x4  }
0xfb: {  	v14 =	vshrl.u32 v3, $0x3  }
0xfc: {  	v4 =	vmul.u32 $0x18, v14  }
0xfd: {  	v3 =	vand.u32 $0x7, v3  }
0xfe: {  	v3 =	vor.u32 v3, v4  }
0xff: {  	v4 =	vperm.xlane v3, v0;
	_ =	sdelay $0x1  }
0x100: {  	v4 =	vadd.s32 v1, v4;
	_ =	sdelay $0x1  }
0x101: {  	v3 =	vperm.xlane v3, v2;
	_ =	sdelay $0x1  }
0x102: {  	s11 =	simm.s32 $0x15200;
	v3 =	vadd.s32 v1, v3  }
0x103: {  	[tilespmem:s11], [sflag:$0x2] =	stream.indirect_vreg.gather [hbm4b:s2+s3], $0x80, v4, vm0, $0xb8;
	[tilespmem:$0x18200] =	vst v63  }
0x104: {  	s11 =	simm.s32 $0x15A00  }
0x105: {  	[tilespmem:s11], [sflag:$0x2] =	stream.indirect_vreg.gather [hbm4b:s6+s3], $0x80, v4, vm1, $0xb8;
	[tilespmem:$0x18200] =	vst v63  }
0x106: {  	s11 =	simm.s32 $0x15E00  }
0x107: {  	[tilespmem:s11], [sflag:$0x2] =	stream.indirect_vreg.gather [hbm4b:s2+s3], $0x80, v3, vm0, $0xb8;
	[tilespmem:$0x18200] =	vst v63  }
0x108: {  	s11 =	simm.s32 $0x16600  }
0x109: {  	[tilespmem:s11], [sflag:$0x2] =	stream.indirect_vreg.gather [hbm4b:s6+s3], $0x80, v3, vm1, $0xb8;
	[tilespmem:$0x18200] =	vst v63  }
0x10a: {  	v3 =	vld [tilespmem:$0xF0];
	_ =	sdelay $0x4  }
0x10b: {  	v15 =	vshrl.u32 v3, $0x3  }
0x10c: {  	v4 =	vmul.u32 $0x18, v15  }
0x10d: {  	v3 =	vand.u32 $0x7, v3  }
0x10e: {  	v3 =	vor.u32 v3, v4  }
0x10f: {  	v4 =	vperm.xlane v3, v0;
	_ =	sdelay $0x1  }
0x110: {  	v4 =	vadd.s32 v1, v4;
	_ =	sdelay $0x1  }
0x111: {  	v3 =	vperm.xlane v3, v2;
	_ =	sdelay $0x1  }
0x112: {  	s11 =	simm.s32 $0x16A00;
	v3 =	vadd.s32 v1, v3  }
0x113: {  	[tilespmem:s11], [sflag:$0x2] =	stream.indirect_vreg.gather [hbm4b:s2+s3], $0x80, v4, vm0, $0xb8;
	[tilespmem:$0x18200] =	vst v63  }
0x114: {  	s11 =	simm.s32 $0x17200  }
0x115: {  	[tilespmem:s11], [sflag:$0x2] =	stream.indirect_vreg.gather [hbm4b:s6+s3], $0x80, v4, vm1, $0xb8;
	[tilespmem:$0x18200] =	vst v63  }
0x116: {  	s11 =	simm.s32 $0x17600  }
0x117: {  	[tilespmem:s11], [sflag:$0x2] =	stream.indirect_vreg.gather [hbm4b:s2+s3], $0x80, v3, vm0, $0xb8;
	[tilespmem:$0x18200] =	vst v63  }
0x118: {  	s9 =	simm.s32 $0x17E00  }
0x119: {  	[tilespmem:s9], [sflag:$0x2] =	stream.indirect_vreg.gather [hbm4b:s6+s3], $0x80, v3, vm1, $0xb8;
	[tilespmem:$0x18200] =	vst v63  }
0x11a: {  	s11 =	rddreg [dreg:$0xc];
	s9 =	simm.s32 $0x200  }
0x11b: {  	[hbm4b:s11+s3] =	stream.linear.scatter [tilespmem:s9], [sflag:$0x3], $0xC000, $0x38;
	[tilespmem:$0x18200] =	vst v63  }
0x11c: {  	_ =	swait.ge [sflag:s1], $0xC000  }
0x11d: {  	[sflag:s1] =	ssyncset.done $0x0  }
0x11e: {  	[sflag:s1] =	ssyncadd.s32 $0xFFFF4000  }
0x11f: {  	_ =	swait.ge [sflag:s0], $0xC000  }
0x120: {  	[sflag:s0] =	ssyncset.done $0x0  }
0x121: {  	[sflag:s0] =	ssyncadd.s32 $0xFFFF4000  }
0x122: {  	v3 =	vld [tilespmem:$0x100];
	_ =	sdelay $0x4  }
0x123: {  	v16 =	vshrl.u32 v3, $0x3  }
0x124: {  	v4 =	vmul.u32 $0x18, v16  }
0x125: {  	v3 =	vand.u32 $0x7, v3  }
0x126: {  	v3 =	vor.u32 v3, v4  }
0x127: {  	v4 =	vperm.xlane v3, v0;
	_ =	sdelay $0x1  }
0x128: {  	v4 =	vadd.s32 v1, v4;
	_ =	sdelay $0x1  }
0x129: {  	v3 =	vperm.xlane v3, v2;
	_ =	sdelay $0x1  }
0x12a: {  	v3 =	vadd.s32 v1, v3  }
0x12b: {  	[tilespmem:s9], [sflag:$0x1] =	stream.indirect_vreg.gather [hbm4b:s2+s3], $0x80, v4, vm0, $0xb8;
	[tilespmem:$0x18200] =	vst v63  }
0x12c: {  	s11 =	simm.s32 $0xA00  }
0x12d: {  	[tilespmem:s11], [sflag:$0x1] =	stream.indirect_vreg.gather [hbm4b:s6+s3], $0x80, v4, vm1, $0xb8;
	[tilespmem:$0x18200] =	vst v63  }
0x12e: {  	s11 =	simm.s32 $0xE00  }
0x12f: {  	[tilespmem:s11], [sflag:$0x1] =	stream.indirect_vreg.gather [hbm4b:s2+s3], $0x80, v3, vm0, $0xb8;
	[tilespmem:$0x18200] =	vst v63  }
0x130: {  	s19 =	simm.s32 $0x1600  }
0x131: {  	[tilespmem:s19], [sflag:$0x1] =	stream.indirect_vreg.gather [hbm4b:s6+s3], $0x80, v3, vm1, $0xb8;
	[tilespmem:$0x18200] =	vst v63  }
0x132: {  	v3 =	vld [tilespmem:$0x110];
	_ =	sdelay $0x4  }
0x133: {  	v17 =	vshrl.u32 v3, $0x3  }
0x134: {  	v4 =	vmul.u32 $0x18, v17  }
0x135: {  	v3 =	vand.u32 $0x7, v3  }
0x136: {  	v3 =	vor.u32 v3, v4  }
0x137: {  	v4 =	vperm.xlane v3, v0;
	_ =	sdelay $0x1  }
0x138: {  	v4 =	vadd.s32 v1, v4;
	_ =	sdelay $0x1  }
0x139: {  	v3 =	vperm.xlane v3, v2;
	_ =	sdelay $0x1  }
0x13a: {  	s19 =	simm.s32 $0x1A00;
	v3 =	vadd.s32 v1, v3  }
0x13b: {  	[tilespmem:s19], [sflag:$0x1] =	stream.indirect_vreg.gather [hbm4b:s2+s3], $0x80, v4, vm0, $0xb8;
	[tilespmem:$0x18200] =	vst v63  }
0x13c: {  	s11 =	simm.s32 $0x2200  }
0x13d: {  	[tilespmem:s11], [sflag:$0x1] =	stream.indirect_vreg.gather [hbm4b:s6+s3], $0x80, v4, vm1, $0xb8;
	[tilespmem:$0x18200] =	vst v63  }
0x13e: {  	s21 =	simm.s32 $0x2600  }
0x13f: {  	[tilespmem:s21], [sflag:$0x1] =	stream.indirect_vreg.gather [hbm4b:s2+s3], $0x80, v3, vm0, $0xb8;
	[tilespmem:$0x18200] =	vst v63  }
0x140: {  	s13 =	simm.s32 $0x2E00  }
0x141: {  	[tilespmem:s13], [sflag:$0x1] =	stream.indirect_vreg.gather [hbm4b:s6+s3], $0x80, v3, vm1, $0xb8;
	[tilespmem:$0x18200] =	vst v63  }
0x142: {  	v3 =	vld [tilespmem:$0x120];
	_ =	sdelay $0x4  }
0x143: {  	v18 =	vshrl.u32 v3, $0x3  }
0x144: {  	v4 =	vmul.u32 $0x18, v18  }
0x145: {  	v3 =	vand.u32 $0x7, v3  }
0x146: {  	v3 =	vor.u32 v3, v4  }
0x147: {  	v4 =	vperm.xlane v3, v0;
	_ =	sdelay $0x1  }
0x148: {  	v4 =	vadd.s32 v1, v4;
	_ =	sdelay $0x1  }
0x149: {  	v3 =	vperm.xlane v3, v2;
	_ =	sdelay $0x1  }
0x14a: {  	s22 =	simm.s32 $0x3200;
	v3 =	vadd.s32 v1, v3  }
0x14b: {  	[tilespmem:s22], [sflag:$0x1] =	stream.indirect_vreg.gather [hbm4b:s2+s3], $0x80, v4, vm0, $0xb8;
	[tilespmem:$0x18200] =	vst v63  }
0x14c: {  	s23 =	simm.s32 $0x3A00  }
0x14d: {  	[tilespmem:s23], [sflag:$0x1] =	stream.indirect_vreg.gather [hbm4b:s6+s3], $0x80, v4, vm1, $0xb8;
	[tilespmem:$0x18200] =	vst v63  }
0x14e: {  	s24 =	simm.s32 $0x3E00  }
0x14f: {  	[tilespmem:s24], [sflag:$0x1] =	stream.indirect_vreg.gather [hbm4b:s2+s3], $0x80, v3, vm0, $0xb8;
	[tilespmem:$0x18200] =	vst v63  }
0x150: {  	s12 =	simm.s32 $0x4600  }
0x151: {  	[tilespmem:s12], [sflag:$0x1] =	stream.indirect_vreg.gather [hbm4b:s6+s3], $0x80, v3, vm1, $0xb8;
	[tilespmem:$0x18200] =	vst v63  }
0x152: {  	v3 =	vld [tilespmem:$0x130];
	_ =	sdelay $0x4  }
0x153: {  	v19 =	vshrl.u32 v3, $0x3  }
0x154: {  	v4 =	vmul.u32 $0x18, v19  }
0x155: {  	v3 =	vand.u32 $0x7, v3  }
0x156: {  	v3 =	vor.u32 v3, v4  }
0x157: {  	v4 =	vperm.xlane v3, v0;
	_ =	sdelay $0x1  }
0x158: {  	v4 =	vadd.s32 v1, v4;
	_ =	sdelay $0x1  }
0x159: {  	v3 =	vperm.xlane v3, v2;
	_ =	sdelay $0x1  }
0x15a: {  	s26 =	simm.s32 $0x4A00;
	v3 =	vadd.s32 v1, v3  }
0x15b: {  	[tilespmem:s26], [sflag:$0x1] =	stream.indirect_vreg.gather [hbm4b:s2+s3], $0x80, v4, vm0, $0xb8;
	[tilespmem:$0x18200] =	vst v63  }
0x15c: {  	s28 =	simm.s32 $0x5200  }
0x15d: {  	[tilespmem:s28], [sflag:$0x1] =	stream.indirect_vreg.gather [hbm4b:s6+s3], $0x80, v4, vm1, $0xb8;
	[tilespmem:$0x18200] =	vst v63  }
0x15e: {  	s30 =	simm.s32 $0x5600  }
0x15f: {  	[tilespmem:s30], [sflag:$0x1] =	stream.indirect_vreg.gather [hbm4b:s2+s3], $0x80, v3, vm0, $0xb8;
	[tilespmem:$0x18200] =	vst v63  }
0x160: {  	s15 =	simm.s32 $0x5E00  }
0x161: {  	[tilespmem:s15], [sflag:$0x1] =	stream.indirect_vreg.gather [hbm4b:s6+s3], $0x80, v3, vm1, $0xb8;
	[tilespmem:$0x18200] =	vst v63  }
0x162: {  	v3 =	vld [tilespmem:$0x140];
	_ =	sdelay $0x4  }
0x163: {  	v20 =	vshrl.u32 v3, $0x3  }
0x164: {  	v4 =	vmul.u32 $0x18, v20  }
0x165: {  	v3 =	vand.u32 $0x7, v3  }
0x166: {  	v3 =	vor.u32 v3, v4  }
0x167: {  	v4 =	vperm.xlane v3, v0;
	_ =	sdelay $0x1  }
0x168: {  	v4 =	vadd.s32 v1, v4;
	_ =	sdelay $0x1  }
0x169: {  	v3 =	vperm.xlane v3, v2;
	_ =	sdelay $0x1  }
0x16a: {  	s31 =	simm.s32 $0x6200;
	v3 =	vadd.s32 v1, v3  }
0x16b: {  	[tilespmem:s31], [sflag:$0x1] =	stream.indirect_vreg.gather [hbm4b:s2+s3], $0x80, v4, vm0, $0xb8;
	[tilespmem:$0x18200] =	vst v63  }
0x16c: {  	s12 =	simm.s32 $0x6A00  }
0x16d: {  	[tilespmem:s12], [sflag:$0x1] =	stream.indirect_vreg.gather [hbm4b:s6+s3], $0x80, v4, vm1, $0xb8;
	[tilespmem:$0x18200] =	vst v63  }
0x16e: {  	s13 =	simm.s32 $0x6E00  }
0x16f: {  	[tilespmem:s13], [sflag:$0x1] =	stream.indirect_vreg.gather [hbm4b:s2+s3], $0x80, v3, vm0, $0xb8;
	[tilespmem:$0x18200] =	vst v63  }
0x170: {  	s16 =	simm.s32 $0x7600  }
0x171: {  	[tilespmem:s16], [sflag:$0x1] =	stream.indirect_vreg.gather [hbm4b:s6+s3], $0x80, v3, vm1, $0xb8;
	[tilespmem:$0x18200] =	vst v63  }
0x172: {  	v3 =	vld [tilespmem:$0x150];
	_ =	sdelay $0x4  }
0x173: {  	v21 =	vshrl.u32 v3, $0x3  }
0x174: {  	v4 =	vmul.u32 $0x18, v21  }
0x175: {  	v3 =	vand.u32 $0x7, v3  }
0x176: {  	v3 =	vor.u32 v3, v4  }
0x177: {  	v4 =	vperm.xlane v3, v0;
	_ =	sdelay $0x1  }
0x178: {  	v4 =	vadd.s32 v1, v4;
	_ =	sdelay $0x1  }
0x179: {  	v3 =	vperm.xlane v3, v2;
	_ =	sdelay $0x1  }
0x17a: {  	s15 =	simm.s32 $0x7A00;
	v3 =	vadd.s32 v1, v3  }
0x17b: {  	[tilespmem:s15], [sflag:$0x1] =	stream.indirect_vreg.gather [hbm4b:s2+s3], $0x80, v4, vm0, $0xb8;
	[tilespmem:$0x18200] =	vst v63  }
0x17c: {  	s20 =	simm.s32 $0x8200  }
0x17d: {  	[tilespmem:s20], [sflag:$0x1] =	stream.indirect_vreg.gather [hbm4b:s6+s3], $0x80, v4, vm1, $0xb8;
	[tilespmem:$0x18200] =	vst v63  }
0x17e: {  	s25 =	simm.s32 $0x8600  }
0x17f: {  	[tilespmem:s25], [sflag:$0x1] =	stream.indirect_vreg.gather [hbm4b:s2+s3], $0x80, v3, vm0, $0xb8;
	[tilespmem:$0x18200] =	vst v63  }
0x180: {  	s17 =	simm.s32 $0x8E00  }
0x181: {  	[tilespmem:s17], [sflag:$0x1] =	stream.indirect_vreg.gather [hbm4b:s6+s3], $0x80, v3, vm1, $0xb8;
	[tilespmem:$0x18200] =	vst v63  }
0x182: {  	v3 =	vld [tilespmem:$0x160];
	_ =	sdelay $0x4  }
0x183: {  	v22 =	vshrl.u32 v3, $0x3  }
0x184: {  	v4 =	vmul.u32 $0x18, v22  }
0x185: {  	v3 =	vand.u32 $0x7, v3  }
0x186: {  	v3 =	vor.u32 v3, v4  }
0x187: {  	v4 =	vperm.xlane v3, v0;
	_ =	sdelay $0x1  }
0x188: {  	v4 =	vadd.s32 v1, v4;
	_ =	sdelay $0x1  }
0x189: {  	v3 =	vperm.xlane v3, v2;
	_ =	sdelay $0x1  }
0x18a: {  	s29 =	simm.s32 $0x9200;
	v3 =	vadd.s32 v1, v3  }
0x18b: {  	[tilespmem:s29], [sflag:$0x1] =	stream.indirect_vreg.gather [hbm4b:s2+s3], $0x80, v4, vm0, $0xb8;
	[tilespmem:$0x18200] =	vst v63  }
0x18c: {  	s16 =	simm.s32 $0x9A00  }
0x18d: {  	[tilespmem:s16], [sflag:$0x1] =	stream.indirect_vreg.gather [hbm4b:s6+s3], $0x80, v4, vm1, $0xb8;
	[tilespmem:$0x18200] =	vst v63  }
0x18e: {  	s17 =	simm.s32 $0x9E00  }
0x18f: {  	[tilespmem:s17], [sflag:$0x1] =	stream.indirect_vreg.gather [hbm4b:s2+s3], $0x80, v3, vm0, $0xb8;
	[tilespmem:$0x18200] =	vst v63  }
0x190: {  	s18 =	simm.s32 $0xA600  }
0x191: {  	[tilespmem:s18], [sflag:$0x1] =	stream.indirect_vreg.gather [hbm4b:s6+s3], $0x80, v3, vm1, $0xb8;
	[tilespmem:$0x18200] =	vst v63  }
0x192: {  	v3 =	vld [tilespmem:$0x170];
	_ =	sdelay $0x4  }
0x193: {  	v23 =	vshrl.u32 v3, $0x3  }
0x194: {  	v4 =	vmul.u32 $0x18, v23  }
0x195: {  	v3 =	vand.u32 $0x7, v3  }
0x196: {  	v3 =	vor.u32 v3, v4  }
0x197: {  	v4 =	vperm.xlane v3, v0;
	_ =	sdelay $0x1  }
0x198: {  	v4 =	vadd.s32 v1, v4;
	_ =	sdelay $0x1  }
0x199: {  	v3 =	vperm.xlane v3, v2;
	_ =	sdelay $0x1  }
0x19a: {  	s18 =	simm.s32 $0xAA00;
	v3 =	vadd.s32 v1, v3  }
0x19b: {  	[tilespmem:s18], [sflag:$0x1] =	stream.indirect_vreg.gather [hbm4b:s2+s3], $0x80, v4, vm0, $0xb8;
	[tilespmem:$0x18200] =	vst v63  }
0x19c: {  	s19 =	simm.s32 $0xB200  }
0x19d: {  	[tilespmem:s19], [sflag:$0x1] =	stream.indirect_vreg.gather [hbm4b:s6+s3], $0x80, v4, vm1, $0xb8;
	[tilespmem:$0x18200] =	vst v63  }
0x19e: {  	s20 =	simm.s32 $0xB600  }
0x19f: {  	[tilespmem:s20], [sflag:$0x1] =	stream.indirect_vreg.gather [hbm4b:s2+s3], $0x80, v3, vm0, $0xb8;
	[tilespmem:$0x18200] =	vst v63  }
0x1a0: {  	s22 =	simm.s32 $0xBE00  }
0x1a1: {  	[tilespmem:s22], [sflag:$0x1] =	stream.indirect_vreg.gather [hbm4b:s6+s3], $0x80, v3, vm1, $0xb8;
	[tilespmem:$0x18200] =	vst v63  }
0x1a2: {  	s21 =	rddreg [dreg:$0x4];
	s23 =	simm.s32 $0xC200  }
0x1a3: {  	[hbm4b:s21+s3] =	stream.linear.scatter [tilespmem:s23], [sflag:$0x4], $0xC000, $0x38;
	[tilespmem:$0x18200] =	vst v63  }
0x1a4: {  	_ =	swait.ge [sflag:s14], $0xC000  }
0x1a5: {  	[sflag:s14] =	ssyncset.done $0x0  }
0x1a6: {  	[sflag:s14] =	ssyncadd.s32 $0xFFFF4000  }
0x1a7: {  	_ =	swait.ge [sflag:s4], $0xC000  }
0x1a8: {  	[sflag:s4] =	ssyncset.done $0x0  }
0x1a9: {  	[sflag:s4] =	ssyncadd.s32 $0xFFFF4000  }
0x1aa: {  	v3 =	vld [tilespmem:$0x180];
	_ =	sdelay $0x4  }
0x1ab: {  	v24 =	vshrl.u32 v3, $0x3  }
0x1ac: {  	v4 =	vmul.u32 $0x18, v24  }
0x1ad: {  	v3 =	vand.u32 $0x7, v3  }
0x1ae: {  	v3 =	vor.u32 v3, v4  }
0x1af: {  	v4 =	vperm.xlane v3, v0;
	_ =	sdelay $0x1  }
0x1b0: {  	v4 =	vadd.s32 v1, v4;
	_ =	sdelay $0x1  }
0x1b1: {  	v3 =	vperm.xlane v3, v2;
	_ =	sdelay $0x1  }
0x1b2: {  	v3 =	vadd.s32 v1, v3  }
0x1b3: {  	[tilespmem:s23], [sflag:$0x2] =	stream.indirect_vreg.gather [hbm4b:s2+s3], $0x80, v4, vm0, $0xb8;
	[tilespmem:$0x18200] =	vst v63  }
0x1b4: {  	s24 =	simm.s32 $0xCA00  }
0x1b5: {  	[tilespmem:s24], [sflag:$0x2] =	stream.indirect_vreg.gather [hbm4b:s6+s3], $0x80, v4, vm1, $0xb8;
	[tilespmem:$0x18200] =	vst v63  }
0x1b6: {  	s25 =	simm.s32 $0xCE00  }
0x1b7: {  	[tilespmem:s25], [sflag:$0x2] =	stream.indirect_vreg.gather [hbm4b:s2+s3], $0x80, v3, vm0, $0xb8;
	[tilespmem:$0x18200] =	vst v63  }
0x1b8: {  	s26 =	simm.s32 $0xD600  }
0x1b9: {  	[tilespmem:s26], [sflag:$0x2] =	stream.indirect_vreg.gather [hbm4b:s6+s3], $0x80, v3, vm1, $0xb8;
	[tilespmem:$0x18200] =	vst v63  }
0x1ba: {  	v3 =	vld [tilespmem:$0x190];
	_ =	sdelay $0x4  }
0x1bb: {  	v25 =	vshrl.u32 v3, $0x3  }
0x1bc: {  	v4 =	vmul.u32 $0x18, v25  }
0x1bd: {  	v3 =	vand.u32 $0x7, v3  }
0x1be: {  	v3 =	vor.u32 v3, v4  }
0x1bf: {  	v4 =	vperm.xlane v3, v0;
	_ =	sdelay $0x1  }
0x1c0: {  	v4 =	vadd.s32 v1, v4;
	_ =	sdelay $0x1  }
0x1c1: {  	v3 =	vperm.xlane v3, v2;
	_ =	sdelay $0x1  }
0x1c2: {  	s12 =	simm.s32 $0xDA00;
	v3 =	vadd.s32 v1, v3  }
0x1c3: {  	[tilespmem:s12], [sflag:$0x2] =	stream.indirect_vreg.gather [hbm4b:s2+s3], $0x80, v4, vm0, $0xb8;
	[tilespmem:$0x18200] =	vst v63  }
0x1c4: {  	s15 =	simm.s32 $0xE200  }
0x1c5: {  	[tilespmem:s15], [sflag:$0x2] =	stream.indirect_vreg.gather [hbm4b:s6+s3], $0x80, v4, vm1, $0xb8;
	[tilespmem:$0x18200] =	vst v63  }
0x1c6: {  	s16 =	simm.s32 $0xE600  }
0x1c7: {  	[tilespmem:s16], [sflag:$0x2] =	stream.indirect_vreg.gather [hbm4b:s2+s3], $0x80, v3, vm0, $0xb8;
	[tilespmem:$0x18200] =	vst v63  }
0x1c8: {  	s28 =	simm.s32 $0xEE00  }
0x1c9: {  	[tilespmem:s28], [sflag:$0x2] =	stream.indirect_vreg.gather [hbm4b:s6+s3], $0x80, v3, vm1, $0xb8;
	[tilespmem:$0x18200] =	vst v63  }
0x1ca: {  	v3 =	vld [tilespmem:$0x1A0];
	_ =	sdelay $0x4  }
0x1cb: {  	v26 =	vshrl.u32 v3, $0x3  }
0x1cc: {  	v4 =	vmul.u32 $0x18, v26  }
0x1cd: {  	v3 =	vand.u32 $0x7, v3  }
0x1ce: {  	v3 =	vor.u32 v3, v4  }
0x1cf: {  	v4 =	vperm.xlane v3, v0;
	_ =	sdelay $0x1  }
0x1d0: {  	v4 =	vadd.s32 v1, v4;
	_ =	sdelay $0x1  }
0x1d1: {  	v3 =	vperm.xlane v3, v2;
	_ =	sdelay $0x1  }
0x1d2: {  	s17 =	simm.s32 $0xF200;
	v3 =	vadd.s32 v1, v3  }
0x1d3: {  	[tilespmem:s17], [sflag:$0x2] =	stream.indirect_vreg.gather [hbm4b:s2+s3], $0x80, v4, vm0, $0xb8;
	[tilespmem:$0x18200] =	vst v63  }
0x1d4: {  	s29 =	simm.s32 $0xFA00  }
0x1d5: {  	[tilespmem:s29], [sflag:$0x2] =	stream.indirect_vreg.gather [hbm4b:s6+s3], $0x80, v4, vm1, $0xb8;
	[tilespmem:$0x18200] =	vst v63  }
0x1d6: {  	s21 =	simm.s32 $0xFE00  }
0x1d7: {  	[tilespmem:s21], [sflag:$0x2] =	stream.indirect_vreg.gather [hbm4b:s2+s3], $0x80, v3, vm0, $0xb8;
	[tilespmem:$0x18200] =	vst v63  }
0x1d8: {  	s30 =	simm.s32 $0x10600  }
0x1d9: {  	[tilespmem:s30], [sflag:$0x2] =	stream.indirect_vreg.gather [hbm4b:s6+s3], $0x80, v3, vm1, $0xb8;
	[tilespmem:$0x18200] =	vst v63  }
0x1da: {  	v3 =	vld [tilespmem:$0x1B0];
	_ =	sdelay $0x4  }
0x1db: {  	v27 =	vshrl.u32 v3, $0x3  }
0x1dc: {  	v4 =	vmul.u32 $0x18, v27  }
0x1dd: {  	v3 =	vand.u32 $0x7, v3  }
0x1de: {  	v3 =	vor.u32 v3, v4  }
0x1df: {  	v4 =	vperm.xlane v3, v0;
	_ =	sdelay $0x1  }
0x1e0: {  	v4 =	vadd.s32 v1, v4;
	_ =	sdelay $0x1  }
0x1e1: {  	v3 =	vperm.xlane v3, v2;
	_ =	sdelay $0x1  }
0x1e2: {  	s22 =	simm.s32 $0x10A00;
	v3 =	vadd.s32 v1, v3  }
0x1e3: {  	[tilespmem:s22], [sflag:$0x2] =	stream.indirect_vreg.gather [hbm4b:s2+s3], $0x80, v4, vm0, $0xb8;
	[tilespmem:$0x18200] =	vst v63  }
0x1e4: {  	s23 =	simm.s32 $0x11200  }
0x1e5: {  	[tilespmem:s23], [sflag:$0x2] =	stream.indirect_vreg.gather [hbm4b:s6+s3], $0x80, v4, vm1, $0xb8;
	[tilespmem:$0x18200] =	vst v63  }
0x1e6: {  	s24 =	simm.s32 $0x11600  }
0x1e7: {  	[tilespmem:s24], [sflag:$0x2] =	stream.indirect_vreg.gather [hbm4b:s2+s3], $0x80, v3, vm0, $0xb8;
	[tilespmem:$0x18200] =	vst v63  }
0x1e8: {  	s31 =	simm.s32 $0x11E00  }
0x1e9: {  	[tilespmem:s31], [sflag:$0x2] =	stream.indirect_vreg.gather [hbm4b:s6+s3], $0x80, v3, vm1, $0xb8;
	[tilespmem:$0x18200] =	vst v63  }
0x1ea: {  	v3 =	vld [tilespmem:$0x1C0];
	_ =	sdelay $0x4  }
0x1eb: {  	v28 =	vshrl.u32 v3, $0x3  }
0x1ec: {  	v4 =	vmul.u32 $0x18, v28  }
0x1ed: {  	v3 =	vand.u32 $0x7, v3  }
0x1ee: {  	v3 =	vor.u32 v3, v4  }
0x1ef: {  	v4 =	vperm.xlane v3, v0;
	_ =	sdelay $0x1  }
0x1f0: {  	v4 =	vadd.s32 v1, v4;
	_ =	sdelay $0x1  }
0x1f1: {  	v3 =	vperm.xlane v3, v2;
	_ =	sdelay $0x1  }
0x1f2: {  	s25 =	simm.s32 $0x12200;
	v3 =	vadd.s32 v1, v3  }
0x1f3: {  	[tilespmem:s25], [sflag:$0x2] =	stream.indirect_vreg.gather [hbm4b:s2+s3], $0x80, v4, vm0, $0xb8;
	[tilespmem:$0x18200] =	vst v63  }
0x1f4: {  	s26 =	simm.s32 $0x12A00  }
0x1f5: {  	[tilespmem:s26], [sflag:$0x2] =	stream.indirect_vreg.gather [hbm4b:s6+s3], $0x80, v4, vm1, $0xb8;
	[tilespmem:$0x18200] =	vst v63  }
0x1f6: {  	s28 =	simm.s32 $0x12E00  }
0x1f7: {  	[tilespmem:s28], [sflag:$0x2] =	stream.indirect_vreg.gather [hbm4b:s2+s3], $0x80, v3, vm0, $0xb8;
	[tilespmem:$0x18200] =	vst v63  }
0x1f8: {  	s11 =	simm.s32 $0x13600  }
0x1f9: {  	[tilespmem:s11], [sflag:$0x2] =	stream.indirect_vreg.gather [hbm4b:s6+s3], $0x80, v3, vm1, $0xb8;
	[tilespmem:$0x18200] =	vst v63  }
0x1fa: {  	v3 =	vld [tilespmem:$0x1D0];
	_ =	sdelay $0x4  }
0x1fb: {  	v29 =	vshrl.u32 v3, $0x3  }
0x1fc: {  	v4 =	vmul.u32 $0x18, v29  }
0x1fd: {  	v3 =	vand.u32 $0x7, v3  }
0x1fe: {  	v3 =	vor.u32 v3, v4  }
0x1ff: {  	v4 =	vperm.xlane v3, v0;
	_ =	sdelay $0x1  }
0x200: {  	v4 =	vadd.s32 v1, v4;
	_ =	sdelay $0x1  }
0x201: {  	v3 =	vperm.xlane v3, v2;
	_ =	sdelay $0x1  }
0x202: {  	s29 =	simm.s32 $0x13A00;
	v3 =	vadd.s32 v1, v3  }
0x203: {  	[tilespmem:s29], [sflag:$0x2] =	stream.indirect_vreg.gather [hbm4b:s2+s3], $0x80, v4, vm0, $0xb8;
	[tilespmem:$0x18200] =	vst v63  }
0x204: {  	s30 =	simm.s32 $0x14200  }
0x205: {  	[tilespmem:s30], [sflag:$0x2] =	stream.indirect_vreg.gather [hbm4b:s6+s3], $0x80, v4, vm1, $0xb8;
	[tilespmem:$0x18200] =	vst v63  }
0x206: {  	s31 =	simm.s32 $0x14600  }
0x207: {  	[tilespmem:s31], [sflag:$0x2] =	stream.indirect_vreg.gather [hbm4b:s2+s3], $0x80, v3, vm0, $0xb8;
	[tilespmem:$0x18200] =	vst v63  }
0x208: {  	s19 =	simm.s32 $0x14E00  }
0x209: {  	[tilespmem:s19], [sflag:$0x2] =	stream.indirect_vreg.gather [hbm4b:s6+s3], $0x80, v3, vm1, $0xb8;
	[tilespmem:$0x18200] =	vst v63  }
0x20a: {  	v3 =	vld [tilespmem:$0x1E0];
	_ =	sdelay $0x4  }
0x20b: {  	v30 =	vshrl.u32 v3, $0x3  }
0x20c: {  	v4 =	vmul.u32 $0x18, v30  }
0x20d: {  	v3 =	vand.u32 $0x7, v3  }
0x20e: {  	v3 =	vor.u32 v3, v4  }
0x20f: {  	v4 =	vperm.xlane v3, v0;
	_ =	sdelay $0x1  }
0x210: {  	v4 =	vadd.s32 v1, v4;
	_ =	sdelay $0x1  }
0x211: {  	v3 =	vperm.xlane v3, v2;
	_ =	sdelay $0x1  }
0x212: {  	s20 =	simm.s32 $0x15200;
	v3 =	vadd.s32 v1, v3  }
0x213: {  	[tilespmem:s20], [sflag:$0x2] =	stream.indirect_vreg.gather [hbm4b:s2+s3], $0x80, v4, vm0, $0xb8;
	[tilespmem:$0x18200] =	vst v63  }
0x214: {  	s20 =	simm.s32 $0x15A00  }
0x215: {  	[tilespmem:s20], [sflag:$0x2] =	stream.indirect_vreg.gather [hbm4b:s6+s3], $0x80, v4, vm1, $0xb8;
	[tilespmem:$0x18200] =	vst v63  }
0x216: {  	s9 =	simm.s32 $0x15E00  }
0x217: {  	[tilespmem:s9], [sflag:$0x2] =	stream.indirect_vreg.gather [hbm4b:s2+s3], $0x80, v3, vm0, $0xb8;
	[tilespmem:$0x18200] =	vst v63  }
0x218: {  	s19 =	simm.s32 $0x16600  }
0x219: {  	[tilespmem:s19], [sflag:$0x2] =	stream.indirect_vreg.gather [hbm4b:s6+s3], $0x80, v3, vm1, $0xb8;
	[tilespmem:$0x18200] =	vst v63  }
0x21a: {  	v3 =	vld [tilespmem:$0x1F0];
	_ =	sdelay $0x4  }
0x21b: {  	v31 =	vshrl.u32 v3, $0x3  }
0x21c: {  	v4 =	vmul.u32 $0x18, v31  }
0x21d: {  	v3 =	vand.u32 $0x7, v3  }
0x21e: {  	v3 =	vor.u32 v3, v4  }
0x21f: {  	v4 =	vperm.xlane v3, v0;
	_ =	sdelay $0x1  }
0x220: {  	v4 =	vadd.s32 v1, v4;
	_ =	sdelay $0x1  }
0x221: {  	v3 =	vperm.xlane v3, v2;
	_ =	sdelay $0x1  }
0x222: {  	s9 =	simm.s32 $0x16A00;
	v3 =	vadd.s32 v1, v3  }
0x223: {  	[tilespmem:s9], [sflag:$0x2] =	stream.indirect_vreg.gather [hbm4b:s2+s3], $0x80, v4, vm0, $0xb8;
	[tilespmem:$0x18200] =	vst v63  }
0x224: {  	s19 =	simm.s32 $0x17200  }
0x225: {  	[tilespmem:s19], [sflag:$0x2] =	stream.indirect_vreg.gather [hbm4b:s6+s3], $0x80, v4, vm1, $0xb8;
	[tilespmem:$0x18200] =	vst v63  }
0x226: {  	s9 =	simm.s32 $0x17600  }
0x227: {  	[tilespmem:s9], [sflag:$0x2] =	stream.indirect_vreg.gather [hbm4b:s2+s3], $0x80, v3, vm0, $0xb8;
	[tilespmem:$0x18200] =	vst v63  }
0x228: {  	s19 =	simm.s32 $0x17E00  }
0x229: {  	[tilespmem:s19], [sflag:$0x2] =	stream.indirect_vreg.gather [hbm4b:s6+s3], $0x80, v3, vm1, $0xb8;
	[tilespmem:$0x18200] =	vst v63  }
0x22a: {  	s11 =	rddreg [dreg:$0x5];
	s19 =	simm.s32 $0x200  }
0x22b: {  	[hbm4b:s11+s3] =	stream.linear.scatter [tilespmem:s19], [sflag:$0x3], $0xC000, $0x38;
	[tilespmem:$0x18200] =	vst v63  }
0x22c: {  	_ =	swait.ge [sflag:s1], $0xC000  }
0x22d: {  	[sflag:s1] =	ssyncset.done $0x0  }
0x22e: {  	s13 =	simm.s32 $0xC200;
	s9 =	rddreg [dreg:$0x6];
	[sflag:s1] =	ssyncadd.s32 $0xFFFF4000  }
0x22f: {  	[hbm4b:s9+s3] =	stream.linear.scatter [tilespmem:s13], [sflag:$0x4], $0xC000, $0x38;
	[tilespmem:$0x18200] =	vst v63  }
0x230: {  	_ =	swait.ge [sflag:s0], $0xC000  }
0x231: {  	[sflag:s0] =	ssyncset.done $0x0  }
0x232: {  	[sflag:s0] =	ssyncadd.s32 $0xFFFF4000  }
0x233: {  	_ =	swait.ge [sflag:s4], $0xC000  }
0x234: {  	[sflag:s4] =	ssyncset.done $0x0  }
0x235: {  	s9 =	rddreg [dreg:$0x7];
	[sflag:s4] =	ssyncadd.s32 $0xFFFF4000  }
0x236: {  	[tilespmem:s3], [sflag:$0x5] =	stream.linear.gather [hbm4b:s9+s3], $0x200, $0x38;
	[tilespmem:$0x18200] =	vst v63  }
0x237: {  	_ =	swait.ge [sflag:s10], $0x200  }
0x238: {  	[sflag:s10] =	ssyncset.done $0x0  }
0x239: {  	[sflag:s10] =	ssyncadd.s32 $0xFFFFFE00  }
0x23a: {  	v3 =	vld [tilespmem:$0x0];
	_ =	sdelay $0x4  }
0x23b: {  	v32 =	vshrl.u32 v3, $0x3  }
0x23c: {  	v4 =	vmul.u32 $0x18, v32  }
0x23d: {  	v3 =	vand.u32 $0x7, v3  }
0x23e: {  	v3 =	vor.u32 v3, v4  }
0x23f: {  	v4 =	vperm.xlane v3, v0;
	_ =	sdelay $0x1  }
0x240: {  	v4 =	vadd.s32 v1, v4;
	_ =	sdelay $0x1  }
0x241: {  	v3 =	vperm.xlane v3, v2;
	_ =	sdelay $0x1  }
0x242: {  	v3 =	vadd.s32 v1, v3  }
0x243: {  	[tilespmem:s19], [sflag:$0x1] =	stream.indirect_vreg.gather [hbm4b:s5+s3], $0x80, v4, vm0, $0xb8;
	[tilespmem:$0x18200] =	vst v63  }
0x244: {  	s9 =	simm.s32 $0xA00  }
0x245: {  	[tilespmem:s9], [sflag:$0x1] =	stream.indirect_vreg.gather [hbm4b:s7+s3], $0x80, v4, vm1, $0xb8;
	[tilespmem:$0x18200] =	vst v63  }
0x246: {  	s19 =	simm.s32 $0xE00  }
0x247: {  	[tilespmem:s19], [sflag:$0x1] =	stream.indirect_vreg.gather [hbm4b:s5+s3], $0x80, v3, vm0, $0xb8;
	[tilespmem:$0x18200] =	vst v63  }
0x248: {  	s11 =	simm.s32 $0x1600  }
0x249: {  	[tilespmem:s11], [sflag:$0x1] =	stream.indirect_vreg.gather [hbm4b:s7+s3], $0x80, v3, vm1, $0xb8;
	[tilespmem:$0x18200] =	vst v63  }
0x24a: {  	v3 =	vld [tilespmem:$0x10];
	_ =	sdelay $0x4  }
0x24b: {  	v33 =	vshrl.u32 v3, $0x3  }
0x24c: {  	v4 =	vmul.u32 $0x18, v33  }
0x24d: {  	v3 =	vand.u32 $0x7, v3  }
0x24e: {  	v3 =	vor.u32 v3, v4  }
0x24f: {  	v4 =	vperm.xlane v3, v0;
	_ =	sdelay $0x1  }
0x250: {  	v4 =	vadd.s32 v1, v4;
	_ =	sdelay $0x1  }
0x251: {  	v3 =	vperm.xlane v3, v2;
	_ =	sdelay $0x1  }
0x252: {  	s19 =	simm.s32 $0x1A00;
	v3 =	vadd.s32 v1, v3  }
0x253: {  	[tilespmem:s19], [sflag:$0x1] =	stream.indirect_vreg.gather [hbm4b:s5+s3], $0x80, v4, vm0, $0xb8;
	[tilespmem:$0x18200] =	vst v63  }
0x254: {  	s11 =	simm.s32 $0x2200  }
0x255: {  	[tilespmem:s11], [sflag:$0x1] =	stream.indirect_vreg.gather [hbm4b:s7+s3], $0x80, v4, vm1, $0xb8;
	[tilespmem:$0x18200] =	vst v63  }
0x256: {  	s19 =	simm.s32 $0x2600  }
0x257: {  	[tilespmem:s19], [sflag:$0x1] =	stream.indirect_vreg.gather [hbm4b:s5+s3], $0x80, v3, vm0, $0xb8;
	[tilespmem:$0x18200] =	vst v63  }
0x258: {  	s11 =	simm.s32 $0x2E00  }
0x259: {  	[tilespmem:s11], [sflag:$0x1] =	stream.indirect_vreg.gather [hbm4b:s7+s3], $0x80, v3, vm1, $0xb8;
	[tilespmem:$0x18200] =	vst v63  }
0x25a: {  	v3 =	vld [tilespmem:$0x20];
	_ =	sdelay $0x4  }
0x25b: {  	v34 =	vshrl.u32 v3, $0x3  }
0x25c: {  	v4 =	vmul.u32 $0x18, v34  }
0x25d: {  	v3 =	vand.u32 $0x7, v3  }
0x25e: {  	v3 =	vor.u32 v3, v4  }
0x25f: {  	v4 =	vperm.xlane v3, v0;
	_ =	sdelay $0x1  }
0x260: {  	v4 =	vadd.s32 v1, v4;
	_ =	sdelay $0x1  }
0x261: {  	v3 =	vperm.xlane v3, v2;
	_ =	sdelay $0x1  }
0x262: {  	s19 =	simm.s32 $0x3200;
	v3 =	vadd.s32 v1, v3  }
0x263: {  	[tilespmem:s19], [sflag:$0x1] =	stream.indirect_vreg.gather [hbm4b:s5+s3], $0x80, v4, vm0, $0xb8;
	[tilespmem:$0x18200] =	vst v63  }
0x264: {  	s11 =	simm.s32 $0x3A00  }
0x265: {  	[tilespmem:s11], [sflag:$0x1] =	stream.indirect_vreg.gather [hbm4b:s7+s3], $0x80, v4, vm1, $0xb8;
	[tilespmem:$0x18200] =	vst v63  }
0x266: {  	s19 =	simm.s32 $0x3E00  }
0x267: {  	[tilespmem:s19], [sflag:$0x1] =	stream.indirect_vreg.gather [hbm4b:s5+s3], $0x80, v3, vm0, $0xb8;
	[tilespmem:$0x18200] =	vst v63  }
0x268: {  	s11 =	simm.s32 $0x4600  }
0x269: {  	[tilespmem:s11], [sflag:$0x1] =	stream.indirect_vreg.gather [hbm4b:s7+s3], $0x80, v3, vm1, $0xb8;
	[tilespmem:$0x18200] =	vst v63  }
0x26a: {  	v3 =	vld [tilespmem:$0x30];
	_ =	sdelay $0x4  }
0x26b: {  	v35 =	vshrl.u32 v3, $0x3  }
0x26c: {  	v4 =	vmul.u32 $0x18, v35  }
0x26d: {  	v3 =	vand.u32 $0x7, v3  }
0x26e: {  	v3 =	vor.u32 v3, v4  }
0x26f: {  	v4 =	vperm.xlane v3, v0;
	_ =	sdelay $0x1  }
0x270: {  	v4 =	vadd.s32 v1, v4;
	_ =	sdelay $0x1  }
0x271: {  	v3 =	vperm.xlane v3, v2;
	_ =	sdelay $0x1  }
0x272: {  	s19 =	simm.s32 $0x4A00;
	v3 =	vadd.s32 v1, v3  }
0x273: {  	[tilespmem:s19], [sflag:$0x1] =	stream.indirect_vreg.gather [hbm4b:s5+s3], $0x80, v4, vm0, $0xb8;
	[tilespmem:$0x18200] =	vst v63  }
0x274: {  	s11 =	simm.s32 $0x5200  }
0x275: {  	[tilespmem:s11], [sflag:$0x1] =	stream.indirect_vreg.gather [hbm4b:s7+s3], $0x80, v4, vm1, $0xb8;
	[tilespmem:$0x18200] =	vst v63  }
0x276: {  	s19 =	simm.s32 $0x5600  }
0x277: {  	[tilespmem:s19], [sflag:$0x1] =	stream.indirect_vreg.gather [hbm4b:s5+s3], $0x80, v3, vm0, $0xb8;
	[tilespmem:$0x18200] =	vst v63  }
0x278: {  	s11 =	simm.s32 $0x5E00  }
0x279: {  	[tilespmem:s11], [sflag:$0x1] =	stream.indirect_vreg.gather [hbm4b:s7+s3], $0x80, v3, vm1, $0xb8;
	[tilespmem:$0x18200] =	vst v63  }
0x27a: {  	v3 =	vld [tilespmem:$0x40];
	_ =	sdelay $0x4  }
0x27b: {  	v36 =	vshrl.u32 v3, $0x3  }
0x27c: {  	v4 =	vmul.u32 $0x18, v36  }
0x27d: {  	v3 =	vand.u32 $0x7, v3  }
0x27e: {  	v3 =	vor.u32 v3, v4  }
0x27f: {  	v4 =	vperm.xlane v3, v0;
	_ =	sdelay $0x1  }
0x280: {  	v4 =	vadd.s32 v1, v4;
	_ =	sdelay $0x1  }
0x281: {  	v3 =	vperm.xlane v3, v2;
	_ =	sdelay $0x1  }
0x282: {  	s19 =	simm.s32 $0x6200;
	v3 =	vadd.s32 v1, v3  }
0x283: {  	[tilespmem:s19], [sflag:$0x1] =	stream.indirect_vreg.gather [hbm4b:s5+s3], $0x80, v4, vm0, $0xb8;
	[tilespmem:$0x18200] =	vst v63  }
0x284: {  	s11 =	simm.s32 $0x6A00  }
0x285: {  	[tilespmem:s11], [sflag:$0x1] =	stream.indirect_vreg.gather [hbm4b:s7+s3], $0x80, v4, vm1, $0xb8;
	[tilespmem:$0x18200] =	vst v63  }
0x286: {  	s19 =	simm.s32 $0x6E00  }
0x287: {  	[tilespmem:s19], [sflag:$0x1] =	stream.indirect_vreg.gather [hbm4b:s5+s3], $0x80, v3, vm0, $0xb8;
	[tilespmem:$0x18200] =	vst v63  }
0x288: {  	s11 =	simm.s32 $0x7600  }
0x289: {  	[tilespmem:s11], [sflag:$0x1] =	stream.indirect_vreg.gather [hbm4b:s7+s3], $0x80, v3, vm1, $0xb8;
	[tilespmem:$0x18200] =	vst v63  }
0x28a: {  	v3 =	vld [tilespmem:$0x50];
	_ =	sdelay $0x4  }
0x28b: {  	v37 =	vshrl.u32 v3, $0x3  }
0x28c: {  	v4 =	vmul.u32 $0x18, v37  }
0x28d: {  	v3 =	vand.u32 $0x7, v3  }
0x28e: {  	v3 =	vor.u32 v3, v4  }
0x28f: {  	v4 =	vperm.xlane v3, v0;
	_ =	sdelay $0x1  }
0x290: {  	v4 =	vadd.s32 v1, v4;
	_ =	sdelay $0x1  }
0x291: {  	v3 =	vperm.xlane v3, v2;
	_ =	sdelay $0x1  }
0x292: {  	s19 =	simm.s32 $0x7A00;
	v3 =	vadd.s32 v1, v3  }
0x293: {  	[tilespmem:s19], [sflag:$0x1] =	stream.indirect_vreg.gather [hbm4b:s5+s3], $0x80, v4, vm0, $0xb8;
	[tilespmem:$0x18200] =	vst v63  }
0x294: {  	s11 =	simm.s32 $0x8200  }
0x295: {  	[tilespmem:s11], [sflag:$0x1] =	stream.indirect_vreg.gather [hbm4b:s7+s3], $0x80, v4, vm1, $0xb8;
	[tilespmem:$0x18200] =	vst v63  }
0x296: {  	s19 =	simm.s32 $0x8600  }
0x297: {  	[tilespmem:s19], [sflag:$0x1] =	stream.indirect_vreg.gather [hbm4b:s5+s3], $0x80, v3, vm0, $0xb8;
	[tilespmem:$0x18200] =	vst v63  }
0x298: {  	s11 =	simm.s32 $0x8E00  }
0x299: {  	[tilespmem:s11], [sflag:$0x1] =	stream.indirect_vreg.gather [hbm4b:s7+s3], $0x80, v3, vm1, $0xb8;
	[tilespmem:$0x18200] =	vst v63  }
0x29a: {  	v3 =	vld [tilespmem:$0x60];
	_ =	sdelay $0x4  }
0x29b: {  	v38 =	vshrl.u32 v3, $0x3  }
0x29c: {  	v4 =	vmul.u32 $0x18, v38  }
0x29d: {  	v3 =	vand.u32 $0x7, v3  }
0x29e: {  	v3 =	vor.u32 v3, v4  }
0x29f: {  	v4 =	vperm.xlane v3, v0;
	_ =	sdelay $0x1  }
0x2a0: {  	v4 =	vadd.s32 v1, v4;
	_ =	sdelay $0x1  }
0x2a1: {  	v3 =	vperm.xlane v3, v2;
	_ =	sdelay $0x1  }
0x2a2: {  	s19 =	simm.s32 $0x9200;
	v3 =	vadd.s32 v1, v3  }
0x2a3: {  	[tilespmem:s19], [sflag:$0x1] =	stream.indirect_vreg.gather [hbm4b:s5+s3], $0x80, v4, vm0, $0xb8;
	[tilespmem:$0x18200] =	vst v63  }
0x2a4: {  	s11 =	simm.s32 $0x9A00  }
0x2a5: {  	[tilespmem:s11], [sflag:$0x1] =	stream.indirect_vreg.gather [hbm4b:s7+s3], $0x80, v4, vm1, $0xb8;
	[tilespmem:$0x18200] =	vst v63  }
0x2a6: {  	s19 =	simm.s32 $0x9E00  }
0x2a7: {  	[tilespmem:s19], [sflag:$0x1] =	stream.indirect_vreg.gather [hbm4b:s5+s3], $0x80, v3, vm0, $0xb8;
	[tilespmem:$0x18200] =	vst v63  }
0x2a8: {  	s11 =	simm.s32 $0xA600  }
0x2a9: {  	[tilespmem:s11], [sflag:$0x1] =	stream.indirect_vreg.gather [hbm4b:s7+s3], $0x80, v3, vm1, $0xb8;
	[tilespmem:$0x18200] =	vst v63  }
0x2aa: {  	v3 =	vld [tilespmem:$0x70];
	_ =	sdelay $0x4  }
0x2ab: {  	v39 =	vshrl.u32 v3, $0x3  }
0x2ac: {  	v4 =	vmul.u32 $0x18, v39  }
0x2ad: {  	v3 =	vand.u32 $0x7, v3  }
0x2ae: {  	v3 =	vor.u32 v3, v4  }
0x2af: {  	v4 =	vperm.xlane v3, v0;
	_ =	sdelay $0x1  }
0x2b0: {  	v4 =	vadd.s32 v1, v4;
	_ =	sdelay $0x1  }
0x2b1: {  	v3 =	vperm.xlane v3, v2;
	_ =	sdelay $0x1  }
0x2b2: {  	s18 =	simm.s32 $0xAA00;
	v3 =	vadd.s32 v1, v3  }
0x2b3: {  	[tilespmem:s18], [sflag:$0x1] =	stream.indirect_vreg.gather [hbm4b:s5+s3], $0x80, v4, vm0, $0xb8;
	[tilespmem:$0x18200] =	vst v63  }
0x2b4: {  	s19 =	simm.s32 $0xB200  }
0x2b5: {  	[tilespmem:s19], [sflag:$0x1] =	stream.indirect_vreg.gather [hbm4b:s7+s3], $0x80, v4, vm1, $0xb8;
	[tilespmem:$0x18200] =	vst v63  }
0x2b6: {  	s11 =	simm.s32 $0xB600  }
0x2b7: {  	[tilespmem:s11], [sflag:$0x1] =	stream.indirect_vreg.gather [hbm4b:s5+s3], $0x80, v3, vm0, $0xb8;
	[tilespmem:$0x18200] =	vst v63  }
0x2b8: {  	s10 =	simm.s32 $0xBE00  }
0x2b9: {  	[tilespmem:s10], [sflag:$0x1] =	stream.indirect_vreg.gather [hbm4b:s7+s3], $0x80, v3, vm1, $0xb8;
	[tilespmem:$0x18200] =	vst v63  }
0x2ba: {  	_ =	swait.ge [sflag:s14], $0xC000  }
0x2bb: {  	[sflag:s14] =	ssyncset.done $0x0  }
0x2bc: {  	[sflag:s14] =	ssyncadd.s32 $0xFFFF4000  }
0x2bd: {  	v3 =	vld [tilespmem:$0x80];
	_ =	sdelay $0x4  }
0x2be: {  	v40 =	vshrl.u32 v3, $0x3  }
0x2bf: {  	v4 =	vmul.u32 $0x18, v40  }
0x2c0: {  	v3 =	vand.u32 $0x7, v3  }
0x2c1: {  	v3 =	vor.u32 v3, v4  }
0x2c2: {  	v4 =	vperm.xlane v3, v0;
	_ =	sdelay $0x1  }
0x2c3: {  	v4 =	vadd.s32 v1, v4;
	_ =	sdelay $0x1  }
0x2c4: {  	v3 =	vperm.xlane v3, v2;
	_ =	sdelay $0x1  }
0x2c5: {  	v3 =	vadd.s32 v1, v3  }
0x2c6: {  	[tilespmem:s13], [sflag:$0x2] =	stream.indirect_vreg.gather [hbm4b:s5+s3], $0x80, v4, vm0, $0xb8;
	[tilespmem:$0x18200] =	vst v63  }
0x2c7: {  	s13 =	simm.s32 $0xCA00  }
0x2c8: {  	[tilespmem:s13], [sflag:$0x2] =	stream.indirect_vreg.gather [hbm4b:s7+s3], $0x80, v4, vm1, $0xb8;
	[tilespmem:$0x18200] =	vst v63  }
0x2c9: {  	s18 =	simm.s32 $0xCE00  }
0x2ca: {  	[tilespmem:s18], [sflag:$0x2] =	stream.indirect_vreg.gather [hbm4b:s5+s3], $0x80, v3, vm0, $0xb8;
	[tilespmem:$0x18200] =	vst v63  }
0x2cb: {  	s18 =	simm.s32 $0xD600  }
0x2cc: {  	[tilespmem:s18], [sflag:$0x2] =	stream.indirect_vreg.gather [hbm4b:s7+s3], $0x80, v3, vm1, $0xb8;
	[tilespmem:$0x18200] =	vst v63  }
0x2cd: {  	v3 =	vld [tilespmem:$0x90];
	_ =	sdelay $0x4  }
0x2ce: {  	v41 =	vshrl.u32 v3, $0x3  }
0x2cf: {  	v4 =	vmul.u32 $0x18, v41  }
0x2d0: {  	v3 =	vand.u32 $0x7, v3  }
0x2d1: {  	v3 =	vor.u32 v3, v4  }
0x2d2: {  	v4 =	vperm.xlane v3, v0;
	_ =	sdelay $0x1  }
0x2d3: {  	v4 =	vadd.s32 v1, v4;
	_ =	sdelay $0x1  }
0x2d4: {  	v3 =	vperm.xlane v3, v2;
	_ =	sdelay $0x1  }
0x2d5: {  	v3 =	vadd.s32 v1, v3  }
0x2d6: {  	[tilespmem:s12], [sflag:$0x2] =	stream.indirect_vreg.gather [hbm4b:s5+s3], $0x80, v4, vm0, $0xb8;
	[tilespmem:$0x18200] =	vst v63  }
0x2d7: {  	_ = 	snop  }
0x2d8: {  	[tilespmem:s15], [sflag:$0x2] =	stream.indirect_vreg.gather [hbm4b:s7+s3], $0x80, v4, vm1, $0xb8;
	[tilespmem:$0x18200] =	vst v63  }
0x2d9: {  	_ = 	snop  }
0x2da: {  	[tilespmem:s16], [sflag:$0x2] =	stream.indirect_vreg.gather [hbm4b:s5+s3], $0x80, v3, vm0, $0xb8;
	[tilespmem:$0x18200] =	vst v63  }
0x2db: {  	s13 =	simm.s32 $0xEE00  }
0x2dc: {  	[tilespmem:s13], [sflag:$0x2] =	stream.indirect_vreg.gather [hbm4b:s7+s3], $0x80, v3, vm1, $0xb8;
	[tilespmem:$0x18200] =	vst v63  }
0x2dd: {  	v3 =	vld [tilespmem:$0xA0];
	_ =	sdelay $0x4  }
0x2de: {  	v42 =	vshrl.u32 v3, $0x3  }
0x2df: {  	v4 =	vmul.u32 $0x18, v42  }
0x2e0: {  	v3 =	vand.u32 $0x7, v3  }
0x2e1: {  	v3 =	vor.u32 v3, v4  }
0x2e2: {  	v4 =	vperm.xlane v3, v0;
	_ =	sdelay $0x1  }
0x2e3: {  	v4 =	vadd.s32 v1, v4;
	_ =	sdelay $0x1  }
0x2e4: {  	v3 =	vperm.xlane v3, v2;
	_ =	sdelay $0x1  }
0x2e5: {  	v3 =	vadd.s32 v1, v3  }
0x2e6: {  	[tilespmem:s17], [sflag:$0x2] =	stream.indirect_vreg.gather [hbm4b:s5+s3], $0x80, v4, vm0, $0xb8;
	[tilespmem:$0x18200] =	vst v63  }
0x2e7: {  	s19 =	simm.s32 $0xFA00  }
0x2e8: {  	[tilespmem:s19], [sflag:$0x2] =	stream.indirect_vreg.gather [hbm4b:s7+s3], $0x80, v4, vm1, $0xb8;
	[tilespmem:$0x18200] =	vst v63  }
0x2e9: {  	_ = 	snop  }
0x2ea: {  	[tilespmem:s21], [sflag:$0x2] =	stream.indirect_vreg.gather [hbm4b:s5+s3], $0x80, v3, vm0, $0xb8;
	[tilespmem:$0x18200] =	vst v63  }
0x2eb: {  	s15 =	simm.s32 $0x10600  }
0x2ec: {  	[tilespmem:s15], [sflag:$0x2] =	stream.indirect_vreg.gather [hbm4b:s7+s3], $0x80, v3, vm1, $0xb8;
	[tilespmem:$0x18200] =	vst v63  }
0x2ed: {  	v3 =	vld [tilespmem:$0xB0];
	_ =	sdelay $0x4  }
0x2ee: {  	v43 =	vshrl.u32 v3, $0x3  }
0x2ef: {  	v4 =	vmul.u32 $0x18, v43  }
0x2f0: {  	v3 =	vand.u32 $0x7, v3  }
0x2f1: {  	v3 =	vor.u32 v3, v4  }
0x2f2: {  	v4 =	vperm.xlane v3, v0;
	_ =	sdelay $0x1  }
0x2f3: {  	v4 =	vadd.s32 v1, v4;
	_ =	sdelay $0x1  }
0x2f4: {  	v3 =	vperm.xlane v3, v2;
	_ =	sdelay $0x1  }
0x2f5: {  	v3 =	vadd.s32 v1, v3  }
0x2f6: {  	[tilespmem:s22], [sflag:$0x2] =	stream.indirect_vreg.gather [hbm4b:s5+s3], $0x80, v4, vm0, $0xb8;
	[tilespmem:$0x18200] =	vst v63  }
0x2f7: {  	_ = 	snop  }
0x2f8: {  	[tilespmem:s23], [sflag:$0x2] =	stream.indirect_vreg.gather [hbm4b:s7+s3], $0x80, v4, vm1, $0xb8;
	[tilespmem:$0x18200] =	vst v63  }
0x2f9: {  	_ = 	snop  }
0x2fa: {  	[tilespmem:s24], [sflag:$0x2] =	stream.indirect_vreg.gather [hbm4b:s5+s3], $0x80, v3, vm0, $0xb8;
	[tilespmem:$0x18200] =	vst v63  }
0x2fb: {  	s16 =	simm.s32 $0x11E00  }
0x2fc: {  	[tilespmem:s16], [sflag:$0x2] =	stream.indirect_vreg.gather [hbm4b:s7+s3], $0x80, v3, vm1, $0xb8;
	[tilespmem:$0x18200] =	vst v63  }
0x2fd: {  	v3 =	vld [tilespmem:$0xC0];
	_ =	sdelay $0x4  }
0x2fe: {  	v44 =	vshrl.u32 v3, $0x3  }
0x2ff: {  	v4 =	vmul.u32 $0x18, v44  }
0x300: {  	v3 =	vand.u32 $0x7, v3  }
0x301: {  	v3 =	vor.u32 v3, v4  }
0x302: {  	v4 =	vperm.xlane v3, v0;
	_ =	sdelay $0x1  }
0x303: {  	v4 =	vadd.s32 v1, v4;
	_ =	sdelay $0x1  }
0x304: {  	v3 =	vperm.xlane v3, v2;
	_ =	sdelay $0x1  }
0x305: {  	v3 =	vadd.s32 v1, v3  }
0x306: {  	[tilespmem:s25], [sflag:$0x2] =	stream.indirect_vreg.gather [hbm4b:s5+s3], $0x80, v4, vm0, $0xb8;
	[tilespmem:$0x18200] =	vst v63  }
0x307: {  	_ = 	snop  }
0x308: {  	[tilespmem:s26], [sflag:$0x2] =	stream.indirect_vreg.gather [hbm4b:s7+s3], $0x80, v4, vm1, $0xb8;
	[tilespmem:$0x18200] =	vst v63  }
0x309: {  	_ = 	snop  }
0x30a: {  	[tilespmem:s28], [sflag:$0x2] =	stream.indirect_vreg.gather [hbm4b:s5+s3], $0x80, v3, vm0, $0xb8;
	[tilespmem:$0x18200] =	vst v63  }
0x30b: {  	s17 =	simm.s32 $0x13600  }
0x30c: {  	[tilespmem:s17], [sflag:$0x2] =	stream.indirect_vreg.gather [hbm4b:s7+s3], $0x80, v3, vm1, $0xb8;
	[tilespmem:$0x18200] =	vst v63  }
0x30d: {  	v3 =	vld [tilespmem:$0xD0];
	_ =	sdelay $0x4  }
0x30e: {  	v45 =	vshrl.u32 v3, $0x3  }
0x30f: {  	v4 =	vmul.u32 $0x18, v45  }
0x310: {  	v3 =	vand.u32 $0x7, v3  }
0x311: {  	v3 =	vor.u32 v3, v4  }
0x312: {  	v4 =	vperm.xlane v3, v0;
	_ =	sdelay $0x1  }
0x313: {  	v4 =	vadd.s32 v1, v4;
	_ =	sdelay $0x1  }
0x314: {  	v3 =	vperm.xlane v3, v2;
	_ =	sdelay $0x1  }
0x315: {  	v3 =	vadd.s32 v1, v3  }
0x316: {  	[tilespmem:s29], [sflag:$0x2] =	stream.indirect_vreg.gather [hbm4b:s5+s3], $0x80, v4, vm0, $0xb8;
	[tilespmem:$0x18200] =	vst v63  }
0x317: {  	_ = 	snop  }
0x318: {  	[tilespmem:s30], [sflag:$0x2] =	stream.indirect_vreg.gather [hbm4b:s7+s3], $0x80, v4, vm1, $0xb8;
	[tilespmem:$0x18200] =	vst v63  }
0x319: {  	_ = 	snop  }
0x31a: {  	[tilespmem:s31], [sflag:$0x2] =	stream.indirect_vreg.gather [hbm4b:s5+s3], $0x80, v3, vm0, $0xb8;
	[tilespmem:$0x18200] =	vst v63  }
0x31b: {  	s12 =	simm.s32 $0x14E00  }
0x31c: {  	[tilespmem:s12], [sflag:$0x2] =	stream.indirect_vreg.gather [hbm4b:s7+s3], $0x80, v3, vm1, $0xb8;
	[tilespmem:$0x18200] =	vst v63  }
0x31d: {  	v3 =	vld [tilespmem:$0xE0];
	_ =	sdelay $0x4  }
0x31e: {  	v46 =	vshrl.u32 v3, $0x3  }
0x31f: {  	v4 =	vmul.u32 $0x18, v46  }
0x320: {  	v3 =	vand.u32 $0x7, v3  }
0x321: {  	v3 =	vor.u32 v3, v4  }
0x322: {  	v4 =	vperm.xlane v3, v0;
	_ =	sdelay $0x1  }
0x323: {  	v4 =	vadd.s32 v1, v4;
	_ =	sdelay $0x1  }
0x324: {  	v3 =	vperm.xlane v3, v2;
	_ =	sdelay $0x1  }
0x325: {  	s19 =	simm.s32 $0x15200;
	v3 =	vadd.s32 v1, v3  }
0x326: {  	[tilespmem:s19], [sflag:$0x2] =	stream.indirect_vreg.gather [hbm4b:s5+s3], $0x80, v4, vm0, $0xb8;
	[tilespmem:$0x18200] =	vst v63  }
0x327: {  	_ = 	snop  }
0x328: {  	[tilespmem:s20], [sflag:$0x2] =	stream.indirect_vreg.gather [hbm4b:s7+s3], $0x80, v4, vm1, $0xb8;
	[tilespmem:$0x18200] =	vst v63  }
0x329: {  	s30 =	simm.s32 $0x15E00  }
0x32a: {  	[tilespmem:s30], [sflag:$0x2] =	stream.indirect_vreg.gather [hbm4b:s5+s3], $0x80, v3, vm0, $0xb8;
	[tilespmem:$0x18200] =	vst v63  }
0x32b: {  	s31 =	simm.s32 $0x16600  }
0x32c: {  	[tilespmem:s31], [sflag:$0x2] =	stream.indirect_vreg.gather [hbm4b:s7+s3], $0x80, v3, vm1, $0xb8;
	[tilespmem:$0x18200] =	vst v63  }
0x32d: {  	v3 =	vld [tilespmem:$0xF0];
	_ =	sdelay $0x4  }
0x32e: {  	v47 =	vshrl.u32 v3, $0x3  }
0x32f: {  	v4 =	vmul.u32 $0x18, v47  }
0x330: {  	v3 =	vand.u32 $0x7, v3  }
0x331: {  	v3 =	vor.u32 v3, v4  }
0x332: {  	v4 =	vperm.xlane v3, v0;
	_ =	sdelay $0x1  }
0x333: {  	v4 =	vadd.s32 v1, v4;
	_ =	sdelay $0x1  }
0x334: {  	v3 =	vperm.xlane v3, v2;
	_ =	sdelay $0x1  }
0x335: {  	s12 =	simm.s32 $0x16A00;
	v3 =	vadd.s32 v1, v3  }
0x336: {  	[tilespmem:s12], [sflag:$0x2] =	stream.indirect_vreg.gather [hbm4b:s5+s3], $0x80, v4, vm0, $0xb8;
	[tilespmem:$0x18200] =	vst v63  }
0x337: {  	s19 =	simm.s32 $0x17200  }
0x338: {  	[tilespmem:s19], [sflag:$0x2] =	stream.indirect_vreg.gather [hbm4b:s7+s3], $0x80, v4, vm1, $0xb8;
	[tilespmem:$0x18200] =	vst v63  }
0x339: {  	s20 =	simm.s32 $0x17600  }
0x33a: {  	[tilespmem:s20], [sflag:$0x2] =	stream.indirect_vreg.gather [hbm4b:s5+s3], $0x80, v3, vm0, $0xb8;
	[tilespmem:$0x18200] =	vst v63  }
0x33b: {  	s19 =	simm.s32 $0x17E00  }
0x33c: {  	[tilespmem:s19], [sflag:$0x2] =	stream.indirect_vreg.gather [hbm4b:s7+s3], $0x80, v3, vm1, $0xb8;
	[tilespmem:$0x18200] =	vst v63  }
0x33d: {  	s12 =	rddreg [dreg:$0x8];
	s20 =	simm.s32 $0x200  }
0x33e: {  	[hbm4b:s12+s3] =	stream.linear.scatter [tilespmem:s20], [sflag:$0x3], $0xC000, $0x38;
	[tilespmem:$0x18200] =	vst v63  }
0x33f: {  	_ =	swait.ge [sflag:s1], $0xC000  }
0x340: {  	[sflag:s1] =	ssyncset.done $0x0  }
0x341: {  	[sflag:s1] =	ssyncadd.s32 $0xFFFF4000  }
0x342: {  	_ =	swait.ge [sflag:s0], $0xC000  }
0x343: {  	[sflag:s0] =	ssyncset.done $0x0  }
0x344: {  	[sflag:s0] =	ssyncadd.s32 $0xFFFF4000  }
0x345: {  	v3 =	vld [tilespmem:$0x100];
	_ =	sdelay $0x4  }
0x346: {  	v48 =	vshrl.u32 v3, $0x3  }
0x347: {  	v4 =	vmul.u32 $0x18, v48  }
0x348: {  	v3 =	vand.u32 $0x7, v3  }
0x349: {  	v3 =	vor.u32 v3, v4  }
0x34a: {  	v4 =	vperm.xlane v3, v0;
	_ =	sdelay $0x1  }
0x34b: {  	v4 =	vadd.s32 v1, v4;
	_ =	sdelay $0x1  }
0x34c: {  	v3 =	vperm.xlane v3, v2;
	_ =	sdelay $0x1  }
0x34d: {  	v3 =	vadd.s32 v1, v3  }
0x34e: {  	[tilespmem:s20], [sflag:$0x1] =	stream.indirect_vreg.gather [hbm4b:s5+s3], $0x80, v4, vm0, $0xb8;
	[tilespmem:$0x18200] =	vst v63  }
0x34f: {  	_ = 	snop  }
0x350: {  	[tilespmem:s9], [sflag:$0x1] =	stream.indirect_vreg.gather [hbm4b:s7+s3], $0x80, v4, vm1, $0xb8;
	[tilespmem:$0x18200] =	vst v63  }
0x351: {  	s11 =	simm.s32 $0xE00  }
0x352: {  	[tilespmem:s11], [sflag:$0x1] =	stream.indirect_vreg.gather [hbm4b:s5+s3], $0x80, v3, vm0, $0xb8;
	[tilespmem:$0x18200] =	vst v63  }
0x353: {  	s12 =	simm.s32 $0x1600  }
0x354: {  	[tilespmem:s12], [sflag:$0x1] =	stream.indirect_vreg.gather [hbm4b:s7+s3], $0x80, v3, vm1, $0xb8;
	[tilespmem:$0x18200] =	vst v63  }
0x355: {  	v3 =	vld [tilespmem:$0x110];
	_ =	sdelay $0x4  }
0x356: {  	v49 =	vshrl.u32 v3, $0x3  }
0x357: {  	v4 =	vmul.u32 $0x18, v49  }
0x358: {  	v3 =	vand.u32 $0x7, v3  }
0x359: {  	v3 =	vor.u32 v3, v4  }
0x35a: {  	v4 =	vperm.xlane v3, v0;
	_ =	sdelay $0x1  }
0x35b: {  	v4 =	vadd.s32 v1, v4;
	_ =	sdelay $0x1  }
0x35c: {  	v3 =	vperm.xlane v3, v2;
	_ =	sdelay $0x1  }
0x35d: {  	s11 =	simm.s32 $0x1A00;
	v3 =	vadd.s32 v1, v3  }
0x35e: {  	[tilespmem:s11], [sflag:$0x1] =	stream.indirect_vreg.gather [hbm4b:s5+s3], $0x80, v4, vm0, $0xb8;
	[tilespmem:$0x18200] =	vst v63  }
0x35f: {  	s12 =	simm.s32 $0x2200  }
0x360: {  	[tilespmem:s12], [sflag:$0x1] =	stream.indirect_vreg.gather [hbm4b:s7+s3], $0x80, v4, vm1, $0xb8;
	[tilespmem:$0x18200] =	vst v63  }
0x361: {  	s11 =	simm.s32 $0x2600  }
0x362: {  	[tilespmem:s11], [sflag:$0x1] =	stream.indirect_vreg.gather [hbm4b:s5+s3], $0x80, v3, vm0, $0xb8;
	[tilespmem:$0x18200] =	vst v63  }
0x363: {  	s12 =	simm.s32 $0x2E00  }
0x364: {  	[tilespmem:s12], [sflag:$0x1] =	stream.indirect_vreg.gather [hbm4b:s7+s3], $0x80, v3, vm1, $0xb8;
	[tilespmem:$0x18200] =	vst v63  }
0x365: {  	v3 =	vld [tilespmem:$0x120];
	_ =	sdelay $0x4  }
0x366: {  	v50 =	vshrl.u32 v3, $0x3  }
0x367: {  	v4 =	vmul.u32 $0x18, v50  }
0x368: {  	v3 =	vand.u32 $0x7, v3  }
0x369: {  	v3 =	vor.u32 v3, v4  }
0x36a: {  	v4 =	vperm.xlane v3, v0;
	_ =	sdelay $0x1  }
0x36b: {  	v4 =	vadd.s32 v1, v4;
	_ =	sdelay $0x1  }
0x36c: {  	v3 =	vperm.xlane v3, v2;
	_ =	sdelay $0x1  }
0x36d: {  	s11 =	simm.s32 $0x3200;
	v3 =	vadd.s32 v1, v3  }
0x36e: {  	[tilespmem:s11], [sflag:$0x1] =	stream.indirect_vreg.gather [hbm4b:s5+s3], $0x80, v4, vm0, $0xb8;
	[tilespmem:$0x18200] =	vst v63  }
0x36f: {  	s12 =	simm.s32 $0x3A00  }
0x370: {  	[tilespmem:s12], [sflag:$0x1] =	stream.indirect_vreg.gather [hbm4b:s7+s3], $0x80, v4, vm1, $0xb8;
	[tilespmem:$0x18200] =	vst v63  }
0x371: {  	s11 =	simm.s32 $0x3E00  }
0x372: {  	[tilespmem:s11], [sflag:$0x1] =	stream.indirect_vreg.gather [hbm4b:s5+s3], $0x80, v3, vm0, $0xb8;
	[tilespmem:$0x18200] =	vst v63  }
0x373: {  	s12 =	simm.s32 $0x4600  }
0x374: {  	[tilespmem:s12], [sflag:$0x1] =	stream.indirect_vreg.gather [hbm4b:s7+s3], $0x80, v3, vm1, $0xb8;
	[tilespmem:$0x18200] =	vst v63  }
0x375: {  	v3 =	vld [tilespmem:$0x130];
	_ =	sdelay $0x4  }
0x376: {  	v51 =	vshrl.u32 v3, $0x3  }
0x377: {  	v4 =	vmul.u32 $0x18, v51  }
0x378: {  	v3 =	vand.u32 $0x7, v3  }
0x379: {  	v3 =	vor.u32 v3, v4  }
0x37a: {  	v4 =	vperm.xlane v3, v0;
	_ =	sdelay $0x1  }
0x37b: {  	v4 =	vadd.s32 v1, v4;
	_ =	sdelay $0x1  }
0x37c: {  	v3 =	vperm.xlane v3, v2;
	_ =	sdelay $0x1  }
0x37d: {  	s11 =	simm.s32 $0x4A00;
	v3 =	vadd.s32 v1, v3  }
0x37e: {  	[tilespmem:s11], [sflag:$0x1] =	stream.indirect_vreg.gather [hbm4b:s5+s3], $0x80, v4, vm0, $0xb8;
	[tilespmem:$0x18200] =	vst v63  }
0x37f: {  	s12 =	simm.s32 $0x5200  }
0x380: {  	[tilespmem:s12], [sflag:$0x1] =	stream.indirect_vreg.gather [hbm4b:s7+s3], $0x80, v4, vm1, $0xb8;
	[tilespmem:$0x18200] =	vst v63  }
0x381: {  	s11 =	simm.s32 $0x5600  }
0x382: {  	[tilespmem:s11], [sflag:$0x1] =	stream.indirect_vreg.gather [hbm4b:s5+s3], $0x80, v3, vm0, $0xb8;
	[tilespmem:$0x18200] =	vst v63  }
0x383: {  	s12 =	simm.s32 $0x5E00  }
0x384: {  	[tilespmem:s12], [sflag:$0x1] =	stream.indirect_vreg.gather [hbm4b:s7+s3], $0x80, v3, vm1, $0xb8;
	[tilespmem:$0x18200] =	vst v63  }
0x385: {  	v3 =	vld [tilespmem:$0x140];
	_ =	sdelay $0x4  }
0x386: {  	v52 =	vshrl.u32 v3, $0x3  }
0x387: {  	v4 =	vmul.u32 $0x18, v52  }
0x388: {  	v3 =	vand.u32 $0x7, v3  }
0x389: {  	v3 =	vor.u32 v3, v4  }
0x38a: {  	v4 =	vperm.xlane v3, v0;
	_ =	sdelay $0x1  }
0x38b: {  	v4 =	vadd.s32 v1, v4;
	_ =	sdelay $0x1  }
0x38c: {  	v3 =	vperm.xlane v3, v2;
	_ =	sdelay $0x1  }
0x38d: {  	s11 =	simm.s32 $0x6200;
	v3 =	vadd.s32 v1, v3  }
0x38e: {  	[tilespmem:s11], [sflag:$0x1] =	stream.indirect_vreg.gather [hbm4b:s5+s3], $0x80, v4, vm0, $0xb8;
	[tilespmem:$0x18200] =	vst v63  }
0x38f: {  	s12 =	simm.s32 $0x6A00  }
0x390: {  	[tilespmem:s12], [sflag:$0x1] =	stream.indirect_vreg.gather [hbm4b:s7+s3], $0x80, v4, vm1, $0xb8;
	[tilespmem:$0x18200] =	vst v63  }
0x391: {  	s11 =	simm.s32 $0x6E00  }
0x392: {  	[tilespmem:s11], [sflag:$0x1] =	stream.indirect_vreg.gather [hbm4b:s5+s3], $0x80, v3, vm0, $0xb8;
	[tilespmem:$0x18200] =	vst v63  }
0x393: {  	s12 =	simm.s32 $0x7600  }
0x394: {  	[tilespmem:s12], [sflag:$0x1] =	stream.indirect_vreg.gather [hbm4b:s7+s3], $0x80, v3, vm1, $0xb8;
	[tilespmem:$0x18200] =	vst v63  }
0x395: {  	v3 =	vld [tilespmem:$0x150];
	_ =	sdelay $0x4  }
0x396: {  	v53 =	vshrl.u32 v3, $0x3  }
0x397: {  	v4 =	vmul.u32 $0x18, v53  }
0x398: {  	v3 =	vand.u32 $0x7, v3  }
0x399: {  	v3 =	vor.u32 v3, v4  }
0x39a: {  	v4 =	vperm.xlane v3, v0;
	_ =	sdelay $0x1  }
0x39b: {  	v4 =	vadd.s32 v1, v4;
	_ =	sdelay $0x1  }
0x39c: {  	v3 =	vperm.xlane v3, v2;
	_ =	sdelay $0x1  }
0x39d: {  	s11 =	simm.s32 $0x7A00;
	v3 =	vadd.s32 v1, v3  }
0x39e: {  	[tilespmem:s11], [sflag:$0x1] =	stream.indirect_vreg.gather [hbm4b:s5+s3], $0x80, v4, vm0, $0xb8;
	[tilespmem:$0x18200] =	vst v63  }
0x39f: {  	s12 =	simm.s32 $0x8200  }
0x3a0: {  	[tilespmem:s12], [sflag:$0x1] =	stream.indirect_vreg.gather [hbm4b:s7+s3], $0x80, v4, vm1, $0xb8;
	[tilespmem:$0x18200] =	vst v63  }
0x3a1: {  	s11 =	simm.s32 $0x8600  }
0x3a2: {  	[tilespmem:s11], [sflag:$0x1] =	stream.indirect_vreg.gather [hbm4b:s5+s3], $0x80, v3, vm0, $0xb8;
	[tilespmem:$0x18200] =	vst v63  }
0x3a3: {  	s12 =	simm.s32 $0x8E00  }
0x3a4: {  	[tilespmem:s12], [sflag:$0x1] =	stream.indirect_vreg.gather [hbm4b:s7+s3], $0x80, v3, vm1, $0xb8;
	[tilespmem:$0x18200] =	vst v63  }
0x3a5: {  	v3 =	vld [tilespmem:$0x160];
	_ =	sdelay $0x4  }
0x3a6: {  	v54 =	vshrl.u32 v3, $0x3  }
0x3a7: {  	v4 =	vmul.u32 $0x18, v54  }
0x3a8: {  	v3 =	vand.u32 $0x7, v3  }
0x3a9: {  	v3 =	vor.u32 v3, v4  }
0x3aa: {  	v4 =	vperm.xlane v3, v0;
	_ =	sdelay $0x1  }
0x3ab: {  	v4 =	vadd.s32 v1, v4;
	_ =	sdelay $0x1  }
0x3ac: {  	v3 =	vperm.xlane v3, v2;
	_ =	sdelay $0x1  }
0x3ad: {  	s11 =	simm.s32 $0x9200;
	v3 =	vadd.s32 v1, v3  }
0x3ae: {  	[tilespmem:s11], [sflag:$0x1] =	stream.indirect_vreg.gather [hbm4b:s5+s3], $0x80, v4, vm0, $0xb8;
	[tilespmem:$0x18200] =	vst v63  }
0x3af: {  	s12 =	simm.s32 $0x9A00  }
0x3b0: {  	[tilespmem:s12], [sflag:$0x1] =	stream.indirect_vreg.gather [hbm4b:s7+s3], $0x80, v4, vm1, $0xb8;
	[tilespmem:$0x18200] =	vst v63  }
0x3b1: {  	s11 =	simm.s32 $0x9E00  }
0x3b2: {  	[tilespmem:s11], [sflag:$0x1] =	stream.indirect_vreg.gather [hbm4b:s5+s3], $0x80, v3, vm0, $0xb8;
	[tilespmem:$0x18200] =	vst v63  }
0x3b3: {  	s12 =	simm.s32 $0xA600  }
0x3b4: {  	[tilespmem:s12], [sflag:$0x1] =	stream.indirect_vreg.gather [hbm4b:s7+s3], $0x80, v3, vm1, $0xb8;
	[tilespmem:$0x18200] =	vst v63  }
0x3b5: {  	v3 =	vld [tilespmem:$0x170];
	_ =	sdelay $0x4  }
0x3b6: {  	v55 =	vshrl.u32 v3, $0x3  }
0x3b7: {  	v4 =	vmul.u32 $0x18, v55  }
0x3b8: {  	v3 =	vand.u32 $0x7, v3  }
0x3b9: {  	v3 =	vor.u32 v3, v4  }
0x3ba: {  	v4 =	vperm.xlane v3, v0;
	_ =	sdelay $0x1  }
0x3bb: {  	v4 =	vadd.s32 v1, v4;
	_ =	sdelay $0x1  }
0x3bc: {  	v3 =	vperm.xlane v3, v2;
	_ =	sdelay $0x1  }
0x3bd: {  	s11 =	simm.s32 $0xAA00;
	v3 =	vadd.s32 v1, v3  }
0x3be: {  	[tilespmem:s11], [sflag:$0x1] =	stream.indirect_vreg.gather [hbm4b:s5+s3], $0x80, v4, vm0, $0xb8;
	[tilespmem:$0x18200] =	vst v63  }
0x3bf: {  	s12 =	simm.s32 $0xB200  }
0x3c0: {  	[tilespmem:s12], [sflag:$0x1] =	stream.indirect_vreg.gather [hbm4b:s7+s3], $0x80, v4, vm1, $0xb8;
	[tilespmem:$0x18200] =	vst v63  }
0x3c1: {  	s11 =	simm.s32 $0xB600  }
0x3c2: {  	[tilespmem:s11], [sflag:$0x1] =	stream.indirect_vreg.gather [hbm4b:s5+s3], $0x80, v3, vm0, $0xb8;
	[tilespmem:$0x18200] =	vst v63  }
0x3c3: {  	_ = 	snop  }
0x3c4: {  	[tilespmem:s10], [sflag:$0x1] =	stream.indirect_vreg.gather [hbm4b:s7+s3], $0x80, v3, vm1, $0xb8;
	[tilespmem:$0x18200] =	vst v63  }
0x3c5: {  	s9 =	simm.s32 $0xC200;
	s12 =	rddreg [dreg:$0x9]  }
0x3c6: {  	[hbm4b:s12+s3] =	stream.linear.scatter [tilespmem:s9], [sflag:$0x4], $0xC000, $0x38;
	[tilespmem:$0x18200] =	vst v63  }
0x3c7: {  	_ =	swait.ge [sflag:s14], $0xC000  }
0x3c8: {  	[sflag:s14] =	ssyncset.done $0x0  }
0x3c9: {  	[sflag:s14] =	ssyncadd.s32 $0xFFFF4000  }
0x3ca: {  	_ =	swait.ge [sflag:s4], $0xC000  }
0x3cb: {  	[sflag:s4] =	ssyncset.done $0x0  }
0x3cc: {  	[sflag:s4] =	ssyncadd.s32 $0xFFFF4000  }
0x3cd: {  	v3 =	vld [tilespmem:$0x180];
	_ =	sdelay $0x4  }
0x3ce: {  	v56 =	vshrl.u32 v3, $0x3  }
0x3cf: {  	v4 =	vmul.u32 $0x18, v56  }
0x3d0: {  	v3 =	vand.u32 $0x7, v3  }
0x3d1: {  	v3 =	vor.u32 v3, v4  }
0x3d2: {  	v4 =	vperm.xlane v3, v0;
	_ =	sdelay $0x1  }
0x3d3: {  	v4 =	vadd.s32 v1, v4;
	_ =	sdelay $0x1  }
0x3d4: {  	v3 =	vperm.xlane v3, v2;
	_ =	sdelay $0x1  }
0x3d5: {  	v3 =	vadd.s32 v1, v3  }
0x3d6: {  	[tilespmem:s9], [sflag:$0x2] =	stream.indirect_vreg.gather [hbm4b:s5+s3], $0x80, v4, vm0, $0xb8;
	[tilespmem:$0x18200] =	vst v63  }
0x3d7: {  	s10 =	simm.s32 $0xCA00  }
0x3d8: {  	[tilespmem:s10], [sflag:$0x2] =	stream.indirect_vreg.gather [hbm4b:s7+s3], $0x80, v4, vm1, $0xb8;
	[tilespmem:$0x18200] =	vst v63  }
0x3d9: {  	s11 =	simm.s32 $0xCE00  }
0x3da: {  	[tilespmem:s11], [sflag:$0x2] =	stream.indirect_vreg.gather [hbm4b:s5+s3], $0x80, v3, vm0, $0xb8;
	[tilespmem:$0x18200] =	vst v63  }
0x3db: {  	_ = 	snop  }
0x3dc: {  	[tilespmem:s18], [sflag:$0x2] =	stream.indirect_vreg.gather [hbm4b:s7+s3], $0x80, v3, vm1, $0xb8;
	[tilespmem:$0x18200] =	vst v63  }
0x3dd: {  	v3 =	vld [tilespmem:$0x190];
	_ =	sdelay $0x4  }
0x3de: {  	v57 =	vshrl.u32 v3, $0x3  }
0x3df: {  	v4 =	vmul.u32 $0x18, v57  }
0x3e0: {  	v3 =	vand.u32 $0x7, v3  }
0x3e1: {  	v3 =	vor.u32 v3, v4  }
0x3e2: {  	v4 =	vperm.xlane v3, v0;
	_ =	sdelay $0x1  }
0x3e3: {  	v4 =	vadd.s32 v1, v4;
	_ =	sdelay $0x1  }
0x3e4: {  	v3 =	vperm.xlane v3, v2;
	_ =	sdelay $0x1  }
0x3e5: {  	s10 =	simm.s32 $0xDA00;
	v3 =	vadd.s32 v1, v3  }
0x3e6: {  	[tilespmem:s10], [sflag:$0x2] =	stream.indirect_vreg.gather [hbm4b:s5+s3], $0x80, v4, vm0, $0xb8;
	[tilespmem:$0x18200] =	vst v63  }
0x3e7: {  	s11 =	simm.s32 $0xE200  }
0x3e8: {  	[tilespmem:s11], [sflag:$0x2] =	stream.indirect_vreg.gather [hbm4b:s7+s3], $0x80, v4, vm1, $0xb8;
	[tilespmem:$0x18200] =	vst v63  }
0x3e9: {  	s18 =	simm.s32 $0xE600  }
0x3ea: {  	[tilespmem:s18], [sflag:$0x2] =	stream.indirect_vreg.gather [hbm4b:s5+s3], $0x80, v3, vm0, $0xb8;
	[tilespmem:$0x18200] =	vst v63  }
0x3eb: {  	_ = 	snop  }
0x3ec: {  	[tilespmem:s13], [sflag:$0x2] =	stream.indirect_vreg.gather [hbm4b:s7+s3], $0x80, v3, vm1, $0xb8;
	[tilespmem:$0x18200] =	vst v63  }
0x3ed: {  	v3 =	vld [tilespmem:$0x1A0];
	_ =	sdelay $0x4  }
0x3ee: {  	v58 =	vshrl.u32 v3, $0x3  }
0x3ef: {  	v4 =	vmul.u32 $0x18, v58  }
0x3f0: {  	v3 =	vand.u32 $0x7, v3  }
0x3f1: {  	v3 =	vor.u32 v3, v4  }
0x3f2: {  	v4 =	vperm.xlane v3, v0;
	_ =	sdelay $0x1  }
0x3f3: {  	v4 =	vadd.s32 v1, v4;
	_ =	sdelay $0x1  }
0x3f4: {  	v3 =	vperm.xlane v3, v2;
	_ =	sdelay $0x1  }
0x3f5: {  	s10 =	simm.s32 $0xF200;
	v3 =	vadd.s32 v1, v3  }
0x3f6: {  	[tilespmem:s10], [sflag:$0x2] =	stream.indirect_vreg.gather [hbm4b:s5+s3], $0x80, v4, vm0, $0xb8;
	[tilespmem:$0x18200] =	vst v63  }
0x3f7: {  	s11 =	simm.s32 $0xFA00  }
0x3f8: {  	[tilespmem:s11], [sflag:$0x2] =	stream.indirect_vreg.gather [hbm4b:s7+s3], $0x80, v4, vm1, $0xb8;
	[tilespmem:$0x18200] =	vst v63  }
0x3f9: {  	s13 =	simm.s32 $0xFE00  }
0x3fa: {  	[tilespmem:s13], [sflag:$0x2] =	stream.indirect_vreg.gather [hbm4b:s5+s3], $0x80, v3, vm0, $0xb8;
	[tilespmem:$0x18200] =	vst v63  }
0x3fb: {  	_ = 	snop  }
0x3fc: {  	[tilespmem:s15], [sflag:$0x2] =	stream.indirect_vreg.gather [hbm4b:s7+s3], $0x80, v3, vm1, $0xb8;
	[tilespmem:$0x18200] =	vst v63  }
0x3fd: {  	v3 =	vld [tilespmem:$0x1B0];
	_ =	sdelay $0x4  }
0x3fe: {  	v59 =	vshrl.u32 v3, $0x3  }
0x3ff: {  	v4 =	vmul.u32 $0x18, v59  }
0x400: {  	v3 =	vand.u32 $0x7, v3  }
0x401: {  	v3 =	vor.u32 v3, v4  }
0x402: {  	v4 =	vperm.xlane v3, v0;
	_ =	sdelay $0x1  }
0x403: {  	v4 =	vadd.s32 v1, v4;
	_ =	sdelay $0x1  }
0x404: {  	v3 =	vperm.xlane v3, v2;
	_ =	sdelay $0x1  }
0x405: {  	s18 =	simm.s32 $0x10A00;
	v3 =	vadd.s32 v1, v3  }
0x406: {  	[tilespmem:s18], [sflag:$0x2] =	stream.indirect_vreg.gather [hbm4b:s5+s3], $0x80, v4, vm0, $0xb8;
	[tilespmem:$0x18200] =	vst v63  }
0x407: {  	s21 =	simm.s32 $0x11200  }
0x408: {  	[tilespmem:s21], [sflag:$0x2] =	stream.indirect_vreg.gather [hbm4b:s7+s3], $0x80, v4, vm1, $0xb8;
	[tilespmem:$0x18200] =	vst v63  }
0x409: {  	s22 =	simm.s32 $0x11600  }
0x40a: {  	[tilespmem:s22], [sflag:$0x2] =	stream.indirect_vreg.gather [hbm4b:s5+s3], $0x80, v3, vm0, $0xb8;
	[tilespmem:$0x18200] =	vst v63  }
0x40b: {  	_ = 	snop  }
0x40c: {  	[tilespmem:s16], [sflag:$0x2] =	stream.indirect_vreg.gather [hbm4b:s7+s3], $0x80, v3, vm1, $0xb8;
	[tilespmem:$0x18200] =	vst v63  }
0x40d: {  	v3 =	vld [tilespmem:$0x1C0];
	_ =	sdelay $0x4  }
0x40e: {  	v60 =	vshrl.u32 v3, $0x3  }
0x40f: {  	v4 =	vmul.u32 $0x18, v60  }
0x410: {  	v3 =	vand.u32 $0x7, v3  }
0x411: {  	v3 =	vor.u32 v3, v4  }
0x412: {  	v4 =	vperm.xlane v3, v0;
	_ =	sdelay $0x1  }
0x413: {  	v4 =	vadd.s32 v1, v4;
	_ =	sdelay $0x1  }
0x414: {  	v3 =	vperm.xlane v3, v2;
	_ =	sdelay $0x1  }
0x415: {  	s23 =	simm.s32 $0x12200;
	v3 =	vadd.s32 v1, v3  }
0x416: {  	[tilespmem:s23], [sflag:$0x2] =	stream.indirect_vreg.gather [hbm4b:s5+s3], $0x80, v4, vm0, $0xb8;
	[tilespmem:$0x18200] =	vst v63  }
0x417: {  	s24 =	simm.s32 $0x12A00  }
0x418: {  	[tilespmem:s24], [sflag:$0x2] =	stream.indirect_vreg.gather [hbm4b:s7+s3], $0x80, v4, vm1, $0xb8;
	[tilespmem:$0x18200] =	vst v63  }
0x419: {  	s25 =	simm.s32 $0x12E00  }
0x41a: {  	[tilespmem:s25], [sflag:$0x2] =	stream.indirect_vreg.gather [hbm4b:s5+s3], $0x80, v3, vm0, $0xb8;
	[tilespmem:$0x18200] =	vst v63  }
0x41b: {  	_ = 	snop  }
0x41c: {  	[tilespmem:s17], [sflag:$0x2] =	stream.indirect_vreg.gather [hbm4b:s7+s3], $0x80, v3, vm1, $0xb8;
	[tilespmem:$0x18200] =	vst v63  }
0x41d: {  	v3 =	vld [tilespmem:$0x1D0];
	_ =	sdelay $0x4  }
0x41e: {  	v61 =	vshrl.u32 v3, $0x3  }
0x41f: {  	v4 =	vmul.u32 $0x18, v61  }
0x420: {  	v3 =	vand.u32 $0x7, v3  }
0x421: {  	v3 =	vor.u32 v3, v4  }
0x422: {  	v4 =	vperm.xlane v3, v0;
	_ =	sdelay $0x1  }
0x423: {  	v4 =	vadd.s32 v1, v4;
	_ =	sdelay $0x1  }
0x424: {  	v3 =	vperm.xlane v3, v2;
	_ =	sdelay $0x1  }
0x425: {  	s26 =	simm.s32 $0x13A00;
	v3 =	vadd.s32 v1, v3  }
0x426: {  	[tilespmem:s26], [sflag:$0x2] =	stream.indirect_vreg.gather [hbm4b:s5+s3], $0x80, v4, vm0, $0xb8;
	[tilespmem:$0x18200] =	vst v63  }
0x427: {  	s28 =	simm.s32 $0x14200  }
0x428: {  	[tilespmem:s28], [sflag:$0x2] =	stream.indirect_vreg.gather [hbm4b:s7+s3], $0x80, v4, vm1, $0xb8;
	[tilespmem:$0x18200] =	vst v63  }
0x429: {  	s29 =	simm.s32 $0x14600  }
0x42a: {  	[tilespmem:s29], [sflag:$0x2] =	stream.indirect_vreg.gather [hbm4b:s5+s3], $0x80, v3, vm0, $0xb8;
	[tilespmem:$0x18200] =	vst v63  }
0x42b: {  	s23 =	simm.s32 $0x14E00  }
0x42c: {  	[tilespmem:s23], [sflag:$0x2] =	stream.indirect_vreg.gather [hbm4b:s7+s3], $0x80, v3, vm1, $0xb8;
	[tilespmem:$0x18200] =	vst v63  }
0x42d: {  	v3 =	vld [tilespmem:$0x1E0];
	_ =	sdelay $0x4  }
0x42e: {  	v62 =	vshrl.u32 v3, $0x3  }
0x42f: {  	v4 =	vmul.u32 $0x18, v62  }
0x430: {  	v3 =	vand.u32 $0x7, v3  }
0x431: {  	v3 =	vor.u32 v3, v4  }
0x432: {  	v4 =	vperm.xlane v3, v0;
	_ =	sdelay $0x1  }
0x433: {  	v4 =	vadd.s32 v1, v4;
	_ =	sdelay $0x1  }
0x434: {  	v3 =	vperm.xlane v3, v2;
	_ =	sdelay $0x1  }
0x435: {  	s24 =	simm.s32 $0x15200;
	v3 =	vadd.s32 v1, v3  }
0x436: {  	[tilespmem:s24], [sflag:$0x2] =	stream.indirect_vreg.gather [hbm4b:s5+s3], $0x80, v4, vm0, $0xb8;
	[tilespmem:$0x18200] =	vst v63  }
0x437: {  	s25 =	simm.s32 $0x15A00  }
0x438: {  	[tilespmem:s25], [sflag:$0x2] =	stream.indirect_vreg.gather [hbm4b:s7+s3], $0x80, v4, vm1, $0xb8;
	[tilespmem:$0x18200] =	vst v63  }
0x439: {  	s30 =	simm.s32 $0x15E00  }
0x43a: {  	[tilespmem:s30], [sflag:$0x2] =	stream.indirect_vreg.gather [hbm4b:s5+s3], $0x80, v3, vm0, $0xb8;
	[tilespmem:$0x18200] =	vst v63  }
0x43b: {  	s26 =	simm.s32 $0x16600  }
0x43c: {  	[tilespmem:s26], [sflag:$0x2] =	stream.indirect_vreg.gather [hbm4b:s7+s3], $0x80, v3, vm1, $0xb8;
	[tilespmem:$0x18200] =	vst v63  }
0x43d: {  	v3 =	vld [tilespmem:$0x1F0];
	_ =	sdelay $0x4  }
0x43e: {  	v63 =	vshrl.u32 v3, $0x3  }
0x43f: {  	v4 =	vmul.u32 $0x18, v63  }
0x440: {  	v3 =	vand.u32 $0x7, v3  }
0x441: {  	v3 =	vor.u32 v3, v4  }
0x442: {  	v4 =	vperm.xlane v3, v0;
	_ =	sdelay $0x1  }
0x443: {  	v4 =	vadd.s32 v1, v4;
	_ =	sdelay $0x1  }
0x444: {  	v3 =	vperm.xlane v3, v2;
	_ =	sdelay $0x1  }
0x445: {  	s31 =	simm.s32 $0x16A00;
	v3 =	vadd.s32 v1, v3  }
0x446: {  	[tilespmem:s31], [sflag:$0x2] =	stream.indirect_vreg.gather [hbm4b:s5+s3], $0x80, v4, vm0, $0xb8;
	[tilespmem:$0x18200] =	vst v63  }
0x447: {  	s28 =	simm.s32 $0x17200  }
0x448: {  	[tilespmem:s28], [sflag:$0x2] =	stream.indirect_vreg.gather [hbm4b:s7+s3], $0x80, v4, vm1, $0xb8;
	[tilespmem:$0x18200] =	vst v63  }
0x449: {  	s29 =	simm.s32 $0x17600  }
0x44a: {  	[tilespmem:s29], [sflag:$0x2] =	stream.indirect_vreg.gather [hbm4b:s5+s3], $0x80, v3, vm0, $0xb8;
	[tilespmem:$0x18200] =	vst v63  }
0x44b: {  	_ = 	snop  }
0x44c: {  	[tilespmem:s19], [sflag:$0x2] =	stream.indirect_vreg.gather [hbm4b:s7+s3], $0x80, v3, vm1, $0xb8;
	[tilespmem:$0x18200] =	vst v63  }
0x44d: {  	s20 =	simm.s32 $0x200;
	s30 =	rddreg [dreg:$0xa]  }
0x44e: {  	[hbm4b:s30+s3] =	stream.linear.scatter [tilespmem:s20], [sflag:$0x3], $0xC000, $0x38;
	[tilespmem:$0x18200] =	vst v63  }
0x44f: {  	_ =	swait.ge [sflag:s1], $0xC000  }
0x450: {  	[sflag:s1] =	ssyncset.done $0x0  }
0x451: {  	s12 =	simm.s32 $0xC200;
	s31 =	rddreg [dreg:$0xb];
	[sflag:s1] =	ssyncadd.s32 $0xFFFF4000  }
0x452: {  	[hbm4b:s31+s3] =	stream.linear.scatter [tilespmem:s12], [sflag:$0x4], $0xC000, $0x38;
	[tilespmem:$0x18200] =	vst v63  }
0x453: {  	p0 =	sne.s32 s8, $0x1;
	_ =	swait.ge [sflag:s0], $0xC000  }
.Ltmp0:
0x454: {  	[sflag:s0] =	ssyncset.done $0x0;
	(pc) =	sbr.rel @p0 .LBB2_1-.Ltmp0, $4  }
0x455: {  	[sflag:s0] =	ssyncadd.s32 $0xFFFF4000  }
0x456: {  	_ =	swait.ge [sflag:s4], $0xC000  }
0x457: {  	[sflag:s4] =	ssyncset.done $0x0  }
0x458: {  	s8 =	sadd.s32 $0xFFFFFFFF, s8;
	[sflag:s4] =	ssyncadd.s32 $0xFFFF4000  }
0x459: {  	_ =	sfence.sel $0x180000  }
0x45a: {  	[bflag:$0x0] =	sbarrier.arrive $0xFFFF  }
0x45b: {  	_ =	strace $0x9000004D  }
0x45c: {  	s0 =	stileid.u32;
	[bflag:$0x2] =	sbarrier.arrive $0xFFFF  }
0x45d: {  	p0 =	sne.s32 s0, $0x0;
	s0 =	rddreg [dreg:$0x2]  }
0x45e: {  	s0 =	sadd.s32 @!p0 $0x100000, s0  }
0x45f: {  	[sflag:s0] =	ssyncadd.tile.s32 @!p0 $0x1;
	_ =	shalt  }
.Lfunc_end2:
_tile_overlayer_lowered:
.L_overlay_start_2:
0x460: {  	(tag) =	ssettag $0x2  }
0x461: {  	s0 =	rddreg [dreg:$0x0];
	s2 =	stileid.u32  }
0x462: {  	s1 =	rddreg [dreg:$0x1];
	p0 =	sne.s32 s2, $0x0  }
0x463: {  	s3 =	rddreg [dreg:$0x2];
	[bflag:$0x3] =	sbarrier.arrive $0xFFFF;
	s2 =	simm.s32 @!p0 $0x1C05  }
0x464: {  	[timem:s3], [sflag:s2] =	dma.local @!p0 [hbm:s0], s1  }
0x465: {  	s0 =	simm.s32 @!p0 $0x5  }
0x466: {  	_ =	swait.ge @!p0 [sflag:s0], s1  }
0x467: {  	s1 =	ssub.s32 @!p0 $0x0, s1;
	[sflag:s0] =	ssyncset.done @!p0 $0x0  }
0x468: {  	[sflag:s0] =	ssyncadd.s32 @!p0 s1  }
0x469: {  	[bflag:$0x3] =	sbarrier.arrive $0xFFFF  }
0x46a: {  	_ =	shalt  }

// kernel: kernel.9.cloned.1.call-start
scs
__scs_entry_jumppad:
0x0: {  	(pc) =	sbr.rel $0x88, $3  }
0x1: {  	(tag) =	ssettag $0x0;
	lr =	simm.s32 $0x1  }
0x2: {  	[smem:$0x3F9B] =	sst lr;
	_ =	strace $0xD0000000  }
0x3: {  	_ = 	snop  }
0x4: {  	_ = 	snop  }
0x5: {  	_ = 	snop  }
0x6: {  	_ = 	snop  }
0x7: {  	_ = 	snop  }
__scs_overlays_trampoline_lowered:
0x8: {  	[smem:$0x3FAA] =	sst s0  }
0x9: {  	[smem:$0x3FAB] =	sst s1  }
0xa: {  	[smem:$0x3FAC] =	sst s2  }
0xb: {  	[smem:$0x3FAD] =	sst s3  }
0xc: {  	[smem:$0x3FAE] =	sst s4  }
0xd: {  	[smem:$0x3FAF] =	sst s5  }
0xe: {  	[smem:$0x3FB0] =	sst s6  }
0xf: {  	[smem:$0x3FB1] =	sst s7  }
0x10: {  	[smem:$0x3FB2] =	sst s8  }
0x11: {  	[smem:$0x3FB3] =	sst s9;
	s0 =	simm.s32 @!p0 $0x0  }
0x12: {  	s1 =	sld [smem:$0x3F99];
	s0 =	simm.s32 @p0 $0x1  }
0x13: {  	[smem:$0x3FB4] =	sst s0;
	s0 =	simm.s32 @!p1 $0x0  }
0x14: {  	s2 =	sld [smem:$0x3F98];
	s0 =	simm.s32 @p1 $0x1  }
0x15: {  	[smem:$0x3FB5] =	sst s0;
	s0 =	simm.s32 @!p2 $0x0  }
0x16: {  	s3 =	sld [smem:$0x3FDB];
	s0 =	simm.s32 @p2 $0x1  }
0x17: {  	s4 =	simm.s32 $0x1BF5;
	[smem:$0x3FB7] =	sst s0  }
0x18: {  	s0 =	sld [smem:$0x3F9A];
	_ =	swait.ge [sflag:s4], $0x0  }
0x19: {  	s7 =	sld [smem:$0x3F9B]  }
0x1a: {  	s8 =	sadd.s32 $0xFFFFE003, lr  }
0x1b: {  	s9 =	sadd.s32 $0xFFFFFEF7, lr;
	s5 =	simm.s32 $0xFFFFFFFF;
	p2 =	slt.u32 s8, $0xFFFFF086  }
0x1c: {  	p1 =	slt.u32 s9, $0xF7A;
	s5 =	simm.s32 @!p2 $0x0  }
0x1d: {  	s5 =	simm.s32 @p1 $0x1;
	p0 =	seq.s32 s7, s2  }
0x1e: {  	s7 =	smul.u32 @!p0 $0xF7A, s2;
	p2 =	seq.s32 @!p0 s5, $0x0  }
0x1f: {  	s9 =	smul.u32 $0xF7A, s1;
	s8 =	simm.s32 @!p0 $0x1BF5;
	p2 =	por !p2, p0  }
0x20: {  	[sflag:s8] =	ssyncset.s32 @!p0 $0xFFFFF086;
	s6 =	sadd.s32 @!p0 s3, s7;
	s7 =	simm.s32 @!p0 $0x108  }
0x21: {  	s3 =	sadd.s32 s3, s9;
	s6 =	sadd.s32 @!p0 $0x88, s6;
	s7 =	simm.s32 @p2 $0x1082  }
0x22: {  	[simem:s7], [sflag:s8] =	dma.local @!p0 [hbm:s6], $0xF7A  }
0x23: {  	s9 =	sor.u32 $0xD0000000, s2;
	s6 =	simm.s32 $0x108;
	_ =	swait.ge @!p0 [sflag:s8], $0x0  }
0x24: {  	s3 =	sadd.s32 $0x88, s3;
	s6 =	simm.s32 @!p1 $0x1082;
	[sflag:s4] =	ssyncset.s32 $0xFFFFF086  }
0x25: {  	[simem:s6], [sflag:s4] =	dma.local [hbm:s3], $0xF7A  }
0x26: {  	[smem:$0x3F9B] =	sst s1;
	(tag) =	ssettag s2;
	_ =	strace s9  }
0x27: {  	s1 =	sld [smem:$0x3FAB]  }
0x28: {  	s2 =	sld [smem:$0x3FAC]  }
0x29: {  	s4 =	sld [smem:$0x3FAE]  }
0x2a: {  	p0 =	seq.s32 s5, $0x0;
	s5 =	sld [smem:$0x3FAF]  }
0x2b: {  	s6 =	sld [smem:$0x3FB0]  }
0x2c: {  	s7 =	sld [smem:$0x3FB1]  }
0x2d: {  	s3 =	simm.s32 $0x108;
	s8 =	sld [smem:$0x3FB2]  }
0x2e: {  	s3 =	simm.s32 @!p0 $0x1082;
	s9 =	sld [smem:$0x3FB3]  }
0x2f: {  	lr =	sadd.s32 s0, s3;
	s0 =	sld [smem:$0x3FAA]  }
0x30: {  	s3 =	sld [smem:$0x3FAD]  }
0x31: {  	[smem:$0x3FB6] =	sst s10  }
0x32: {  	s10 =	sld [smem:$0x3FB4];
	_ =	sdelay $0x3  }
0x33: {  	p0 =	seq.s32 s10, $0x1;
	s10 =	sld [smem:$0x3FB6];
	_ =	sdelay $0x3  }
0x34: {  	[smem:$0x3FB6] =	sst s10  }
0x35: {  	s10 =	sld [smem:$0x3FB5];
	_ =	sdelay $0x3  }
0x36: {  	p1 =	seq.s32 s10, $0x1;
	s10 =	sld [smem:$0x3FB6];
	_ =	sdelay $0x3  }
0x37: {  	[smem:$0x3FB6] =	sst s10  }
0x38: {  	s10 =	sld [smem:$0x3FB7]  }
0x39: {  	_ = 	snop;
	(pc) =	sbr.ind lr, $3  }
0x3a: {  	_ = 	snop  }
0x3b: {  	_ = 	snop  }
0x3c: {  	p2 =	seq.s32 s10, $0x1;
	s10 =	sld [smem:$0x3FB6]  }
0x3d: {  	_ =	shalt  }
0x3e: {  	_ =	shalt  }
0x3f: {  	_ =	shalt  }
0x40: {  	_ =	shalt  }
0x41: {  	_ =	shalt  }
0x42: {  	_ =	shalt  }
0x43: {  	_ =	shalt  }
0x44: {  	_ =	shalt  }
0x45: {  	_ =	shalt  }
0x46: {  	_ =	shalt  }
0x47: {  	_ =	shalt  }
0x48: {  	_ =	shalt  }
0x49: {  	_ =	shalt  }
0x4a: {  	_ =	shalt  }
0x4b: {  	_ =	shalt  }
0x4c: {  	_ =	shalt  }
0x4d: {  	_ =	shalt  }
0x4e: {  	_ =	shalt  }
0x4f: {  	_ =	shalt  }
0x50: {  	_ =	shalt  }
0x51: {  	_ =	shalt  }
0x52: {  	_ =	shalt  }
0x53: {  	_ =	shalt  }
0x54: {  	_ =	shalt  }
0x55: {  	_ =	shalt  }
0x56: {  	_ =	shalt  }
0x57: {  	_ =	shalt  }
0x58: {  	_ =	shalt  }
0x59: {  	_ =	shalt  }
0x5a: {  	_ =	shalt  }
0x5b: {  	_ =	shalt  }
0x5c: {  	_ =	shalt  }
0x5d: {  	_ =	shalt  }
0x5e: {  	_ =	shalt  }
0x5f: {  	_ =	shalt  }
0x60: {  	_ =	shalt  }
0x61: {  	_ =	shalt  }
0x62: {  	_ =	shalt  }
0x63: {  	_ =	shalt  }
0x64: {  	_ =	shalt  }
0x65: {  	_ =	shalt  }
0x66: {  	_ =	shalt  }
0x67: {  	_ =	shalt  }
0x68: {  	_ =	shalt  }
0x69: {  	_ =	shalt  }
0x6a: {  	_ =	shalt  }
0x6b: {  	_ =	shalt  }
0x6c: {  	_ =	shalt  }
0x6d: {  	_ =	shalt  }
0x6e: {  	_ =	shalt  }
0x6f: {  	_ =	shalt  }
0x70: {  	_ =	shalt  }
0x71: {  	_ =	shalt  }
0x72: {  	_ =	shalt  }
0x73: {  	_ =	shalt  }
0x74: {  	_ =	shalt  }
0x75: {  	_ =	shalt  }
0x76: {  	_ =	shalt  }
0x77: {  	_ =	shalt  }
0x78: {  	_ =	shalt  }
0x79: {  	_ =	shalt  }
0x7a: {  	_ =	shalt  }
0x7b: {  	_ =	shalt  }
0x7c: {  	_ =	shalt  }
0x7d: {  	_ =	shalt  }
0x7e: {  	_ =	shalt  }
0x7f: {  	_ =	shalt  }
0x80: {  	_ =	shalt  }
0x81: {  	_ =	shalt  }
0x82: {  	_ =	shalt  }
0x83: {  	_ =	shalt  }
0x84: {  	_ =	shalt  }
0x85: {  	_ =	shalt  }
0x86: {  	_ =	shalt  }
0x87: {  	_ =	shalt  }
.Lfunc_end0:
.L_simem_size_0:
called_computation.1_lowered:
.L_overlay_start_0:
0x88: {  	s2 =	sld [smem:$0x3FD9]  }
0x89: {  	s3 =	sld [smem:$0x3FFE];
	_ =	sdelay $0x1  }
0x8a: {  	s1 =	srdreg.scid  }
0x8b: {  	s0 =	sand.u32 $0x1, s1  }
0x8c: {  	s17 =	sshll.u32 s0, $0xA;
	s2 =	sadd.s32 s3, s2  }
0x8d: {  	s2 =	sadd.s32 s2, s17  }
0x8e: {  	[smem:$0x3FC2] =	sst s2  }
0x8f: {  	_ = 	snop  }
0x90: {  	s18 =	sld [smem:$0x3FD0];
	(tm) =	ssettm $0x1  }
0x91: {  	s19 =	sld [smem:$0x3FFB];
	_ =	sdelay $0x3  }
0x92: {  	_ =	strace s19  }
0x93: {  	s2 =	sld [smem:$0x3FFC];
	_ =	sdelay $0x3  }
0x94: {  	_ =	strace s2  }
0x95: {  	s2 =	sld [smem:$0x3FFD];
	_ =	sdelay $0x3  }
0x96: {  	_ =	strace s2  }
0x97: {  	_ =	strace $0x8FFFFFFF  }
0x98: {  	s20 =	sld [smem:$0x3FDB];
	_ =	sdelay $0x1  }
0x99: {  	s4 =	simm.s32 $_scs_section_size  }
0x9a: {  	s5 =	simm.s32 $_size__tile_overlayer_lowered;
	s6 =	simm.s32 $_tile_overlayer_lowered  }
0x9b: {  	s7 =	simm.s32 $0x1BFF;
	s21 =	sshll.u32 s6, $0x1;
	s4 =	sadd.s32 s4, s20  }
0x9c: {  	s22 =	simm.s32 $0x0;
	s5 =	sshll.u32 s5, $0x1;
	s6 =	sadd.s32 s21, s4  }
0x9d: {  	[timem:s22], [sflag:s7] =	dma.local [hbm:s6], s5  }
0x9e: {  	_ =	swait.ge [sflag:s7], s5  }
0x9f: {  	s5 =	ssub.s32 $0x0, s5;
	[sflag:s7] =	ssyncset.done $0x0  }
0xa0: {  	[sflag:s7] =	ssyncadd.s32 s5;
	_ =	sdelay $0x1  }
0xa1: {  	s23 =	simm.s32 $0x1B8B  }
0xa2: {  	_ =	swait.ge [sflag:s23], $0x1  }
0xa3: {  	[sflag:s23] =	ssyncset.done $0x0  }
0xa4: {  	[sflag:s23] =	ssyncadd.s32 $0xFFFFFFFF  }
0xa5: {  	s5 =	sld [smem:$0x0]  }
0xa6: {  	s6 =	sand.u32 $0xFFFFFFFE, s1  }
0xa7: {  	p0 =	sne.s32 s1, s6  }
0xa8: {  	s6 =	sshll.u32 @p0 s6, $0xE  }
0xa9: {  	s6 =	sadd.s32 @p0 $0x11B8D, s6;
	s7 =	sshll.u32 @p0 s5, $0x11  }
0xaa: {  	s6 =	sor.u32 @p0 s7, s6  }
0xab: {  	[sflag:s6] =	ssyncadd.remote.s32 @p0 $0x1;
	_ =	sdelay $0x1  }
0xac: {  	s6 =	simm.s32 @p0 $0x1B8D  }
0xad: {  	_ =	swait.eq @p0 [sflag:s6], $0x1  }
0xae: {  	[sflag:s6] =	ssyncadd.s32 @p0 $0xFFFFFFFF  }
0xaf: {  	s7 =	sshll.u32 @!p0 s1, $0xE  }
0xb0: {  	s7 =	sor.u32 @!p0 $0x4000, s7;
	s6 =	simm.s32 @!p0 $0x1B8D  }
0xb1: {  	s5 =	sshll.u32 @!p0 s5, $0x11;
	s7 =	sadd.s32 @!p0 $0x11B8D, s7;
	_ =	swait.eq @!p0 [sflag:s6], $0x1  }
0xb2: {  	s5 =	sor.u32 @!p0 s5, s7;
	[sflag:s6] =	ssyncadd.s32 @!p0 $0xFFFFFFFF  }
0xb3: {  	s25 =	simm.s32 $0x1B8E;
	s24 =	sld [smem:$0x3FFE];
	[sflag:s5] =	ssyncadd.remote.s32 @!p0 $0x1  }
0xb4: {  	s26 =	simm.s32 $execute0_lowered;
	[smem:$0x3FD2] =	sst s25  }
0xb5: {  	s6 =	sshll.u32 s26, $0x1;
	_ =	strace $0x80000049;
	[dreg:$0x1] =	wrdreg $0xFFFFFFFF  }
0xb6: {  	s28 =	simm.s32 $_size_execute0_lowered;
	s4 =	sadd.s32 s4, s6;
	[dreg:$0x0] =	wrdreg $0x0  }
0xb7: {  	s6 =	sshll.u32 s28, $0x1;
	[dreg:$0x2] =	wrdreg s4  }
0xb8: {  	[dreg:$0x3] =	wrdreg s6  }
0xb9: {  	[dreg:$0x4] =	wrdreg $0xC0  }
0xba: {  	_ =	task [dreg:s22], $0x5FFFF  }
0xbb: {  	[dreg:$0x1] =	wrdreg $0xFFFFFFFF  }
0xbc: {  	[dreg:$0x0] =	wrdreg $0x60  }
0xbd: {  	[dreg:$0x2] =	wrdreg s24  }
0xbe: {  	[dreg:$0x3] =	wrdreg s18  }
0xbf: {  	[dreg:$0x4] =	wrdreg $0x9  }
0xc0: {  	_ =	task.clear_ibuf [dreg:s22], $0x5FFFF;
	_ =	strace $0x90000049  }
0xc1: {  	s29 =	simm.s32 $0x9;
	_ =	strace $0x8000004B  }
0xc2: {  	_ =	swait.ge [sflag:s29], $0x1  }
0xc3: {  	[sflag:s29] =	ssyncadd.s32 $0xFFFFFFFF  }
0xc4: {  	_ =	strace $0x9000004B  }
0xc5: {  	_ =	sfence  }
0xc6: {  	s30 =	sld [smem:$0x0];
	_ =	sdelay $0x2  }
0xc7: {  	s31 =	sshll.u32 s1, $0xD;
	s1 =	sshrl.u32 s1, $0x2  }
0xc8: {  	s4 =	sand.u32 $0x4000, s31;
	s1 =	sadd.s32 s1, s30  }
0xc9: {  	s0 =	sor.u32 s4, s0;
	s1 =	sshll.u32 s1, $0x11  }
0xca: {  	s0 =	sor.u32 s1, s0  }
0xcb: {  	s0 =	sadd.s32 $0x8F2B, s0  }
0xcc: {  	[sflag:s0] =	ssyncadd.remote.s32 $0x1  }
0xcd: {  	_ =	sfence.sel $0xFFFF  }
0xce: {  	[dreg:$0x0] =	wrdreg $0xFFFFFFFF;
	(pc) =	sbr.abs _section_cstart, $3  }
0xcf: {  	[dreg:$0x1] =	wrdreg $0xFFFFFFFF  }
0xd0: {  	_ =	task.clear_ibuf [dreg:s22], $0x2FFFF;
	_ =	strace $0x9FFFFFFF  }
0xd1: {  	(tm) =	ssettm $0x7FFFFFFF  }
tec
execute0_lowered:
.L_overlay_start_1:
0x0: {  	(tag) =	ssettag $0x1  }
0x1: {  	s1 =	srdreg.scid  }
0x2: {  	s6 =	rddreg [dreg:$0x0];
	s0 =	stileid.u32;
	s20 =	sand.u32 $0x1, s1  }
0x3: {  	s2 =	rddreg [dreg:$0x1];
	s4 =	sshll.u32 s0, $0xA;
	s5 =	sshll.u32 s20, $0x9  }
0x4: {  	s3 =	simm.s32 $0x0;
	s1 =	rddreg [dreg:$0x2];
	s18 =	sor.u32 s5, s4  }
0x5: {  	[smem:$0x7FF] =	sst s3;
	s19 =	sadd.s32 $0x800, s6;
	s4 =	sshrl.u32 s18, $0x3  }
0x6: {  	_ =	strace $0x8000004A;
	s5 =	simm.s32 $0x5;
	s4 =	sadd.s32 s19, s4  }
0x7: {  	[tilespmem:s3], [sflag:$0x5] =	stream.linear.gather [hbm4b:s4+s3], $0x80, $0x38;
	[tilespmem:$0x8100] =	vst v63  }
0x8: {  	s7 =	simm.s32 $0x100;
	_ =	swait.ge [sflag:s5], $0x80  }
0x9: {  	s21 =	sadd.s32 $0x91000, s6;
	s29 =	sshll.u32 s18, $0x4;
	[sflag:s5] =	ssyncset.done $0x0  }
0xa: {  	s8 =	simm.s32 $0x1;
	s6 =	sadd.s32 s21, s29;
	[sflag:s5] =	ssyncadd.s32 $0xFFFFFF80  }
0xb: {  	[tilespmem:s7], [sflag:$0x1] =	stream.linear.gather [hbm4b:s6+s3], $0x4000, $0x38;
	[tilespmem:$0x8100] =	vst v63  }
0xc: {  	s11 =	sor.u32 $0x80, s18;
	_ =	swait.ge [sflag:s8], $0x4000  }
0xd: {  	s9 =	sshrl.u32 s11, $0x3;
	[sflag:s8] =	ssyncset.done $0x0  }
0xe: {  	s10 =	simm.s32 $0x80;
	s9 =	sadd.s32 s19, s9;
	[sflag:s8] =	ssyncadd.s32 $0xFFFFC000  }
0xf: {  	[tilespmem:s10], [sflag:$0x5] =	stream.linear.gather [hbm4b:s9+s3], $0x80, $0x38;
	[tilespmem:$0x8100] =	vst v63  }
0x10: {  	_ =	swait.ge [sflag:s5], $0x80  }
0x11: {  	s11 =	sshll.u32 s11, $0x4;
	[sflag:s5] =	ssyncset.done $0x0  }
0x12: {  	s12 =	simm.s32 $0x4100;
	s11 =	sadd.s32 s21, s11;
	[sflag:s5] =	ssyncadd.s32 $0xFFFFFF80  }
0x13: {  	[tilespmem:s12], [sflag:$0x2] =	stream.linear.gather [hbm4b:s11+s3], $0x4000, $0x38;
	[tilespmem:$0x8100] =	vst v63  }
0x14: {  	s13 =	simm.s32 $0x2  }
0x15: {  	[hbm4b:s2+s10] =	stream.indirect.scatter [tilespmem:s7], [sflag:$0x3], $0x80, s3, s10, $0xb8;
	[tilespmem:$0x8100] =	vst v63  }
0x16: {  	_ =	swait.ge [sflag:s13], $0x4000  }
0x17: {  	[sflag:s13] =	ssyncset.done $0x0  }
0x18: {  	s14 =	simm.s32 $0x3;
	[sflag:s13] =	ssyncadd.s32 $0xFFFFC000  }
0x19: {  	s16 =	sor.u32 $0x100, s18;
	_ =	swait.ge [sflag:s14], $0x4000  }
0x1a: {  	s15 =	sshrl.u32 s16, $0x3;
	[sflag:s14] =	ssyncset.done $0x0  }
0x1b: {  	s15 =	sadd.s32 s19, s15;
	[sflag:s14] =	ssyncadd.s32 $0xFFFFC000  }
0x1c: {  	[tilespmem:s3], [sflag:$0x5] =	stream.linear.gather [hbm4b:s15+s3], $0x80, $0x38;
	[tilespmem:$0x8100] =	vst v63  }
0x1d: {  	_ =	swait.ge [sflag:s5], $0x80  }
0x1e: {  	s16 =	sshll.u32 s16, $0x4;
	[sflag:s5] =	ssyncset.done $0x0  }
0x1f: {  	s16 =	sadd.s32 s21, s16;
	[sflag:s5] =	ssyncadd.s32 $0xFFFFFF80  }
0x20: {  	[tilespmem:s7], [sflag:$0x1] =	stream.linear.gather [hbm4b:s16+s3], $0x4000, $0x38;
	[tilespmem:$0x8100] =	vst v63  }
0x21: {  	_ = 	snop  }
0x22: {  	[hbm4b:s2+s10] =	stream.indirect.scatter [tilespmem:s12], [sflag:$0x4], $0x80, s10, s10, $0xb8;
	[tilespmem:$0x8100] =	vst v63  }
0x23: {  	_ =	swait.ge [sflag:s8], $0x4000  }
0x24: {  	[sflag:s8] =	ssyncset.done $0x0  }
0x25: {  	s17 =	simm.s32 $0x4;
	[sflag:s8] =	ssyncadd.s32 $0xFFFFC000  }
0x26: {  	s22 =	sor.u32 $0x180, s18;
	_ =	swait.ge [sflag:s17], $0x4000  }
0x27: {  	s18 =	sshrl.u32 s22, $0x3;
	[sflag:s17] =	ssyncset.done $0x0  }
0x28: {  	s18 =	sadd.s32 s19, s18;
	[sflag:s17] =	ssyncadd.s32 $0xFFFFC000  }
0x29: {  	[tilespmem:s10], [sflag:$0x5] =	stream.linear.gather [hbm4b:s18+s3], $0x80, $0x38;
	[tilespmem:$0x8100] =	vst v63  }
0x2a: {  	_ =	swait.ge [sflag:s5], $0x80  }
0x2b: {  	s30 =	sshll.u32 s22, $0x4;
	[sflag:s5] =	ssyncset.done $0x0  }
0x2c: {  	s20 =	ssub.s32 $0x2, s20;
	s19 =	sadd.s32 s21, s30;
	[sflag:s5] =	ssyncadd.s32 $0xFFFFFF80  }
0x2d: {  	[tilespmem:s12], [sflag:$0x2] =	stream.linear.gather [hbm4b:s19+s3], $0x4000, $0x38;
	[tilespmem:$0x8100] =	vst v63  }
0x2e: {  	s31 =	sshrl.u32 s20, $0x1  }
0x2f: {  	[hbm4b:s2+s10] =	stream.indirect.scatter [tilespmem:s7], [sflag:$0x3], $0x80, s3, s10, $0xb8;
	[tilespmem:$0x8100] =	vst v63  }
0x30: {  	s20 =	ssub.s32 s20, s31;
	_ =	swait.ge [sflag:s13], $0x4000  }
0x31: {  	s20 =	smax.u32 s20, $0x1;
	[sflag:s13] =	ssyncset.done $0x0  }
0x32: {  	p0 =	sne.s32 s20, $0x1;
	[sflag:s13] =	ssyncadd.s32 $0xFFFFC000  }
0x33: {  	[hbm4b:s2+s10] =	stream.indirect.scatter [tilespmem:s12], [sflag:$0x4], $0x80, s10, s10, $0xb8;
	[tilespmem:$0x8100] =	vst v63  }
.Ltmp0:
0x34: {  	_ =	swait.ge [sflag:s14], $0x4000;
	(pc) =	sbr.rel @!p0 .LBB2_2-.Ltmp0, $4  }
0x35: {  	[sflag:s14] =	ssyncset.done $0x0  }
0x36: {  	[sflag:s14] =	ssyncadd.s32 $0xFFFFC000  }
0x37: {  	_ =	swait.ge [sflag:s17], $0x4000  }
0x38: {  	s20 =	sadd.s32 $0xFFFFFFFF, s20;
	[sflag:s17] =	ssyncset.done $0x0  }
.LBB2_1:
0x39: {  	p0 =	sne.s32 s20, $0x1;
	s20 =	sadd.s32 $0xFFFFFFFF, s20;
	[sflag:s17] =	ssyncadd.s32 $0xFFFFC000  }
0x3a: {  	[tilespmem:s3], [sflag:$0x5] =	stream.linear.gather [hbm4b:s4+s3], $0x80, $0x38;
	[tilespmem:$0x8100] =	vst v63  }
0x3b: {  	_ =	swait.ge [sflag:s5], $0x80  }
0x3c: {  	[sflag:s5] =	ssyncset.done $0x0  }
0x3d: {  	[sflag:s5] =	ssyncadd.s32 $0xFFFFFF80  }
0x3e: {  	[tilespmem:s7], [sflag:$0x1] =	stream.linear.gather [hbm4b:s6+s3], $0x4000, $0x38;
	[tilespmem:$0x8100] =	vst v63  }
0x3f: {  	_ =	swait.ge [sflag:s8], $0x4000  }
0x40: {  	[sflag:s8] =	ssyncset.done $0x0  }
0x41: {  	[sflag:s8] =	ssyncadd.s32 $0xFFFFC000  }
0x42: {  	[tilespmem:s10], [sflag:$0x5] =	stream.linear.gather [hbm4b:s9+s3], $0x80, $0x38;
	[tilespmem:$0x8100] =	vst v63  }
0x43: {  	_ =	swait.ge [sflag:s5], $0x80  }
0x44: {  	[sflag:s5] =	ssyncset.done $0x0  }
0x45: {  	[sflag:s5] =	ssyncadd.s32 $0xFFFFFF80  }
0x46: {  	[tilespmem:s12], [sflag:$0x2] =	stream.linear.gather [hbm4b:s11+s3], $0x4000, $0x38;
	[tilespmem:$0x8100] =	vst v63  }
0x47: {  	_ = 	snop  }
0x48: {  	[hbm4b:s2+s10] =	stream.indirect.scatter [tilespmem:s7], [sflag:$0x3], $0x80, s3, s10, $0xb8;
	[tilespmem:$0x8100] =	vst v63  }
0x49: {  	_ =	swait.ge [sflag:s13], $0x4000  }
0x4a: {  	[sflag:s13] =	ssyncset.done $0x0  }
0x4b: {  	[sflag:s13] =	ssyncadd.s32 $0xFFFFC000  }
0x4c: {  	_ =	swait.ge [sflag:s14], $0x4000  }
0x4d: {  	[sflag:s14] =	ssyncset.done $0x0  }
0x4e: {  	[sflag:s14] =	ssyncadd.s32 $0xFFFFC000  }
0x4f: {  	[tilespmem:s3], [sflag:$0x5] =	stream.linear.gather [hbm4b:s15+s3], $0x80, $0x38;
	[tilespmem:$0x8100] =	vst v63  }
0x50: {  	_ =	swait.ge [sflag:s5], $0x80  }
0x51: {  	[sflag:s5] =	ssyncset.done $0x0  }
0x52: {  	[sflag:s5] =	ssyncadd.s32 $0xFFFFFF80  }
0x53: {  	[tilespmem:s7], [sflag:$0x1] =	stream.linear.gather [hbm4b:s16+s3], $0x4000, $0x38;
	[tilespmem:$0x8100] =	vst v63  }
0x54: {  	_ = 	snop  }
0x55: {  	[hbm4b:s2+s10] =	stream.indirect.scatter [tilespmem:s12], [sflag:$0x4], $0x80, s10, s10, $0xb8;
	[tilespmem:$0x8100] =	vst v63  }
0x56: {  	_ =	swait.ge [sflag:s8], $0x4000  }
0x57: {  	[sflag:s8] =	ssyncset.done $0x0  }
0x58: {  	[sflag:s8] =	ssyncadd.s32 $0xFFFFC000  }
0x59: {  	_ =	swait.ge [sflag:s17], $0x4000  }
0x5a: {  	[sflag:s17] =	ssyncset.done $0x0  }
0x5b: {  	[sflag:s17] =	ssyncadd.s32 $0xFFFFC000  }
0x5c: {  	[tilespmem:s10], [sflag:$0x5] =	stream.linear.gather [hbm4b:s18+s3], $0x80, $0x38;
	[tilespmem:$0x8100] =	vst v63  }
0x5d: {  	_ =	swait.ge [sflag:s5], $0x80  }
0x5e: {  	[sflag:s5] =	ssyncset.done $0x0  }
0x5f: {  	[sflag:s5] =	ssyncadd.s32 $0xFFFFFF80  }
0x60: {  	[tilespmem:s12], [sflag:$0x2] =	stream.linear.gather [hbm4b:s19+s3], $0x4000, $0x38;
	[tilespmem:$0x8100] =	vst v63  }
0x61: {  	_ = 	snop  }
0x62: {  	[hbm4b:s2+s10] =	stream.indirect.scatter [tilespmem:s7], [sflag:$0x3], $0x80, s3, s10, $0xb8;
	[tilespmem:$0x8100] =	vst v63  }
0x63: {  	_ =	swait.ge [sflag:s13], $0x4000  }
0x64: {  	[sflag:s13] =	ssyncset.done $0x0  }
0x65: {  	[sflag:s13] =	ssyncadd.s32 $0xFFFFC000  }
0x66: {  	[hbm4b:s2+s10] =	stream.indirect.scatter [tilespmem:s12], [sflag:$0x4], $0x80, s10, s10, $0xb8;
	[tilespmem:$0x8100] =	vst v63  }
.Ltmp1:
0x67: {  	_ =	swait.ge [sflag:s14], $0x4000;
	(pc) =	sbr.rel @p0 .LBB2_1-.Ltmp1, $4  }
0x68: {  	[sflag:s14] =	ssyncset.done $0x0  }
0x69: {  	[sflag:s14] =	ssyncadd.s32 $0xFFFFC000  }
0x6a: {  	_ =	swait.ge [sflag:s17], $0x4000  }
0x6b: {  	[sflag:s17] =	ssyncset.done $0x0  }
.LBB2_2:
0x6c: {  	[sflag:s17] =	ssyncadd.s32 $0xFFFFC000  }
0x6d: {  	_ =	sfence.sel $0x180000  }
0x6e: {  	[bflag:$0x0] =	sbarrier.arrive $0xFFFF  }
0x6f: {  	p0 =	sne.s32 s0, $0x0;
	_ =	strace $0x9000004A  }
0x70: {  	s0 =	sadd.s32 @!p0 $0x100000, s1;
	[bflag:$0x2] =	sbarrier.arrive $0xFFFF  }
0x71: {  	[sflag:s0] =	ssyncadd.tile.s32 @!p0 $0x1;
	_ =	shalt  }
.Lfunc_end2:
_tile_overlayer_lowered:
.L_overlay_start_2:
0x72: {  	(tag) =	ssettag $0x2  }
0x73: {  	s0 =	rddreg [dreg:$0x0];
	s2 =	stileid.u32  }
0x74: {  	s1 =	rddreg [dreg:$0x1];
	p0 =	sne.s32 s2, $0x0  }
0x75: {  	s3 =	rddreg [dreg:$0x2];
	[bflag:$0x3] =	sbarrier.arrive $0xFFFF;
	s2 =	simm.s32 @!p0 $0x1C05  }
0x76: {  	[timem:s3], [sflag:s2] =	dma.local @!p0 [hbm:s0], s1  }
0x77: {  	s0 =	simm.s32 @!p0 $0x5  }
0x78: {  	_ =	swait.ge @!p0 [sflag:s0], s1  }
0x79: {  	s1 =	ssub.s32 @!p0 $0x0, s1;
	[sflag:s0] =	ssyncset.done @!p0 $0x0  }
0x7a: {  	[sflag:s0] =	ssyncadd.s32 @!p0 s1  }
0x7b: {  	[bflag:$0x3] =	sbarrier.arrive $0xFFFF  }
0x7c: {  	_ =	shalt  }

// kernel: sparse-core-data-format-call.cloned.1.call-start
scs
called_computation_lowered:
.L_overlay_start_0:
0x0: {  	s2 =	sld [smem:$0x3FD9]  }
0x1: {  	s3 =	sld [smem:$0x3FFE];
	_ =	sdelay $0x1  }
0x2: {  	s1 =	srdreg.scid  }
0x3: {  	s0 =	sand.u32 $0x1, s1  }
0x4: {  	s18 =	sshll.u32 s0, $0xA;
	s2 =	sadd.s32 s3, s2  }
0x5: {  	s2 =	sadd.s32 s2, s18  }
0x6: {  	[smem:$0x3FC2] =	sst s2  }
0x7: {  	_ = 	snop  }
0x8: {  	s2 =	sld [smem:$0x3FD0];
	(tm) =	ssettm $0x1  }
0x9: {  	s19 =	sld [smem:$0x3FFB];
	_ =	sdelay $0x3  }
0xa: {  	_ =	strace s19  }
0xb: {  	s3 =	sld [smem:$0x3FFC];
	_ =	sdelay $0x3  }
0xc: {  	_ =	strace s3  }
0xd: {  	s3 =	sld [smem:$0x3FFD];
	_ =	sdelay $0x3  }
0xe: {  	_ =	strace s3  }
0xf: {  	_ =	strace $0x8FFFFFFF  }
0x10: {  	s20 =	sld [smem:$0x3FDB];
	_ =	sdelay $0x1  }
0x11: {  	s4 =	simm.s32 $_scs_section_size  }
0x12: {  	s5 =	simm.s32 $_size__tile_overlayer_lowered;
	s6 =	simm.s32 $_tile_overlayer_lowered  }
0x13: {  	s23 =	simm.s32 $0x1BFF;
	s22 =	sshll.u32 s6, $0x1;
	s3 =	sadd.s32 s4, s20  }
0x14: {  	s7 =	simm.s32 $0x0;
	s21 =	sshll.u32 s5, $0x1;
	s5 =	sadd.s32 s22, s3  }
0x15: {  	[timem:s7], [sflag:s23] =	dma.local [hbm:s5], s21  }
0x16: {  	_ =	swait.ge [sflag:s23], s21  }
0x17: {  	s4 =	ssub.s32 $0x0, s21;
	[sflag:s23] =	ssyncset.done $0x0  }
0x18: {  	[sflag:s23] =	ssyncadd.s32 s4;
	_ =	sdelay $0x1  }
0x19: {  	s24 =	simm.s32 $0x1B8B  }
0x1a: {  	_ =	swait.ge [sflag:s24], $0x1  }
0x1b: {  	[sflag:s24] =	ssyncset.done $0x0  }
0x1c: {  	s26 =	simm.s32 $0x1B8E;
	s25 =	sld [smem:$0x3FFE];
	[sflag:s24] =	ssyncadd.s32 $0xFFFFFFFF  }
0x1d: {  	s27 =	simm.s32 $execute0_lowered;
	[smem:$0x3FD2] =	sst s26  }
0x1e: {  	s5 =	sshll.u32 s27, $0x1;
	_ =	strace $0x8000004F;
	[dreg:$0x1] =	wrdreg $0xFFFFFFFF  }
0x1f: {  	s28 =	simm.s32 $_size_execute0_lowered;
	s3 =	sadd.s32 s3, s5;
	[dreg:$0x0] =	wrdreg $0x0  }
0x20: {  	s5 =	sshll.u32 s28, $0x1;
	[dreg:$0x2] =	wrdreg s3  }
0x21: {  	[dreg:$0x3] =	wrdreg s5  }
0x22: {  	[dreg:$0x4] =	wrdreg $0xC0  }
0x23: {  	_ =	task [dreg:s7], $0x5FFFF  }
0x24: {  	[dreg:$0x1] =	wrdreg $0xFFFFFFFF  }
0x25: {  	[dreg:$0x0] =	wrdreg $0x60  }
0x26: {  	[dreg:$0x2] =	wrdreg s25  }
0x27: {  	[dreg:$0x3] =	wrdreg s2  }
0x28: {  	[dreg:$0x4] =	wrdreg $0x9  }
0x29: {  	_ =	task.clear_ibuf [dreg:s7], $0x5FFFF;
	_ =	strace $0x9000004F  }
0x2a: {  	s29 =	simm.s32 $0x9;
	_ =	strace $0x80000051  }
0x2b: {  	_ =	swait.ge [sflag:s29], $0x1  }
0x2c: {  	[sflag:s29] =	ssyncadd.s32 $0xFFFFFFFF  }
0x2d: {  	_ =	strace $0x90000051  }
0x2e: {  	_ =	sfence  }
0x2f: {  	s30 =	sld [smem:$0x0];
	_ =	sdelay $0x2  }
0x30: {  	s31 =	sshll.u32 s1, $0xD;
	s1 =	sshrl.u32 s1, $0x2  }
0x31: {  	s3 =	sand.u32 $0x4000, s31;
	s1 =	sadd.s32 s1, s30  }
0x32: {  	s0 =	sor.u32 s3, s0;
	s1 =	sshll.u32 s1, $0x11  }
0x33: {  	s0 =	sor.u32 s1, s0  }
0x34: {  	s0 =	sadd.s32 $0x8F2B, s0  }
0x35: {  	[sflag:s0] =	ssyncadd.remote.s32 $0x1  }
0x36: {  	_ =	sfence.sel $0xFFFF  }
0x37: {  	[dreg:$0x0] =	wrdreg $0xFFFFFFFF;
	(pc) =	sbr.abs _section_cstart, $3  }
0x38: {  	[dreg:$0x1] =	wrdreg $0xFFFFFFFF  }
0x39: {  	_ =	task.clear_ibuf [dreg:s7], $0x2FFFF;
	_ =	strace $0x9FFFFFFF  }
0x3a: {  	(tm) =	ssettm $0x7FFFFFFF  }
0x3b: {  	_ =	shalt  }
tec
execute0_lowered:
.L_overlay_start_1:
0x0: {  	(tag) =	ssettag $0x1  }
0x1: {  	s0 =	srdreg.scid  }
0x2: {  	s1 =	sshll.u32 s0, $0x4  }
0x3: {  	s6 =	rddreg [dreg:$0x0];
	s0 =	stileid.u32;
	s1 =	sand.u32 $0x10, s1  }
0x4: {  	s3 =	rddreg [dreg:$0x1];
	s1 =	sor.u32 s0, s1  }
0x5: {  	s5 =	simm.s32 $0x1;
	s31 =	simm.s32 $0x2;
	s2 =	sshll.u32 s1, $0x7  }
0x6: {  	s15 =	simm.s32 $0x0;
	s8 =	simm.s32 $0x40000;
	s4 =	ssub.s32 $0x8000, s2  }
0x7: {  	s14 =	simm.s32 $0x0;
	s9 =	simm.s32 $0x0;
	s30 =	sand.u32 $0xF80, s4  }
0x8: {  	s10 =	simm.s32 $0x0;
	s11 =	simm.s32 $0x0;
	p0 =	sne.s32 s30, $0x0  }
.Ltmp0:
0x9: {  	s7 =	sshrl.u32 s4, $0xC;
	s5 =	simm.s32 @!p0 $0x0;
	(pc) =	sbr.rel .LBB1_1-.Ltmp0, $4  }
0xa: {  	s13 =	simm.s32 $0x0;
	s1 =	rddreg [dreg:$0x2];
	s5 =	sadd.s32 s5, s7  }
0xb: {  	_ =	strace $0x80000050;
	s4 =	simm.s32 $0x1;
	s5 =	smul.u32 $0x3, s5  }
0xc: {  	s6 =	sadd.s32 $0x1C2000, s6;
	s12 =	smov.u32 s2;
	[sflag:s4] =	ssyncpa.u1 $0x0  }
0xd: {  	[sflag:s31] =	ssyncpa.u1 $0x0;
	p0 =	por $0x0, $0x0;
	s7 =	sadd.s32 $0x1, s5  }
.LBB1_4:
0xe: {  	s20 =	sshra.s32 s20, $0x2  }
0xf: {  	s28 =	sand.u32 $0x78, s10;
	s21 =	sshll.u32 s9, $0xF;
	s22 =	sshll.u32 s10, $0x3  }
0x10: {  	s24 =	sshll.u32 s9, $0x7;
	p1 =	sgt.s32 s9, $0x88;
	s30 =	sshra.s32 s9, $0x1F  }
0x11: {  	s26 =	sshra.s32 s10, $0x1F;
	s19 =	sadd.s32 s20, s19;
	s21 =	sand.u32 $0xFFFC0000, s21  }
0x12: {  	v5 =	vld [tilespmem:s17+$0xFFFFFFD0];
	[tilespmem:s18+$0x2040 ss:$0x81] =	vst.msk $0xffff, v4;
	s23 =	sand.u32 $0xFFFFFC00, s22;
	s29 =	sand.u32 $0x380, s24;
	s22 =	sand.u32 $0x7C00, s22  }
0x13: {  	v58 =	vld [tilespmem:s17+$0xFFFFFFE0];
	[tilespmem:s18+$0x2850 ss:$0x81] =	vst.msk $0xffff, v3;
	s21 =	sadd.s32 s23, s21;
	s20 =	sor.u32 s28, s22;
	s22 =	smov.u32 s9  }
0x14: {  	v59 =	vld [tilespmem:s17+$0xFFFFFFF0];
	[tilespmem:s18+$0x3060 ss:$0x81] =	vst.msk $0xffff, v2;
	s24 =	sand.u32 s30, s9;
	s21 =	sshrl.u32 s21, $0xF;
	s22 =	simm.s32 @!p1 $0x88  }
0x15: {  	v60 =	vld [tilespmem:s17+$0x0];
	[tilespmem:s18+$0x0 ss:$0x81] =	vst.msk $0xffff, v1;
	p1 =	sgt.s32 s10, $0x7F80;
	s31 =	ssub.s32 s22, s24;
	s22 =	smov.u32 s10  }
0x16: {  	v61 =	vld [tilespmem:s17+$0x10];
	[tilespmem:s19+$0x3870 ss:$0x81] =	vst.msk $0xffff, v0;
	s25 =	smulhi.u32 $0xF83E10, s21;
	s24 =	sand.u32 s26, s10;
	s22 =	simm.s32 @!p1 $0x7F80  }
0x17: {  	v62 =	vld [tilespmem:s17+$0x20];
	s20 =	sor.u32 s29, s20;
	[tilespmem:s19+$0x810 ss:$0x81] =	vst.msk $0xffff, v5;
	s27 =	sadd.s32 $0xFFFFFF78, s31;
	s22 =	ssub.s32 s22, s24  }
0x18: {  	v63 =	vld [tilespmem:s17+$0xFFFFFFC0];
	[tilespmem:s19+$0x1020 ss:$0x81] =	vst.msk $0xffff, v58;
	s18 =	ssub.s32 $0x108, s31;
	s28 =	smul.u32 $0x108, s25;
	s29 =	sadd.s32 $0xFFFF8080, s22  }
0x19: {  	[tilespmem:s19+$0x1830 ss:$0x81] =	vst.msk $0xffff, v59;
	p1 =	sgt.s32 s27, $0x7F;
	s22 =	ssub.s32 $0x8000, s22;
	p2 =	sgt.s32 s29, $0x7F  }
0x1a: {  	s30 =	sand.u32 $0x7, s10;
	[tilespmem:s19+$0x2040 ss:$0x81] =	vst.msk $0xffff, v60;
	s18 =	simm.s32 @p1 $0x0;
	s22 =	simm.s32 @p2 $0x0  }
0x1b: {  	s20 =	sshrl.u32 s20, $0x3;
	[tilespmem:s19+$0x2850 ss:$0x81] =	vst.msk $0xffff, v61;
	s17 =	ssub.s32 s21, s28;
	s18 =	smul.u32 s22, s18  }
0x1c: {  	[tilespmem:s19+$0x3060 ss:$0x81] =	vst.msk $0xffff, v62;
	s20 =	sadd.s32 s3, s20;
	s21 =	sshll.u32 s30, $0x12;
	s17 =	sshll.u32 s17, $0xC  }
0x1d: {  	[tilespmem:s19+$0x0 ss:$0x81] =	vst.msk $0xffff, v63;
	s31 =	sor.u32 $0x400, s21;
	s17 =	sadd.s32 s17, s20;
	s18 =	sand.u32 $0x3FFFFFFF, s18  }
0x1e: {  	[hbm4b:s17+s31] =	stream.strided.scatter [tilespmem:s16], [sflag:$0x2], s18, s8, s31, $0x20;
	[tilespmem:$0x10100] =	vst v63  }
.LBB1_5:
0x1f: {  	p1 =	slt.u32 s13, $0x2  }
0x20: {  	s17 =	smov.u32 s15;
	p2 =	sgt.s32 @!p1 s15, $0x88;
	s16 =	sshra.s32 @!p1 s15, $0x1F  }
0x21: {  	p3 =	sgt.s32 @!p1 s14, $0x7F80;
	s18 =	sshra.s32 @!p1 s14, $0x1F;
	p2 =	por !p2, p1  }
0x22: {  	s15 =	sand.u32 @!p1 s16, s15;
	p3 =	por !p3, p1;
	s16 =	smov.u32 s14  }
0x23: {  	s14 =	sand.u32 @!p1 s18, s14;
	s17 =	simm.s32 @p2 $0x88;
	s16 =	simm.s32 @p3 $0x7F80  }
0x24: {  	s15 =	ssub.s32 @!p1 s17, s15;
	s14 =	ssub.s32 @!p1 s16, s14  }
0x25: {  	s18 =	smov.u32 s12;
	s16 =	sadd.s32 @!p1 $0xFFFFFF78, s15;
	s17 =	sadd.s32 @!p1 $0xFFFF8080, s14  }
0x26: {  	s15 =	ssub.s32 @!p1 $0x108, s15;
	p2 =	sgt.s32 @!p1 s16, $0x7F;
	p3 =	sgt.s32 @!p1 s17, $0x7F  }
0x27: {  	s14 =	ssub.s32 @!p1 $0x8000, s14;
	p2 =	por !p2, p1;
	p3 =	por !p3, p1  }
0x28: {  	s16 =	sadd.s32 $0x80, s11;
	s15 =	simm.s32 @!p2 $0x0;
	s14 =	simm.s32 @!p3 $0x0  }
0x29: {  	p2 =	sgt.s32 s16, $0x107;
	s14 =	smul.u32 @!p1 s14, s15;
	s15 =	sadd.s32 $0x1000, s12  }
0x2a: {  	s18 =	smov.u32 @p2 s15  }
0x2b: {  	s16 =	simm.s32 @p2 $0x0;
	p2 =	sgt.s32 s18, $0x7FFF  }
0x2c: {  	s18 =	smov.u32 @p2 s2;
	p2 =	sne.s32 s13, s7  }
.Ltmp1:
0x2d: {  	p0 =	por !p0, !p0;
	s17 =	simm.s32 @!p1 $0x2;
	(pc) =	sbr.rel @!p2 .LBB1_6-.Ltmp1, $4  }
0x2e: {  	s15 =	smov.u32 s9;
	s9 =	smov.u32 s11;
	s14 =	sand.u32 @!p1 $0x3FFFFFFF, s14  }
0x2f: {  	s11 =	smov.u32 s16;
	_ =	swait.ge @!p1 [sflag:s17], s14;
	s19 =	ssub.s32 @!p1 $0x0, s14  }
0x30: {  	s14 =	smov.u32 s10;
	s13 =	sadd.s32 $0x1, s13;
	[sflag:s17] =	ssyncset.done @!p1 $0x0  }
0x31: {  	s10 =	smov.u32 s12;
	s12 =	smov.u32 s18;
	[sflag:s17] =	ssyncadd.s32 @!p1 s19  }
.LBB1_1:
0x32: {  	p1 =	sge.u32 s13, s5  }
0x33: {  	s16 =	sshrl.u32 @!p1 s12, $0x3  }
0x34: {  	s17 =	sshll.u32 @!p1 s11, $0x3;
	s16 =	smul.u32 @!p1 $0xC00, s16  }
0x35: {  	s18 =	sshll.u32 @!p1 s12, $0x7;
	s17 =	sand.u32 @!p1 $0xFFFFFC00, s17  }
0x36: {  	s16 =	sadd.s32 @!p1 s16, s17;
	s17 =	sand.u32 @!p1 $0x380, s18  }
0x37: {  	s18 =	sand.u32 @!p1 $0x7F, s11;
	s16 =	sor.u32 @!p1 s17, s16  }
0x38: {  	s17 =	sor.u32 @!p1 s18, s16  }
0x39: {  	s18 =	smulhi.u32 @!p1 $0xAAAAAAAB, s17;
	_ =	sdelay $0x1  }
0x3a: {  	s16 =	smulhi.u32 @!p1 $0xAAAAAAAB, s16;
	s18 =	sshrl.u32 @!p1 s18, $0x8  }
0x3b: {  	s18 =	smul.u32 @!p1 $0x180, s18  }
0x3c: {  	s31 =	sadd.s32 $0xFFFFFFFF, s13;
	s19 =	sxor.u32 @!p1 $0xFFFFFFFF, s13;
	s16 =	sshrl.u32 @!p1 s16, $0x8  }
0x3d: {  	s19 =	sshll.u32 @!p1 s19, $0xE;
	s16 =	sand.u32 @!p1 $0x7FFF, s16;
	s17 =	ssub.s32 @!p1 s17, s18  }
0x3e: {  	s16 =	smul.u32 @!p1 $0x30, s16;
	s18 =	sshrl.u32 @!p1 s17, $0x3;
	s17 =	sand.u32 @!p1 $0x7, s17  }
0x3f: {  	s19 =	sand.u32 @!p1 $0x4000, s19;
	s18 =	sadd.s32 @!p1 s6, s18;
	s17 =	sshll.u32 @!p1 s17, $0x12  }
0x40: {  	s16 =	sadd.s32 @!p1 s16, s18;
	s17 =	sor.u32 @!p1 $0x400, s17;
	s18 =	simm.s32 @!p1 $0xC00  }
0x41: {  	[tilespmem:s19], [sflag:$0x1] =	stream.strided.gather @!p1 [hbm4b:s16+s17], $0x4000, s18, s17, $0x38;
	[tilespmem:$0x10100] =	vst v63  }
0x42: {  	p1 =	sge.u32 s31, s5  }
.Ltmp2:
0x43: {  	_ = 	snop;
	(pc) =	sbr.rel @p1 .LBB1_5-.Ltmp2, $1  }
0x44: {  	_ =	sdelay $0x3  }
0x45: {  	s16 =	simm.s32 $0x1  }
0x46: {  	_ =	swait.ge [sflag:s4], $0x4000;
	s16 =	simm.s32 @!p0 $0x0  }
0x47: {  	[sflag:s4] =	ssyncset.done $0x0;
	s17 =	sshll.u32 s16, $0xE  }
0x48: {  	[sflag:s4] =	ssyncadd.s32 $0xFFFFC000;
	s17 =	sor.u32 $0x40, s17  }
0x49: {  	s16 =	smul.u32 $0x10200, s16;
	v0 =	vld [tilespmem:s17+$0x30]  }
0x4a: {  	v1 =	vld [tilespmem:s17+$0xFFFFFFD0]  }
0x4b: {  	s16 =	sshrl.u32 s16, $0x2;
	v5 =	vld [tilespmem:s17+$0xFFFFFFE0]  }
0x4c: {  	v6 =	vld [tilespmem:s17+$0xFFFFFFF0];
	s19 =	sor.u32 $0x8000, s16  }
0x4d: {  	s31 =	sand.u32 $0x1, s13;
	v4 =	vld [tilespmem:s17+$0x0];
	s18 =	sadd.s32 $0x0, s19  }
0x4e: {  	v3 =	vld [tilespmem:s17+$0x10];
	s16 =	smul.u32 $0x10200, s31;
	[tilespmem:s18+$0x3870 ss:$0x81] =	vst.msk $0xffff, v0  }
0x4f: {  	v2 =	vld [tilespmem:s17+$0x20];
	[tilespmem:s18+$0x810 ss:$0x81] =	vst.msk $0xffff, v1  }
0x50: {  	s16 =	sshrl.u32 s16, $0x2;
	v1 =	vld [tilespmem:s17+$0xFFFFFFC0];
	[tilespmem:s18+$0x1020 ss:$0x81] =	vst.msk $0xffff, v5;
	s17 =	sadd.s32 $0x80, s17  }
0x51: {  	s20 =	simm.s32 $0x4;
	s21 =	simm.s32 $0x8;
	s16 =	sor.u32 $0x8000, s16;
	[tilespmem:s18+$0x1830 ss:$0x81] =	vst.msk $0xffff, v6;
	v0 =	vld [tilespmem:s17+$0x30]  }
.LBB1_3:
0x52: {  	p1 =	sne.s32 s21, $0x1FC;
	v5 =	vld [tilespmem:s17+$0xFFFFFFD0];
	[tilespmem:s18+$0x2040 ss:$0x81] =	vst.msk $0xffff, v4  }
0x53: {  	v6 =	vld [tilespmem:s17+$0xFFFFFFE0];
	[tilespmem:s18+$0x2850 ss:$0x81] =	vst.msk $0xffff, v3  }
0x54: {  	s22 =	sshra.s32 s20, $0x2;
	s20 =	smov.u32 s21;
	v7 =	vld [tilespmem:s17+$0xFFFFFFF0];
	[tilespmem:s18+$0x3060 ss:$0x81] =	vst.msk $0xffff, v2  }
.Ltmp3:
0x55: {  	v4 =	vld [tilespmem:s17+$0x0];
	[tilespmem:s18+$0x0 ss:$0x81] =	vst.msk $0xffff, v1;
	s18 =	sadd.s32 s22, s19;
	(pc) =	sbr.rel @p1 .LBB1_3-.Ltmp3, $4  }
0x56: {  	v3 =	vld [tilespmem:s17+$0x10];
	[tilespmem:s18+$0x3870 ss:$0x81] =	vst.msk $0xffff, v0  }
0x57: {  	[tilespmem:s18+$0x810 ss:$0x81] =	vst.msk $0xffff, v5;
	v2 =	vld [tilespmem:s17+$0x20]  }
0x58: {  	v1 =	vld [tilespmem:s17+$0xFFFFFFC0];
	[tilespmem:s18+$0x1020 ss:$0x81] =	vst.msk $0xffff, v6;
	s17 =	sadd.s32 $0x80, s17  }
0x59: {  	s21 =	sadd.s32 $0x4, s21;
	v0 =	vld [tilespmem:s17+$0x30];
	[tilespmem:s18+$0x1830 ss:$0x81] =	vst.msk $0xffff, v7  }
.Ltmp4:
0x5a: {  	_ = 	snop;
	(pc) =	sbr.rel .LBB1_4-.Ltmp4, $1  }
0x5b: {  	_ =	sdelay $0x3  }
.LBB1_6:
0x5c: {  	_ =	sfence.sel $0x180000  }
0x5d: {  	s2 =	simm.s32 $0x1;
	[bflag:$0x0] =	sbarrier.arrive $0xFFFF  }
0x5e: {  	s31 =	simm.s32 $0x2;
	[sflag:s2] =	ssyncpa.u1 $0x1  }
0x5f: {  	[sflag:s31] =	ssyncpa.u1 $0x1  }
0x60: {  	p0 =	sne.s32 s0, $0x0;
	_ =	strace $0x90000050  }
0x61: {  	s0 =	sadd.s32 @!p0 $0x100000, s1;
	[bflag:$0x2] =	sbarrier.arrive $0xFFFF  }
0x62: {  	[sflag:s0] =	ssyncadd.tile.s32 @!p0 $0x1;
	_ =	shalt  }
.Lfunc_end1:
_tile_overlayer_lowered:
.L_overlay_start_2:
0x63: {  	(tag) =	ssettag $0x2  }
0x64: {  	s0 =	rddreg [dreg:$0x0];
	s2 =	stileid.u32  }
0x65: {  	s1 =	rddreg [dreg:$0x1];
	p0 =	sne.s32 s2, $0x0  }
0x66: {  	s3 =	rddreg [dreg:$0x2];
	[bflag:$0x3] =	sbarrier.arrive $0xFFFF;
	s2 =	simm.s32 @!p0 $0x1C01  }
0x67: {  	[timem:s3], [sflag:s2] =	dma.local @!p0 [hbm:s0], s1  }
0x68: {  	s0 =	simm.s32 @!p0 $0x1  }
0x69: {  	_ =	swait.ge @!p0 [sflag:s0], s1  }
0x6a: {  	s1 =	ssub.s32 @!p0 $0x0, s1;
	[sflag:s0] =	ssyncset.done @!p0 $0x0  }
0x6b: {  	[sflag:s0] =	ssyncadd.s32 @!p0 s1  }
0x6c: {  	[bflag:$0x3] =	sbarrier.arrive $0xFFFF  }
0x6d: {  	_ =	shalt  }

</sc_bundles>
